<compile_context>
chip_gen: v7x
topology: tpu7x:2x2x1
jax: 0.10.2.dev20260603
libtpu: 0.0.44.dev20260713+nightly
codegen_flags: <defaults>
</compile_context>

<pallas_src>
import functools

import jax
import jax.numpy as jnp
from jax import lax
from jax.experimental import pallas as pl
from jax.experimental.pallas import tpu as pltpu
from jax.experimental.pallas import tpu_sc as plsc

N = 10000
F = 128
FH = F // 2
NH = 256
DO = 2
WP = 16
L = 128
NC = 2
NS = 16

def _mesh():
  return plsc.VectorSubcoreMesh(
      core_axis_name="c", subcore_axis_name="s", num_cores=NC, num_subcores=NS)

TPT = 632
NOUT = TPT * NS


def _groups_for(num_edges):
  unit = NC * NS * 8
  g = -(-num_edges // L)
  return -(-g // unit) * unit


NB1 = 4
NB2 = 8


def _sc_gather_scatter_add(y_hbm, acc_sh, sidx, didx, bufs, gsems, ssems,
                           rows_per_tile):
  NB = len(bufs)
  H = NB // 2

  def gather(r, k):
    pltpu.async_copy(y_hbm.at[sidx.at[r]], bufs[k], gsems[k])

  def scat(r, k):
    pltpu.async_copy(bufs[k], acc_sh.at[didx.at[r]], ssems[k], add=True)

  def gwait(k):
    pltpu.make_async_copy(y_hbm.at[sidx.at[0]], bufs[k], gsems[k]).wait()

  def swait(k):
    pltpu.make_async_copy(bufs[k], acc_sh.at[didx.at[0]], ssems[k]).wait()

  for k in range(H):
    gather(k, k)

  def body(i, carry):
    base = NB * i
    for k in range(H):
      @pl.when(i > 0)
      def _():
        swait(H + k)

      gather(base + H + k, H + k)
    for k in range(H):
      gwait(k)
      scat(base + k, k)
    for k in range(H):
      swait(k)

      @pl.when(i + 1 < rows_per_tile // NB)
      def _():
        gather(base + NB + k, k)
    for k in range(H):
      gwait(H + k)
      scat(base + H + k, H + k)
    return carry

  lax.fori_loop(0, rows_per_tile // NB, body, 0)
  for k in range(H):
    swait(H + k)



def _writeout(acc_sh, out_ref, sid):
  plsc.subcore_barrier()
  pltpu.sync_copy(acc_sh.at[pl.ds(sid * TPT, TPT)],
                  out_ref.at[pl.ds(sid * TPT, TPT)])


def _make_deg(groups):
  rpt = groups // (NC * NS)

  @functools.partial(
      pl.kernel,
      out_type=jax.ShapeDtypeStruct((NC, NOUT, WP), jnp.float32),
      mesh=_mesh(),
      compiler_params=pltpu.CompilerParams(use_tc_tiling_on_sc=False),
      scratch_types=[
          pltpu.VMEM((rpt, L), jnp.int32),
          pltpu.VMEM((L, WP), jnp.float32),
          pltpu.VMEM_SHARED((NOUT, WP), jnp.float32),
          pltpu.SemaphoreType.DMA,
      ],
  )
  def deg_kernel(dst_hbm, zeros_hbm, ones_hbm, out_hbm, idx_v, ones_v, acc_sh,
                 sem):
    cid = lax.axis_index("c")
    sid = lax.axis_index("s")
    base = cid * (groups // NC) + sid * rpt
    pltpu.sync_copy(dst_hbm.at[pl.ds(base, rpt)], idx_v)
    pltpu.sync_copy(ones_hbm, ones_v)

    @pl.when(sid == 0)
    def _():
      pltpu.sync_copy(zeros_hbm, acc_sh)

    plsc.subcore_barrier()

    def body(i, carry):
      descs = [
          pltpu.async_copy(ones_v, acc_sh.at[idx_v.at[i * 8 + k]], sem,
                           add=True) for k in range(8)
      ]
      for d in descs:
        d.wait()
      return carry

    lax.fori_loop(0, rpt // 8, body, 0)
    _writeout(acc_sh, out_hbm.at[cid], sid)

  return deg_kernel


def _make_agg1(groups):
  rpt = groups // NS
  halves = 4
  hrows = rpt // halves

  @functools.partial(
      pl.kernel,
      out_type=(jax.ShapeDtypeStruct((NOUT, FH), jnp.float32),
                jax.ShapeDtypeStruct((NOUT, FH), jnp.float32)),
      mesh=_mesh(),
      compiler_params=pltpu.CompilerParams(use_tc_tiling_on_sc=False),
      scratch_types=(
          [pltpu.VMEM((hrows, L), jnp.int32)] * 2 +
          [pltpu.VMEM((L, FH), jnp.float32)] * NB1 +
          [pltpu.VMEM_SHARED((NOUT, FH), jnp.float32)] +
          [pltpu.VMEM_SHARED((N, FH), jnp.float32)] +
          [pltpu.SemaphoreType.DMA] * (2 * NB1)),
  )
  def agg1_kernel(src_hbm, dst_hbm, ylo_hbm, yhi_hbm, zeros_hbm, outlo_hbm,
                  outhi_hbm, sidx, didx, *sc):
    bufs = sc[:NB1]
    acc_sh = sc[NB1]
    y_sh = sc[NB1 + 1]
    gsems = sc[NB1 + 2:NB1 + 2 + NB1]
    ssems = sc[NB1 + 2 + NB1:]
    cid = lax.axis_index("c")
    sid = lax.axis_index("s")

    def run(y_hbm, out_ref):
      @pl.when(sid == 0)
      def _():
        pltpu.sync_copy(zeros_hbm, acc_sh)

      @pl.when(sid == 1)
      def _():
        pltpu.sync_copy(y_hbm, y_sh)

      plsc.subcore_barrier()
      for h in range(halves):
        base = sid * rpt + h * hrows
        pltpu.sync_copy(src_hbm.at[pl.ds(base, hrows)], sidx)
        pltpu.sync_copy(dst_hbm.at[pl.ds(base, hrows)], didx)
        _sc_gather_scatter_add(y_sh, acc_sh, sidx, didx, bufs, gsems, ssems,
                               hrows)
      _writeout(acc_sh, out_ref, sid)

    @pl.when(cid == 0)
    def _():
      run(ylo_hbm, outlo_hbm)

    @pl.when(cid == 1)
    def _():
      run(yhi_hbm, outhi_hbm)

  return agg1_kernel


def _make_agg2(groups):
  rpt = groups // (NC * NS)

  @functools.partial(
      pl.kernel,
      out_type=jax.ShapeDtypeStruct((NC, NOUT, WP), jnp.float32),
      mesh=_mesh(),
      compiler_params=pltpu.CompilerParams(use_tc_tiling_on_sc=False),
      scratch_types=(
          [pltpu.VMEM((rpt, L), jnp.int32)] * 2 +
          [pltpu.VMEM((L, WP), jnp.float32)] * NB2 +
          [pltpu.VMEM_SHARED((NOUT, WP), jnp.float32)] +
          [pltpu.VMEM_SHARED((N, WP), jnp.float32)] +
          [pltpu.SemaphoreType.DMA] * (2 * NB2)),
  )
  def agg2_kernel(src_hbm, dst_hbm, y2_hbm, zeros_hbm, out_hbm, sidx, didx,
                  *sc):
    bufs = sc[:NB2]
    acc_sh = sc[NB2]
    y_sh = sc[NB2 + 1]
    gsems = sc[NB2 + 2:NB2 + 2 + NB2]
    ssems = sc[NB2 + 2 + NB2:]
    cid = lax.axis_index("c")
    sid = lax.axis_index("s")
    base = cid * (groups // NC) + sid * rpt
    pltpu.sync_copy(src_hbm.at[pl.ds(base, rpt)], sidx)
    pltpu.sync_copy(dst_hbm.at[pl.ds(base, rpt)], didx)

    @pl.when(sid == 0)
    def _():
      pltpu.sync_copy(zeros_hbm, acc_sh)

    @pl.when(sid == 1)
    def _():
      pltpu.sync_copy(y2_hbm, y_sh)

    plsc.subcore_barrier()
    _sc_gather_scatter_add(y_sh, acc_sh, sidx, didx, bufs, gsems, ssems,
                           rpt)
    _writeout(acc_sh, out_hbm.at[cid], sid)

  return agg2_kernel



_RB = 2000


def _prescale_body(dp_ref, x_ref, dinv_ref, ylo_ref, yhi_ref):
  deg = dp_ref[0, :, 0:1] + dp_ref[1, :, 0:1] + 1.0
  dinv = 1.0 / jnp.sqrt(jnp.clip(deg, 1.0, None))
  dinv_ref[...] = dinv
  y = x_ref[...] * dinv
  ylo_ref[...] = y[:, :FH]
  yhi_ref[...] = y[:, FH:]


def _prescale(deg_parts, x):
  return pl.pallas_call(
      _prescale_body,
      grid=(N // _RB,),
      in_specs=[
          pl.BlockSpec((NC, _RB, WP), lambda i: (0, i, 0)),
          pl.BlockSpec((_RB, F), lambda i: (i, 0)),
      ],
      out_specs=[
          pl.BlockSpec((_RB, 1), lambda i: (i, 0)),
          pl.BlockSpec((_RB, FH), lambda i: (i, 0)),
          pl.BlockSpec((_RB, FH), lambda i: (i, 0)),
      ],
      out_shape=[
          jax.ShapeDtypeStruct((N, 1), jnp.float32),
          jax.ShapeDtypeStruct((N, FH), jnp.float32),
          jax.ShapeDtypeStruct((N, FH), jnp.float32),
      ],
  )(deg_parts, x)


def _mid_body(alo_ref, ahi_ref, ylo_ref, yhi_ref, dinv_ref, w1_ref, b1_ref,
              w2_ref, y2_ref):
  dinv = dinv_ref[...]
  zlo = (alo_ref[...] + ylo_ref[...]) * dinv
  zhi = (ahi_ref[...] + yhi_ref[...]) * dinv
  z = jnp.concatenate([zlo, zhi], axis=1)
  h = jnp.dot(z, w1_ref[...], preferred_element_type=jnp.float32) + b1_ref[...]
  h = jnp.maximum(h, 0.0)
  t = jnp.dot(h, w2_ref[...], preferred_element_type=jnp.float32)
  y2 = t * dinv
  pad = jnp.zeros((y2.shape[0], WP - DO), jnp.float32)
  y2_ref[...] = jnp.concatenate([y2, pad], axis=1)


def _mid(acc_lo, acc_hi, ylo, yhi, dinv, w1, b1, w2):
  return pl.pallas_call(
      _mid_body,
      grid=(N // _RB,),
      in_specs=[
          pl.BlockSpec((_RB, FH), lambda i: (i, 0)),
          pl.BlockSpec((_RB, FH), lambda i: (i, 0)),
          pl.BlockSpec((_RB, FH), lambda i: (i, 0)),
          pl.BlockSpec((_RB, FH), lambda i: (i, 0)),
          pl.BlockSpec((_RB, 1), lambda i: (i, 0)),
          pl.BlockSpec((F, NH), lambda i: (0, 0)),
          pl.BlockSpec((1, NH), lambda i: (0, 0)),
          pl.BlockSpec((NH, DO), lambda i: (0, 0)),
      ],
      out_specs=pl.BlockSpec((_RB, WP), lambda i: (i, 0)),
      out_shape=jax.ShapeDtypeStruct((N, WP), jnp.float32),
  )(acc_lo, acc_hi, ylo, yhi, dinv, w1, b1, w2)


def _emb_body(a2_ref, y2_ref, dinv_ref, b2_ref, emb_ref, row_ref, col_ref):
  s = a2_ref[0, :, 0:DO] + a2_ref[1, :, 0:DO] + y2_ref[:, 0:DO]
  emb = s * dinv_ref[...] + b2_ref[...]
  emb_ref[...] = emb
  a = emb[:, 0:1]
  b = emb[:, 1:2]
  sq = a * a + b * b
  hi = sq.astype(jnp.bfloat16).astype(jnp.float32)
  lo = sq - hi
  one = jnp.ones_like(sq)
  row_ref[...] = jnp.concatenate([hi, lo, one, one, -2.0 * a, -2.0 * b],
                                 axis=1)
  col_ref[...] = jnp.concatenate([one, one, hi, lo, a, b], axis=1)


def _emb(a2, y2, dinv, b2):
  return pl.pallas_call(
      _emb_body,
      grid=(N // _RB,),
      in_specs=[
          pl.BlockSpec((NC, _RB, WP), lambda i: (0, i, 0)),
          pl.BlockSpec((_RB, WP), lambda i: (i, 0)),
          pl.BlockSpec((_RB, 1), lambda i: (i, 0)),
          pl.BlockSpec((1, DO), lambda i: (0, 0)),
      ],
      out_specs=[
          pl.BlockSpec((_RB, DO), lambda i: (i, 0)),
          pl.BlockSpec((_RB, 6), lambda i: (i, 0)),
          pl.BlockSpec((_RB, 6), lambda i: (i, 0)),
      ],
      out_shape=[
          jax.ShapeDtypeStruct((N, DO), jnp.float32),
          jax.ShapeDtypeStruct((N, 6), jnp.float32),
          jax.ShapeDtypeStruct((N, 6), jnp.float32),
      ],
  )(a2, y2, dinv, b2)


_QR = 400


def _q_body(row_ref, colt_ref, q_ref):
  d2 = jnp.dot(row_ref[...], colt_ref[...], preferred_element_type=jnp.float32)
  dist = jnp.sqrt(jnp.maximum(d2, 0.0))
  q_ref[...] = 1.0 / (1.0 + 0.5 * dist)


def _q(rows, colt):
  return pl.pallas_call(
      _q_body,
      grid=(N // _QR,),
      in_specs=[
          pl.BlockSpec((_QR, 6), lambda i: (i, 0)),
          pl.BlockSpec((6, N), lambda i: (0, 0)),
      ],
      out_specs=pl.BlockSpec((_QR, N), lambda i: (i, 0)),
      out_shape=jax.ShapeDtypeStruct((N, N), jnp.float32),
  )(rows, colt)


def kernel(features, edge_index, W1, b1, W2, b2):
  num_edges = edge_index.shape[1]
  groups = _groups_for(num_edges)
  ei = edge_index.astype(jnp.int32)
  npad = groups * L - num_edges
  src2 = jnp.concatenate([ei[0], jnp.zeros((npad,), jnp.int32)]).reshape(
      groups, L)
  dst2 = jnp.concatenate([ei[1], jnp.full((npad,), N, jnp.int32)]).reshape(
      groups, L)
  zeros_wp = jnp.zeros((NOUT, WP), jnp.float32)
  zeros_fh = jnp.zeros((NOUT, FH), jnp.float32)
  ones_wp = jnp.ones((L, WP), jnp.float32)

  deg_parts = _make_deg(groups)(dst2, zeros_wp, ones_wp)
  dinv, ylo, yhi = _prescale(deg_parts, features)
  acc_lo, acc_hi = _make_agg1(groups)(src2, dst2, ylo, yhi, zeros_fh)
  y2 = _mid(acc_lo, acc_hi, ylo, yhi, dinv, W1, b1.reshape(1, NH), W2)
  a2 = _make_agg2(groups)(src2, dst2, y2, zeros_wp)
  emb, rows, cols = _emb(a2, y2, dinv, b2.reshape(1, DO))
  q = _q(rows, cols.T)
  return (emb, q)

# --- scband reference (transcript-rebuilt; emitter-appended) ---
"""Pipeline reference for scband-spagcn-71648644431957 (READ-ONLY COPY).

The authoritative reference and input builder live on the scoring server;
editing this copy changes nothing except your own understanding.
"""

import jax, jax.numpy as jnp
import numpy as np

N_NODES = 10000
IN_DIM = 128
NHID = 256
OUT_DIM = 2
ALPHA = 0.5
BETA = 0.5
N_EDGES = 320000


def _gcn_conv(x, edge_index, W, b, num_nodes):
    # GCNConv-style: linear transform, symmetric-normalized aggregation with self-loops
    src = edge_index[0]
    dst = edge_index[1]
    loops = jnp.arange(num_nodes, dtype=edge_index.dtype)
    src = jnp.concatenate([src, loops])
    dst = jnp.concatenate([dst, loops])
    deg = jax.ops.segment_sum(jnp.ones(src.shape[0], dtype=x.dtype), dst, num_segments=num_nodes)
    dinv = 1.0 / jnp.sqrt(jnp.clip(deg, 1.0))
    norm = dinv[src] * dinv[dst]
    h = x @ W
    msg = h[src] * norm[:, None]
    out = jax.ops.segment_sum(msg, dst, num_segments=num_nodes)
    return out + b


def setup_inputs(seed: int = 0) -> dict:
    key = jax.random.key(seed)
    k1, k2, k3, k4, k5, k6 = jax.random.split(key, 6)
    features = jax.random.normal(k1, (N_NODES, IN_DIM), dtype=jnp.float32)
    edge_index = jax.random.randint(k2, (2, N_EDGES), 0, N_NODES, dtype=jnp.int64)
    W1 = jax.random.normal(k3, (IN_DIM, NHID), dtype=jnp.float32) * (1.0 / np.sqrt(IN_DIM))
    b1 = jnp.zeros((NHID,), dtype=jnp.float32)
    W2 = jax.random.normal(k4, (NHID, OUT_DIM), dtype=jnp.float32) * (1.0 / np.sqrt(NHID))
    b2 = jnp.zeros((OUT_DIM,), dtype=jnp.float32)
    return {"features": features, "edge_index": edge_index, "W1": W1, "b1": b1, "W2": W2, "b2": b2}


def reference(features, edge_index, W1, b1, W2, b2):
    num_nodes = features.shape[0]
    h = _gcn_conv(features, edge_index, W1, b1, num_nodes)
    h = jax.nn.relu(h)
    emb = _gcn_conv(h, edge_index, W2, b2, num_nodes)
    # original code detaches embedding (numpy) before pairwise distances -> stop_gradient
    e = jax.lax.stop_gradient(emb)
    sq = jnp.sum(e * e, axis=1)
    d2 = sq[:, None] + sq[None, :] - 2.0 * (e @ e.T)
    dist = jnp.sqrt(jnp.clip(d2, 0.0))
    q = 1.0 / (1.0 + ALPHA * jnp.power(dist, 2.0 * BETA))
    return (emb, q)

if __name__ == "__main__":
    import jax
    _d = setup_inputs()
    print(jax.jit(kernel)(*tuple(_d.values())))

</pallas_src>

<mosaic_0001>
#map = affine_map<(d0, d1) -> (0, 0)>
#map1 = affine_map<(d0, d1) -> (0, 0, 0)>
module attributes {stable_mosaic.version = 14 : i64} {
  func.func @agg2_kernel(%arg0: i32, %arg1: i32, %arg2: memref<2560x128xi32, #tpu.memory_space<hbm>>, %arg3: memref<2560x128xi32, #tpu.memory_space<hbm>>, %arg4: memref<10000x16xf32, #tpu.memory_space<hbm>>, %arg5: memref<10112x16xf32, #tpu.memory_space<hbm>>, %arg6: memref<2x10112x16xf32, #tpu.memory_space<hbm>>, %arg7: memref<80x128xi32, #tpu.memory_space<vmem>>, %arg8: memref<80x128xi32, #tpu.memory_space<vmem>>, %arg9: memref<128x16xf32, #tpu.memory_space<vmem>>, %arg10: memref<128x16xf32, #tpu.memory_space<vmem>>, %arg11: memref<128x16xf32, #tpu.memory_space<vmem>>, %arg12: memref<128x16xf32, #tpu.memory_space<vmem>>, %arg13: memref<128x16xf32, #tpu.memory_space<vmem>>, %arg14: memref<128x16xf32, #tpu.memory_space<vmem>>, %arg15: memref<128x16xf32, #tpu.memory_space<vmem>>, %arg16: memref<128x16xf32, #tpu.memory_space<vmem>>, %arg17: memref<10112x16xf32, #tpu.memory_space<vmem_shared>>, %arg18: memref<10000x16xf32, #tpu.memory_space<vmem_shared>>, %arg19: memref<!tpu.dma_semaphore, #tpu.memory_space<semaphore_mem>>, %arg20: memref<!tpu.dma_semaphore, #tpu.memory_space<semaphore_mem>>, %arg21: memref<!tpu.dma_semaphore, #tpu.memory_space<semaphore_mem>>, %arg22: memref<!tpu.dma_semaphore, #tpu.memory_space<semaphore_mem>>, %arg23: memref<!tpu.dma_semaphore, #tpu.memory_space<semaphore_mem>>, %arg24: memref<!tpu.dma_semaphore, #tpu.memory_space<semaphore_mem>>, %arg25: memref<!tpu.dma_semaphore, #tpu.memory_space<semaphore_mem>>, %arg26: memref<!tpu.dma_semaphore, #tpu.memory_space<semaphore_mem>>, %arg27: memref<!tpu.dma_semaphore, #tpu.memory_space<semaphore_mem>>, %arg28: memref<!tpu.dma_semaphore, #tpu.memory_space<semaphore_mem>>, %arg29: memref<!tpu.dma_semaphore, #tpu.memory_space<semaphore_mem>>, %arg30: memref<!tpu.dma_semaphore, #tpu.memory_space<semaphore_mem>>, %arg31: memref<!tpu.dma_semaphore, #tpu.memory_space<semaphore_mem>>, %arg32: memref<!tpu.dma_semaphore, #tpu.memory_space<semaphore_mem>>, %arg33: memref<!tpu.dma_semaphore, #tpu.memory_space<semaphore_mem>>, %arg34: memref<!tpu.dma_semaphore, #tpu.memory_space<semaphore_mem>>) attributes {dimension_semantics = [#tpu.dimension_semantics<core_parallel>, #tpu.dimension_semantics<subcore_parallel>], iteration_bounds = array<i64: 2, 16>, scalar_prefetch = 0 : i64, scratch_operands = 28 : i64, tpu.core_type = #tpu.core_type<sc_vector_subcore>, window_params = [{transform_indices = #map}, {transform_indices = #map}, {transform_indices = #map}, {transform_indices = #map}, {transform_indices = #map1}]} {
    %mul3A = arith.constant 1280 : i32
    %mul3A_0 = arith.muli %arg0, %mul3A : i32
    %mul3A_1 = arith.constant 80 : i32
    %mul3A_2 = arith.muli %arg1, %mul3A_1 : i32
    %add3A = arith.addi %mul3A_0, %mul3A_2 : i32
    "tpu.region"() ({
      %run_scoped3A = tpu.sem_alloc : memref<!tpu.dma_semaphore, #tpu.memory_space<semaphore_mem>>
      %dma_start3A_74 = arith.constant 0 : i32
      %dma_start3A_75 = tpu.memref_slice %arg2[%add3A, %dma_start3A_74] : memref<2560x128xi32, #tpu.memory_space<hbm>> -> memref<80x128xi32, #tpu.memory_space<hbm>>
      %dma_start3A_76 = arith.constant 0 : i32
      %dma_start3A_77 = tpu.memref_slice %arg2[%add3A, %dma_start3A_76] : memref<2560x128xi32, #tpu.memory_space<hbm>> -> memref<80x128xi32, #tpu.memory_space<hbm>>
      tpu.enqueue_dma source(%dma_start3A_77 : memref<80x128xi32, #tpu.memory_space<hbm>>) target(%arg7 : memref<80x128xi32, #tpu.memory_space<vmem>>) target_semaphore(%run_scoped3A : memref<!tpu.dma_semaphore, #tpu.memory_space<semaphore_mem>>)
      %dma_wait3A_78 = arith.constant 0 : i32
      %dma_wait3A_79 = tpu.memref_slice %arg2[%add3A, %dma_wait3A_78] : memref<2560x128xi32, #tpu.memory_space<hbm>> -> memref<80x128xi32, #tpu.memory_space<hbm>>
      %dma_wait3A_80 = arith.constant 0 : i32
      %dma_wait3A_81 = tpu.memref_slice %arg2[%add3A, %dma_wait3A_80] : memref<2560x128xi32, #tpu.memory_space<hbm>> -> memref<80x128xi32, #tpu.memory_space<hbm>>
      tpu.wait_dma2 semaphore(%run_scoped3A : memref<!tpu.dma_semaphore, #tpu.memory_space<semaphore_mem>>) src(%dma_wait3A_81 : memref<80x128xi32, #tpu.memory_space<hbm>>) dst(%arg7 : memref<80x128xi32, #tpu.memory_space<vmem>>)
      tpu.yield
    }) : () -> ()
    "tpu.region"() ({
      %run_scoped3A = tpu.sem_alloc : memref<!tpu.dma_semaphore, #tpu.memory_space<semaphore_mem>>
      %dma_start3A_74 = arith.constant 0 : i32
      %dma_start3A_75 = tpu.memref_slice %arg3[%add3A, %dma_start3A_74] : memref<2560x128xi32, #tpu.memory_space<hbm>> -> memref<80x128xi32, #tpu.memory_space<hbm>>
      %dma_start3A_76 = arith.constant 0 : i32
      %dma_start3A_77 = tpu.memref_slice %arg3[%add3A, %dma_start3A_76] : memref<2560x128xi32, #tpu.memory_space<hbm>> -> memref<80x128xi32, #tpu.memory_space<hbm>>
      tpu.enqueue_dma source(%dma_start3A_77 : memref<80x128xi32, #tpu.memory_space<hbm>>) target(%arg8 : memref<80x128xi32, #tpu.memory_space<vmem>>) target_semaphore(%run_scoped3A : memref<!tpu.dma_semaphore, #tpu.memory_space<semaphore_mem>>)
      %dma_wait3A_78 = arith.constant 0 : i32
      %dma_wait3A_79 = tpu.memref_slice %arg3[%add3A, %dma_wait3A_78] : memref<2560x128xi32, #tpu.memory_space<hbm>> -> memref<80x128xi32, #tpu.memory_space<hbm>>
      %dma_wait3A_80 = arith.constant 0 : i32
      %dma_wait3A_81 = tpu.memref_slice %arg3[%add3A, %dma_wait3A_80] : memref<2560x128xi32, #tpu.memory_space<hbm>> -> memref<80x128xi32, #tpu.memory_space<hbm>>
      tpu.wait_dma2 semaphore(%run_scoped3A : memref<!tpu.dma_semaphore, #tpu.memory_space<semaphore_mem>>) src(%dma_wait3A_81 : memref<80x128xi32, #tpu.memory_space<hbm>>) dst(%arg8 : memref<80x128xi32, #tpu.memory_space<vmem>>)
      tpu.yield
    }) : () -> ()
    %eq3A = arith.constant 0 : i32
    %eq3A_3 = arith.cmpi eq, %arg1, %eq3A : i32
    %convert_element_type3A = arith.extui %eq3A_3 : i1 to i32
    %cond3A = arith.constant 0 : i32
    %cond3A_4 = arith.cmpi ne, %convert_element_type3A, %cond3A : i32
    scf.if %cond3A_4 {
      "tpu.region"() ({
        %run_scoped3A = tpu.sem_alloc : memref<!tpu.dma_semaphore, #tpu.memory_space<semaphore_mem>>
        tpu.enqueue_dma source(%arg5 : memref<10112x16xf32, #tpu.memory_space<hbm>>) target(%arg17 : memref<10112x16xf32, #tpu.memory_space<vmem_shared>>) target_semaphore(%run_scoped3A : memref<!tpu.dma_semaphore, #tpu.memory_space<semaphore_mem>>)
        tpu.wait_dma2 semaphore(%run_scoped3A : memref<!tpu.dma_semaphore, #tpu.memory_space<semaphore_mem>>) src(%arg5 : memref<10112x16xf32, #tpu.memory_space<hbm>>) dst(%arg17 : memref<10112x16xf32, #tpu.memory_space<vmem_shared>>)
        tpu.yield
      }) : () -> ()
    } else {
    }
    %eq3A_5 = arith.constant 1 : i32
    %eq3A_6 = arith.cmpi eq, %arg1, %eq3A_5 : i32
    %convert_element_type3A_7 = arith.extui %eq3A_6 : i1 to i32
    %cond3A_8 = arith.constant 0 : i32
    %cond3A_9 = arith.cmpi ne, %convert_element_type3A_7, %cond3A_8 : i32
    scf.if %cond3A_9 {
      "tpu.region"() ({
        %run_scoped3A = tpu.sem_alloc : memref<!tpu.dma_semaphore, #tpu.memory_space<semaphore_mem>>
        tpu.enqueue_dma source(%arg4 : memref<10000x16xf32, #tpu.memory_space<hbm>>) target(%arg18 : memref<10000x16xf32, #tpu.memory_space<vmem_shared>>) target_semaphore(%run_scoped3A : memref<!tpu.dma_semaphore, #tpu.memory_space<semaphore_mem>>)
        tpu.wait_dma2 semaphore(%run_scoped3A : memref<!tpu.dma_semaphore, #tpu.memory_space<semaphore_mem>>) src(%arg4 : memref<10000x16xf32, #tpu.memory_space<hbm>>) dst(%arg18 : memref<10000x16xf32, #tpu.memory_space<vmem_shared>>)
        tpu.yield
      }) : () -> ()
    } else {
    }
    %barrier3A = arith.constant 0 : index
    tpu.barrier barrier_id(%barrier3A)
    %dma_start3A = arith.constant 0 : i32
    %dma_start3A_10 = arith.constant 0 : i32
    %dma_start3A_11 = tpu.memref_slice %arg7[%dma_start3A, %dma_start3A_10] : memref<80x128xi32, #tpu.memory_space<vmem>> -> memref<1x128xi32, #tpu.memory_space<vmem>>
    %dma_start3A_12 = tpu.memref_squeeze %dma_start3A_11 : memref<1x128xi32, #tpu.memory_space<vmem>> -> memref<128xi32, #tpu.memory_space<vmem>>
    %dma_start3A_13 = arith.constant 0 : i32
    %dma_start3A_14 = arith.constant 0 : i32
    %dma_start3A_15 = tpu.memref_slice %arg18[%dma_start3A_13, %dma_start3A_14] : memref<10000x16xf32, #tpu.memory_space<vmem_shared>> -> memref<10000x16xf32, #tpu.memory_space<vmem_shared>>
    tpu.enqueue_indirect_dma source(%dma_start3A_15 : memref<10000x16xf32, #tpu.memory_space<vmem_shared>>) target(%arg9 : memref<128x16xf32, #tpu.memory_space<vmem>>) offsets(%dma_start3A_12 : memref<128xi32, #tpu.memory_space<vmem>>) semaphore(%arg19 : memref<!tpu.dma_semaphore, #tpu.memory_space<semaphore_mem>>)
    %dma_start3A_16 = arith.constant 1 : i32
    %dma_start3A_17 = arith.constant 0 : i32
    %dma_start3A_18 = tpu.memref_slice %arg7[%dma_start3A_16, %dma_start3A_17] : memref<80x128xi32, #tpu.memory_space<vmem>> -> memref<1x128xi32, #tpu.memory_space<vmem>>
    %dma_start3A_19 = tpu.memref_squeeze %dma_start3A_18 : memref<1x128xi32, #tpu.memory_space<vmem>> -> memref<128xi32, #tpu.memory_space<vmem>>
    %dma_start3A_20 = arith.constant 0 : i32
    %dma_start3A_21 = arith.constant 0 : i32
    %dma_start3A_22 = tpu.memref_slice %arg18[%dma_start3A_20, %dma_start3A_21] : memref<10000x16xf32, #tpu.memory_space<vmem_shared>> -> memref<10000x16xf32, #tpu.memory_space<vmem_shared>>
    tpu.enqueue_indirect_dma source(%dma_start3A_22 : memref<10000x16xf32, #tpu.memory_space<vmem_shared>>) target(%arg10 : memref<128x16xf32, #tpu.memory_space<vmem>>) offsets(%dma_start3A_19 : memref<128xi32, #tpu.memory_space<vmem>>) semaphore(%arg20 : memref<!tpu.dma_semaphore, #tpu.memory_space<semaphore_mem>>)
    %dma_start3A_23 = arith.constant 2 : i32
    %dma_start3A_24 = arith.constant 0 : i32
    %dma_start3A_25 = tpu.memref_slice %arg7[%dma_start3A_23, %dma_start3A_24] : memref<80x128xi32, #tpu.memory_space<vmem>> -> memref<1x128xi32, #tpu.memory_space<vmem>>
    %dma_start3A_26 = tpu.memref_squeeze %dma_start3A_25 : memref<1x128xi32, #tpu.memory_space<vmem>> -> memref<128xi32, #tpu.memory_space<vmem>>
    %dma_start3A_27 = arith.constant 0 : i32
    %dma_start3A_28 = arith.constant 0 : i32
    %dma_start3A_29 = tpu.memref_slice %arg18[%dma_start3A_27, %dma_start3A_28] : memref<10000x16xf32, #tpu.memory_space<vmem_shared>> -> memref<10000x16xf32, #tpu.memory_space<vmem_shared>>
    tpu.enqueue_indirect_dma source(%dma_start3A_29 : memref<10000x16xf32, #tpu.memory_space<vmem_shared>>) target(%arg11 : memref<128x16xf32, #tpu.memory_space<vmem>>) offsets(%dma_start3A_26 : memref<128xi32, #tpu.memory_space<vmem>>) semaphore(%arg21 : memref<!tpu.dma_semaphore, #tpu.memory_space<semaphore_mem>>)
    %dma_start3A_30 = arith.constant 3 : i32
    %dma_start3A_31 = arith.constant 0 : i32
    %dma_start3A_32 = tpu.memref_slice %arg7[%dma_start3A_30, %dma_start3A_31] : memref<80x128xi32, #tpu.memory_space<vmem>> -> memref<1x128xi32, #tpu.memory_space<vmem>>
    %dma_start3A_33 = tpu.memref_squeeze %dma_start3A_32 : memref<1x128xi32, #tpu.memory_space<vmem>> -> memref<128xi32, #tpu.memory_space<vmem>>
    %dma_start3A_34 = arith.constant 0 : i32
    %dma_start3A_35 = arith.constant 0 : i32
    %dma_start3A_36 = tpu.memref_slice %arg18[%dma_start3A_34, %dma_start3A_35] : memref<10000x16xf32, #tpu.memory_space<vmem_shared>> -> memref<10000x16xf32, #tpu.memory_space<vmem_shared>>
    tpu.enqueue_indirect_dma source(%dma_start3A_36 : memref<10000x16xf32, #tpu.memory_space<vmem_shared>>) target(%arg12 : memref<128x16xf32, #tpu.memory_space<vmem>>) offsets(%dma_start3A_33 : memref<128xi32, #tpu.memory_space<vmem>>) semaphore(%arg22 : memref<!tpu.dma_semaphore, #tpu.memory_space<semaphore_mem>>)
    %scan3A = arith.constant 0 : i32
    %scan3A_37 = arith.constant 0 : i32
    %scan3A_38 = arith.constant 10 : i32
    %scan3A_39 = arith.addi %scan3A_37, %scan3A_38 : i32
    %scan3A_40 = arith.constant 1 : i32
    scf.for %scan3A_74 = %scan3A_37 to %scan3A_39 step %scan3A_40  : i32 {
      %mul3A_75 = arith.constant 8 : i32
      %mul3A_76 = arith.muli %mul3A_75, %scan3A_74 : i32
      %gt3A = arith.constant 0 : i32
      %gt3A_77 = arith.cmpi sgt, %scan3A_74, %gt3A : i32
      %convert_element_type3A_78 = arith.extui %gt3A_77 : i1 to i32
      %cond3A_79 = arith.constant 0 : i32
      %cond3A_80 = arith.cmpi ne, %convert_element_type3A_78, %cond3A_79 : i32
      scf.if %cond3A_80 {
        %dma_wait3A_319 = arith.constant 0 : i32
        %dma_wait3A_320 = arith.constant 0 : i32
        %dma_wait3A_321 = tpu.memref_slice %arg8[%dma_wait3A_319, %dma_wait3A_320] : memref<80x128xi32, #tpu.memory_space<vmem>> -> memref<1x128xi32, #tpu.memory_space<vmem>>
        %dma_wait3A_322 = tpu.memref_squeeze %dma_wait3A_321 : memref<1x128xi32, #tpu.memory_space<vmem>> -> memref<128xi32, #tpu.memory_space<vmem>>
        %dma_wait3A_323 = arith.constant 0 : i32
        %dma_wait3A_324 = arith.constant 0 : i32
        %dma_wait3A_325 = tpu.memref_slice %arg17[%dma_wait3A_323, %dma_wait3A_324] : memref<10112x16xf32, #tpu.memory_space<vmem_shared>> -> memref<10112x16xf32, #tpu.memory_space<vmem_shared>>
        tpu.wait_indirect_dma semaphore(%arg31 : memref<!tpu.dma_semaphore, #tpu.memory_space<semaphore_mem>>) src(%arg13 : memref<128x16xf32, #tpu.memory_space<vmem>>) dst(%dma_wait3A_325 : memref<10112x16xf32, #tpu.memory_space<vmem_shared>>)
      } else {
      }
      %add3A_81 = arith.constant 4 : i32
      %add3A_82 = arith.addi %mul3A_76, %add3A_81 : i32
      %add3A_83 = arith.constant 0 : i32
      %add3A_84 = arith.addi %add3A_82, %add3A_83 : i32
      %dma_start3A_85 = arith.constant 0 : i32
      %dma_start3A_86 = tpu.memref_slice %arg7[%add3A_84, %dma_start3A_85] : memref<80x128xi32, #tpu.memory_space<vmem>> -> memref<1x128xi32, #tpu.memory_space<vmem>>
      %dma_start3A_87 = tpu.memref_squeeze %dma_start3A_86 : memref<1x128xi32, #tpu.memory_space<vmem>> -> memref<128xi32, #tpu.memory_space<vmem>>
      %dma_start3A_88 = arith.constant 0 : i32
      %dma_start3A_89 = arith.constant 0 : i32
      %dma_start3A_90 = tpu.memref_slice %arg18[%dma_start3A_88, %dma_start3A_89] : memref<10000x16xf32, #tpu.memory_space<vmem_shared>> -> memref<10000x16xf32, #tpu.memory_space<vmem_shared>>
      tpu.enqueue_indirect_dma source(%dma_start3A_90 : memref<10000x16xf32, #tpu.memory_space<vmem_shared>>) target(%arg13 : memref<128x16xf32, #tpu.memory_space<vmem>>) offsets(%dma_start3A_87 : memref<128xi32, #tpu.memory_space<vmem>>) semaphore(%arg23 : memref<!tpu.dma_semaphore, #tpu.memory_space<semaphore_mem>>)
      %gt3A_91 = arith.constant 0 : i32
      %gt3A_92 = arith.cmpi sgt, %scan3A_74, %gt3A_91 : i32
      %convert_element_type3A_93 = arith.extui %gt3A_92 : i1 to i32
      %cond3A_94 = arith.constant 0 : i32
      %cond3A_95 = arith.cmpi ne, %convert_element_type3A_93, %cond3A_94 : i32
      scf.if %cond3A_95 {
        %dma_wait3A_319 = arith.constant 0 : i32
        %dma_wait3A_320 = arith.constant 0 : i32
        %dma_wait3A_321 = tpu.memref_slice %arg8[%dma_wait3A_319, %dma_wait3A_320] : memref<80x128xi32, #tpu.memory_space<vmem>> -> memref<1x128xi32, #tpu.memory_space<vmem>>
        %dma_wait3A_322 = tpu.memref_squeeze %dma_wait3A_321 : memref<1x128xi32, #tpu.memory_space<vmem>> -> memref<128xi32, #tpu.memory_space<vmem>>
        %dma_wait3A_323 = arith.constant 0 : i32
        %dma_wait3A_324 = arith.constant 0 : i32
        %dma_wait3A_325 = tpu.memref_slice %arg17[%dma_wait3A_323, %dma_wait3A_324] : memref<10112x16xf32, #tpu.memory_space<vmem_shared>> -> memref<10112x16xf32, #tpu.memory_space<vmem_shared>>
        tpu.wait_indirect_dma semaphore(%arg32 : memref<!tpu.dma_semaphore, #tpu.memory_space<semaphore_mem>>) src(%arg14 : memref<128x16xf32, #tpu.memory_space<vmem>>) dst(%dma_wait3A_325 : memref<10112x16xf32, #tpu.memory_space<vmem_shared>>)
      } else {
      }
      %add3A_96 = arith.constant 4 : i32
      %add3A_97 = arith.addi %mul3A_76, %add3A_96 : i32
      %add3A_98 = arith.constant 1 : i32
      %add3A_99 = arith.addi %add3A_97, %add3A_98 : i32
      %dma_start3A_100 = arith.constant 0 : i32
      %dma_start3A_101 = tpu.memref_slice %arg7[%add3A_99, %dma_start3A_100] : memref<80x128xi32, #tpu.memory_space<vmem>> -> memref<1x128xi32, #tpu.memory_space<vmem>>
      %dma_start3A_102 = tpu.memref_squeeze %dma_start3A_101 : memref<1x128xi32, #tpu.memory_space<vmem>> -> memref<128xi32, #tpu.memory_space<vmem>>
      %dma_start3A_103 = arith.constant 0 : i32
      %dma_start3A_104 = arith.constant 0 : i32
      %dma_start3A_105 = tpu.memref_slice %arg18[%dma_start3A_103, %dma_start3A_104] : memref<10000x16xf32, #tpu.memory_space<vmem_shared>> -> memref<10000x16xf32, #tpu.memory_space<vmem_shared>>
      tpu.enqueue_indirect_dma source(%dma_start3A_105 : memref<10000x16xf32, #tpu.memory_space<vmem_shared>>) target(%arg14 : memref<128x16xf32, #tpu.memory_space<vmem>>) offsets(%dma_start3A_102 : memref<128xi32, #tpu.memory_space<vmem>>) semaphore(%arg24 : memref<!tpu.dma_semaphore, #tpu.memory_space<semaphore_mem>>)
      %gt3A_106 = arith.constant 0 : i32
      %gt3A_107 = arith.cmpi sgt, %scan3A_74, %gt3A_106 : i32
      %convert_element_type3A_108 = arith.extui %gt3A_107 : i1 to i32
      %cond3A_109 = arith.constant 0 : i32
      %cond3A_110 = arith.cmpi ne, %convert_element_type3A_108, %cond3A_109 : i32
      scf.if %cond3A_110 {
        %dma_wait3A_319 = arith.constant 0 : i32
        %dma_wait3A_320 = arith.constant 0 : i32
        %dma_wait3A_321 = tpu.memref_slice %arg8[%dma_wait3A_319, %dma_wait3A_320] : memref<80x128xi32, #tpu.memory_space<vmem>> -> memref<1x128xi32, #tpu.memory_space<vmem>>
        %dma_wait3A_322 = tpu.memref_squeeze %dma_wait3A_321 : memref<1x128xi32, #tpu.memory_space<vmem>> -> memref<128xi32, #tpu.memory_space<vmem>>
        %dma_wait3A_323 = arith.constant 0 : i32
        %dma_wait3A_324 = arith.constant 0 : i32
        %dma_wait3A_325 = tpu.memref_slice %arg17[%dma_wait3A_323, %dma_wait3A_324] : memref<10112x16xf32, #tpu.memory_space<vmem_shared>> -> memref<10112x16xf32, #tpu.memory_space<vmem_shared>>
        tpu.wait_indirect_dma semaphore(%arg33 : memref<!tpu.dma_semaphore, #tpu.memory_space<semaphore_mem>>) src(%arg15 : memref<128x16xf32, #tpu.memory_space<vmem>>) dst(%dma_wait3A_325 : memref<10112x16xf32, #tpu.memory_space<vmem_shared>>)
      } else {
      }
      %add3A_111 = arith.constant 4 : i32
      %add3A_112 = arith.addi %mul3A_76, %add3A_111 : i32
      %add3A_113 = arith.constant 2 : i32
      %add3A_114 = arith.addi %add3A_112, %add3A_113 : i32
      %dma_start3A_115 = arith.constant 0 : i32
      %dma_start3A_116 = tpu.memref_slice %arg7[%add3A_114, %dma_start3A_115] : memref<80x128xi32, #tpu.memory_space<vmem>> -> memref<1x128xi32, #tpu.memory_space<vmem>>
      %dma_start3A_117 = tpu.memref_squeeze %dma_start3A_116 : memref<1x128xi32, #tpu.memory_space<vmem>> -> memref<128xi32, #tpu.memory_space<vmem>>
      %dma_start3A_118 = arith.constant 0 : i32
      %dma_start3A_119 = arith.constant 0 : i32
      %dma_start3A_120 = tpu.memref_slice %arg18[%dma_start3A_118, %dma_start3A_119] : memref<10000x16xf32, #tpu.memory_space<vmem_shared>> -> memref<10000x16xf32, #tpu.memory_space<vmem_shared>>
      tpu.enqueue_indirect_dma source(%dma_start3A_120 : memref<10000x16xf32, #tpu.memory_space<vmem_shared>>) target(%arg15 : memref<128x16xf32, #tpu.memory_space<vmem>>) offsets(%dma_start3A_117 : memref<128xi32, #tpu.memory_space<vmem>>) semaphore(%arg25 : memref<!tpu.dma_semaphore, #tpu.memory_space<semaphore_mem>>)
      %gt3A_121 = arith.constant 0 : i32
      %gt3A_122 = arith.cmpi sgt, %scan3A_74, %gt3A_121 : i32
      %convert_element_type3A_123 = arith.extui %gt3A_122 : i1 to i32
      %cond3A_124 = arith.constant 0 : i32
      %cond3A_125 = arith.cmpi ne, %convert_element_type3A_123, %cond3A_124 : i32
      scf.if %cond3A_125 {
        %dma_wait3A_319 = arith.constant 0 : i32
        %dma_wait3A_320 = arith.constant 0 : i32
        %dma_wait3A_321 = tpu.memref_slice %arg8[%dma_wait3A_319, %dma_wait3A_320] : memref<80x128xi32, #tpu.memory_space<vmem>> -> memref<1x128xi32, #tpu.memory_space<vmem>>
        %dma_wait3A_322 = tpu.memref_squeeze %dma_wait3A_321 : memref<1x128xi32, #tpu.memory_space<vmem>> -> memref<128xi32, #tpu.memory_space<vmem>>
        %dma_wait3A_323 = arith.constant 0 : i32
        %dma_wait3A_324 = arith.constant 0 : i32
        %dma_wait3A_325 = tpu.memref_slice %arg17[%dma_wait3A_323, %dma_wait3A_324] : memref<10112x16xf32, #tpu.memory_space<vmem_shared>> -> memref<10112x16xf32, #tpu.memory_space<vmem_shared>>
        tpu.wait_indirect_dma semaphore(%arg34 : memref<!tpu.dma_semaphore, #tpu.memory_space<semaphore_mem>>) src(%arg16 : memref<128x16xf32, #tpu.memory_space<vmem>>) dst(%dma_wait3A_325 : memref<10112x16xf32, #tpu.memory_space<vmem_shared>>)
      } else {
      }
      %add3A_126 = arith.constant 4 : i32
      %add3A_127 = arith.addi %mul3A_76, %add3A_126 : i32
      %add3A_128 = arith.constant 3 : i32
      %add3A_129 = arith.addi %add3A_127, %add3A_128 : i32
      %dma_start3A_130 = arith.constant 0 : i32
      %dma_start3A_131 = tpu.memref_slice %arg7[%add3A_129, %dma_start3A_130] : memref<80x128xi32, #tpu.memory_space<vmem>> -> memref<1x128xi32, #tpu.memory_space<vmem>>
      %dma_start3A_132 = tpu.memref_squeeze %dma_start3A_131 : memref<1x128xi32, #tpu.memory_space<vmem>> -> memref<128xi32, #tpu.memory_space<vmem>>
      %dma_start3A_133 = arith.constant 0 : i32
      %dma_start3A_134 = arith.constant 0 : i32
      %dma_start3A_135 = tpu.memref_slice %arg18[%dma_start3A_133, %dma_start3A_134] : memref<10000x16xf32, #tpu.memory_space<vmem_shared>> -> memref<10000x16xf32, #tpu.memory_space<vmem_shared>>
      tpu.enqueue_indirect_dma source(%dma_start3A_135 : memref<10000x16xf32, #tpu.memory_space<vmem_shared>>) target(%arg16 : memref<128x16xf32, #tpu.memory_space<vmem>>) offsets(%dma_start3A_132 : memref<128xi32, #tpu.memory_space<vmem>>) semaphore(%arg26 : memref<!tpu.dma_semaphore, #tpu.memory_space<semaphore_mem>>)
      %dma_wait3A_136 = arith.constant 0 : i32
      %dma_wait3A_137 = arith.constant 0 : i32
      %dma_wait3A_138 = tpu.memref_slice %arg7[%dma_wait3A_136, %dma_wait3A_137] : memref<80x128xi32, #tpu.memory_space<vmem>> -> memref<1x128xi32, #tpu.memory_space<vmem>>
      %dma_wait3A_139 = tpu.memref_squeeze %dma_wait3A_138 : memref<1x128xi32, #tpu.memory_space<vmem>> -> memref<128xi32, #tpu.memory_space<vmem>>
      %dma_wait3A_140 = arith.constant 0 : i32
      %dma_wait3A_141 = arith.constant 0 : i32
      %dma_wait3A_142 = tpu.memref_slice %arg18[%dma_wait3A_140, %dma_wait3A_141] : memref<10000x16xf32, #tpu.memory_space<vmem_shared>> -> memref<10000x16xf32, #tpu.memory_space<vmem_shared>>
      tpu.wait_indirect_dma semaphore(%arg19 : memref<!tpu.dma_semaphore, #tpu.memory_space<semaphore_mem>>) src(%dma_wait3A_142 : memref<10000x16xf32, #tpu.memory_space<vmem_shared>>) dst(%arg9 : memref<128x16xf32, #tpu.memory_space<vmem>>)
      %add3A_143 = arith.constant 0 : i32
      %add3A_144 = arith.addi %mul3A_76, %add3A_143 : i32
      %dma_start3A_145 = arith.constant 0 : i32
      %dma_start3A_146 = tpu.memref_slice %arg8[%add3A_144, %dma_start3A_145] : memref<80x128xi32, #tpu.memory_space<vmem>> -> memref<1x128xi32, #tpu.memory_space<vmem>>
      %dma_start3A_147 = tpu.memref_squeeze %dma_start3A_146 : memref<1x128xi32, #tpu.memory_space<vmem>> -> memref<128xi32, #tpu.memory_space<vmem>>
      %dma_start3A_148 = arith.constant 0 : i32
      %dma_start3A_149 = arith.constant 0 : i32
      %dma_start3A_150 = tpu.memref_slice %arg17[%dma_start3A_148, %dma_start3A_149] : memref<10112x16xf32, #tpu.memory_space<vmem_shared>> -> memref<10112x16xf32, #tpu.memory_space<vmem_shared>>
      tpu.enqueue_indirect_dma source(%arg9 : memref<128x16xf32, #tpu.memory_space<vmem>>) target(%dma_start3A_150 : memref<10112x16xf32, #tpu.memory_space<vmem_shared>>) offsets(%dma_start3A_147 : memref<128xi32, #tpu.memory_space<vmem>>) semaphore(%arg27 : memref<!tpu.dma_semaphore, #tpu.memory_space<semaphore_mem>>) {add = true}
      %dma_wait3A_151 = arith.constant 0 : i32
      %dma_wait3A_152 = arith.constant 0 : i32
      %dma_wait3A_153 = tpu.memref_slice %arg7[%dma_wait3A_151, %dma_wait3A_152] : memref<80x128xi32, #tpu.memory_space<vmem>> -> memref<1x128xi32, #tpu.memory_space<vmem>>
      %dma_wait3A_154 = tpu.memref_squeeze %dma_wait3A_153 : memref<1x128xi32, #tpu.memory_space<vmem>> -> memref<128xi32, #tpu.memory_space<vmem>>
      %dma_wait3A_155 = arith.constant 0 : i32
      %dma_wait3A_156 = arith.constant 0 : i32
      %dma_wait3A_157 = tpu.memref_slice %arg18[%dma_wait3A_155, %dma_wait3A_156] : memref<10000x16xf32, #tpu.memory_space<vmem_shared>> -> memref<10000x16xf32, #tpu.memory_space<vmem_shared>>
      tpu.wait_indirect_dma semaphore(%arg20 : memref<!tpu.dma_semaphore, #tpu.memory_space<semaphore_mem>>) src(%dma_wait3A_157 : memref<10000x16xf32, #tpu.memory_space<vmem_shared>>) dst(%arg10 : memref<128x16xf32, #tpu.memory_space<vmem>>)
      %add3A_158 = arith.constant 1 : i32
      %add3A_159 = arith.addi %mul3A_76, %add3A_158 : i32
      %dma_start3A_160 = arith.constant 0 : i32
      %dma_start3A_161 = tpu.memref_slice %arg8[%add3A_159, %dma_start3A_160] : memref<80x128xi32, #tpu.memory_space<vmem>> -> memref<1x128xi32, #tpu.memory_space<vmem>>
      %dma_start3A_162 = tpu.memref_squeeze %dma_start3A_161 : memref<1x128xi32, #tpu.memory_space<vmem>> -> memref<128xi32, #tpu.memory_space<vmem>>
      %dma_start3A_163 = arith.constant 0 : i32
      %dma_start3A_164 = arith.constant 0 : i32
      %dma_start3A_165 = tpu.memref_slice %arg17[%dma_start3A_163, %dma_start3A_164] : memref<10112x16xf32, #tpu.memory_space<vmem_shared>> -> memref<10112x16xf32, #tpu.memory_space<vmem_shared>>
      tpu.enqueue_indirect_dma source(%arg10 : memref<128x16xf32, #tpu.memory_space<vmem>>) target(%dma_start3A_165 : memref<10112x16xf32, #tpu.memory_space<vmem_shared>>) offsets(%dma_start3A_162 : memref<128xi32, #tpu.memory_space<vmem>>) semaphore(%arg28 : memref<!tpu.dma_semaphore, #tpu.memory_space<semaphore_mem>>) {add = true}
      %dma_wait3A_166 = arith.constant 0 : i32
      %dma_wait3A_167 = arith.constant 0 : i32
      %dma_wait3A_168 = tpu.memref_slice %arg7[%dma_wait3A_166, %dma_wait3A_167] : memref<80x128xi32, #tpu.memory_space<vmem>> -> memref<1x128xi32, #tpu.memory_space<vmem>>
      %dma_wait3A_169 = tpu.memref_squeeze %dma_wait3A_168 : memref<1x128xi32, #tpu.memory_space<vmem>> -> memref<128xi32, #tpu.memory_space<vmem>>
      %dma_wait3A_170 = arith.constant 0 : i32
      %dma_wait3A_171 = arith.constant 0 : i32
      %dma_wait3A_172 = tpu.memref_slice %arg18[%dma_wait3A_170, %dma_wait3A_171] : memref<10000x16xf32, #tpu.memory_space<vmem_shared>> -> memref<10000x16xf32, #tpu.memory_space<vmem_shared>>
      tpu.wait_indirect_dma semaphore(%arg21 : memref<!tpu.dma_semaphore, #tpu.memory_space<semaphore_mem>>) src(%dma_wait3A_172 : memref<10000x16xf32, #tpu.memory_space<vmem_shared>>) dst(%arg11 : memref<128x16xf32, #tpu.memory_space<vmem>>)
      %add3A_173 = arith.constant 2 : i32
      %add3A_174 = arith.addi %mul3A_76, %add3A_173 : i32
      %dma_start3A_175 = arith.constant 0 : i32
      %dma_start3A_176 = tpu.memref_slice %arg8[%add3A_174, %dma_start3A_175] : memref<80x128xi32, #tpu.memory_space<vmem>> -> memref<1x128xi32, #tpu.memory_space<vmem>>
      %dma_start3A_177 = tpu.memref_squeeze %dma_start3A_176 : memref<1x128xi32, #tpu.memory_space<vmem>> -> memref<128xi32, #tpu.memory_space<vmem>>
      %dma_start3A_178 = arith.constant 0 : i32
      %dma_start3A_179 = arith.constant 0 : i32
      %dma_start3A_180 = tpu.memref_slice %arg17[%dma_start3A_178, %dma_start3A_179] : memref<10112x16xf32, #tpu.memory_space<vmem_shared>> -> memref<10112x16xf32, #tpu.memory_space<vmem_shared>>
      tpu.enqueue_indirect_dma source(%arg11 : memref<128x16xf32, #tpu.memory_space<vmem>>) target(%dma_start3A_180 : memref<10112x16xf32, #tpu.memory_space<vmem_shared>>) offsets(%dma_start3A_177 : memref<128xi32, #tpu.memory_space<vmem>>) semaphore(%arg29 : memref<!tpu.dma_semaphore, #tpu.memory_space<semaphore_mem>>) {add = true}
      %dma_wait3A_181 = arith.constant 0 : i32
      %dma_wait3A_182 = arith.constant 0 : i32
      %dma_wait3A_183 = tpu.memref_slice %arg7[%dma_wait3A_181, %dma_wait3A_182] : memref<80x128xi32, #tpu.memory_space<vmem>> -> memref<1x128xi32, #tpu.memory_space<vmem>>
      %dma_wait3A_184 = tpu.memref_squeeze %dma_wait3A_183 : memref<1x128xi32, #tpu.memory_space<vmem>> -> memref<128xi32, #tpu.memory_space<vmem>>
      %dma_wait3A_185 = arith.constant 0 : i32
      %dma_wait3A_186 = arith.constant 0 : i32
      %dma_wait3A_187 = tpu.memref_slice %arg18[%dma_wait3A_185, %dma_wait3A_186] : memref<10000x16xf32, #tpu.memory_space<vmem_shared>> -> memref<10000x16xf32, #tpu.memory_space<vmem_shared>>
      tpu.wait_indirect_dma semaphore(%arg22 : memref<!tpu.dma_semaphore, #tpu.memory_space<semaphore_mem>>) src(%dma_wait3A_187 : memref<10000x16xf32, #tpu.memory_space<vmem_shared>>) dst(%arg12 : memref<128x16xf32, #tpu.memory_space<vmem>>)
      %add3A_188 = arith.constant 3 : i32
      %add3A_189 = arith.addi %mul3A_76, %add3A_188 : i32
      %dma_start3A_190 = arith.constant 0 : i32
      %dma_start3A_191 = tpu.memref_slice %arg8[%add3A_189, %dma_start3A_190] : memref<80x128xi32, #tpu.memory_space<vmem>> -> memref<1x128xi32, #tpu.memory_space<vmem>>
      %dma_start3A_192 = tpu.memref_squeeze %dma_start3A_191 : memref<1x128xi32, #tpu.memory_space<vmem>> -> memref<128xi32, #tpu.memory_space<vmem>>
      %dma_start3A_193 = arith.constant 0 : i32
      %dma_start3A_194 = arith.constant 0 : i32
      %dma_start3A_195 = tpu.memref_slice %arg17[%dma_start3A_193, %dma_start3A_194] : memref<10112x16xf32, #tpu.memory_space<vmem_shared>> -> memref<10112x16xf32, #tpu.memory_space<vmem_shared>>
      tpu.enqueue_indirect_dma source(%arg12 : memref<128x16xf32, #tpu.memory_space<vmem>>) target(%dma_start3A_195 : memref<10112x16xf32, #tpu.memory_space<vmem_shared>>) offsets(%dma_start3A_192 : memref<128xi32, #tpu.memory_space<vmem>>) semaphore(%arg30 : memref<!tpu.dma_semaphore, #tpu.memory_space<semaphore_mem>>) {add = true}
      %dma_wait3A_196 = arith.constant 0 : i32
      %dma_wait3A_197 = arith.constant 0 : i32
      %dma_wait3A_198 = tpu.memref_slice %arg8[%dma_wait3A_196, %dma_wait3A_197] : memref<80x128xi32, #tpu.memory_space<vmem>> -> memref<1x128xi32, #tpu.memory_space<vmem>>
      %dma_wait3A_199 = tpu.memref_squeeze %dma_wait3A_198 : memref<1x128xi32, #tpu.memory_space<vmem>> -> memref<128xi32, #tpu.memory_space<vmem>>
      %dma_wait3A_200 = arith.constant 0 : i32
      %dma_wait3A_201 = arith.constant 0 : i32
      %dma_wait3A_202 = tpu.memref_slice %arg17[%dma_wait3A_200, %dma_wait3A_201] : memref<10112x16xf32, #tpu.memory_space<vmem_shared>> -> memref<10112x16xf32, #tpu.memory_space<vmem_shared>>
      tpu.wait_indirect_dma semaphore(%arg27 : memref<!tpu.dma_semaphore, #tpu.memory_space<semaphore_mem>>) src(%arg9 : memref<128x16xf32, #tpu.memory_space<vmem>>) dst(%dma_wait3A_202 : memref<10112x16xf32, #tpu.memory_space<vmem_shared>>)
      %add3A_203 = arith.constant 1 : i32
      %add3A_204 = arith.addi %scan3A_74, %add3A_203 : i32
      %lt3A = arith.constant 10 : i32
      %lt3A_205 = arith.cmpi slt, %add3A_204, %lt3A : i32
      %convert_element_type3A_206 = arith.extui %lt3A_205 : i1 to i32
      %cond3A_207 = arith.constant 0 : i32
      %cond3A_208 = arith.cmpi ne, %convert_element_type3A_206, %cond3A_207 : i32
      scf.if %cond3A_208 {
        %add3A_319 = arith.constant 8 : i32
        %add3A_320 = arith.addi %mul3A_76, %add3A_319 : i32
        %add3A_321 = arith.constant 0 : i32
        %add3A_322 = arith.addi %add3A_320, %add3A_321 : i32
        %dma_start3A_323 = arith.constant 0 : i32
        %dma_start3A_324 = tpu.memref_slice %arg7[%add3A_322, %dma_start3A_323] : memref<80x128xi32, #tpu.memory_space<vmem>> -> memref<1x128xi32, #tpu.memory_space<vmem>>
        %dma_start3A_325 = tpu.memref_squeeze %dma_start3A_324 : memref<1x128xi32, #tpu.memory_space<vmem>> -> memref<128xi32, #tpu.memory_space<vmem>>
        %dma_start3A_326 = arith.constant 0 : i32
        %dma_start3A_327 = arith.constant 0 : i32
        %dma_start3A_328 = tpu.memref_slice %arg18[%dma_start3A_326, %dma_start3A_327] : memref<10000x16xf32, #tpu.memory_space<vmem_shared>> -> memref<10000x16xf32, #tpu.memory_space<vmem_shared>>
        tpu.enqueue_indirect_dma source(%dma_start3A_328 : memref<10000x16xf32, #tpu.memory_space<vmem_shared>>) target(%arg9 : memref<128x16xf32, #tpu.memory_space<vmem>>) offsets(%dma_start3A_325 : memref<128xi32, #tpu.memory_space<vmem>>) semaphore(%arg19 : memref<!tpu.dma_semaphore, #tpu.memory_space<semaphore_mem>>)
      } else {
      }
      %dma_wait3A_209 = arith.constant 0 : i32
      %dma_wait3A_210 = arith.constant 0 : i32
      %dma_wait3A_211 = tpu.memref_slice %arg8[%dma_wait3A_209, %dma_wait3A_210] : memref<80x128xi32, #tpu.memory_space<vmem>> -> memref<1x128xi32, #tpu.memory_space<vmem>>
      %dma_wait3A_212 = tpu.memref_squeeze %dma_wait3A_211 : memref<1x128xi32, #tpu.memory_space<vmem>> -> memref<128xi32, #tpu.memory_space<vmem>>
      %dma_wait3A_213 = arith.constant 0 : i32
      %dma_wait3A_214 = arith.constant 0 : i32
      %dma_wait3A_215 = tpu.memref_slice %arg17[%dma_wait3A_213, %dma_wait3A_214] : memref<10112x16xf32, #tpu.memory_space<vmem_shared>> -> memref<10112x16xf32, #tpu.memory_space<vmem_shared>>
      tpu.wait_indirect_dma semaphore(%arg28 : memref<!tpu.dma_semaphore, #tpu.memory_space<semaphore_mem>>) src(%arg10 : memref<128x16xf32, #tpu.memory_space<vmem>>) dst(%dma_wait3A_215 : memref<10112x16xf32, #tpu.memory_space<vmem_shared>>)
      %add3A_216 = arith.constant 1 : i32
      %add3A_217 = arith.addi %scan3A_74, %add3A_216 : i32
      %lt3A_218 = arith.constant 10 : i32
      %lt3A_219 = arith.cmpi slt, %add3A_217, %lt3A_218 : i32
      %convert_element_type3A_220 = arith.extui %lt3A_219 : i1 to i32
      %cond3A_221 = arith.constant 0 : i32
      %cond3A_222 = arith.cmpi ne, %convert_element_type3A_220, %cond3A_221 : i32
      scf.if %cond3A_222 {
        %add3A_319 = arith.constant 8 : i32
        %add3A_320 = arith.addi %mul3A_76, %add3A_319 : i32
        %add3A_321 = arith.constant 1 : i32
        %add3A_322 = arith.addi %add3A_320, %add3A_321 : i32
        %dma_start3A_323 = arith.constant 0 : i32
        %dma_start3A_324 = tpu.memref_slice %arg7[%add3A_322, %dma_start3A_323] : memref<80x128xi32, #tpu.memory_space<vmem>> -> memref<1x128xi32, #tpu.memory_space<vmem>>
        %dma_start3A_325 = tpu.memref_squeeze %dma_start3A_324 : memref<1x128xi32, #tpu.memory_space<vmem>> -> memref<128xi32, #tpu.memory_space<vmem>>
        %dma_start3A_326 = arith.constant 0 : i32
        %dma_start3A_327 = arith.constant 0 : i32
        %dma_start3A_328 = tpu.memref_slice %arg18[%dma_start3A_326, %dma_start3A_327] : memref<10000x16xf32, #tpu.memory_space<vmem_shared>> -> memref<10000x16xf32, #tpu.memory_space<vmem_shared>>
        tpu.enqueue_indirect_dma source(%dma_start3A_328 : memref<10000x16xf32, #tpu.memory_space<vmem_shared>>) target(%arg10 : memref<128x16xf32, #tpu.memory_space<vmem>>) offsets(%dma_start3A_325 : memref<128xi32, #tpu.memory_space<vmem>>) semaphore(%arg20 : memref<!tpu.dma_semaphore, #tpu.memory_space<semaphore_mem>>)
      } else {
      }
      %dma_wait3A_223 = arith.constant 0 : i32
      %dma_wait3A_224 = arith.constant 0 : i32
      %dma_wait3A_225 = tpu.memref_slice %arg8[%dma_wait3A_223, %dma_wait3A_224] : memref<80x128xi32, #tpu.memory_space<vmem>> -> memref<1x128xi32, #tpu.memory_space<vmem>>
      %dma_wait3A_226 = tpu.memref_squeeze %dma_wait3A_225 : memref<1x128xi32, #tpu.memory_space<vmem>> -> memref<128xi32, #tpu.memory_space<vmem>>
      %dma_wait3A_227 = arith.constant 0 : i32
      %dma_wait3A_228 = arith.constant 0 : i32
      %dma_wait3A_229 = tpu.memref_slice %arg17[%dma_wait3A_227, %dma_wait3A_228] : memref<10112x16xf32, #tpu.memory_space<vmem_shared>> -> memref<10112x16xf32, #tpu.memory_space<vmem_shared>>
      tpu.wait_indirect_dma semaphore(%arg29 : memref<!tpu.dma_semaphore, #tpu.memory_space<semaphore_mem>>) src(%arg11 : memref<128x16xf32, #tpu.memory_space<vmem>>) dst(%dma_wait3A_229 : memref<10112x16xf32, #tpu.memory_space<vmem_shared>>)
      %add3A_230 = arith.constant 1 : i32
      %add3A_231 = arith.addi %scan3A_74, %add3A_230 : i32
      %lt3A_232 = arith.constant 10 : i32
      %lt3A_233 = arith.cmpi slt, %add3A_231, %lt3A_232 : i32
      %convert_element_type3A_234 = arith.extui %lt3A_233 : i1 to i32
      %cond3A_235 = arith.constant 0 : i32
      %cond3A_236 = arith.cmpi ne, %convert_element_type3A_234, %cond3A_235 : i32
      scf.if %cond3A_236 {
        %add3A_319 = arith.constant 8 : i32
        %add3A_320 = arith.addi %mul3A_76, %add3A_319 : i32
        %add3A_321 = arith.constant 2 : i32
        %add3A_322 = arith.addi %add3A_320, %add3A_321 : i32
        %dma_start3A_323 = arith.constant 0 : i32
        %dma_start3A_324 = tpu.memref_slice %arg7[%add3A_322, %dma_start3A_323] : memref<80x128xi32, #tpu.memory_space<vmem>> -> memref<1x128xi32, #tpu.memory_space<vmem>>
        %dma_start3A_325 = tpu.memref_squeeze %dma_start3A_324 : memref<1x128xi32, #tpu.memory_space<vmem>> -> memref<128xi32, #tpu.memory_space<vmem>>
        %dma_start3A_326 = arith.constant 0 : i32
        %dma_start3A_327 = arith.constant 0 : i32
        %dma_start3A_328 = tpu.memref_slice %arg18[%dma_start3A_326, %dma_start3A_327] : memref<10000x16xf32, #tpu.memory_space<vmem_shared>> -> memref<10000x16xf32, #tpu.memory_space<vmem_shared>>
        tpu.enqueue_indirect_dma source(%dma_start3A_328 : memref<10000x16xf32, #tpu.memory_space<vmem_shared>>) target(%arg11 : memref<128x16xf32, #tpu.memory_space<vmem>>) offsets(%dma_start3A_325 : memref<128xi32, #tpu.memory_space<vmem>>) semaphore(%arg21 : memref<!tpu.dma_semaphore, #tpu.memory_space<semaphore_mem>>)
      } else {
      }
      %dma_wait3A_237 = arith.constant 0 : i32
      %dma_wait3A_238 = arith.constant 0 : i32
      %dma_wait3A_239 = tpu.memref_slice %arg8[%dma_wait3A_237, %dma_wait3A_238] : memref<80x128xi32, #tpu.memory_space<vmem>> -> memref<1x128xi32, #tpu.memory_space<vmem>>
      %dma_wait3A_240 = tpu.memref_squeeze %dma_wait3A_239 : memref<1x128xi32, #tpu.memory_space<vmem>> -> memref<128xi32, #tpu.memory_space<vmem>>
      %dma_wait3A_241 = arith.constant 0 : i32
      %dma_wait3A_242 = arith.constant 0 : i32
      %dma_wait3A_243 = tpu.memref_slice %arg17[%dma_wait3A_241, %dma_wait3A_242] : memref<10112x16xf32, #tpu.memory_space<vmem_shared>> -> memref<10112x16xf32, #tpu.memory_space<vmem_shared>>
      tpu.wait_indirect_dma semaphore(%arg30 : memref<!tpu.dma_semaphore, #tpu.memory_space<semaphore_mem>>) src(%arg12 : memref<128x16xf32, #tpu.memory_space<vmem>>) dst(%dma_wait3A_243 : memref<10112x16xf32, #tpu.memory_space<vmem_shared>>)
      %add3A_244 = arith.constant 1 : i32
      %add3A_245 = arith.addi %scan3A_74, %add3A_244 : i32
      %lt3A_246 = arith.constant 10 : i32
      %lt3A_247 = arith.cmpi slt, %add3A_245, %lt3A_246 : i32
      %convert_element_type3A_248 = arith.extui %lt3A_247 : i1 to i32
      %cond3A_249 = arith.constant 0 : i32
      %cond3A_250 = arith.cmpi ne, %convert_element_type3A_248, %cond3A_249 : i32
      scf.if %cond3A_250 {
        %add3A_319 = arith.constant 8 : i32
        %add3A_320 = arith.addi %mul3A_76, %add3A_319 : i32
        %add3A_321 = arith.constant 3 : i32
        %add3A_322 = arith.addi %add3A_320, %add3A_321 : i32
        %dma_start3A_323 = arith.constant 0 : i32
        %dma_start3A_324 = tpu.memref_slice %arg7[%add3A_322, %dma_start3A_323] : memref<80x128xi32, #tpu.memory_space<vmem>> -> memref<1x128xi32, #tpu.memory_space<vmem>>
        %dma_start3A_325 = tpu.memref_squeeze %dma_start3A_324 : memref<1x128xi32, #tpu.memory_space<vmem>> -> memref<128xi32, #tpu.memory_space<vmem>>
        %dma_start3A_326 = arith.constant 0 : i32
        %dma_start3A_327 = arith.constant 0 : i32
        %dma_start3A_328 = tpu.memref_slice %arg18[%dma_start3A_326, %dma_start3A_327] : memref<10000x16xf32, #tpu.memory_space<vmem_shared>> -> memref<10000x16xf32, #tpu.memory_space<vmem_shared>>
        tpu.enqueue_indirect_dma source(%dma_start3A_328 : memref<10000x16xf32, #tpu.memory_space<vmem_shared>>) target(%arg12 : memref<128x16xf32, #tpu.memory_space<vmem>>) offsets(%dma_start3A_325 : memref<128xi32, #tpu.memory_space<vmem>>) semaphore(%arg22 : memref<!tpu.dma_semaphore, #tpu.memory_space<semaphore_mem>>)
      } else {
      }
      %dma_wait3A_251 = arith.constant 0 : i32
      %dma_wait3A_252 = arith.constant 0 : i32
      %dma_wait3A_253 = tpu.memref_slice %arg7[%dma_wait3A_251, %dma_wait3A_252] : memref<80x128xi32, #tpu.memory_space<vmem>> -> memref<1x128xi32, #tpu.memory_space<vmem>>
      %dma_wait3A_254 = tpu.memref_squeeze %dma_wait3A_253 : memref<1x128xi32, #tpu.memory_space<vmem>> -> memref<128xi32, #tpu.memory_space<vmem>>
      %dma_wait3A_255 = arith.constant 0 : i32
      %dma_wait3A_256 = arith.constant 0 : i32
      %dma_wait3A_257 = tpu.memref_slice %arg18[%dma_wait3A_255, %dma_wait3A_256] : memref<10000x16xf32, #tpu.memory_space<vmem_shared>> -> memref<10000x16xf32, #tpu.memory_space<vmem_shared>>
      tpu.wait_indirect_dma semaphore(%arg23 : memref<!tpu.dma_semaphore, #tpu.memory_space<semaphore_mem>>) src(%dma_wait3A_257 : memref<10000x16xf32, #tpu.memory_space<vmem_shared>>) dst(%arg13 : memref<128x16xf32, #tpu.memory_space<vmem>>)
      %add3A_258 = arith.constant 4 : i32
      %add3A_259 = arith.addi %mul3A_76, %add3A_258 : i32
      %add3A_260 = arith.constant 0 : i32
      %add3A_261 = arith.addi %add3A_259, %add3A_260 : i32
      %dma_start3A_262 = arith.constant 0 : i32
      %dma_start3A_263 = tpu.memref_slice %arg8[%add3A_261, %dma_start3A_262] : memref<80x128xi32, #tpu.memory_space<vmem>> -> memref<1x128xi32, #tpu.memory_space<vmem>>
      %dma_start3A_264 = tpu.memref_squeeze %dma_start3A_263 : memref<1x128xi32, #tpu.memory_space<vmem>> -> memref<128xi32, #tpu.memory_space<vmem>>
      %dma_start3A_265 = arith.constant 0 : i32
      %dma_start3A_266 = arith.constant 0 : i32
      %dma_start3A_267 = tpu.memref_slice %arg17[%dma_start3A_265, %dma_start3A_266] : memref<10112x16xf32, #tpu.memory_space<vmem_shared>> -> memref<10112x16xf32, #tpu.memory_space<vmem_shared>>
      tpu.enqueue_indirect_dma source(%arg13 : memref<128x16xf32, #tpu.memory_space<vmem>>) target(%dma_start3A_267 : memref<10112x16xf32, #tpu.memory_space<vmem_shared>>) offsets(%dma_start3A_264 : memref<128xi32, #tpu.memory_space<vmem>>) semaphore(%arg31 : memref<!tpu.dma_semaphore, #tpu.memory_space<semaphore_mem>>) {add = true}
      %dma_wait3A_268 = arith.constant 0 : i32
      %dma_wait3A_269 = arith.constant 0 : i32
      %dma_wait3A_270 = tpu.memref_slice %arg7[%dma_wait3A_268, %dma_wait3A_269] : memref<80x128xi32, #tpu.memory_space<vmem>> -> memref<1x128xi32, #tpu.memory_space<vmem>>
      %dma_wait3A_271 = tpu.memref_squeeze %dma_wait3A_270 : memref<1x128xi32, #tpu.memory_space<vmem>> -> memref<128xi32, #tpu.memory_space<vmem>>
      %dma_wait3A_272 = arith.constant 0 : i32
      %dma_wait3A_273 = arith.constant 0 : i32
      %dma_wait3A_274 = tpu.memref_slice %arg18[%dma_wait3A_272, %dma_wait3A_273] : memref<10000x16xf32, #tpu.memory_space<vmem_shared>> -> memref<10000x16xf32, #tpu.memory_space<vmem_shared>>
      tpu.wait_indirect_dma semaphore(%arg24 : memref<!tpu.dma_semaphore, #tpu.memory_space<semaphore_mem>>) src(%dma_wait3A_274 : memref<10000x16xf32, #tpu.memory_space<vmem_shared>>) dst(%arg14 : memref<128x16xf32, #tpu.memory_space<vmem>>)
      %add3A_275 = arith.constant 4 : i32
      %add3A_276 = arith.addi %mul3A_76, %add3A_275 : i32
      %add3A_277 = arith.constant 1 : i32
      %add3A_278 = arith.addi %add3A_276, %add3A_277 : i32
      %dma_start3A_279 = arith.constant 0 : i32
      %dma_start3A_280 = tpu.memref_slice %arg8[%add3A_278, %dma_start3A_279] : memref<80x128xi32, #tpu.memory_space<vmem>> -> memref<1x128xi32, #tpu.memory_space<vmem>>
      %dma_start3A_281 = tpu.memref_squeeze %dma_start3A_280 : memref<1x128xi32, #tpu.memory_space<vmem>> -> memref<128xi32, #tpu.memory_space<vmem>>
      %dma_start3A_282 = arith.constant 0 : i32
      %dma_start3A_283 = arith.constant 0 : i32
      %dma_start3A_284 = tpu.memref_slice %arg17[%dma_start3A_282, %dma_start3A_283] : memref<10112x16xf32, #tpu.memory_space<vmem_shared>> -> memref<10112x16xf32, #tpu.memory_space<vmem_shared>>
      tpu.enqueue_indirect_dma source(%arg14 : memref<128x16xf32, #tpu.memory_space<vmem>>) target(%dma_start3A_284 : memref<10112x16xf32, #tpu.memory_space<vmem_shared>>) offsets(%dma_start3A_281 : memref<128xi32, #tpu.memory_space<vmem>>) semaphore(%arg32 : memref<!tpu.dma_semaphore, #tpu.memory_space<semaphore_mem>>) {add = true}
      %dma_wait3A_285 = arith.constant 0 : i32
      %dma_wait3A_286 = arith.constant 0 : i32
      %dma_wait3A_287 = tpu.memref_slice %arg7[%dma_wait3A_285, %dma_wait3A_286] : memref<80x128xi32, #tpu.memory_space<vmem>> -> memref<1x128xi32, #tpu.memory_space<vmem>>
      %dma_wait3A_288 = tpu.memref_squeeze %dma_wait3A_287 : memref<1x128xi32, #tpu.memory_space<vmem>> -> memref<128xi32, #tpu.memory_space<vmem>>
      %dma_wait3A_289 = arith.constant 0 : i32
      %dma_wait3A_290 = arith.constant 0 : i32
      %dma_wait3A_291 = tpu.memref_slice %arg18[%dma_wait3A_289, %dma_wait3A_290] : memref<10000x16xf32, #tpu.memory_space<vmem_shared>> -> memref<10000x16xf32, #tpu.memory_space<vmem_shared>>
      tpu.wait_indirect_dma semaphore(%arg25 : memref<!tpu.dma_semaphore, #tpu.memory_space<semaphore_mem>>) src(%dma_wait3A_291 : memref<10000x16xf32, #tpu.memory_space<vmem_shared>>) dst(%arg15 : memref<128x16xf32, #tpu.memory_space<vmem>>)
      %add3A_292 = arith.constant 4 : i32
      %add3A_293 = arith.addi %mul3A_76, %add3A_292 : i32
      %add3A_294 = arith.constant 2 : i32
      %add3A_295 = arith.addi %add3A_293, %add3A_294 : i32
      %dma_start3A_296 = arith.constant 0 : i32
      %dma_start3A_297 = tpu.memref_slice %arg8[%add3A_295, %dma_start3A_296] : memref<80x128xi32, #tpu.memory_space<vmem>> -> memref<1x128xi32, #tpu.memory_space<vmem>>
      %dma_start3A_298 = tpu.memref_squeeze %dma_start3A_297 : memref<1x128xi32, #tpu.memory_space<vmem>> -> memref<128xi32, #tpu.memory_space<vmem>>
      %dma_start3A_299 = arith.constant 0 : i32
      %dma_start3A_300 = arith.constant 0 : i32
      %dma_start3A_301 = tpu.memref_slice %arg17[%dma_start3A_299, %dma_start3A_300] : memref<10112x16xf32, #tpu.memory_space<vmem_shared>> -> memref<10112x16xf32, #tpu.memory_space<vmem_shared>>
      tpu.enqueue_indirect_dma source(%arg15 : memref<128x16xf32, #tpu.memory_space<vmem>>) target(%dma_start3A_301 : memref<10112x16xf32, #tpu.memory_space<vmem_shared>>) offsets(%dma_start3A_298 : memref<128xi32, #tpu.memory_space<vmem>>) semaphore(%arg33 : memref<!tpu.dma_semaphore, #tpu.memory_space<semaphore_mem>>) {add = true}
      %dma_wait3A_302 = arith.constant 0 : i32
      %dma_wait3A_303 = arith.constant 0 : i32
      %dma_wait3A_304 = tpu.memref_slice %arg7[%dma_wait3A_302, %dma_wait3A_303] : memref<80x128xi32, #tpu.memory_space<vmem>> -> memref<1x128xi32, #tpu.memory_space<vmem>>
      %dma_wait3A_305 = tpu.memref_squeeze %dma_wait3A_304 : memref<1x128xi32, #tpu.memory_space<vmem>> -> memref<128xi32, #tpu.memory_space<vmem>>
      %dma_wait3A_306 = arith.constant 0 : i32
      %dma_wait3A_307 = arith.constant 0 : i32
      %dma_wait3A_308 = tpu.memref_slice %arg18[%dma_wait3A_306, %dma_wait3A_307] : memref<10000x16xf32, #tpu.memory_space<vmem_shared>> -> memref<10000x16xf32, #tpu.memory_space<vmem_shared>>
      tpu.wait_indirect_dma semaphore(%arg26 : memref<!tpu.dma_semaphore, #tpu.memory_space<semaphore_mem>>) src(%dma_wait3A_308 : memref<10000x16xf32, #tpu.memory_space<vmem_shared>>) dst(%arg16 : memref<128x16xf32, #tpu.memory_space<vmem>>)
      %add3A_309 = arith.constant 4 : i32
      %add3A_310 = arith.addi %mul3A_76, %add3A_309 : i32
      %add3A_311 = arith.constant 3 : i32
      %add3A_312 = arith.addi %add3A_310, %add3A_311 : i32
      %dma_start3A_313 = arith.constant 0 : i32
      %dma_start3A_314 = tpu.memref_slice %arg8[%add3A_312, %dma_start3A_313] : memref<80x128xi32, #tpu.memory_space<vmem>> -> memref<1x128xi32, #tpu.memory_space<vmem>>
      %dma_start3A_315 = tpu.memref_squeeze %dma_start3A_314 : memref<1x128xi32, #tpu.memory_space<vmem>> -> memref<128xi32, #tpu.memory_space<vmem>>
      %dma_start3A_316 = arith.constant 0 : i32
      %dma_start3A_317 = arith.constant 0 : i32
      %dma_start3A_318 = tpu.memref_slice %arg17[%dma_start3A_316, %dma_start3A_317] : memref<10112x16xf32, #tpu.memory_space<vmem_shared>> -> memref<10112x16xf32, #tpu.memory_space<vmem_shared>>
      tpu.enqueue_indirect_dma source(%arg16 : memref<128x16xf32, #tpu.memory_space<vmem>>) target(%dma_start3A_318 : memref<10112x16xf32, #tpu.memory_space<vmem_shared>>) offsets(%dma_start3A_315 : memref<128xi32, #tpu.memory_space<vmem>>) semaphore(%arg34 : memref<!tpu.dma_semaphore, #tpu.memory_space<semaphore_mem>>) {add = true}
    }
    %scan3A_41 = arith.constant 10 : i32
    %dma_wait3A = arith.constant 0 : i32
    %dma_wait3A_42 = arith.constant 0 : i32
    %dma_wait3A_43 = tpu.memref_slice %arg8[%dma_wait3A, %dma_wait3A_42] : memref<80x128xi32, #tpu.memory_space<vmem>> -> memref<1x128xi32, #tpu.memory_space<vmem>>
    %dma_wait3A_44 = tpu.memref_squeeze %dma_wait3A_43 : memref<1x128xi32, #tpu.memory_space<vmem>> -> memref<128xi32, #tpu.memory_space<vmem>>
    %dma_wait3A_45 = arith.constant 0 : i32
    %dma_wait3A_46 = arith.constant 0 : i32
    %dma_wait3A_47 = tpu.memref_slice %arg17[%dma_wait3A_45, %dma_wait3A_46] : memref<10112x16xf32, #tpu.memory_space<vmem_shared>> -> memref<10112x16xf32, #tpu.memory_space<vmem_shared>>
    tpu.wait_indirect_dma semaphore(%arg31 : memref<!tpu.dma_semaphore, #tpu.memory_space<semaphore_mem>>) src(%arg13 : memref<128x16xf32, #tpu.memory_space<vmem>>) dst(%dma_wait3A_47 : memref<10112x16xf32, #tpu.memory_space<vmem_shared>>)
    %dma_wait3A_48 = arith.constant 0 : i32
    %dma_wait3A_49 = arith.constant 0 : i32
    %dma_wait3A_50 = tpu.memref_slice %arg8[%dma_wait3A_48, %dma_wait3A_49] : memref<80x128xi32, #tpu.memory_space<vmem>> -> memref<1x128xi32, #tpu.memory_space<vmem>>
    %dma_wait3A_51 = tpu.memref_squeeze %dma_wait3A_50 : memref<1x128xi32, #tpu.memory_space<vmem>> -> memref<128xi32, #tpu.memory_space<vmem>>
    %dma_wait3A_52 = arith.constant 0 : i32
    %dma_wait3A_53 = arith.constant 0 : i32
    %dma_wait3A_54 = tpu.memref_slice %arg17[%dma_wait3A_52, %dma_wait3A_53] : memref<10112x16xf32, #tpu.memory_space<vmem_shared>> -> memref<10112x16xf32, #tpu.memory_space<vmem_shared>>
    tpu.wait_indirect_dma semaphore(%arg32 : memref<!tpu.dma_semaphore, #tpu.memory_space<semaphore_mem>>) src(%arg14 : memref<128x16xf32, #tpu.memory_space<vmem>>) dst(%dma_wait3A_54 : memref<10112x16xf32, #tpu.memory_space<vmem_shared>>)
    %dma_wait3A_55 = arith.constant 0 : i32
    %dma_wait3A_56 = arith.constant 0 : i32
    %dma_wait3A_57 = tpu.memref_slice %arg8[%dma_wait3A_55, %dma_wait3A_56] : memref<80x128xi32, #tpu.memory_space<vmem>> -> memref<1x128xi32, #tpu.memory_space<vmem>>
    %dma_wait3A_58 = tpu.memref_squeeze %dma_wait3A_57 : memref<1x128xi32, #tpu.memory_space<vmem>> -> memref<128xi32, #tpu.memory_space<vmem>>
    %dma_wait3A_59 = arith.constant 0 : i32
    %dma_wait3A_60 = arith.constant 0 : i32
    %dma_wait3A_61 = tpu.memref_slice %arg17[%dma_wait3A_59, %dma_wait3A_60] : memref<10112x16xf32, #tpu.memory_space<vmem_shared>> -> memref<10112x16xf32, #tpu.memory_space<vmem_shared>>
    tpu.wait_indirect_dma semaphore(%arg33 : memref<!tpu.dma_semaphore, #tpu.memory_space<semaphore_mem>>) src(%arg15 : memref<128x16xf32, #tpu.memory_space<vmem>>) dst(%dma_wait3A_61 : memref<10112x16xf32, #tpu.memory_space<vmem_shared>>)
    %dma_wait3A_62 = arith.constant 0 : i32
    %dma_wait3A_63 = arith.constant 0 : i32
    %dma_wait3A_64 = tpu.memref_slice %arg8[%dma_wait3A_62, %dma_wait3A_63] : memref<80x128xi32, #tpu.memory_space<vmem>> -> memref<1x128xi32, #tpu.memory_space<vmem>>
    %dma_wait3A_65 = tpu.memref_squeeze %dma_wait3A_64 : memref<1x128xi32, #tpu.memory_space<vmem>> -> memref<128xi32, #tpu.memory_space<vmem>>
    %dma_wait3A_66 = arith.constant 0 : i32
    %dma_wait3A_67 = arith.constant 0 : i32
    %dma_wait3A_68 = tpu.memref_slice %arg17[%dma_wait3A_66, %dma_wait3A_67] : memref<10112x16xf32, #tpu.memory_space<vmem_shared>> -> memref<10112x16xf32, #tpu.memory_space<vmem_shared>>
    tpu.wait_indirect_dma semaphore(%arg34 : memref<!tpu.dma_semaphore, #tpu.memory_space<semaphore_mem>>) src(%arg16 : memref<128x16xf32, #tpu.memory_space<vmem>>) dst(%dma_wait3A_68 : memref<10112x16xf32, #tpu.memory_space<vmem_shared>>)
    %barrier3A_69 = arith.constant 0 : index
    tpu.barrier barrier_id(%barrier3A_69)
    %mul3A_70 = arith.constant 632 : i32
    %mul3A_71 = arith.muli %arg1, %mul3A_70 : i32
    %mul3A_72 = arith.constant 632 : i32
    %mul3A_73 = arith.muli %arg1, %mul3A_72 : i32
    "tpu.region"() ({
      %run_scoped3A = tpu.sem_alloc : memref<!tpu.dma_semaphore, #tpu.memory_space<semaphore_mem>>
      %dma_start3A_74 = arith.constant 0 : i32
      %dma_start3A_75 = arith.constant 0 : i32
      %dma_start3A_76 = tpu.memref_slice %arg6[%arg0, %dma_start3A_74, %dma_start3A_75] : memref<2x10112x16xf32, #tpu.memory_space<hbm>> -> memref<1x10112x16xf32, #tpu.memory_space<hbm>>
      %dma_start3A_77 = tpu.memref_squeeze %dma_start3A_76 : memref<1x10112x16xf32, #tpu.memory_space<hbm>> -> memref<10112x16xf32, #tpu.memory_space<hbm>>
      %dma_start3A_78 = arith.constant 0 : i32
      %dma_start3A_79 = tpu.memref_slice %dma_start3A_77[%mul3A_73, %dma_start3A_78] : memref<10112x16xf32, #tpu.memory_space<hbm>> -> memref<632x16xf32, #tpu.memory_space<hbm>>
      %dma_start3A_80 = arith.constant 0 : i32
      %dma_start3A_81 = tpu.memref_slice %arg17[%mul3A_71, %dma_start3A_80] : memref<10112x16xf32, #tpu.memory_space<vmem_shared>> -> memref<632x16xf32, #tpu.memory_space<vmem_shared>>
      tpu.enqueue_dma source(%dma_start3A_81 : memref<632x16xf32, #tpu.memory_space<vmem_shared>>) target(%dma_start3A_79 : memref<632x16xf32, #tpu.memory_space<hbm>>) target_semaphore(%run_scoped3A : memref<!tpu.dma_semaphore, #tpu.memory_space<semaphore_mem>>)
      %dma_wait3A_82 = arith.constant 0 : i32
      %dma_wait3A_83 = arith.constant 0 : i32
      %dma_wait3A_84 = tpu.memref_slice %arg6[%arg0, %dma_wait3A_82, %dma_wait3A_83] : memref<2x10112x16xf32, #tpu.memory_space<hbm>> -> memref<1x10112x16xf32, #tpu.memory_space<hbm>>
      %dma_wait3A_85 = tpu.memref_squeeze %dma_wait3A_84 : memref<1x10112x16xf32, #tpu.memory_space<hbm>> -> memref<10112x16xf32, #tpu.memory_space<hbm>>
      %dma_wait3A_86 = arith.constant 0 : i32
      %dma_wait3A_87 = tpu.memref_slice %dma_wait3A_85[%mul3A_73, %dma_wait3A_86] : memref<10112x16xf32, #tpu.memory_space<hbm>> -> memref<632x16xf32, #tpu.memory_space<hbm>>
      %dma_wait3A_88 = arith.constant 0 : i32
      %dma_wait3A_89 = tpu.memref_slice %arg17[%mul3A_71, %dma_wait3A_88] : memref<10112x16xf32, #tpu.memory_space<vmem_shared>> -> memref<632x16xf32, #tpu.memory_space<vmem_shared>>
      tpu.wait_dma2 semaphore(%run_scoped3A : memref<!tpu.dma_semaphore, #tpu.memory_space<semaphore_mem>>) src(%dma_wait3A_89 : memref<632x16xf32, #tpu.memory_space<vmem_shared>>) dst(%dma_wait3A_87 : memref<632x16xf32, #tpu.memory_space<hbm>>)
      tpu.yield
    }) : () -> ()
    return
  }
}

#map = affine_map<(d0, d1) -> (0, 0)>
module attributes {stable_mosaic.version = 14 : i64} {
  func.func @agg1_kernel(%arg0: i32, %arg1: i32, %arg2: memref<2560x128xi32, #tpu.memory_space<hbm>>, %arg3: memref<2560x128xi32, #tpu.memory_space<hbm>>, %arg4: memref<10000x64xf32, #tpu.memory_space<hbm>>, %arg5: memref<10000x64xf32, #tpu.memory_space<hbm>>, %arg6: memref<10112x64xf32, #tpu.memory_space<hbm>>, %arg7: memref<10112x64xf32, #tpu.memory_space<hbm>>, %arg8: memref<10112x64xf32, #tpu.memory_space<hbm>>, %arg9: memref<40x128xi32, #tpu.memory_space<vmem>>, %arg10: memref<40x128xi32, #tpu.memory_space<vmem>>, %arg11: memref<128x64xf32, #tpu.memory_space<vmem>>, %arg12: memref<128x64xf32, #tpu.memory_space<vmem>>, %arg13: memref<128x64xf32, #tpu.memory_space<vmem>>, %arg14: memref<128x64xf32, #tpu.memory_space<vmem>>, %arg15: memref<10112x64xf32, #tpu.memory_space<vmem_shared>>, %arg16: memref<10000x64xf32, #tpu.memory_space<vmem_shared>>, %arg17: memref<!tpu.dma_semaphore, #tpu.memory_space<semaphore_mem>>, %arg18: memref<!tpu.dma_semaphore, #tpu.memory_space<semaphore_mem>>, %arg19: memref<!tpu.dma_semaphore, #tpu.memory_space<semaphore_mem>>, %arg20: memref<!tpu.dma_semaphore, #tpu.memory_space<semaphore_mem>>, %arg21: memref<!tpu.dma_semaphore, #tpu.memory_space<semaphore_mem>>, %arg22: memref<!tpu.dma_semaphore, #tpu.memory_space<semaphore_mem>>, %arg23: memref<!tpu.dma_semaphore, #tpu.memory_space<semaphore_mem>>, %arg24: memref<!tpu.dma_semaphore, #tpu.memory_space<semaphore_mem>>) attributes {dimension_semantics = [#tpu.dimension_semantics<core_parallel>, #tpu.dimension_semantics<subcore_parallel>], iteration_bounds = array<i64: 2, 16>, scalar_prefetch = 0 : i64, scratch_operands = 16 : i64, tpu.core_type = #tpu.core_type<sc_vector_subcore>, window_params = [{transform_indices = #map}, {transform_indices = #map}, {transform_indices = #map}, {transform_indices = #map}, {transform_indices = #map}, {transform_indices = #map}, {transform_indices = #map}]} {
    %eq3A = arith.constant 0 : i32
    %eq3A_0 = arith.cmpi eq, %arg0, %eq3A : i32
    %convert_element_type3A = arith.extui %eq3A_0 : i1 to i32
    %cond3A = arith.constant 0 : i32
    %cond3A_1 = arith.cmpi ne, %convert_element_type3A, %cond3A : i32
    scf.if %cond3A_1 {
      %eq3A_7 = arith.constant 0 : i32
      %eq3A_8 = arith.cmpi eq, %arg1, %eq3A_7 : i32
      %convert_element_type3A_9 = arith.extui %eq3A_8 : i1 to i32
      %cond3A_10 = arith.constant 0 : i32
      %cond3A_11 = arith.cmpi ne, %convert_element_type3A_9, %cond3A_10 : i32
      scf.if %cond3A_11 {
        "tpu.region"() ({
          %run_scoped3A = tpu.sem_alloc : memref<!tpu.dma_semaphore, #tpu.memory_space<semaphore_mem>>
          tpu.enqueue_dma source(%arg6 : memref<10112x64xf32, #tpu.memory_space<hbm>>) target(%arg15 : memref<10112x64xf32, #tpu.memory_space<vmem_shared>>) target_semaphore(%run_scoped3A : memref<!tpu.dma_semaphore, #tpu.memory_space<semaphore_mem>>)
          tpu.wait_dma2 semaphore(%run_scoped3A : memref<!tpu.dma_semaphore, #tpu.memory_space<semaphore_mem>>) src(%arg6 : memref<10112x64xf32, #tpu.memory_space<hbm>>) dst(%arg15 : memref<10112x64xf32, #tpu.memory_space<vmem_shared>>)
          tpu.yield
        }) : () -> ()
      } else {
      }
      %eq3A_12 = arith.constant 1 : i32
      %eq3A_13 = arith.cmpi eq, %arg1, %eq3A_12 : i32
      %convert_element_type3A_14 = arith.extui %eq3A_13 : i1 to i32
      %cond3A_15 = arith.constant 0 : i32
      %cond3A_16 = arith.cmpi ne, %convert_element_type3A_14, %cond3A_15 : i32
      scf.if %cond3A_16 {
        "tpu.region"() ({
          %run_scoped3A = tpu.sem_alloc : memref<!tpu.dma_semaphore, #tpu.memory_space<semaphore_mem>>
          tpu.enqueue_dma source(%arg4 : memref<10000x64xf32, #tpu.memory_space<hbm>>) target(%arg16 : memref<10000x64xf32, #tpu.memory_space<vmem_shared>>) target_semaphore(%run_scoped3A : memref<!tpu.dma_semaphore, #tpu.memory_space<semaphore_mem>>)
          tpu.wait_dma2 semaphore(%run_scoped3A : memref<!tpu.dma_semaphore, #tpu.memory_space<semaphore_mem>>) src(%arg4 : memref<10000x64xf32, #tpu.memory_space<hbm>>) dst(%arg16 : memref<10000x64xf32, #tpu.memory_space<vmem_shared>>)
          tpu.yield
        }) : () -> ()
      } else {
      }
      %barrier3A = arith.constant 0 : index
      tpu.barrier barrier_id(%barrier3A)
      %mul3A = arith.constant 160 : i32
      %mul3A_17 = arith.muli %arg1, %mul3A : i32
      %add3A = arith.constant 0 : i32
      %add3A_18 = arith.addi %mul3A_17, %add3A : i32
      "tpu.region"() ({
        %run_scoped3A = tpu.sem_alloc : memref<!tpu.dma_semaphore, #tpu.memory_space<semaphore_mem>>
        %dma_start3A_169 = arith.constant 0 : i32
        %dma_start3A_170 = tpu.memref_slice %arg2[%add3A_18, %dma_start3A_169] : memref<2560x128xi32, #tpu.memory_space<hbm>> -> memref<40x128xi32, #tpu.memory_space<hbm>>
        %dma_start3A_171 = arith.constant 0 : i32
        %dma_start3A_172 = tpu.memref_slice %arg2[%add3A_18, %dma_start3A_171] : memref<2560x128xi32, #tpu.memory_space<hbm>> -> memref<40x128xi32, #tpu.memory_space<hbm>>
        tpu.enqueue_dma source(%dma_start3A_172 : memref<40x128xi32, #tpu.memory_space<hbm>>) target(%arg9 : memref<40x128xi32, #tpu.memory_space<vmem>>) target_semaphore(%run_scoped3A : memref<!tpu.dma_semaphore, #tpu.memory_space<semaphore_mem>>)
        %dma_wait3A_173 = arith.constant 0 : i32
        %dma_wait3A_174 = tpu.memref_slice %arg2[%add3A_18, %dma_wait3A_173] : memref<2560x128xi32, #tpu.memory_space<hbm>> -> memref<40x128xi32, #tpu.memory_space<hbm>>
        %dma_wait3A_175 = arith.constant 0 : i32
        %dma_wait3A_176 = tpu.memref_slice %arg2[%add3A_18, %dma_wait3A_175] : memref<2560x128xi32, #tpu.memory_space<hbm>> -> memref<40x128xi32, #tpu.memory_space<hbm>>
        tpu.wait_dma2 semaphore(%run_scoped3A : memref<!tpu.dma_semaphore, #tpu.memory_space<semaphore_mem>>) src(%dma_wait3A_176 : memref<40x128xi32, #tpu.memory_space<hbm>>) dst(%arg9 : memref<40x128xi32, #tpu.memory_space<vmem>>)
        tpu.yield
      }) : () -> ()
      "tpu.region"() ({
        %run_scoped3A = tpu.sem_alloc : memref<!tpu.dma_semaphore, #tpu.memory_space<semaphore_mem>>
        %dma_start3A_169 = arith.constant 0 : i32
        %dma_start3A_170 = tpu.memref_slice %arg3[%add3A_18, %dma_start3A_169] : memref<2560x128xi32, #tpu.memory_space<hbm>> -> memref<40x128xi32, #tpu.memory_space<hbm>>
        %dma_start3A_171 = arith.constant 0 : i32
        %dma_start3A_172 = tpu.memref_slice %arg3[%add3A_18, %dma_start3A_171] : memref<2560x128xi32, #tpu.memory_space<hbm>> -> memref<40x128xi32, #tpu.memory_space<hbm>>
        tpu.enqueue_dma source(%dma_start3A_172 : memref<40x128xi32, #tpu.memory_space<hbm>>) target(%arg10 : memref<40x128xi32, #tpu.memory_space<vmem>>) target_semaphore(%run_scoped3A : memref<!tpu.dma_semaphore, #tpu.memory_space<semaphore_mem>>)
        %dma_wait3A_173 = arith.constant 0 : i32
        %dma_wait3A_174 = tpu.memref_slice %arg3[%add3A_18, %dma_wait3A_173] : memref<2560x128xi32, #tpu.memory_space<hbm>> -> memref<40x128xi32, #tpu.memory_space<hbm>>
        %dma_wait3A_175 = arith.constant 0 : i32
        %dma_wait3A_176 = tpu.memref_slice %arg3[%add3A_18, %dma_wait3A_175] : memref<2560x128xi32, #tpu.memory_space<hbm>> -> memref<40x128xi32, #tpu.memory_space<hbm>>
        tpu.wait_dma2 semaphore(%run_scoped3A : memref<!tpu.dma_semaphore, #tpu.memory_space<semaphore_mem>>) src(%dma_wait3A_176 : memref<40x128xi32, #tpu.memory_space<hbm>>) dst(%arg10 : memref<40x128xi32, #tpu.memory_space<vmem>>)
        tpu.yield
      }) : () -> ()
      %dma_start3A = arith.constant 0 : i32
      %dma_start3A_19 = arith.constant 0 : i32
      %dma_start3A_20 = tpu.memref_slice %arg9[%dma_start3A, %dma_start3A_19] : memref<40x128xi32, #tpu.memory_space<vmem>> -> memref<1x128xi32, #tpu.memory_space<vmem>>
      %dma_start3A_21 = tpu.memref_squeeze %dma_start3A_20 : memref<1x128xi32, #tpu.memory_space<vmem>> -> memref<128xi32, #tpu.memory_space<vmem>>
      %dma_start3A_22 = arith.constant 0 : i32
      %dma_start3A_23 = arith.constant 0 : i32
      %dma_start3A_24 = tpu.memref_slice %arg16[%dma_start3A_22, %dma_start3A_23] : memref<10000x64xf32, #tpu.memory_space<vmem_shared>> -> memref<10000x64xf32, #tpu.memory_space<vmem_shared>>
      tpu.enqueue_indirect_dma source(%dma_start3A_24 : memref<10000x64xf32, #tpu.memory_space<vmem_shared>>) target(%arg11 : memref<128x64xf32, #tpu.memory_space<vmem>>) offsets(%dma_start3A_21 : memref<128xi32, #tpu.memory_space<vmem>>) semaphore(%arg17 : memref<!tpu.dma_semaphore, #tpu.memory_space<semaphore_mem>>)
      %dma_start3A_25 = arith.constant 1 : i32
      %dma_start3A_26 = arith.constant 0 : i32
      %dma_start3A_27 = tpu.memref_slice %arg9[%dma_start3A_25, %dma_start3A_26] : memref<40x128xi32, #tpu.memory_space<vmem>> -> memref<1x128xi32, #tpu.memory_space<vmem>>
      %dma_start3A_28 = tpu.memref_squeeze %dma_start3A_27 : memref<1x128xi32, #tpu.memory_space<vmem>> -> memref<128xi32, #tpu.memory_space<vmem>>
      %dma_start3A_29 = arith.constant 0 : i32
      %dma_start3A_30 = arith.constant 0 : i32
      %dma_start3A_31 = tpu.memref_slice %arg16[%dma_start3A_29, %dma_start3A_30] : memref<10000x64xf32, #tpu.memory_space<vmem_shared>> -> memref<10000x64xf32, #tpu.memory_space<vmem_shared>>
      tpu.enqueue_indirect_dma source(%dma_start3A_31 : memref<10000x64xf32, #tpu.memory_space<vmem_shared>>) target(%arg12 : memref<128x64xf32, #tpu.memory_space<vmem>>) offsets(%dma_start3A_28 : memref<128xi32, #tpu.memory_space<vmem>>) semaphore(%arg18 : memref<!tpu.dma_semaphore, #tpu.memory_space<semaphore_mem>>)
      %scan3A = arith.constant 0 : i32
      %scan3A_32 = arith.constant 0 : i32
      %scan3A_33 = arith.constant 10 : i32
      %scan3A_34 = arith.addi %scan3A_32, %scan3A_33 : i32
      %scan3A_35 = arith.constant 1 : i32
      scf.for %scan3A_169 = %scan3A_32 to %scan3A_34 step %scan3A_35  : i32 {
        %mul3A_170 = arith.constant 4 : i32
        %mul3A_171 = arith.muli %mul3A_170, %scan3A_169 : i32
        %gt3A = arith.constant 0 : i32
        %gt3A_172 = arith.cmpi sgt, %scan3A_169, %gt3A : i32
        %convert_element_type3A_173 = arith.extui %gt3A_172 : i1 to i32
        %cond3A_174 = arith.constant 0 : i32
        %cond3A_175 = arith.cmpi ne, %convert_element_type3A_173, %cond3A_174 : i32
        scf.if %cond3A_175 {
          %dma_wait3A_292 = arith.constant 0 : i32
          %dma_wait3A_293 = arith.constant 0 : i32
          %dma_wait3A_294 = tpu.memref_slice %arg10[%dma_wait3A_292, %dma_wait3A_293] : memref<40x128xi32, #tpu.memory_space<vmem>> -> memref<1x128xi32, #tpu.memory_space<vmem>>
          %dma_wait3A_295 = tpu.memref_squeeze %dma_wait3A_294 : memref<1x128xi32, #tpu.memory_space<vmem>> -> memref<128xi32, #tpu.memory_space<vmem>>
          %dma_wait3A_296 = arith.constant 0 : i32
          %dma_wait3A_297 = arith.constant 0 : i32
          %dma_wait3A_298 = tpu.memref_slice %arg15[%dma_wait3A_296, %dma_wait3A_297] : memref<10112x64xf32, #tpu.memory_space<vmem_shared>> -> memref<10112x64xf32, #tpu.memory_space<vmem_shared>>
          tpu.wait_indirect_dma semaphore(%arg23 : memref<!tpu.dma_semaphore, #tpu.memory_space<semaphore_mem>>) src(%arg13 : memref<128x64xf32, #tpu.memory_space<vmem>>) dst(%dma_wait3A_298 : memref<10112x64xf32, #tpu.memory_space<vmem_shared>>)
        } else {
        }
        %add3A_176 = arith.constant 2 : i32
        %add3A_177 = arith.addi %mul3A_171, %add3A_176 : i32
        %add3A_178 = arith.constant 0 : i32
        %add3A_179 = arith.addi %add3A_177, %add3A_178 : i32
        %dma_start3A_180 = arith.constant 0 : i32
        %dma_start3A_181 = tpu.memref_slice %arg9[%add3A_179, %dma_start3A_180] : memref<40x128xi32, #tpu.memory_space<vmem>> -> memref<1x128xi32, #tpu.memory_space<vmem>>
        %dma_start3A_182 = tpu.memref_squeeze %dma_start3A_181 : memref<1x128xi32, #tpu.memory_space<vmem>> -> memref<128xi32, #tpu.memory_space<vmem>>
        %dma_start3A_183 = arith.constant 0 : i32
        %dma_start3A_184 = arith.constant 0 : i32
        %dma_start3A_185 = tpu.memref_slice %arg16[%dma_start3A_183, %dma_start3A_184] : memref<10000x64xf32, #tpu.memory_space<vmem_shared>> -> memref<10000x64xf32, #tpu.memory_space<vmem_shared>>
        tpu.enqueue_indirect_dma source(%dma_start3A_185 : memref<10000x64xf32, #tpu.memory_space<vmem_shared>>) target(%arg13 : memref<128x64xf32, #tpu.memory_space<vmem>>) offsets(%dma_start3A_182 : memref<128xi32, #tpu.memory_space<vmem>>) semaphore(%arg19 : memref<!tpu.dma_semaphore, #tpu.memory_space<semaphore_mem>>)
        %gt3A_186 = arith.constant 0 : i32
        %gt3A_187 = arith.cmpi sgt, %scan3A_169, %gt3A_186 : i32
        %convert_element_type3A_188 = arith.extui %gt3A_187 : i1 to i32
        %cond3A_189 = arith.constant 0 : i32
        %cond3A_190 = arith.cmpi ne, %convert_element_type3A_188, %cond3A_189 : i32
        scf.if %cond3A_190 {
          %dma_wait3A_292 = arith.constant 0 : i32
          %dma_wait3A_293 = arith.constant 0 : i32
          %dma_wait3A_294 = tpu.memref_slice %arg10[%dma_wait3A_292, %dma_wait3A_293] : memref<40x128xi32, #tpu.memory_space<vmem>> -> memref<1x128xi32, #tpu.memory_space<vmem>>
          %dma_wait3A_295 = tpu.memref_squeeze %dma_wait3A_294 : memref<1x128xi32, #tpu.memory_space<vmem>> -> memref<128xi32, #tpu.memory_space<vmem>>
          %dma_wait3A_296 = arith.constant 0 : i32
          %dma_wait3A_297 = arith.constant 0 : i32
          %dma_wait3A_298 = tpu.memref_slice %arg15[%dma_wait3A_296, %dma_wait3A_297] : memref<10112x64xf32, #tpu.memory_space<vmem_shared>> -> memref<10112x64xf32, #tpu.memory_space<vmem_shared>>
          tpu.wait_indirect_dma semaphore(%arg24 : memref<!tpu.dma_semaphore, #tpu.memory_space<semaphore_mem>>) src(%arg14 : memref<128x64xf32, #tpu.memory_space<vmem>>) dst(%dma_wait3A_298 : memref<10112x64xf32, #tpu.memory_space<vmem_shared>>)
        } else {
        }
        %add3A_191 = arith.constant 2 : i32
        %add3A_192 = arith.addi %mul3A_171, %add3A_191 : i32
        %add3A_193 = arith.constant 1 : i32
        %add3A_194 = arith.addi %add3A_192, %add3A_193 : i32
        %dma_start3A_195 = arith.constant 0 : i32
        %dma_start3A_196 = tpu.memref_slice %arg9[%add3A_194, %dma_start3A_195] : memref<40x128xi32, #tpu.memory_space<vmem>> -> memref<1x128xi32, #tpu.memory_space<vmem>>
        %dma_start3A_197 = tpu.memref_squeeze %dma_start3A_196 : memref<1x128xi32, #tpu.memory_space<vmem>> -> memref<128xi32, #tpu.memory_space<vmem>>
        %dma_start3A_198 = arith.constant 0 : i32
        %dma_start3A_199 = arith.constant 0 : i32
        %dma_start3A_200 = tpu.memref_slice %arg16[%dma_start3A_198, %dma_start3A_199] : memref<10000x64xf32, #tpu.memory_space<vmem_shared>> -> memref<10000x64xf32, #tpu.memory_space<vmem_shared>>
        tpu.enqueue_indirect_dma source(%dma_start3A_200 : memref<10000x64xf32, #tpu.memory_space<vmem_shared>>) target(%arg14 : memref<128x64xf32, #tpu.memory_space<vmem>>) offsets(%dma_start3A_197 : memref<128xi32, #tpu.memory_space<vmem>>) semaphore(%arg20 : memref<!tpu.dma_semaphore, #tpu.memory_space<semaphore_mem>>)
        %dma_wait3A_201 = arith.constant 0 : i32
        %dma_wait3A_202 = arith.constant 0 : i32
        %dma_wait3A_203 = tpu.memref_slice %arg9[%dma_wait3A_201, %dma_wait3A_202] : memref<40x128xi32, #tpu.memory_space<vmem>> -> memref<1x128xi32, #tpu.memory_space<vmem>>
        %dma_wait3A_204 = tpu.memref_squeeze %dma_wait3A_203 : memref<1x128xi32, #tpu.memory_space<vmem>> -> memref<128xi32, #tpu.memory_space<vmem>>
        %dma_wait3A_205 = arith.constant 0 : i32
        %dma_wait3A_206 = arith.constant 0 : i32
        %dma_wait3A_207 = tpu.memref_slice %arg16[%dma_wait3A_205, %dma_wait3A_206] : memref<10000x64xf32, #tpu.memory_space<vmem_shared>> -> memref<10000x64xf32, #tpu.memory_space<vmem_shared>>
        tpu.wait_indirect_dma semaphore(%arg17 : memref<!tpu.dma_semaphore, #tpu.memory_space<semaphore_mem>>) src(%dma_wait3A_207 : memref<10000x64xf32, #tpu.memory_space<vmem_shared>>) dst(%arg11 : memref<128x64xf32, #tpu.memory_space<vmem>>)
        %add3A_208 = arith.constant 0 : i32
        %add3A_209 = arith.addi %mul3A_171, %add3A_208 : i32
        %dma_start3A_210 = arith.constant 0 : i32
        %dma_start3A_211 = tpu.memref_slice %arg10[%add3A_209, %dma_start3A_210] : memref<40x128xi32, #tpu.memory_space<vmem>> -> memref<1x128xi32, #tpu.memory_space<vmem>>
        %dma_start3A_212 = tpu.memref_squeeze %dma_start3A_211 : memref<1x128xi32, #tpu.memory_space<vmem>> -> memref<128xi32, #tpu.memory_space<vmem>>
        %dma_start3A_213 = arith.constant 0 : i32
        %dma_start3A_214 = arith.constant 0 : i32
        %dma_start3A_215 = tpu.memref_slice %arg15[%dma_start3A_213, %dma_start3A_214] : memref<10112x64xf32, #tpu.memory_space<vmem_shared>> -> memref<10112x64xf32, #tpu.memory_space<vmem_shared>>
        tpu.enqueue_indirect_dma source(%arg11 : memref<128x64xf32, #tpu.memory_space<vmem>>) target(%dma_start3A_215 : memref<10112x64xf32, #tpu.memory_space<vmem_shared>>) offsets(%dma_start3A_212 : memref<128xi32, #tpu.memory_space<vmem>>) semaphore(%arg21 : memref<!tpu.dma_semaphore, #tpu.memory_space<semaphore_mem>>) {add = true}
        %dma_wait3A_216 = arith.constant 0 : i32
        %dma_wait3A_217 = arith.constant 0 : i32
        %dma_wait3A_218 = tpu.memref_slice %arg9[%dma_wait3A_216, %dma_wait3A_217] : memref<40x128xi32, #tpu.memory_space<vmem>> -> memref<1x128xi32, #tpu.memory_space<vmem>>
        %dma_wait3A_219 = tpu.memref_squeeze %dma_wait3A_218 : memref<1x128xi32, #tpu.memory_space<vmem>> -> memref<128xi32, #tpu.memory_space<vmem>>
        %dma_wait3A_220 = arith.constant 0 : i32
        %dma_wait3A_221 = arith.constant 0 : i32
        %dma_wait3A_222 = tpu.memref_slice %arg16[%dma_wait3A_220, %dma_wait3A_221] : memref<10000x64xf32, #tpu.memory_space<vmem_shared>> -> memref<10000x64xf32, #tpu.memory_space<vmem_shared>>
        tpu.wait_indirect_dma semaphore(%arg18 : memref<!tpu.dma_semaphore, #tpu.memory_space<semaphore_mem>>) src(%dma_wait3A_222 : memref<10000x64xf32, #tpu.memory_space<vmem_shared>>) dst(%arg12 : memref<128x64xf32, #tpu.memory_space<vmem>>)
        %add3A_223 = arith.constant 1 : i32
        %add3A_224 = arith.addi %mul3A_171, %add3A_223 : i32
        %dma_start3A_225 = arith.constant 0 : i32
        %dma_start3A_226 = tpu.memref_slice %arg10[%add3A_224, %dma_start3A_225] : memref<40x128xi32, #tpu.memory_space<vmem>> -> memref<1x128xi32, #tpu.memory_space<vmem>>
        %dma_start3A_227 = tpu.memref_squeeze %dma_start3A_226 : memref<1x128xi32, #tpu.memory_space<vmem>> -> memref<128xi32, #tpu.memory_space<vmem>>
        %dma_start3A_228 = arith.constant 0 : i32
        %dma_start3A_229 = arith.constant 0 : i32
        %dma_start3A_230 = tpu.memref_slice %arg15[%dma_start3A_228, %dma_start3A_229] : memref<10112x64xf32, #tpu.memory_space<vmem_shared>> -> memref<10112x64xf32, #tpu.memory_space<vmem_shared>>
        tpu.enqueue_indirect_dma source(%arg12 : memref<128x64xf32, #tpu.memory_space<vmem>>) target(%dma_start3A_230 : memref<10112x64xf32, #tpu.memory_space<vmem_shared>>) offsets(%dma_start3A_227 : memref<128xi32, #tpu.memory_space<vmem>>) semaphore(%arg22 : memref<!tpu.dma_semaphore, #tpu.memory_space<semaphore_mem>>) {add = true}
        %dma_wait3A_231 = arith.constant 0 : i32
        %dma_wait3A_232 = arith.constant 0 : i32
        %dma_wait3A_233 = tpu.memref_slice %arg10[%dma_wait3A_231, %dma_wait3A_232] : memref<40x128xi32, #tpu.memory_space<vmem>> -> memref<1x128xi32, #tpu.memory_space<vmem>>
        %dma_wait3A_234 = tpu.memref_squeeze %dma_wait3A_233 : memref<1x128xi32, #tpu.memory_space<vmem>> -> memref<128xi32, #tpu.memory_space<vmem>>
        %dma_wait3A_235 = arith.constant 0 : i32
        %dma_wait3A_236 = arith.constant 0 : i32
        %dma_wait3A_237 = tpu.memref_slice %arg15[%dma_wait3A_235, %dma_wait3A_236] : memref<10112x64xf32, #tpu.memory_space<vmem_shared>> -> memref<10112x64xf32, #tpu.memory_space<vmem_shared>>
        tpu.wait_indirect_dma semaphore(%arg21 : memref<!tpu.dma_semaphore, #tpu.memory_space<semaphore_mem>>) src(%arg11 : memref<128x64xf32, #tpu.memory_space<vmem>>) dst(%dma_wait3A_237 : memref<10112x64xf32, #tpu.memory_space<vmem_shared>>)
        %add3A_238 = arith.constant 1 : i32
        %add3A_239 = arith.addi %scan3A_169, %add3A_238 : i32
        %lt3A = arith.constant 10 : i32
        %lt3A_240 = arith.cmpi slt, %add3A_239, %lt3A : i32
        %convert_element_type3A_241 = arith.extui %lt3A_240 : i1 to i32
        %cond3A_242 = arith.constant 0 : i32
        %cond3A_243 = arith.cmpi ne, %convert_element_type3A_241, %cond3A_242 : i32
        scf.if %cond3A_243 {
          %add3A_292 = arith.constant 4 : i32
          %add3A_293 = arith.addi %mul3A_171, %add3A_292 : i32
          %add3A_294 = arith.constant 0 : i32
          %add3A_295 = arith.addi %add3A_293, %add3A_294 : i32
          %dma_start3A_296 = arith.constant 0 : i32
          %dma_start3A_297 = tpu.memref_slice %arg9[%add3A_295, %dma_start3A_296] : memref<40x128xi32, #tpu.memory_space<vmem>> -> memref<1x128xi32, #tpu.memory_space<vmem>>
          %dma_start3A_298 = tpu.memref_squeeze %dma_start3A_297 : memref<1x128xi32, #tpu.memory_space<vmem>> -> memref<128xi32, #tpu.memory_space<vmem>>
          %dma_start3A_299 = arith.constant 0 : i32
          %dma_start3A_300 = arith.constant 0 : i32
          %dma_start3A_301 = tpu.memref_slice %arg16[%dma_start3A_299, %dma_start3A_300] : memref<10000x64xf32, #tpu.memory_space<vmem_shared>> -> memref<10000x64xf32, #tpu.memory_space<vmem_shared>>
          tpu.enqueue_indirect_dma source(%dma_start3A_301 : memref<10000x64xf32, #tpu.memory_space<vmem_shared>>) target(%arg11 : memref<128x64xf32, #tpu.memory_space<vmem>>) offsets(%dma_start3A_298 : memref<128xi32, #tpu.memory_space<vmem>>) semaphore(%arg17 : memref<!tpu.dma_semaphore, #tpu.memory_space<semaphore_mem>>)
        } else {
        }
        %dma_wait3A_244 = arith.constant 0 : i32
        %dma_wait3A_245 = arith.constant 0 : i32
        %dma_wait3A_246 = tpu.memref_slice %arg10[%dma_wait3A_244, %dma_wait3A_245] : memref<40x128xi32, #tpu.memory_space<vmem>> -> memref<1x128xi32, #tpu.memory_space<vmem>>
        %dma_wait3A_247 = tpu.memref_squeeze %dma_wait3A_246 : memref<1x128xi32, #tpu.memory_space<vmem>> -> memref<128xi32, #tpu.memory_space<vmem>>
        %dma_wait3A_248 = arith.constant 0 : i32
        %dma_wait3A_249 = arith.constant 0 : i32
        %dma_wait3A_250 = tpu.memref_slice %arg15[%dma_wait3A_248, %dma_wait3A_249] : memref<10112x64xf32, #tpu.memory_space<vmem_shared>> -> memref<10112x64xf32, #tpu.memory_space<vmem_shared>>
        tpu.wait_indirect_dma semaphore(%arg22 : memref<!tpu.dma_semaphore, #tpu.memory_space<semaphore_mem>>) src(%arg12 : memref<128x64xf32, #tpu.memory_space<vmem>>) dst(%dma_wait3A_250 : memref<10112x64xf32, #tpu.memory_space<vmem_shared>>)
        %add3A_251 = arith.constant 1 : i32
        %add3A_252 = arith.addi %scan3A_169, %add3A_251 : i32
        %lt3A_253 = arith.constant 10 : i32
        %lt3A_254 = arith.cmpi slt, %add3A_252, %lt3A_253 : i32
        %convert_element_type3A_255 = arith.extui %lt3A_254 : i1 to i32
        %cond3A_256 = arith.constant 0 : i32
        %cond3A_257 = arith.cmpi ne, %convert_element_type3A_255, %cond3A_256 : i32
        scf.if %cond3A_257 {
          %add3A_292 = arith.constant 4 : i32
          %add3A_293 = arith.addi %mul3A_171, %add3A_292 : i32
          %add3A_294 = arith.constant 1 : i32
          %add3A_295 = arith.addi %add3A_293, %add3A_294 : i32
          %dma_start3A_296 = arith.constant 0 : i32
          %dma_start3A_297 = tpu.memref_slice %arg9[%add3A_295, %dma_start3A_296] : memref<40x128xi32, #tpu.memory_space<vmem>> -> memref<1x128xi32, #tpu.memory_space<vmem>>
          %dma_start3A_298 = tpu.memref_squeeze %dma_start3A_297 : memref<1x128xi32, #tpu.memory_space<vmem>> -> memref<128xi32, #tpu.memory_space<vmem>>
          %dma_start3A_299 = arith.constant 0 : i32
          %dma_start3A_300 = arith.constant 0 : i32
          %dma_start3A_301 = tpu.memref_slice %arg16[%dma_start3A_299, %dma_start3A_300] : memref<10000x64xf32, #tpu.memory_space<vmem_shared>> -> memref<10000x64xf32, #tpu.memory_space<vmem_shared>>
          tpu.enqueue_indirect_dma source(%dma_start3A_301 : memref<10000x64xf32, #tpu.memory_space<vmem_shared>>) target(%arg12 : memref<128x64xf32, #tpu.memory_space<vmem>>) offsets(%dma_start3A_298 : memref<128xi32, #tpu.memory_space<vmem>>) semaphore(%arg18 : memref<!tpu.dma_semaphore, #tpu.memory_space<semaphore_mem>>)
        } else {
        }
        %dma_wait3A_258 = arith.constant 0 : i32
        %dma_wait3A_259 = arith.constant 0 : i32
        %dma_wait3A_260 = tpu.memref_slice %arg9[%dma_wait3A_258, %dma_wait3A_259] : memref<40x128xi32, #tpu.memory_space<vmem>> -> memref<1x128xi32, #tpu.memory_space<vmem>>
        %dma_wait3A_261 = tpu.memref_squeeze %dma_wait3A_260 : memref<1x128xi32, #tpu.memory_space<vmem>> -> memref<128xi32, #tpu.memory_space<vmem>>
        %dma_wait3A_262 = arith.constant 0 : i32
        %dma_wait3A_263 = arith.constant 0 : i32
        %dma_wait3A_264 = tpu.memref_slice %arg16[%dma_wait3A_262, %dma_wait3A_263] : memref<10000x64xf32, #tpu.memory_space<vmem_shared>> -> memref<10000x64xf32, #tpu.memory_space<vmem_shared>>
        tpu.wait_indirect_dma semaphore(%arg19 : memref<!tpu.dma_semaphore, #tpu.memory_space<semaphore_mem>>) src(%dma_wait3A_264 : memref<10000x64xf32, #tpu.memory_space<vmem_shared>>) dst(%arg13 : memref<128x64xf32, #tpu.memory_space<vmem>>)
        %add3A_265 = arith.constant 2 : i32
        %add3A_266 = arith.addi %mul3A_171, %add3A_265 : i32
        %add3A_267 = arith.constant 0 : i32
        %add3A_268 = arith.addi %add3A_266, %add3A_267 : i32
        %dma_start3A_269 = arith.constant 0 : i32
        %dma_start3A_270 = tpu.memref_slice %arg10[%add3A_268, %dma_start3A_269] : memref<40x128xi32, #tpu.memory_space<vmem>> -> memref<1x128xi32, #tpu.memory_space<vmem>>
        %dma_start3A_271 = tpu.memref_squeeze %dma_start3A_270 : memref<1x128xi32, #tpu.memory_space<vmem>> -> memref<128xi32, #tpu.memory_space<vmem>>
        %dma_start3A_272 = arith.constant 0 : i32
        %dma_start3A_273 = arith.constant 0 : i32
        %dma_start3A_274 = tpu.memref_slice %arg15[%dma_start3A_272, %dma_start3A_273] : memref<10112x64xf32, #tpu.memory_space<vmem_shared>> -> memref<10112x64xf32, #tpu.memory_space<vmem_shared>>
        tpu.enqueue_indirect_dma source(%arg13 : memref<128x64xf32, #tpu.memory_space<vmem>>) target(%dma_start3A_274 : memref<10112x64xf32, #tpu.memory_space<vmem_shared>>) offsets(%dma_start3A_271 : memref<128xi32, #tpu.memory_space<vmem>>) semaphore(%arg23 : memref<!tpu.dma_semaphore, #tpu.memory_space<semaphore_mem>>) {add = true}
        %dma_wait3A_275 = arith.constant 0 : i32
        %dma_wait3A_276 = arith.constant 0 : i32
        %dma_wait3A_277 = tpu.memref_slice %arg9[%dma_wait3A_275, %dma_wait3A_276] : memref<40x128xi32, #tpu.memory_space<vmem>> -> memref<1x128xi32, #tpu.memory_space<vmem>>
        %dma_wait3A_278 = tpu.memref_squeeze %dma_wait3A_277 : memref<1x128xi32, #tpu.memory_space<vmem>> -> memref<128xi32, #tpu.memory_space<vmem>>
        %dma_wait3A_279 = arith.constant 0 : i32
        %dma_wait3A_280 = arith.constant 0 : i32
        %dma_wait3A_281 = tpu.memref_slice %arg16[%dma_wait3A_279, %dma_wait3A_280] : memref<10000x64xf32, #tpu.memory_space<vmem_shared>> -> memref<10000x64xf32, #tpu.memory_space<vmem_shared>>
        tpu.wait_indirect_dma semaphore(%arg20 : memref<!tpu.dma_semaphore, #tpu.memory_space<semaphore_mem>>) src(%dma_wait3A_281 : memref<10000x64xf32, #tpu.memory_space<vmem_shared>>) dst(%arg14 : memref<128x64xf32, #tpu.memory_space<vmem>>)
        %add3A_282 = arith.constant 2 : i32
        %add3A_283 = arith.addi %mul3A_171, %add3A_282 : i32
        %add3A_284 = arith.constant 1 : i32
        %add3A_285 = arith.addi %add3A_283, %add3A_284 : i32
        %dma_start3A_286 = arith.constant 0 : i32
        %dma_start3A_287 = tpu.memref_slice %arg10[%add3A_285, %dma_start3A_286] : memref<40x128xi32, #tpu.memory_space<vmem>> -> memref<1x128xi32, #tpu.memory_space<vmem>>
        %dma_start3A_288 = tpu.memref_squeeze %dma_start3A_287 : memref<1x128xi32, #tpu.memory_space<vmem>> -> memref<128xi32, #tpu.memory_space<vmem>>
        %dma_start3A_289 = arith.constant 0 : i32
        %dma_start3A_290 = arith.constant 0 : i32
        %dma_start3A_291 = tpu.memref_slice %arg15[%dma_start3A_289, %dma_start3A_290] : memref<10112x64xf32, #tpu.memory_space<vmem_shared>> -> memref<10112x64xf32, #tpu.memory_space<vmem_shared>>
        tpu.enqueue_indirect_dma source(%arg14 : memref<128x64xf32, #tpu.memory_space<vmem>>) target(%dma_start3A_291 : memref<10112x64xf32, #tpu.memory_space<vmem_shared>>) offsets(%dma_start3A_288 : memref<128xi32, #tpu.memory_space<vmem>>) semaphore(%arg24 : memref<!tpu.dma_semaphore, #tpu.memory_space<semaphore_mem>>) {add = true}
      }
      %scan3A_36 = arith.constant 10 : i32
      %dma_wait3A = arith.constant 0 : i32
      %dma_wait3A_37 = arith.constant 0 : i32
      %dma_wait3A_38 = tpu.memref_slice %arg10[%dma_wait3A, %dma_wait3A_37] : memref<40x128xi32, #tpu.memory_space<vmem>> -> memref<1x128xi32, #tpu.memory_space<vmem>>
      %dma_wait3A_39 = tpu.memref_squeeze %dma_wait3A_38 : memref<1x128xi32, #tpu.memory_space<vmem>> -> memref<128xi32, #tpu.memory_space<vmem>>
      %dma_wait3A_40 = arith.constant 0 : i32
      %dma_wait3A_41 = arith.constant 0 : i32
      %dma_wait3A_42 = tpu.memref_slice %arg15[%dma_wait3A_40, %dma_wait3A_41] : memref<10112x64xf32, #tpu.memory_space<vmem_shared>> -> memref<10112x64xf32, #tpu.memory_space<vmem_shared>>
      tpu.wait_indirect_dma semaphore(%arg23 : memref<!tpu.dma_semaphore, #tpu.memory_space<semaphore_mem>>) src(%arg13 : memref<128x64xf32, #tpu.memory_space<vmem>>) dst(%dma_wait3A_42 : memref<10112x64xf32, #tpu.memory_space<vmem_shared>>)
      %dma_wait3A_43 = arith.constant 0 : i32
      %dma_wait3A_44 = arith.constant 0 : i32
      %dma_wait3A_45 = tpu.memref_slice %arg10[%dma_wait3A_43, %dma_wait3A_44] : memref<40x128xi32, #tpu.memory_space<vmem>> -> memref<1x128xi32, #tpu.memory_space<vmem>>
      %dma_wait3A_46 = tpu.memref_squeeze %dma_wait3A_45 : memref<1x128xi32, #tpu.memory_space<vmem>> -> memref<128xi32, #tpu.memory_space<vmem>>
      %dma_wait3A_47 = arith.constant 0 : i32
      %dma_wait3A_48 = arith.constant 0 : i32
      %dma_wait3A_49 = tpu.memref_slice %arg15[%dma_wait3A_47, %dma_wait3A_48] : memref<10112x64xf32, #tpu.memory_space<vmem_shared>> -> memref<10112x64xf32, #tpu.memory_space<vmem_shared>>
      tpu.wait_indirect_dma semaphore(%arg24 : memref<!tpu.dma_semaphore, #tpu.memory_space<semaphore_mem>>) src(%arg14 : memref<128x64xf32, #tpu.memory_space<vmem>>) dst(%dma_wait3A_49 : memref<10112x64xf32, #tpu.memory_space<vmem_shared>>)
      %mul3A_50 = arith.constant 160 : i32
      %mul3A_51 = arith.muli %arg1, %mul3A_50 : i32
      %add3A_52 = arith.constant 40 : i32
      %add3A_53 = arith.addi %mul3A_51, %add3A_52 : i32
      "tpu.region"() ({
        %run_scoped3A = tpu.sem_alloc : memref<!tpu.dma_semaphore, #tpu.memory_space<semaphore_mem>>
        %dma_start3A_169 = arith.constant 0 : i32
        %dma_start3A_170 = tpu.memref_slice %arg2[%add3A_53, %dma_start3A_169] : memref<2560x128xi32, #tpu.memory_space<hbm>> -> memref<40x128xi32, #tpu.memory_space<hbm>>
        %dma_start3A_171 = arith.constant 0 : i32
        %dma_start3A_172 = tpu.memref_slice %arg2[%add3A_53, %dma_start3A_171] : memref<2560x128xi32, #tpu.memory_space<hbm>> -> memref<40x128xi32, #tpu.memory_space<hbm>>
        tpu.enqueue_dma source(%dma_start3A_172 : memref<40x128xi32, #tpu.memory_space<hbm>>) target(%arg9 : memref<40x128xi32, #tpu.memory_space<vmem>>) target_semaphore(%run_scoped3A : memref<!tpu.dma_semaphore, #tpu.memory_space<semaphore_mem>>)
        %dma_wait3A_173 = arith.constant 0 : i32
        %dma_wait3A_174 = tpu.memref_slice %arg2[%add3A_53, %dma_wait3A_173] : memref<2560x128xi32, #tpu.memory_space<hbm>> -> memref<40x128xi32, #tpu.memory_space<hbm>>
        %dma_wait3A_175 = arith.constant 0 : i32
        %dma_wait3A_176 = tpu.memref_slice %arg2[%add3A_53, %dma_wait3A_175] : memref<2560x128xi32, #tpu.memory_space<hbm>> -> memref<40x128xi32, #tpu.memory_space<hbm>>
        tpu.wait_dma2 semaphore(%run_scoped3A : memref<!tpu.dma_semaphore, #tpu.memory_space<semaphore_mem>>) src(%dma_wait3A_176 : memref<40x128xi32, #tpu.memory_space<hbm>>) dst(%arg9 : memref<40x128xi32, #tpu.memory_space<vmem>>)
        tpu.yield
      }) : () -> ()
      "tpu.region"() ({
        %run_scoped3A = tpu.sem_alloc : memref<!tpu.dma_semaphore, #tpu.memory_space<semaphore_mem>>
        %dma_start3A_169 = arith.constant 0 : i32
        %dma_start3A_170 = tpu.memref_slice %arg3[%add3A_53, %dma_start3A_169] : memref<2560x128xi32, #tpu.memory_space<hbm>> -> memref<40x128xi32, #tpu.memory_space<hbm>>
        %dma_start3A_171 = arith.constant 0 : i32
        %dma_start3A_172 = tpu.memref_slice %arg3[%add3A_53, %dma_start3A_171] : memref<2560x128xi32, #tpu.memory_space<hbm>> -> memref<40x128xi32, #tpu.memory_space<hbm>>
        tpu.enqueue_dma source(%dma_start3A_172 : memref<40x128xi32, #tpu.memory_space<hbm>>) target(%arg10 : memref<40x128xi32, #tpu.memory_space<vmem>>) target_semaphore(%run_scoped3A : memref<!tpu.dma_semaphore, #tpu.memory_space<semaphore_mem>>)
        %dma_wait3A_173 = arith.constant 0 : i32
        %dma_wait3A_174 = tpu.memref_slice %arg3[%add3A_53, %dma_wait3A_173] : memref<2560x128xi32, #tpu.memory_space<hbm>> -> memref<40x128xi32, #tpu.memory_space<hbm>>
        %dma_wait3A_175 = arith.constant 0 : i32
        %dma_wait3A_176 = tpu.memref_slice %arg3[%add3A_53, %dma_wait3A_175] : memref<2560x128xi32, #tpu.memory_space<hbm>> -> memref<40x128xi32, #tpu.memory_space<hbm>>
        tpu.wait_dma2 semaphore(%run_scoped3A : memref<!tpu.dma_semaphore, #tpu.memory_space<semaphore_mem>>) src(%dma_wait3A_176 : memref<40x128xi32, #tpu.memory_space<hbm>>) dst(%arg10 : memref<40x128xi32, #tpu.memory_space<vmem>>)
        tpu.yield
      }) : () -> ()
      %dma_start3A_54 = arith.constant 0 : i32
      %dma_start3A_55 = arith.constant 0 : i32
      %dma_start3A_56 = tpu.memref_slice %arg9[%dma_start3A_54, %dma_start3A_55] : memref<40x128xi32, #tpu.memory_space<vmem>> -> memref<1x128xi32, #tpu.memory_space<vmem>>
      %dma_start3A_57 = tpu.memref_squeeze %dma_start3A_56 : memref<1x128xi32, #tpu.memory_space<vmem>> -> memref<128xi32, #tpu.memory_space<vmem>>
      %dma_start3A_58 = arith.constant 0 : i32
      %dma_start3A_59 = arith.constant 0 : i32
      %dma_start3A_60 = tpu.memref_slice %arg16[%dma_start3A_58, %dma_start3A_59] : memref<10000x64xf32, #tpu.memory_space<vmem_shared>> -> memref<10000x64xf32, #tpu.memory_space<vmem_shared>>
      tpu.enqueue_indirect_dma source(%dma_start3A_60 : memref<10000x64xf32, #tpu.memory_space<vmem_shared>>) target(%arg11 : memref<128x64xf32, #tpu.memory_space<vmem>>) offsets(%dma_start3A_57 : memref<128xi32, #tpu.memory_space<vmem>>) semaphore(%arg17 : memref<!tpu.dma_semaphore, #tpu.memory_space<semaphore_mem>>)
      %dma_start3A_61 = arith.constant 1 : i32
      %dma_start3A_62 = arith.constant 0 : i32
      %dma_start3A_63 = tpu.memref_slice %arg9[%dma_start3A_61, %dma_start3A_62] : memref<40x128xi32, #tpu.memory_space<vmem>> -> memref<1x128xi32, #tpu.memory_space<vmem>>
      %dma_start3A_64 = tpu.memref_squeeze %dma_start3A_63 : memref<1x128xi32, #tpu.memory_space<vmem>> -> memref<128xi32, #tpu.memory_space<vmem>>
      %dma_start3A_65 = arith.constant 0 : i32
      %dma_start3A_66 = arith.constant 0 : i32
      %dma_start3A_67 = tpu.memref_slice %arg16[%dma_start3A_65, %dma_start3A_66] : memref<10000x64xf32, #tpu.memory_space<vmem_shared>> -> memref<10000x64xf32, #tpu.memory_space<vmem_shared>>
      tpu.enqueue_indirect_dma source(%dma_start3A_67 : memref<10000x64xf32, #tpu.memory_space<vmem_shared>>) target(%arg12 : memref<128x64xf32, #tpu.memory_space<vmem>>) offsets(%dma_start3A_64 : memref<128xi32, #tpu.memory_space<vmem>>) semaphore(%arg18 : memref<!tpu.dma_semaphore, #tpu.memory_space<semaphore_mem>>)
      %scan3A_68 = arith.constant 0 : i32
      %scan3A_69 = arith.constant 0 : i32
      %scan3A_70 = arith.constant 10 : i32
      %scan3A_71 = arith.addi %scan3A_69, %scan3A_70 : i32
      %scan3A_72 = arith.constant 1 : i32
      scf.for %scan3A_169 = %scan3A_69 to %scan3A_71 step %scan3A_72  : i32 {
        %mul3A_170 = arith.constant 4 : i32
        %mul3A_171 = arith.muli %mul3A_170, %scan3A_169 : i32
        %gt3A = arith.constant 0 : i32
        %gt3A_172 = arith.cmpi sgt, %scan3A_169, %gt3A : i32
        %convert_element_type3A_173 = arith.extui %gt3A_172 : i1 to i32
        %cond3A_174 = arith.constant 0 : i32
        %cond3A_175 = arith.cmpi ne, %convert_element_type3A_173, %cond3A_174 : i32
        scf.if %cond3A_175 {
          %dma_wait3A_292 = arith.constant 0 : i32
          %dma_wait3A_293 = arith.constant 0 : i32
          %dma_wait3A_294 = tpu.memref_slice %arg10[%dma_wait3A_292, %dma_wait3A_293] : memref<40x128xi32, #tpu.memory_space<vmem>> -> memref<1x128xi32, #tpu.memory_space<vmem>>
          %dma_wait3A_295 = tpu.memref_squeeze %dma_wait3A_294 : memref<1x128xi32, #tpu.memory_space<vmem>> -> memref<128xi32, #tpu.memory_space<vmem>>
          %dma_wait3A_296 = arith.constant 0 : i32
          %dma_wait3A_297 = arith.constant 0 : i32
          %dma_wait3A_298 = tpu.memref_slice %arg15[%dma_wait3A_296, %dma_wait3A_297] : memref<10112x64xf32, #tpu.memory_space<vmem_shared>> -> memref<10112x64xf32, #tpu.memory_space<vmem_shared>>
          tpu.wait_indirect_dma semaphore(%arg23 : memref<!tpu.dma_semaphore, #tpu.memory_space<semaphore_mem>>) src(%arg13 : memref<128x64xf32, #tpu.memory_space<vmem>>) dst(%dma_wait3A_298 : memref<10112x64xf32, #tpu.memory_space<vmem_shared>>)
        } else {
        }
        %add3A_176 = arith.constant 2 : i32
        %add3A_177 = arith.addi %mul3A_171, %add3A_176 : i32
        %add3A_178 = arith.constant 0 : i32
        %add3A_179 = arith.addi %add3A_177, %add3A_178 : i32
        %dma_start3A_180 = arith.constant 0 : i32
        %dma_start3A_181 = tpu.memref_slice %arg9[%add3A_179, %dma_start3A_180] : memref<40x128xi32, #tpu.memory_space<vmem>> -> memref<1x128xi32, #tpu.memory_space<vmem>>
        %dma_start3A_182 = tpu.memref_squeeze %dma_start3A_181 : memref<1x128xi32, #tpu.memory_space<vmem>> -> memref<128xi32, #tpu.memory_space<vmem>>
        %dma_start3A_183 = arith.constant 0 : i32
        %dma_start3A_184 = arith.constant 0 : i32
        %dma_start3A_185 = tpu.memref_slice %arg16[%dma_start3A_183, %dma_start3A_184] : memref<10000x64xf32, #tpu.memory_space<vmem_shared>> -> memref<10000x64xf32, #tpu.memory_space<vmem_shared>>
        tpu.enqueue_indirect_dma source(%dma_start3A_185 : memref<10000x64xf32, #tpu.memory_space<vmem_shared>>) target(%arg13 : memref<128x64xf32, #tpu.memory_space<vmem>>) offsets(%dma_start3A_182 : memref<128xi32, #tpu.memory_space<vmem>>) semaphore(%arg19 : memref<!tpu.dma_semaphore, #tpu.memory_space<semaphore_mem>>)
        %gt3A_186 = arith.constant 0 : i32
        %gt3A_187 = arith.cmpi sgt, %scan3A_169, %gt3A_186 : i32
        %convert_element_type3A_188 = arith.extui %gt3A_187 : i1 to i32
        %cond3A_189 = arith.constant 0 : i32
        %cond3A_190 = arith.cmpi ne, %convert_element_type3A_188, %cond3A_189 : i32
        scf.if %cond3A_190 {
          %dma_wait3A_292 = arith.constant 0 : i32
          %dma_wait3A_293 = arith.constant 0 : i32
          %dma_wait3A_294 = tpu.memref_slice %arg10[%dma_wait3A_292, %dma_wait3A_293] : memref<40x128xi32, #tpu.memory_space<vmem>> -> memref<1x128xi32, #tpu.memory_space<vmem>>
          %dma_wait3A_295 = tpu.memref_squeeze %dma_wait3A_294 : memref<1x128xi32, #tpu.memory_space<vmem>> -> memref<128xi32, #tpu.memory_space<vmem>>
          %dma_wait3A_296 = arith.constant 0 : i32
          %dma_wait3A_297 = arith.constant 0 : i32
          %dma_wait3A_298 = tpu.memref_slice %arg15[%dma_wait3A_296, %dma_wait3A_297] : memref<10112x64xf32, #tpu.memory_space<vmem_shared>> -> memref<10112x64xf32, #tpu.memory_space<vmem_shared>>
          tpu.wait_indirect_dma semaphore(%arg24 : memref<!tpu.dma_semaphore, #tpu.memory_space<semaphore_mem>>) src(%arg14 : memref<128x64xf32, #tpu.memory_space<vmem>>) dst(%dma_wait3A_298 : memref<10112x64xf32, #tpu.memory_space<vmem_shared>>)
        } else {
        }
        %add3A_191 = arith.constant 2 : i32
        %add3A_192 = arith.addi %mul3A_171, %add3A_191 : i32
        %add3A_193 = arith.constant 1 : i32
        %add3A_194 = arith.addi %add3A_192, %add3A_193 : i32
        %dma_start3A_195 = arith.constant 0 : i32
        %dma_start3A_196 = tpu.memref_slice %arg9[%add3A_194, %dma_start3A_195] : memref<40x128xi32, #tpu.memory_space<vmem>> -> memref<1x128xi32, #tpu.memory_space<vmem>>
        %dma_start3A_197 = tpu.memref_squeeze %dma_start3A_196 : memref<1x128xi32, #tpu.memory_space<vmem>> -> memref<128xi32, #tpu.memory_space<vmem>>
        %dma_start3A_198 = arith.constant 0 : i32
        %dma_start3A_199 = arith.constant 0 : i32
        %dma_start3A_200 = tpu.memref_slice %arg16[%dma_start3A_198, %dma_start3A_199] : memref<10000x64xf32, #tpu.memory_space<vmem_shared>> -> memref<10000x64xf32, #tpu.memory_space<vmem_shared>>
        tpu.enqueue_indirect_dma source(%dma_start3A_200 : memref<10000x64xf32, #tpu.memory_space<vmem_shared>>) target(%arg14 : memref<128x64xf32, #tpu.memory_space<vmem>>) offsets(%dma_start3A_197 : memref<128xi32, #tpu.memory_space<vmem>>) semaphore(%arg20 : memref<!tpu.dma_semaphore, #tpu.memory_space<semaphore_mem>>)
        %dma_wait3A_201 = arith.constant 0 : i32
        %dma_wait3A_202 = arith.constant 0 : i32
        %dma_wait3A_203 = tpu.memref_slice %arg9[%dma_wait3A_201, %dma_wait3A_202] : memref<40x128xi32, #tpu.memory_space<vmem>> -> memref<1x128xi32, #tpu.memory_space<vmem>>
        %dma_wait3A_204 = tpu.memref_squeeze %dma_wait3A_203 : memref<1x128xi32, #tpu.memory_space<vmem>> -> memref<128xi32, #tpu.memory_space<vmem>>
        %dma_wait3A_205 = arith.constant 0 : i32
        %dma_wait3A_206 = arith.constant 0 : i32
        %dma_wait3A_207 = tpu.memref_slice %arg16[%dma_wait3A_205, %dma_wait3A_206] : memref<10000x64xf32, #tpu.memory_space<vmem_shared>> -> memref<10000x64xf32, #tpu.memory_space<vmem_shared>>
        tpu.wait_indirect_dma semaphore(%arg17 : memref<!tpu.dma_semaphore, #tpu.memory_space<semaphore_mem>>) src(%dma_wait3A_207 : memref<10000x64xf32, #tpu.memory_space<vmem_shared>>) dst(%arg11 : memref<128x64xf32, #tpu.memory_space<vmem>>)
        %add3A_208 = arith.constant 0 : i32
        %add3A_209 = arith.addi %mul3A_171, %add3A_208 : i32
        %dma_start3A_210 = arith.constant 0 : i32
        %dma_start3A_211 = tpu.memref_slice %arg10[%add3A_209, %dma_start3A_210] : memref<40x128xi32, #tpu.memory_space<vmem>> -> memref<1x128xi32, #tpu.memory_space<vmem>>
        %dma_start3A_212 = tpu.memref_squeeze %dma_start3A_211 : memref<1x128xi32, #tpu.memory_space<vmem>> -> memref<128xi32, #tpu.memory_space<vmem>>
        %dma_start3A_213 = arith.constant 0 : i32
        %dma_start3A_214 = arith.constant 0 : i32
        %dma_start3A_215 = tpu.memref_slice %arg15[%dma_start3A_213, %dma_start3A_214] : memref<10112x64xf32, #tpu.memory_space<vmem_shared>> -> memref<10112x64xf32, #tpu.memory_space<vmem_shared>>
        tpu.enqueue_indirect_dma source(%arg11 : memref<128x64xf32, #tpu.memory_space<vmem>>) target(%dma_start3A_215 : memref<10112x64xf32, #tpu.memory_space<vmem_shared>>) offsets(%dma_start3A_212 : memref<128xi32, #tpu.memory_space<vmem>>) semaphore(%arg21 : memref<!tpu.dma_semaphore, #tpu.memory_space<semaphore_mem>>) {add = true}
        %dma_wait3A_216 = arith.constant 0 : i32
        %dma_wait3A_217 = arith.constant 0 : i32
        %dma_wait3A_218 = tpu.memref_slice %arg9[%dma_wait3A_216, %dma_wait3A_217] : memref<40x128xi32, #tpu.memory_space<vmem>> -> memref<1x128xi32, #tpu.memory_space<vmem>>
        %dma_wait3A_219 = tpu.memref_squeeze %dma_wait3A_218 : memref<1x128xi32, #tpu.memory_space<vmem>> -> memref<128xi32, #tpu.memory_space<vmem>>
        %dma_wait3A_220 = arith.constant 0 : i32
        %dma_wait3A_221 = arith.constant 0 : i32
        %dma_wait3A_222 = tpu.memref_slice %arg16[%dma_wait3A_220, %dma_wait3A_221] : memref<10000x64xf32, #tpu.memory_space<vmem_shared>> -> memref<10000x64xf32, #tpu.memory_space<vmem_shared>>
        tpu.wait_indirect_dma semaphore(%arg18 : memref<!tpu.dma_semaphore, #tpu.memory_space<semaphore_mem>>) src(%dma_wait3A_222 : memref<10000x64xf32, #tpu.memory_space<vmem_shared>>) dst(%arg12 : memref<128x64xf32, #tpu.memory_space<vmem>>)
        %add3A_223 = arith.constant 1 : i32
        %add3A_224 = arith.addi %mul3A_171, %add3A_223 : i32
        %dma_start3A_225 = arith.constant 0 : i32
        %dma_start3A_226 = tpu.memref_slice %arg10[%add3A_224, %dma_start3A_225] : memref<40x128xi32, #tpu.memory_space<vmem>> -> memref<1x128xi32, #tpu.memory_space<vmem>>
        %dma_start3A_227 = tpu.memref_squeeze %dma_start3A_226 : memref<1x128xi32, #tpu.memory_space<vmem>> -> memref<128xi32, #tpu.memory_space<vmem>>
        %dma_start3A_228 = arith.constant 0 : i32
        %dma_start3A_229 = arith.constant 0 : i32
        %dma_start3A_230 = tpu.memref_slice %arg15[%dma_start3A_228, %dma_start3A_229] : memref<10112x64xf32, #tpu.memory_space<vmem_shared>> -> memref<10112x64xf32, #tpu.memory_space<vmem_shared>>
        tpu.enqueue_indirect_dma source(%arg12 : memref<128x64xf32, #tpu.memory_space<vmem>>) target(%dma_start3A_230 : memref<10112x64xf32, #tpu.memory_space<vmem_shared>>) offsets(%dma_start3A_227 : memref<128xi32, #tpu.memory_space<vmem>>) semaphore(%arg22 : memref<!tpu.dma_semaphore, #tpu.memory_space<semaphore_mem>>) {add = true}
        %dma_wait3A_231 = arith.constant 0 : i32
        %dma_wait3A_232 = arith.constant 0 : i32
        %dma_wait3A_233 = tpu.memref_slice %arg10[%dma_wait3A_231, %dma_wait3A_232] : memref<40x128xi32, #tpu.memory_space<vmem>> -> memref<1x128xi32, #tpu.memory_space<vmem>>
        %dma_wait3A_234 = tpu.memref_squeeze %dma_wait3A_233 : memref<1x128xi32, #tpu.memory_space<vmem>> -> memref<128xi32, #tpu.memory_space<vmem>>
        %dma_wait3A_235 = arith.constant 0 : i32
        %dma_wait3A_236 = arith.constant 0 : i32
        %dma_wait3A_237 = tpu.memref_slice %arg15[%dma_wait3A_235, %dma_wait3A_236] : memref<10112x64xf32, #tpu.memory_space<vmem_shared>> -> memref<10112x64xf32, #tpu.memory_space<vmem_shared>>
        tpu.wait_indirect_dma semaphore(%arg21 : memref<!tpu.dma_semaphore, #tpu.memory_space<semaphore_mem>>) src(%arg11 : memref<128x64xf32, #tpu.memory_space<vmem>>) dst(%dma_wait3A_237 : memref<10112x64xf32, #tpu.memory_space<vmem_shared>>)
        %add3A_238 = arith.constant 1 : i32
        %add3A_239 = arith.addi %scan3A_169, %add3A_238 : i32
        %lt3A = arith.constant 10 : i32
        %lt3A_240 = arith.cmpi slt, %add3A_239, %lt3A : i32
        %convert_element_type3A_241 = arith.extui %lt3A_240 : i1 to i32
        %cond3A_242 = arith.constant 0 : i32
        %cond3A_243 = arith.cmpi ne, %convert_element_type3A_241, %cond3A_242 : i32
        scf.if %cond3A_243 {
          %add3A_292 = arith.constant 4 : i32
          %add3A_293 = arith.addi %mul3A_171, %add3A_292 : i32
          %add3A_294 = arith.constant 0 : i32
          %add3A_295 = arith.addi %add3A_293, %add3A_294 : i32
          %dma_start3A_296 = arith.constant 0 : i32
          %dma_start3A_297 = tpu.memref_slice %arg9[%add3A_295, %dma_start3A_296] : memref<40x128xi32, #tpu.memory_space<vmem>> -> memref<1x128xi32, #tpu.memory_space<vmem>>
          %dma_start3A_298 = tpu.memref_squeeze %dma_start3A_297 : memref<1x128xi32, #tpu.memory_space<vmem>> -> memref<128xi32, #tpu.memory_space<vmem>>
          %dma_start3A_299 = arith.constant 0 : i32
          %dma_start3A_300 = arith.constant 0 : i32
          %dma_start3A_301 = tpu.memref_slice %arg16[%dma_start3A_299, %dma_start3A_300] : memref<10000x64xf32, #tpu.memory_space<vmem_shared>> -> memref<10000x64xf32, #tpu.memory_space<vmem_shared>>
          tpu.enqueue_indirect_dma source(%dma_start3A_301 : memref<10000x64xf32, #tpu.memory_space<vmem_shared>>) target(%arg11 : memref<128x64xf32, #tpu.memory_space<vmem>>) offsets(%dma_start3A_298 : memref<128xi32, #tpu.memory_space<vmem>>) semaphore(%arg17 : memref<!tpu.dma_semaphore, #tpu.memory_space<semaphore_mem>>)
        } else {
        }
        %dma_wait3A_244 = arith.constant 0 : i32
        %dma_wait3A_245 = arith.constant 0 : i32
        %dma_wait3A_246 = tpu.memref_slice %arg10[%dma_wait3A_244, %dma_wait3A_245] : memref<40x128xi32, #tpu.memory_space<vmem>> -> memref<1x128xi32, #tpu.memory_space<vmem>>
        %dma_wait3A_247 = tpu.memref_squeeze %dma_wait3A_246 : memref<1x128xi32, #tpu.memory_space<vmem>> -> memref<128xi32, #tpu.memory_space<vmem>>
        %dma_wait3A_248 = arith.constant 0 : i32
        %dma_wait3A_249 = arith.constant 0 : i32
        %dma_wait3A_250 = tpu.memref_slice %arg15[%dma_wait3A_248, %dma_wait3A_249] : memref<10112x64xf32, #tpu.memory_space<vmem_shared>> -> memref<10112x64xf32, #tpu.memory_space<vmem_shared>>
        tpu.wait_indirect_dma semaphore(%arg22 : memref<!tpu.dma_semaphore, #tpu.memory_space<semaphore_mem>>) src(%arg12 : memref<128x64xf32, #tpu.memory_space<vmem>>) dst(%dma_wait3A_250 : memref<10112x64xf32, #tpu.memory_space<vmem_shared>>)
        %add3A_251 = arith.constant 1 : i32
        %add3A_252 = arith.addi %scan3A_169, %add3A_251 : i32
        %lt3A_253 = arith.constant 10 : i32
        %lt3A_254 = arith.cmpi slt, %add3A_252, %lt3A_253 : i32
        %convert_element_type3A_255 = arith.extui %lt3A_254 : i1 to i32
        %cond3A_256 = arith.constant 0 : i32
        %cond3A_257 = arith.cmpi ne, %convert_element_type3A_255, %cond3A_256 : i32
        scf.if %cond3A_257 {
          %add3A_292 = arith.constant 4 : i32
          %add3A_293 = arith.addi %mul3A_171, %add3A_292 : i32
          %add3A_294 = arith.constant 1 : i32
          %add3A_295 = arith.addi %add3A_293, %add3A_294 : i32
          %dma_start3A_296 = arith.constant 0 : i32
          %dma_start3A_297 = tpu.memref_slice %arg9[%add3A_295, %dma_start3A_296] : memref<40x128xi32, #tpu.memory_space<vmem>> -> memref<1x128xi32, #tpu.memory_space<vmem>>
          %dma_start3A_298 = tpu.memref_squeeze %dma_start3A_297 : memref<1x128xi32, #tpu.memory_space<vmem>> -> memref<128xi32, #tpu.memory_space<vmem>>
          %dma_start3A_299 = arith.constant 0 : i32
          %dma_start3A_300 = arith.constant 0 : i32
          %dma_start3A_301 = tpu.memref_slice %arg16[%dma_start3A_299, %dma_start3A_300] : memref<10000x64xf32, #tpu.memory_space<vmem_shared>> -> memref<10000x64xf32, #tpu.memory_space<vmem_shared>>
          tpu.enqueue_indirect_dma source(%dma_start3A_301 : memref<10000x64xf32, #tpu.memory_space<vmem_shared>>) target(%arg12 : memref<128x64xf32, #tpu.memory_space<vmem>>) offsets(%dma_start3A_298 : memref<128xi32, #tpu.memory_space<vmem>>) semaphore(%arg18 : memref<!tpu.dma_semaphore, #tpu.memory_space<semaphore_mem>>)
        } else {
        }
        %dma_wait3A_258 = arith.constant 0 : i32
        %dma_wait3A_259 = arith.constant 0 : i32
        %dma_wait3A_260 = tpu.memref_slice %arg9[%dma_wait3A_258, %dma_wait3A_259] : memref<40x128xi32, #tpu.memory_space<vmem>> -> memref<1x128xi32, #tpu.memory_space<vmem>>
        %dma_wait3A_261 = tpu.memref_squeeze %dma_wait3A_260 : memref<1x128xi32, #tpu.memory_space<vmem>> -> memref<128xi32, #tpu.memory_space<vmem>>
        %dma_wait3A_262 = arith.constant 0 : i32
        %dma_wait3A_263 = arith.constant 0 : i32
        %dma_wait3A_264 = tpu.memref_slice %arg16[%dma_wait3A_262, %dma_wait3A_263] : memref<10000x64xf32, #tpu.memory_space<vmem_shared>> -> memref<10000x64xf32, #tpu.memory_space<vmem_shared>>
        tpu.wait_indirect_dma semaphore(%arg19 : memref<!tpu.dma_semaphore, #tpu.memory_space<semaphore_mem>>) src(%dma_wait3A_264 : memref<10000x64xf32, #tpu.memory_space<vmem_shared>>) dst(%arg13 : memref<128x64xf32, #tpu.memory_space<vmem>>)
        %add3A_265 = arith.constant 2 : i32
        %add3A_266 = arith.addi %mul3A_171, %add3A_265 : i32
        %add3A_267 = arith.constant 0 : i32
        %add3A_268 = arith.addi %add3A_266, %add3A_267 : i32
        %dma_start3A_269 = arith.constant 0 : i32
        %dma_start3A_270 = tpu.memref_slice %arg10[%add3A_268, %dma_start3A_269] : memref<40x128xi32, #tpu.memory_space<vmem>> -> memref<1x128xi32, #tpu.memory_space<vmem>>
        %dma_start3A_271 = tpu.memref_squeeze %dma_start3A_270 : memref<1x128xi32, #tpu.memory_space<vmem>> -> memref<128xi32, #tpu.memory_space<vmem>>
        %dma_start3A_272 = arith.constant 0 : i32
        %dma_start3A_273 = arith.constant 0 : i32
        %dma_start3A_274 = tpu.memref_slice %arg15[%dma_start3A_272, %dma_start3A_273] : memref<10112x64xf32, #tpu.memory_space<vmem_shared>> -> memref<10112x64xf32, #tpu.memory_space<vmem_shared>>
        tpu.enqueue_indirect_dma source(%arg13 : memref<128x64xf32, #tpu.memory_space<vmem>>) target(%dma_start3A_274 : memref<10112x64xf32, #tpu.memory_space<vmem_shared>>) offsets(%dma_start3A_271 : memref<128xi32, #tpu.memory_space<vmem>>) semaphore(%arg23 : memref<!tpu.dma_semaphore, #tpu.memory_space<semaphore_mem>>) {add = true}
        %dma_wait3A_275 = arith.constant 0 : i32
        %dma_wait3A_276 = arith.constant 0 : i32
        %dma_wait3A_277 = tpu.memref_slice %arg9[%dma_wait3A_275, %dma_wait3A_276] : memref<40x128xi32, #tpu.memory_space<vmem>> -> memref<1x128xi32, #tpu.memory_space<vmem>>
        %dma_wait3A_278 = tpu.memref_squeeze %dma_wait3A_277 : memref<1x128xi32, #tpu.memory_space<vmem>> -> memref<128xi32, #tpu.memory_space<vmem>>
        %dma_wait3A_279 = arith.constant 0 : i32
        %dma_wait3A_280 = arith.constant 0 : i32
        %dma_wait3A_281 = tpu.memref_slice %arg16[%dma_wait3A_279, %dma_wait3A_280] : memref<10000x64xf32, #tpu.memory_space<vmem_shared>> -> memref<10000x64xf32, #tpu.memory_space<vmem_shared>>
        tpu.wait_indirect_dma semaphore(%arg20 : memref<!tpu.dma_semaphore, #tpu.memory_space<semaphore_mem>>) src(%dma_wait3A_281 : memref<10000x64xf32, #tpu.memory_space<vmem_shared>>) dst(%arg14 : memref<128x64xf32, #tpu.memory_space<vmem>>)
        %add3A_282 = arith.constant 2 : i32
        %add3A_283 = arith.addi %mul3A_171, %add3A_282 : i32
        %add3A_284 = arith.constant 1 : i32
        %add3A_285 = arith.addi %add3A_283, %add3A_284 : i32
        %dma_start3A_286 = arith.constant 0 : i32
        %dma_start3A_287 = tpu.memref_slice %arg10[%add3A_285, %dma_start3A_286] : memref<40x128xi32, #tpu.memory_space<vmem>> -> memref<1x128xi32, #tpu.memory_space<vmem>>
        %dma_start3A_288 = tpu.memref_squeeze %dma_start3A_287 : memref<1x128xi32, #tpu.memory_space<vmem>> -> memref<128xi32, #tpu.memory_space<vmem>>
        %dma_start3A_289 = arith.constant 0 : i32
        %dma_start3A_290 = arith.constant 0 : i32
        %dma_start3A_291 = tpu.memref_slice %arg15[%dma_start3A_289, %dma_start3A_290] : memref<10112x64xf32, #tpu.memory_space<vmem_shared>> -> memref<10112x64xf32, #tpu.memory_space<vmem_shared>>
        tpu.enqueue_indirect_dma source(%arg14 : memref<128x64xf32, #tpu.memory_space<vmem>>) target(%dma_start3A_291 : memref<10112x64xf32, #tpu.memory_space<vmem_shared>>) offsets(%dma_start3A_288 : memref<128xi32, #tpu.memory_space<vmem>>) semaphore(%arg24 : memref<!tpu.dma_semaphore, #tpu.memory_space<semaphore_mem>>) {add = true}
      }
      %scan3A_73 = arith.constant 10 : i32
      %dma_wait3A_74 = arith.constant 0 : i32
      %dma_wait3A_75 = arith.constant 0 : i32
      %dma_wait3A_76 = tpu.memref_slice %arg10[%dma_wait3A_74, %dma_wait3A_75] : memref<40x128xi32, #tpu.memory_space<vmem>> -> memref<1x128xi32, #tpu.memory_space<vmem>>
      %dma_wait3A_77 = tpu.memref_squeeze %dma_wait3A_76 : memref<1x128xi32, #tpu.memory_space<vmem>> -> memref<128xi32, #tpu.memory_space<vmem>>
      %dma_wait3A_78 = arith.constant 0 : i32
      %dma_wait3A_79 = arith.constant 0 : i32
      %dma_wait3A_80 = tpu.memref_slice %arg15[%dma_wait3A_78, %dma_wait3A_79] : memref<10112x64xf32, #tpu.memory_space<vmem_shared>> -> memref<10112x64xf32, #tpu.memory_space<vmem_shared>>
      tpu.wait_indirect_dma semaphore(%arg23 : memref<!tpu.dma_semaphore, #tpu.memory_space<semaphore_mem>>) src(%arg13 : memref<128x64xf32, #tpu.memory_space<vmem>>) dst(%dma_wait3A_80 : memref<10112x64xf32, #tpu.memory_space<vmem_shared>>)
      %dma_wait3A_81 = arith.constant 0 : i32
      %dma_wait3A_82 = arith.constant 0 : i32
      %dma_wait3A_83 = tpu.memref_slice %arg10[%dma_wait3A_81, %dma_wait3A_82] : memref<40x128xi32, #tpu.memory_space<vmem>> -> memref<1x128xi32, #tpu.memory_space<vmem>>
      %dma_wait3A_84 = tpu.memref_squeeze %dma_wait3A_83 : memref<1x128xi32, #tpu.memory_space<vmem>> -> memref<128xi32, #tpu.memory_space<vmem>>
      %dma_wait3A_85 = arith.constant 0 : i32
      %dma_wait3A_86 = arith.constant 0 : i32
      %dma_wait3A_87 = tpu.memref_slice %arg15[%dma_wait3A_85, %dma_wait3A_86] : memref<10112x64xf32, #tpu.memory_space<vmem_shared>> -> memref<10112x64xf32, #tpu.memory_space<vmem_shared>>
      tpu.wait_indirect_dma semaphore(%arg24 : memref<!tpu.dma_semaphore, #tpu.memory_space<semaphore_mem>>) src(%arg14 : memref<128x64xf32, #tpu.memory_space<vmem>>) dst(%dma_wait3A_87 : memref<10112x64xf32, #tpu.memory_space<vmem_shared>>)
      %mul3A_88 = arith.constant 160 : i32
      %mul3A_89 = arith.muli %arg1, %mul3A_88 : i32
      %add3A_90 = arith.constant 80 : i32
      %add3A_91 = arith.addi %mul3A_89, %add3A_90 : i32
      "tpu.region"() ({
        %run_scoped3A = tpu.sem_alloc : memref<!tpu.dma_semaphore, #tpu.memory_space<semaphore_mem>>
        %dma_start3A_169 = arith.constant 0 : i32
        %dma_start3A_170 = tpu.memref_slice %arg2[%add3A_91, %dma_start3A_169] : memref<2560x128xi32, #tpu.memory_space<hbm>> -> memref<40x128xi32, #tpu.memory_space<hbm>>
        %dma_start3A_171 = arith.constant 0 : i32
        %dma_start3A_172 = tpu.memref_slice %arg2[%add3A_91, %dma_start3A_171] : memref<2560x128xi32, #tpu.memory_space<hbm>> -> memref<40x128xi32, #tpu.memory_space<hbm>>
        tpu.enqueue_dma source(%dma_start3A_172 : memref<40x128xi32, #tpu.memory_space<hbm>>) target(%arg9 : memref<40x128xi32, #tpu.memory_space<vmem>>) target_semaphore(%run_scoped3A : memref<!tpu.dma_semaphore, #tpu.memory_space<semaphore_mem>>)
        %dma_wait3A_173 = arith.constant 0 : i32
        %dma_wait3A_174 = tpu.memref_slice %arg2[%add3A_91, %dma_wait3A_173] : memref<2560x128xi32, #tpu.memory_space<hbm>> -> memref<40x128xi32, #tpu.memory_space<hbm>>
        %dma_wait3A_175 = arith.constant 0 : i32
        %dma_wait3A_176 = tpu.memref_slice %arg2[%add3A_91, %dma_wait3A_175] : memref<2560x128xi32, #tpu.memory_space<hbm>> -> memref<40x128xi32, #tpu.memory_space<hbm>>
        tpu.wait_dma2 semaphore(%run_scoped3A : memref<!tpu.dma_semaphore, #tpu.memory_space<semaphore_mem>>) src(%dma_wait3A_176 : memref<40x128xi32, #tpu.memory_space<hbm>>) dst(%arg9 : memref<40x128xi32, #tpu.memory_space<vmem>>)
        tpu.yield
      }) : () -> ()
      "tpu.region"() ({
        %run_scoped3A = tpu.sem_alloc : memref<!tpu.dma_semaphore, #tpu.memory_space<semaphore_mem>>
        %dma_start3A_169 = arith.constant 0 : i32
        %dma_start3A_170 = tpu.memref_slice %arg3[%add3A_91, %dma_start3A_169] : memref<2560x128xi32, #tpu.memory_space<hbm>> -> memref<40x128xi32, #tpu.memory_space<hbm>>
        %dma_start3A_171 = arith.constant 0 : i32
        %dma_start3A_172 = tpu.memref_slice %arg3[%add3A_91, %dma_start3A_171] : memref<2560x128xi32, #tpu.memory_space<hbm>> -> memref<40x128xi32, #tpu.memory_space<hbm>>
        tpu.enqueue_dma source(%dma_start3A_172 : memref<40x128xi32, #tpu.memory_space<hbm>>) target(%arg10 : memref<40x128xi32, #tpu.memory_space<vmem>>) target_semaphore(%run_scoped3A : memref<!tpu.dma_semaphore, #tpu.memory_space<semaphore_mem>>)
        %dma_wait3A_173 = arith.constant 0 : i32
        %dma_wait3A_174 = tpu.memref_slice %arg3[%add3A_91, %dma_wait3A_173] : memref<2560x128xi32, #tpu.memory_space<hbm>> -> memref<40x128xi32, #tpu.memory_space<hbm>>
        %dma_wait3A_175 = arith.constant 0 : i32
        %dma_wait3A_176 = tpu.memref_slice %arg3[%add3A_91, %dma_wait3A_175] : memref<2560x128xi32, #tpu.memory_space<hbm>> -> memref<40x128xi32, #tpu.memory_space<hbm>>
        tpu.wait_dma2 semaphore(%run_scoped3A : memref<!tpu.dma_semaphore, #tpu.memory_space<semaphore_mem>>) src(%dma_wait3A_176 : memref<40x128xi32, #tpu.memory_space<hbm>>) dst(%arg10 : memref<40x128xi32, #tpu.memory_space<vmem>>)
        tpu.yield
      }) : () -> ()
      %dma_start3A_92 = arith.constant 0 : i32
      %dma_start3A_93 = arith.constant 0 : i32
      %dma_start3A_94 = tpu.memref_slice %arg9[%dma_start3A_92, %dma_start3A_93] : memref<40x128xi32, #tpu.memory_space<vmem>> -> memref<1x128xi32, #tpu.memory_space<vmem>>
      %dma_start3A_95 = tpu.memref_squeeze %dma_start3A_94 : memref<1x128xi32, #tpu.memory_space<vmem>> -> memref<128xi32, #tpu.memory_space<vmem>>
      %dma_start3A_96 = arith.constant 0 : i32
      %dma_start3A_97 = arith.constant 0 : i32
      %dma_start3A_98 = tpu.memref_slice %arg16[%dma_start3A_96, %dma_start3A_97] : memref<10000x64xf32, #tpu.memory_space<vmem_shared>> -> memref<10000x64xf32, #tpu.memory_space<vmem_shared>>
      tpu.enqueue_indirect_dma source(%dma_start3A_98 : memref<10000x64xf32, #tpu.memory_space<vmem_shared>>) target(%arg11 : memref<128x64xf32, #tpu.memory_space<vmem>>) offsets(%dma_start3A_95 : memref<128xi32, #tpu.memory_space<vmem>>) semaphore(%arg17 : memref<!tpu.dma_semaphore, #tpu.memory_space<semaphore_mem>>)
      %dma_start3A_99 = arith.constant 1 : i32
      %dma_start3A_100 = arith.constant 0 : i32
      %dma_start3A_101 = tpu.memref_slice %arg9[%dma_start3A_99, %dma_start3A_100] : memref<40x128xi32, #tpu.memory_space<vmem>> -> memref<1x128xi32, #tpu.memory_space<vmem>>
      %dma_start3A_102 = tpu.memref_squeeze %dma_start3A_101 : memref<1x128xi32, #tpu.memory_space<vmem>> -> memref<128xi32, #tpu.memory_space<vmem>>
      %dma_start3A_103 = arith.constant 0 : i32
      %dma_start3A_104 = arith.constant 0 : i32
      %dma_start3A_105 = tpu.memref_slice %arg16[%dma_start3A_103, %dma_start3A_104] : memref<10000x64xf32, #tpu.memory_space<vmem_shared>> -> memref<10000x64xf32, #tpu.memory_space<vmem_shared>>
      tpu.enqueue_indirect_dma source(%dma_start3A_105 : memref<10000x64xf32, #tpu.memory_space<vmem_shared>>) target(%arg12 : memref<128x64xf32, #tpu.memory_space<vmem>>) offsets(%dma_start3A_102 : memref<128xi32, #tpu.memory_space<vmem>>) semaphore(%arg18 : memref<!tpu.dma_semaphore, #tpu.memory_space<semaphore_mem>>)
      %scan3A_106 = arith.constant 0 : i32
      %scan3A_107 = arith.constant 0 : i32
      %scan3A_108 = arith.constant 10 : i32
      %scan3A_109 = arith.addi %scan3A_107, %scan3A_108 : i32
      %scan3A_110 = arith.constant 1 : i32
      scf.for %scan3A_169 = %scan3A_107 to %scan3A_109 step %scan3A_110  : i32 {
        %mul3A_170 = arith.constant 4 : i32
        %mul3A_171 = arith.muli %mul3A_170, %scan3A_169 : i32
        %gt3A = arith.constant 0 : i32
        %gt3A_172 = arith.cmpi sgt, %scan3A_169, %gt3A : i32
        %convert_element_type3A_173 = arith.extui %gt3A_172 : i1 to i32
        %cond3A_174 = arith.constant 0 : i32
        %cond3A_175 = arith.cmpi ne, %convert_element_type3A_173, %cond3A_174 : i32
        scf.if %cond3A_175 {
          %dma_wait3A_292 = arith.constant 0 : i32
          %dma_wait3A_293 = arith.constant 0 : i32
          %dma_wait3A_294 = tpu.memref_slice %arg10[%dma_wait3A_292, %dma_wait3A_293] : memref<40x128xi32, #tpu.memory_space<vmem>> -> memref<1x128xi32, #tpu.memory_space<vmem>>
          %dma_wait3A_295 = tpu.memref_squeeze %dma_wait3A_294 : memref<1x128xi32, #tpu.memory_space<vmem>> -> memref<128xi32, #tpu.memory_space<vmem>>
          %dma_wait3A_296 = arith.constant 0 : i32
          %dma_wait3A_297 = arith.constant 0 : i32
          %dma_wait3A_298 = tpu.memref_slice %arg15[%dma_wait3A_296, %dma_wait3A_297] : memref<10112x64xf32, #tpu.memory_space<vmem_shared>> -> memref<10112x64xf32, #tpu.memory_space<vmem_shared>>
          tpu.wait_indirect_dma semaphore(%arg23 : memref<!tpu.dma_semaphore, #tpu.memory_space<semaphore_mem>>) src(%arg13 : memref<128x64xf32, #tpu.memory_space<vmem>>) dst(%dma_wait3A_298 : memref<10112x64xf32, #tpu.memory_space<vmem_shared>>)
        } else {
        }
        %add3A_176 = arith.constant 2 : i32
        %add3A_177 = arith.addi %mul3A_171, %add3A_176 : i32
        %add3A_178 = arith.constant 0 : i32
        %add3A_179 = arith.addi %add3A_177, %add3A_178 : i32
        %dma_start3A_180 = arith.constant 0 : i32
        %dma_start3A_181 = tpu.memref_slice %arg9[%add3A_179, %dma_start3A_180] : memref<40x128xi32, #tpu.memory_space<vmem>> -> memref<1x128xi32, #tpu.memory_space<vmem>>
        %dma_start3A_182 = tpu.memref_squeeze %dma_start3A_181 : memref<1x128xi32, #tpu.memory_space<vmem>> -> memref<128xi32, #tpu.memory_space<vmem>>
        %dma_start3A_183 = arith.constant 0 : i32
        %dma_start3A_184 = arith.constant 0 : i32
        %dma_start3A_185 = tpu.memref_slice %arg16[%dma_start3A_183, %dma_start3A_184] : memref<10000x64xf32, #tpu.memory_space<vmem_shared>> -> memref<10000x64xf32, #tpu.memory_space<vmem_shared>>
        tpu.enqueue_indirect_dma source(%dma_start3A_185 : memref<10000x64xf32, #tpu.memory_space<vmem_shared>>) target(%arg13 : memref<128x64xf32, #tpu.memory_space<vmem>>) offsets(%dma_start3A_182 : memref<128xi32, #tpu.memory_space<vmem>>) semaphore(%arg19 : memref<!tpu.dma_semaphore, #tpu.memory_space<semaphore_mem>>)
        %gt3A_186 = arith.constant 0 : i32
        %gt3A_187 = arith.cmpi sgt, %scan3A_169, %gt3A_186 : i32
        %convert_element_type3A_188 = arith.extui %gt3A_187 : i1 to i32
        %cond3A_189 = arith.constant 0 : i32
        %cond3A_190 = arith.cmpi ne, %convert_element_type3A_188, %cond3A_189 : i32
        scf.if %cond3A_190 {
          %dma_wait3A_292 = arith.constant 0 : i32
          %dma_wait3A_293 = arith.constant 0 : i32
          %dma_wait3A_294 = tpu.memref_slice %arg10[%dma_wait3A_292, %dma_wait3A_293] : memref<40x128xi32, #tpu.memory_space<vmem>> -> memref<1x128xi32, #tpu.memory_space<vmem>>
          %dma_wait3A_295 = tpu.memref_squeeze %dma_wait3A_294 : memref<1x128xi32, #tpu.memory_space<vmem>> -> memref<128xi32, #tpu.memory_space<vmem>>
          %dma_wait3A_296 = arith.constant 0 : i32
          %dma_wait3A_297 = arith.constant 0 : i32
          %dma_wait3A_298 = tpu.memref_slice %arg15[%dma_wait3A_296, %dma_wait3A_297] : memref<10112x64xf32, #tpu.memory_space<vmem_shared>> -> memref<10112x64xf32, #tpu.memory_space<vmem_shared>>
          tpu.wait_indirect_dma semaphore(%arg24 : memref<!tpu.dma_semaphore, #tpu.memory_space<semaphore_mem>>) src(%arg14 : memref<128x64xf32, #tpu.memory_space<vmem>>) dst(%dma_wait3A_298 : memref<10112x64xf32, #tpu.memory_space<vmem_shared>>)
        } else {
        }
        %add3A_191 = arith.constant 2 : i32
        %add3A_192 = arith.addi %mul3A_171, %add3A_191 : i32
        %add3A_193 = arith.constant 1 : i32
        %add3A_194 = arith.addi %add3A_192, %add3A_193 : i32
        %dma_start3A_195 = arith.constant 0 : i32
        %dma_start3A_196 = tpu.memref_slice %arg9[%add3A_194, %dma_start3A_195] : memref<40x128xi32, #tpu.memory_space<vmem>> -> memref<1x128xi32, #tpu.memory_space<vmem>>
        %dma_start3A_197 = tpu.memref_squeeze %dma_start3A_196 : memref<1x128xi32, #tpu.memory_space<vmem>> -> memref<128xi32, #tpu.memory_space<vmem>>
        %dma_start3A_198 = arith.constant 0 : i32
        %dma_start3A_199 = arith.constant 0 : i32
        %dma_start3A_200 = tpu.memref_slice %arg16[%dma_start3A_198, %dma_start3A_199] : memref<10000x64xf32, #tpu.memory_space<vmem_shared>> -> memref<10000x64xf32, #tpu.memory_space<vmem_shared>>
        tpu.enqueue_indirect_dma source(%dma_start3A_200 : memref<10000x64xf32, #tpu.memory_space<vmem_shared>>) target(%arg14 : memref<128x64xf32, #tpu.memory_space<vmem>>) offsets(%dma_start3A_197 : memref<128xi32, #tpu.memory_space<vmem>>) semaphore(%arg20 : memref<!tpu.dma_semaphore, #tpu.memory_space<semaphore_mem>>)
        %dma_wait3A_201 = arith.constant 0 : i32
        %dma_wait3A_202 = arith.constant 0 : i32
        %dma_wait3A_203 = tpu.memref_slice %arg9[%dma_wait3A_201, %dma_wait3A_202] : memref<40x128xi32, #tpu.memory_space<vmem>> -> memref<1x128xi32, #tpu.memory_space<vmem>>
        %dma_wait3A_204 = tpu.memref_squeeze %dma_wait3A_203 : memref<1x128xi32, #tpu.memory_space<vmem>> -> memref<128xi32, #tpu.memory_space<vmem>>
        %dma_wait3A_205 = arith.constant 0 : i32
        %dma_wait3A_206 = arith.constant 0 : i32
        %dma_wait3A_207 = tpu.memref_slice %arg16[%dma_wait3A_205, %dma_wait3A_206] : memref<10000x64xf32, #tpu.memory_space<vmem_shared>> -> memref<10000x64xf32, #tpu.memory_space<vmem_shared>>
        tpu.wait_indirect_dma semaphore(%arg17 : memref<!tpu.dma_semaphore, #tpu.memory_space<semaphore_mem>>) src(%dma_wait3A_207 : memref<10000x64xf32, #tpu.memory_space<vmem_shared>>) dst(%arg11 : memref<128x64xf32, #tpu.memory_space<vmem>>)
        %add3A_208 = arith.constant 0 : i32
        %add3A_209 = arith.addi %mul3A_171, %add3A_208 : i32
        %dma_start3A_210 = arith.constant 0 : i32
        %dma_start3A_211 = tpu.memref_slice %arg10[%add3A_209, %dma_start3A_210] : memref<40x128xi32, #tpu.memory_space<vmem>> -> memref<1x128xi32, #tpu.memory_space<vmem>>
        %dma_start3A_212 = tpu.memref_squeeze %dma_start3A_211 : memref<1x128xi32, #tpu.memory_space<vmem>> -> memref<128xi32, #tpu.memory_space<vmem>>
        %dma_start3A_213 = arith.constant 0 : i32
        %dma_start3A_214 = arith.constant 0 : i32
        %dma_start3A_215 = tpu.memref_slice %arg15[%dma_start3A_213, %dma_start3A_214] : memref<10112x64xf32, #tpu.memory_space<vmem_shared>> -> memref<10112x64xf32, #tpu.memory_space<vmem_shared>>
        tpu.enqueue_indirect_dma source(%arg11 : memref<128x64xf32, #tpu.memory_space<vmem>>) target(%dma_start3A_215 : memref<10112x64xf32, #tpu.memory_space<vmem_shared>>) offsets(%dma_start3A_212 : memref<128xi32, #tpu.memory_space<vmem>>) semaphore(%arg21 : memref<!tpu.dma_semaphore, #tpu.memory_space<semaphore_mem>>) {add = true}
        %dma_wait3A_216 = arith.constant 0 : i32
        %dma_wait3A_217 = arith.constant 0 : i32
        %dma_wait3A_218 = tpu.memref_slice %arg9[%dma_wait3A_216, %dma_wait3A_217] : memref<40x128xi32, #tpu.memory_space<vmem>> -> memref<1x128xi32, #tpu.memory_space<vmem>>
        %dma_wait3A_219 = tpu.memref_squeeze %dma_wait3A_218 : memref<1x128xi32, #tpu.memory_space<vmem>> -> memref<128xi32, #tpu.memory_space<vmem>>
        %dma_wait3A_220 = arith.constant 0 : i32
        %dma_wait3A_221 = arith.constant 0 : i32
        %dma_wait3A_222 = tpu.memref_slice %arg16[%dma_wait3A_220, %dma_wait3A_221] : memref<10000x64xf32, #tpu.memory_space<vmem_shared>> -> memref<10000x64xf32, #tpu.memory_space<vmem_shared>>
        tpu.wait_indirect_dma semaphore(%arg18 : memref<!tpu.dma_semaphore, #tpu.memory_space<semaphore_mem>>) src(%dma_wait3A_222 : memref<10000x64xf32, #tpu.memory_space<vmem_shared>>) dst(%arg12 : memref<128x64xf32, #tpu.memory_space<vmem>>)
        %add3A_223 = arith.constant 1 : i32
        %add3A_224 = arith.addi %mul3A_171, %add3A_223 : i32
        %dma_start3A_225 = arith.constant 0 : i32
        %dma_start3A_226 = tpu.memref_slice %arg10[%add3A_224, %dma_start3A_225] : memref<40x128xi32, #tpu.memory_space<vmem>> -> memref<1x128xi32, #tpu.memory_space<vmem>>
        %dma_start3A_227 = tpu.memref_squeeze %dma_start3A_226 : memref<1x128xi32, #tpu.memory_space<vmem>> -> memref<128xi32, #tpu.memory_space<vmem>>
        %dma_start3A_228 = arith.constant 0 : i32
        %dma_start3A_229 = arith.constant 0 : i32
        %dma_start3A_230 = tpu.memref_slice %arg15[%dma_start3A_228, %dma_start3A_229] : memref<10112x64xf32, #tpu.memory_space<vmem_shared>> -> memref<10112x64xf32, #tpu.memory_space<vmem_shared>>
        tpu.enqueue_indirect_dma source(%arg12 : memref<128x64xf32, #tpu.memory_space<vmem>>) target(%dma_start3A_230 : memref<10112x64xf32, #tpu.memory_space<vmem_shared>>) offsets(%dma_start3A_227 : memref<128xi32, #tpu.memory_space<vmem>>) semaphore(%arg22 : memref<!tpu.dma_semaphore, #tpu.memory_space<semaphore_mem>>) {add = true}
        %dma_wait3A_231 = arith.constant 0 : i32
        %dma_wait3A_232 = arith.constant 0 : i32
        %dma_wait3A_233 = tpu.memref_slice %arg10[%dma_wait3A_231, %dma_wait3A_232] : memref<40x128xi32, #tpu.memory_space<vmem>> -> memref<1x128xi32, #tpu.memory_space<vmem>>
        %dma_wait3A_234 = tpu.memref_squeeze %dma_wait3A_233 : memref<1x128xi32, #tpu.memory_space<vmem>> -> memref<128xi32, #tpu.memory_space<vmem>>
        %dma_wait3A_235 = arith.constant 0 : i32
        %dma_wait3A_236 = arith.constant 0 : i32
        %dma_wait3A_237 = tpu.memref_slice %arg15[%dma_wait3A_235, %dma_wait3A_236] : memref<10112x64xf32, #tpu.memory_space<vmem_shared>> -> memref<10112x64xf32, #tpu.memory_space<vmem_shared>>
        tpu.wait_indirect_dma semaphore(%arg21 : memref<!tpu.dma_semaphore, #tpu.memory_space<semaphore_mem>>) src(%arg11 : memref<128x64xf32, #tpu.memory_space<vmem>>) dst(%dma_wait3A_237 : memref<10112x64xf32, #tpu.memory_space<vmem_shared>>)
        %add3A_238 = arith.constant 1 : i32
        %add3A_239 = arith.addi %scan3A_169, %add3A_238 : i32
        %lt3A = arith.constant 10 : i32
        %lt3A_240 = arith.cmpi slt, %add3A_239, %lt3A : i32
        %convert_element_type3A_241 = arith.extui %lt3A_240 : i1 to i32
        %cond3A_242 = arith.constant 0 : i32
        %cond3A_243 = arith.cmpi ne, %convert_element_type3A_241, %cond3A_242 : i32
        scf.if %cond3A_243 {
          %add3A_292 = arith.constant 4 : i32
          %add3A_293 = arith.addi %mul3A_171, %add3A_292 : i32
          %add3A_294 = arith.constant 0 : i32
          %add3A_295 = arith.addi %add3A_293, %add3A_294 : i32
          %dma_start3A_296 = arith.constant 0 : i32
          %dma_start3A_297 = tpu.memref_slice %arg9[%add3A_295, %dma_start3A_296] : memref<40x128xi32, #tpu.memory_space<vmem>> -> memref<1x128xi32, #tpu.memory_space<vmem>>
          %dma_start3A_298 = tpu.memref_squeeze %dma_start3A_297 : memref<1x128xi32, #tpu.memory_space<vmem>> -> memref<128xi32, #tpu.memory_space<vmem>>
          %dma_start3A_299 = arith.constant 0 : i32
          %dma_start3A_300 = arith.constant 0 : i32
          %dma_start3A_301 = tpu.memref_slice %arg16[%dma_start3A_299, %dma_start3A_300] : memref<10000x64xf32, #tpu.memory_space<vmem_shared>> -> memref<10000x64xf32, #tpu.memory_space<vmem_shared>>
          tpu.enqueue_indirect_dma source(%dma_start3A_301 : memref<10000x64xf32, #tpu.memory_space<vmem_shared>>) target(%arg11 : memref<128x64xf32, #tpu.memory_space<vmem>>) offsets(%dma_start3A_298 : memref<128xi32, #tpu.memory_space<vmem>>) semaphore(%arg17 : memref<!tpu.dma_semaphore, #tpu.memory_space<semaphore_mem>>)
        } else {
        }
        %dma_wait3A_244 = arith.constant 0 : i32
        %dma_wait3A_245 = arith.constant 0 : i32
        %dma_wait3A_246 = tpu.memref_slice %arg10[%dma_wait3A_244, %dma_wait3A_245] : memref<40x128xi32, #tpu.memory_space<vmem>> -> memref<1x128xi32, #tpu.memory_space<vmem>>
        %dma_wait3A_247 = tpu.memref_squeeze %dma_wait3A_246 : memref<1x128xi32, #tpu.memory_space<vmem>> -> memref<128xi32, #tpu.memory_space<vmem>>
        %dma_wait3A_248 = arith.constant 0 : i32
        %dma_wait3A_249 = arith.constant 0 : i32
        %dma_wait3A_250 = tpu.memref_slice %arg15[%dma_wait3A_248, %dma_wait3A_249] : memref<10112x64xf32, #tpu.memory_space<vmem_shared>> -> memref<10112x64xf32, #tpu.memory_space<vmem_shared>>
        tpu.wait_indirect_dma semaphore(%arg22 : memref<!tpu.dma_semaphore, #tpu.memory_space<semaphore_mem>>) src(%arg12 : memref<128x64xf32, #tpu.memory_space<vmem>>) dst(%dma_wait3A_250 : memref<10112x64xf32, #tpu.memory_space<vmem_shared>>)
        %add3A_251 = arith.constant 1 : i32
        %add3A_252 = arith.addi %scan3A_169, %add3A_251 : i32
        %lt3A_253 = arith.constant 10 : i32
        %lt3A_254 = arith.cmpi slt, %add3A_252, %lt3A_253 : i32
        %convert_element_type3A_255 = arith.extui %lt3A_254 : i1 to i32
        %cond3A_256 = arith.constant 0 : i32
        %cond3A_257 = arith.cmpi ne, %convert_element_type3A_255, %cond3A_256 : i32
        scf.if %cond3A_257 {
          %add3A_292 = arith.constant 4 : i32
          %add3A_293 = arith.addi %mul3A_171, %add3A_292 : i32
          %add3A_294 = arith.constant 1 : i32
          %add3A_295 = arith.addi %add3A_293, %add3A_294 : i32
          %dma_start3A_296 = arith.constant 0 : i32
          %dma_start3A_297 = tpu.memref_slice %arg9[%add3A_295, %dma_start3A_296] : memref<40x128xi32, #tpu.memory_space<vmem>> -> memref<1x128xi32, #tpu.memory_space<vmem>>
          %dma_start3A_298 = tpu.memref_squeeze %dma_start3A_297 : memref<1x128xi32, #tpu.memory_space<vmem>> -> memref<128xi32, #tpu.memory_space<vmem>>
          %dma_start3A_299 = arith.constant 0 : i32
          %dma_start3A_300 = arith.constant 0 : i32
          %dma_start3A_301 = tpu.memref_slice %arg16[%dma_start3A_299, %dma_start3A_300] : memref<10000x64xf32, #tpu.memory_space<vmem_shared>> -> memref<10000x64xf32, #tpu.memory_space<vmem_shared>>
          tpu.enqueue_indirect_dma source(%dma_start3A_301 : memref<10000x64xf32, #tpu.memory_space<vmem_shared>>) target(%arg12 : memref<128x64xf32, #tpu.memory_space<vmem>>) offsets(%dma_start3A_298 : memref<128xi32, #tpu.memory_space<vmem>>) semaphore(%arg18 : memref<!tpu.dma_semaphore, #tpu.memory_space<semaphore_mem>>)
        } else {
        }
        %dma_wait3A_258 = arith.constant 0 : i32
        %dma_wait3A_259 = arith.constant 0 : i32
        %dma_wait3A_260 = tpu.memref_slice %arg9[%dma_wait3A_258, %dma_wait3A_259] : memref<40x128xi32, #tpu.memory_space<vmem>> -> memref<1x128xi32, #tpu.memory_space<vmem>>
        %dma_wait3A_261 = tpu.memref_squeeze %dma_wait3A_260 : memref<1x128xi32, #tpu.memory_space<vmem>> -> memref<128xi32, #tpu.memory_space<vmem>>
        %dma_wait3A_262 = arith.constant 0 : i32
        %dma_wait3A_263 = arith.constant 0 : i32
        %dma_wait3A_264 = tpu.memref_slice %arg16[%dma_wait3A_262, %dma_wait3A_263] : memref<10000x64xf32, #tpu.memory_space<vmem_shared>> -> memref<10000x64xf32, #tpu.memory_space<vmem_shared>>
        tpu.wait_indirect_dma semaphore(%arg19 : memref<!tpu.dma_semaphore, #tpu.memory_space<semaphore_mem>>) src(%dma_wait3A_264 : memref<10000x64xf32, #tpu.memory_space<vmem_shared>>) dst(%arg13 : memref<128x64xf32, #tpu.memory_space<vmem>>)
        %add3A_265 = arith.constant 2 : i32
        %add3A_266 = arith.addi %mul3A_171, %add3A_265 : i32
        %add3A_267 = arith.constant 0 : i32
        %add3A_268 = arith.addi %add3A_266, %add3A_267 : i32
        %dma_start3A_269 = arith.constant 0 : i32
        %dma_start3A_270 = tpu.memref_slice %arg10[%add3A_268, %dma_start3A_269] : memref<40x128xi32, #tpu.memory_space<vmem>> -> memref<1x128xi32, #tpu.memory_space<vmem>>
        %dma_start3A_271 = tpu.memref_squeeze %dma_start3A_270 : memref<1x128xi32, #tpu.memory_space<vmem>> -> memref<128xi32, #tpu.memory_space<vmem>>
        %dma_start3A_272 = arith.constant 0 : i32
        %dma_start3A_273 = arith.constant 0 : i32
        %dma_start3A_274 = tpu.memref_slice %arg15[%dma_start3A_272, %dma_start3A_273] : memref<10112x64xf32, #tpu.memory_space<vmem_shared>> -> memref<10112x64xf32, #tpu.memory_space<vmem_shared>>
        tpu.enqueue_indirect_dma source(%arg13 : memref<128x64xf32, #tpu.memory_space<vmem>>) target(%dma_start3A_274 : memref<10112x64xf32, #tpu.memory_space<vmem_shared>>) offsets(%dma_start3A_271 : memref<128xi32, #tpu.memory_space<vmem>>) semaphore(%arg23 : memref<!tpu.dma_semaphore, #tpu.memory_space<semaphore_mem>>) {add = true}
        %dma_wait3A_275 = arith.constant 0 : i32
        %dma_wait3A_276 = arith.constant 0 : i32
        %dma_wait3A_277 = tpu.memref_slice %arg9[%dma_wait3A_275, %dma_wait3A_276] : memref<40x128xi32, #tpu.memory_space<vmem>> -> memref<1x128xi32, #tpu.memory_space<vmem>>
        %dma_wait3A_278 = tpu.memref_squeeze %dma_wait3A_277 : memref<1x128xi32, #tpu.memory_space<vmem>> -> memref<128xi32, #tpu.memory_space<vmem>>
        %dma_wait3A_279 = arith.constant 0 : i32
        %dma_wait3A_280 = arith.constant 0 : i32
        %dma_wait3A_281 = tpu.memref_slice %arg16[%dma_wait3A_279, %dma_wait3A_280] : memref<10000x64xf32, #tpu.memory_space<vmem_shared>> -> memref<10000x64xf32, #tpu.memory_space<vmem_shared>>
        tpu.wait_indirect_dma semaphore(%arg20 : memref<!tpu.dma_semaphore, #tpu.memory_space<semaphore_mem>>) src(%dma_wait3A_281 : memref<10000x64xf32, #tpu.memory_space<vmem_shared>>) dst(%arg14 : memref<128x64xf32, #tpu.memory_space<vmem>>)
        %add3A_282 = arith.constant 2 : i32
        %add3A_283 = arith.addi %mul3A_171, %add3A_282 : i32
        %add3A_284 = arith.constant 1 : i32
        %add3A_285 = arith.addi %add3A_283, %add3A_284 : i32
        %dma_start3A_286 = arith.constant 0 : i32
        %dma_start3A_287 = tpu.memref_slice %arg10[%add3A_285, %dma_start3A_286] : memref<40x128xi32, #tpu.memory_space<vmem>> -> memref<1x128xi32, #tpu.memory_space<vmem>>
        %dma_start3A_288 = tpu.memref_squeeze %dma_start3A_287 : memref<1x128xi32, #tpu.memory_space<vmem>> -> memref<128xi32, #tpu.memory_space<vmem>>
        %dma_start3A_289 = arith.constant 0 : i32
        %dma_start3A_290 = arith.constant 0 : i32
        %dma_start3A_291 = tpu.memref_slice %arg15[%dma_start3A_289, %dma_start3A_290] : memref<10112x64xf32, #tpu.memory_space<vmem_shared>> -> memref<10112x64xf32, #tpu.memory_space<vmem_shared>>
        tpu.enqueue_indirect_dma source(%arg14 : memref<128x64xf32, #tpu.memory_space<vmem>>) target(%dma_start3A_291 : memref<10112x64xf32, #tpu.memory_space<vmem_shared>>) offsets(%dma_start3A_288 : memref<128xi32, #tpu.memory_space<vmem>>) semaphore(%arg24 : memref<!tpu.dma_semaphore, #tpu.memory_space<semaphore_mem>>) {add = true}
      }
      %scan3A_111 = arith.constant 10 : i32
      %dma_wait3A_112 = arith.constant 0 : i32
      %dma_wait3A_113 = arith.constant 0 : i32
      %dma_wait3A_114 = tpu.memref_slice %arg10[%dma_wait3A_112, %dma_wait3A_113] : memref<40x128xi32, #tpu.memory_space<vmem>> -> memref<1x128xi32, #tpu.memory_space<vmem>>
      %dma_wait3A_115 = tpu.memref_squeeze %dma_wait3A_114 : memref<1x128xi32, #tpu.memory_space<vmem>> -> memref<128xi32, #tpu.memory_space<vmem>>
      %dma_wait3A_116 = arith.constant 0 : i32
      %dma_wait3A_117 = arith.constant 0 : i32
      %dma_wait3A_118 = tpu.memref_slice %arg15[%dma_wait3A_116, %dma_wait3A_117] : memref<10112x64xf32, #tpu.memory_space<vmem_shared>> -> memref<10112x64xf32, #tpu.memory_space<vmem_shared>>
      tpu.wait_indirect_dma semaphore(%arg23 : memref<!tpu.dma_semaphore, #tpu.memory_space<semaphore_mem>>) src(%arg13 : memref<128x64xf32, #tpu.memory_space<vmem>>) dst(%dma_wait3A_118 : memref<10112x64xf32, #tpu.memory_space<vmem_shared>>)
      %dma_wait3A_119 = arith.constant 0 : i32
      %dma_wait3A_120 = arith.constant 0 : i32
      %dma_wait3A_121 = tpu.memref_slice %arg10[%dma_wait3A_119, %dma_wait3A_120] : memref<40x128xi32, #tpu.memory_space<vmem>> -> memref<1x128xi32, #tpu.memory_space<vmem>>
      %dma_wait3A_122 = tpu.memref_squeeze %dma_wait3A_121 : memref<1x128xi32, #tpu.memory_space<vmem>> -> memref<128xi32, #tpu.memory_space<vmem>>
      %dma_wait3A_123 = arith.constant 0 : i32
      %dma_wait3A_124 = arith.constant 0 : i32
      %dma_wait3A_125 = tpu.memref_slice %arg15[%dma_wait3A_123, %dma_wait3A_124] : memref<10112x64xf32, #tpu.memory_space<vmem_shared>> -> memref<10112x64xf32, #tpu.memory_space<vmem_shared>>
      tpu.wait_indirect_dma semaphore(%arg24 : memref<!tpu.dma_semaphore, #tpu.memory_space<semaphore_mem>>) src(%arg14 : memref<128x64xf32, #tpu.memory_space<vmem>>) dst(%dma_wait3A_125 : memref<10112x64xf32, #tpu.memory_space<vmem_shared>>)
      %mul3A_126 = arith.constant 160 : i32
      %mul3A_127 = arith.muli %arg1, %mul3A_126 : i32
      %add3A_128 = arith.constant 120 : i32
      %add3A_129 = arith.addi %mul3A_127, %add3A_128 : i32
      "tpu.region"() ({
        %run_scoped3A = tpu.sem_alloc : memref<!tpu.dma_semaphore, #tpu.memory_space<semaphore_mem>>
        %dma_start3A_169 = arith.constant 0 : i32
        %dma_start3A_170 = tpu.memref_slice %arg2[%add3A_129, %dma_start3A_169] : memref<2560x128xi32, #tpu.memory_space<hbm>> -> memref<40x128xi32, #tpu.memory_space<hbm>>
        %dma_start3A_171 = arith.constant 0 : i32
        %dma_start3A_172 = tpu.memref_slice %arg2[%add3A_129, %dma_start3A_171] : memref<2560x128xi32, #tpu.memory_space<hbm>> -> memref<40x128xi32, #tpu.memory_space<hbm>>
        tpu.enqueue_dma source(%dma_start3A_172 : memref<40x128xi32, #tpu.memory_space<hbm>>) target(%arg9 : memref<40x128xi32, #tpu.memory_space<vmem>>) target_semaphore(%run_scoped3A : memref<!tpu.dma_semaphore, #tpu.memory_space<semaphore_mem>>)
        %dma_wait3A_173 = arith.constant 0 : i32
        %dma_wait3A_174 = tpu.memref_slice %arg2[%add3A_129, %dma_wait3A_173] : memref<2560x128xi32, #tpu.memory_space<hbm>> -> memref<40x128xi32, #tpu.memory_space<hbm>>
        %dma_wait3A_175 = arith.constant 0 : i32
        %dma_wait3A_176 = tpu.memref_slice %arg2[%add3A_129, %dma_wait3A_175] : memref<2560x128xi32, #tpu.memory_space<hbm>> -> memref<40x128xi32, #tpu.memory_space<hbm>>
        tpu.wait_dma2 semaphore(%run_scoped3A : memref<!tpu.dma_semaphore, #tpu.memory_space<semaphore_mem>>) src(%dma_wait3A_176 : memref<40x128xi32, #tpu.memory_space<hbm>>) dst(%arg9 : memref<40x128xi32, #tpu.memory_space<vmem>>)
        tpu.yield
      }) : () -> ()
      "tpu.region"() ({
        %run_scoped3A = tpu.sem_alloc : memref<!tpu.dma_semaphore, #tpu.memory_space<semaphore_mem>>
        %dma_start3A_169 = arith.constant 0 : i32
        %dma_start3A_170 = tpu.memref_slice %arg3[%add3A_129, %dma_start3A_169] : memref<2560x128xi32, #tpu.memory_space<hbm>> -> memref<40x128xi32, #tpu.memory_space<hbm>>
        %dma_start3A_171 = arith.constant 0 : i32
        %dma_start3A_172 = tpu.memref_slice %arg3[%add3A_129, %dma_start3A_171] : memref<2560x128xi32, #tpu.memory_space<hbm>> -> memref<40x128xi32, #tpu.memory_space<hbm>>
        tpu.enqueue_dma source(%dma_start3A_172 : memref<40x128xi32, #tpu.memory_space<hbm>>) target(%arg10 : memref<40x128xi32, #tpu.memory_space<vmem>>) target_semaphore(%run_scoped3A : memref<!tpu.dma_semaphore, #tpu.memory_space<semaphore_mem>>)
        %dma_wait3A_173 = arith.constant 0 : i32
        %dma_wait3A_174 = tpu.memref_slice %arg3[%add3A_129, %dma_wait3A_173] : memref<2560x128xi32, #tpu.memory_space<hbm>> -> memref<40x128xi32, #tpu.memory_space<hbm>>
        %dma_wait3A_175 = arith.constant 0 : i32
        %dma_wait3A_176 = tpu.memref_slice %arg3[%add3A_129, %dma_wait3A_175] : memref<2560x128xi32, #tpu.memory_space<hbm>> -> memref<40x128xi32, #tpu.memory_space<hbm>>
        tpu.wait_dma2 semaphore(%run_scoped3A : memref<!tpu.dma_semaphore, #tpu.memory_space<semaphore_mem>>) src(%dma_wait3A_176 : memref<40x128xi32, #tpu.memory_space<hbm>>) dst(%arg10 : memref<40x128xi32, #tpu.memory_space<vmem>>)
        tpu.yield
      }) : () -> ()
      %dma_start3A_130 = arith.constant 0 : i32
      %dma_start3A_131 = arith.constant 0 : i32
      %dma_start3A_132 = tpu.memref_slice %arg9[%dma_start3A_130, %dma_start3A_131] : memref<40x128xi32, #tpu.memory_space<vmem>> -> memref<1x128xi32, #tpu.memory_space<vmem>>
      %dma_start3A_133 = tpu.memref_squeeze %dma_start3A_132 : memref<1x128xi32, #tpu.memory_space<vmem>> -> memref<128xi32, #tpu.memory_space<vmem>>
      %dma_start3A_134 = arith.constant 0 : i32
      %dma_start3A_135 = arith.constant 0 : i32
      %dma_start3A_136 = tpu.memref_slice %arg16[%dma_start3A_134, %dma_start3A_135] : memref<10000x64xf32, #tpu.memory_space<vmem_shared>> -> memref<10000x64xf32, #tpu.memory_space<vmem_shared>>
      tpu.enqueue_indirect_dma source(%dma_start3A_136 : memref<10000x64xf32, #tpu.memory_space<vmem_shared>>) target(%arg11 : memref<128x64xf32, #tpu.memory_space<vmem>>) offsets(%dma_start3A_133 : memref<128xi32, #tpu.memory_space<vmem>>) semaphore(%arg17 : memref<!tpu.dma_semaphore, #tpu.memory_space<semaphore_mem>>)
      %dma_start3A_137 = arith.constant 1 : i32
      %dma_start3A_138 = arith.constant 0 : i32
      %dma_start3A_139 = tpu.memref_slice %arg9[%dma_start3A_137, %dma_start3A_138] : memref<40x128xi32, #tpu.memory_space<vmem>> -> memref<1x128xi32, #tpu.memory_space<vmem>>
      %dma_start3A_140 = tpu.memref_squeeze %dma_start3A_139 : memref<1x128xi32, #tpu.memory_space<vmem>> -> memref<128xi32, #tpu.memory_space<vmem>>
      %dma_start3A_141 = arith.constant 0 : i32
      %dma_start3A_142 = arith.constant 0 : i32
      %dma_start3A_143 = tpu.memref_slice %arg16[%dma_start3A_141, %dma_start3A_142] : memref<10000x64xf32, #tpu.memory_space<vmem_shared>> -> memref<10000x64xf32, #tpu.memory_space<vmem_shared>>
      tpu.enqueue_indirect_dma source(%dma_start3A_143 : memref<10000x64xf32, #tpu.memory_space<vmem_shared>>) target(%arg12 : memref<128x64xf32, #tpu.memory_space<vmem>>) offsets(%dma_start3A_140 : memref<128xi32, #tpu.memory_space<vmem>>) semaphore(%arg18 : memref<!tpu.dma_semaphore, #tpu.memory_space<semaphore_mem>>)
      %scan3A_144 = arith.constant 0 : i32
      %scan3A_145 = arith.constant 0 : i32
      %scan3A_146 = arith.constant 10 : i32
      %scan3A_147 = arith.addi %scan3A_145, %scan3A_146 : i32
      %scan3A_148 = arith.constant 1 : i32
      scf.for %scan3A_169 = %scan3A_145 to %scan3A_147 step %scan3A_148  : i32 {
        %mul3A_170 = arith.constant 4 : i32
        %mul3A_171 = arith.muli %mul3A_170, %scan3A_169 : i32
        %gt3A = arith.constant 0 : i32
        %gt3A_172 = arith.cmpi sgt, %scan3A_169, %gt3A : i32
        %convert_element_type3A_173 = arith.extui %gt3A_172 : i1 to i32
        %cond3A_174 = arith.constant 0 : i32
        %cond3A_175 = arith.cmpi ne, %convert_element_type3A_173, %cond3A_174 : i32
        scf.if %cond3A_175 {
          %dma_wait3A_292 = arith.constant 0 : i32
          %dma_wait3A_293 = arith.constant 0 : i32
          %dma_wait3A_294 = tpu.memref_slice %arg10[%dma_wait3A_292, %dma_wait3A_293] : memref<40x128xi32, #tpu.memory_space<vmem>> -> memref<1x128xi32, #tpu.memory_space<vmem>>
          %dma_wait3A_295 = tpu.memref_squeeze %dma_wait3A_294 : memref<1x128xi32, #tpu.memory_space<vmem>> -> memref<128xi32, #tpu.memory_space<vmem>>
          %dma_wait3A_296 = arith.constant 0 : i32
          %dma_wait3A_297 = arith.constant 0 : i32
          %dma_wait3A_298 = tpu.memref_slice %arg15[%dma_wait3A_296, %dma_wait3A_297] : memref<10112x64xf32, #tpu.memory_space<vmem_shared>> -> memref<10112x64xf32, #tpu.memory_space<vmem_shared>>
          tpu.wait_indirect_dma semaphore(%arg23 : memref<!tpu.dma_semaphore, #tpu.memory_space<semaphore_mem>>) src(%arg13 : memref<128x64xf32, #tpu.memory_space<vmem>>) dst(%dma_wait3A_298 : memref<10112x64xf32, #tpu.memory_space<vmem_shared>>)
        } else {
        }
        %add3A_176 = arith.constant 2 : i32
        %add3A_177 = arith.addi %mul3A_171, %add3A_176 : i32
        %add3A_178 = arith.constant 0 : i32
        %add3A_179 = arith.addi %add3A_177, %add3A_178 : i32
        %dma_start3A_180 = arith.constant 0 : i32
        %dma_start3A_181 = tpu.memref_slice %arg9[%add3A_179, %dma_start3A_180] : memref<40x128xi32, #tpu.memory_space<vmem>> -> memref<1x128xi32, #tpu.memory_space<vmem>>
        %dma_start3A_182 = tpu.memref_squeeze %dma_start3A_181 : memref<1x128xi32, #tpu.memory_space<vmem>> -> memref<128xi32, #tpu.memory_space<vmem>>
        %dma_start3A_183 = arith.constant 0 : i32
        %dma_start3A_184 = arith.constant 0 : i32
        %dma_start3A_185 = tpu.memref_slice %arg16[%dma_start3A_183, %dma_start3A_184] : memref<10000x64xf32, #tpu.memory_space<vmem_shared>> -> memref<10000x64xf32, #tpu.memory_space<vmem_shared>>
        tpu.enqueue_indirect_dma source(%dma_start3A_185 : memref<10000x64xf32, #tpu.memory_space<vmem_shared>>) target(%arg13 : memref<128x64xf32, #tpu.memory_space<vmem>>) offsets(%dma_start3A_182 : memref<128xi32, #tpu.memory_space<vmem>>) semaphore(%arg19 : memref<!tpu.dma_semaphore, #tpu.memory_space<semaphore_mem>>)
        %gt3A_186 = arith.constant 0 : i32
        %gt3A_187 = arith.cmpi sgt, %scan3A_169, %gt3A_186 : i32
        %convert_element_type3A_188 = arith.extui %gt3A_187 : i1 to i32
        %cond3A_189 = arith.constant 0 : i32
        %cond3A_190 = arith.cmpi ne, %convert_element_type3A_188, %cond3A_189 : i32
        scf.if %cond3A_190 {
          %dma_wait3A_292 = arith.constant 0 : i32
          %dma_wait3A_293 = arith.constant 0 : i32
          %dma_wait3A_294 = tpu.memref_slice %arg10[%dma_wait3A_292, %dma_wait3A_293] : memref<40x128xi32, #tpu.memory_space<vmem>> -> memref<1x128xi32, #tpu.memory_space<vmem>>
          %dma_wait3A_295 = tpu.memref_squeeze %dma_wait3A_294 : memref<1x128xi32, #tpu.memory_space<vmem>> -> memref<128xi32, #tpu.memory_space<vmem>>
          %dma_wait3A_296 = arith.constant 0 : i32
          %dma_wait3A_297 = arith.constant 0 : i32
          %dma_wait3A_298 = tpu.memref_slice %arg15[%dma_wait3A_296, %dma_wait3A_297] : memref<10112x64xf32, #tpu.memory_space<vmem_shared>> -> memref<10112x64xf32, #tpu.memory_space<vmem_shared>>
          tpu.wait_indirect_dma semaphore(%arg24 : memref<!tpu.dma_semaphore, #tpu.memory_space<semaphore_mem>>) src(%arg14 : memref<128x64xf32, #tpu.memory_space<vmem>>) dst(%dma_wait3A_298 : memref<10112x64xf32, #tpu.memory_space<vmem_shared>>)
        } else {
        }
        %add3A_191 = arith.constant 2 : i32
        %add3A_192 = arith.addi %mul3A_171, %add3A_191 : i32
        %add3A_193 = arith.constant 1 : i32
        %add3A_194 = arith.addi %add3A_192, %add3A_193 : i32
        %dma_start3A_195 = arith.constant 0 : i32
        %dma_start3A_196 = tpu.memref_slice %arg9[%add3A_194, %dma_start3A_195] : memref<40x128xi32, #tpu.memory_space<vmem>> -> memref<1x128xi32, #tpu.memory_space<vmem>>
        %dma_start3A_197 = tpu.memref_squeeze %dma_start3A_196 : memref<1x128xi32, #tpu.memory_space<vmem>> -> memref<128xi32, #tpu.memory_space<vmem>>
        %dma_start3A_198 = arith.constant 0 : i32
        %dma_start3A_199 = arith.constant 0 : i32
        %dma_start3A_200 = tpu.memref_slice %arg16[%dma_start3A_198, %dma_start3A_199] : memref<10000x64xf32, #tpu.memory_space<vmem_shared>> -> memref<10000x64xf32, #tpu.memory_space<vmem_shared>>
        tpu.enqueue_indirect_dma source(%dma_start3A_200 : memref<10000x64xf32, #tpu.memory_space<vmem_shared>>) target(%arg14 : memref<128x64xf32, #tpu.memory_space<vmem>>) offsets(%dma_start3A_197 : memref<128xi32, #tpu.memory_space<vmem>>) semaphore(%arg20 : memref<!tpu.dma_semaphore, #tpu.memory_space<semaphore_mem>>)
        %dma_wait3A_201 = arith.constant 0 : i32
        %dma_wait3A_202 = arith.constant 0 : i32
        %dma_wait3A_203 = tpu.memref_slice %arg9[%dma_wait3A_201, %dma_wait3A_202] : memref<40x128xi32, #tpu.memory_space<vmem>> -> memref<1x128xi32, #tpu.memory_space<vmem>>
        %dma_wait3A_204 = tpu.memref_squeeze %dma_wait3A_203 : memref<1x128xi32, #tpu.memory_space<vmem>> -> memref<128xi32, #tpu.memory_space<vmem>>
        %dma_wait3A_205 = arith.constant 0 : i32
        %dma_wait3A_206 = arith.constant 0 : i32
        %dma_wait3A_207 = tpu.memref_slice %arg16[%dma_wait3A_205, %dma_wait3A_206] : memref<10000x64xf32, #tpu.memory_space<vmem_shared>> -> memref<10000x64xf32, #tpu.memory_space<vmem_shared>>
        tpu.wait_indirect_dma semaphore(%arg17 : memref<!tpu.dma_semaphore, #tpu.memory_space<semaphore_mem>>) src(%dma_wait3A_207 : memref<10000x64xf32, #tpu.memory_space<vmem_shared>>) dst(%arg11 : memref<128x64xf32, #tpu.memory_space<vmem>>)
        %add3A_208 = arith.constant 0 : i32
        %add3A_209 = arith.addi %mul3A_171, %add3A_208 : i32
        %dma_start3A_210 = arith.constant 0 : i32
        %dma_start3A_211 = tpu.memref_slice %arg10[%add3A_209, %dma_start3A_210] : memref<40x128xi32, #tpu.memory_space<vmem>> -> memref<1x128xi32, #tpu.memory_space<vmem>>
        %dma_start3A_212 = tpu.memref_squeeze %dma_start3A_211 : memref<1x128xi32, #tpu.memory_space<vmem>> -> memref<128xi32, #tpu.memory_space<vmem>>
        %dma_start3A_213 = arith.constant 0 : i32
        %dma_start3A_214 = arith.constant 0 : i32
        %dma_start3A_215 = tpu.memref_slice %arg15[%dma_start3A_213, %dma_start3A_214] : memref<10112x64xf32, #tpu.memory_space<vmem_shared>> -> memref<10112x64xf32, #tpu.memory_space<vmem_shared>>
        tpu.enqueue_indirect_dma source(%arg11 : memref<128x64xf32, #tpu.memory_space<vmem>>) target(%dma_start3A_215 : memref<10112x64xf32, #tpu.memory_space<vmem_shared>>) offsets(%dma_start3A_212 : memref<128xi32, #tpu.memory_space<vmem>>) semaphore(%arg21 : memref<!tpu.dma_semaphore, #tpu.memory_space<semaphore_mem>>) {add = true}
        %dma_wait3A_216 = arith.constant 0 : i32
        %dma_wait3A_217 = arith.constant 0 : i32
        %dma_wait3A_218 = tpu.memref_slice %arg9[%dma_wait3A_216, %dma_wait3A_217] : memref<40x128xi32, #tpu.memory_space<vmem>> -> memref<1x128xi32, #tpu.memory_space<vmem>>
        %dma_wait3A_219 = tpu.memref_squeeze %dma_wait3A_218 : memref<1x128xi32, #tpu.memory_space<vmem>> -> memref<128xi32, #tpu.memory_space<vmem>>
        %dma_wait3A_220 = arith.constant 0 : i32
        %dma_wait3A_221 = arith.constant 0 : i32
        %dma_wait3A_222 = tpu.memref_slice %arg16[%dma_wait3A_220, %dma_wait3A_221] : memref<10000x64xf32, #tpu.memory_space<vmem_shared>> -> memref<10000x64xf32, #tpu.memory_space<vmem_shared>>
        tpu.wait_indirect_dma semaphore(%arg18 : memref<!tpu.dma_semaphore, #tpu.memory_space<semaphore_mem>>) src(%dma_wait3A_222 : memref<10000x64xf32, #tpu.memory_space<vmem_shared>>) dst(%arg12 : memref<128x64xf32, #tpu.memory_space<vmem>>)
        %add3A_223 = arith.constant 1 : i32
        %add3A_224 = arith.addi %mul3A_171, %add3A_223 : i32
        %dma_start3A_225 = arith.constant 0 : i32
        %dma_start3A_226 = tpu.memref_slice %arg10[%add3A_224, %dma_start3A_225] : memref<40x128xi32, #tpu.memory_space<vmem>> -> memref<1x128xi32, #tpu.memory_space<vmem>>
        %dma_start3A_227 = tpu.memref_squeeze %dma_start3A_226 : memref<1x128xi32, #tpu.memory_space<vmem>> -> memref<128xi32, #tpu.memory_space<vmem>>
        %dma_start3A_228 = arith.constant 0 : i32
        %dma_start3A_229 = arith.constant 0 : i32
        %dma_start3A_230 = tpu.memref_slice %arg15[%dma_start3A_228, %dma_start3A_229] : memref<10112x64xf32, #tpu.memory_space<vmem_shared>> -> memref<10112x64xf32, #tpu.memory_space<vmem_shared>>
        tpu.enqueue_indirect_dma source(%arg12 : memref<128x64xf32, #tpu.memory_space<vmem>>) target(%dma_start3A_230 : memref<10112x64xf32, #tpu.memory_space<vmem_shared>>) offsets(%dma_start3A_227 : memref<128xi32, #tpu.memory_space<vmem>>) semaphore(%arg22 : memref<!tpu.dma_semaphore, #tpu.memory_space<semaphore_mem>>) {add = true}
        %dma_wait3A_231 = arith.constant 0 : i32
        %dma_wait3A_232 = arith.constant 0 : i32
        %dma_wait3A_233 = tpu.memref_slice %arg10[%dma_wait3A_231, %dma_wait3A_232] : memref<40x128xi32, #tpu.memory_space<vmem>> -> memref<1x128xi32, #tpu.memory_space<vmem>>
        %dma_wait3A_234 = tpu.memref_squeeze %dma_wait3A_233 : memref<1x128xi32, #tpu.memory_space<vmem>> -> memref<128xi32, #tpu.memory_space<vmem>>
        %dma_wait3A_235 = arith.constant 0 : i32
        %dma_wait3A_236 = arith.constant 0 : i32
        %dma_wait3A_237 = tpu.memref_slice %arg15[%dma_wait3A_235, %dma_wait3A_236] : memref<10112x64xf32, #tpu.memory_space<vmem_shared>> -> memref<10112x64xf32, #tpu.memory_space<vmem_shared>>
        tpu.wait_indirect_dma semaphore(%arg21 : memref<!tpu.dma_semaphore, #tpu.memory_space<semaphore_mem>>) src(%arg11 : memref<128x64xf32, #tpu.memory_space<vmem>>) dst(%dma_wait3A_237 : memref<10112x64xf32, #tpu.memory_space<vmem_shared>>)
        %add3A_238 = arith.constant 1 : i32
        %add3A_239 = arith.addi %scan3A_169, %add3A_238 : i32
        %lt3A = arith.constant 10 : i32
        %lt3A_240 = arith.cmpi slt, %add3A_239, %lt3A : i32
        %convert_element_type3A_241 = arith.extui %lt3A_240 : i1 to i32
        %cond3A_242 = arith.constant 0 : i32
        %cond3A_243 = arith.cmpi ne, %convert_element_type3A_241, %cond3A_242 : i32
        scf.if %cond3A_243 {
          %add3A_292 = arith.constant 4 : i32
          %add3A_293 = arith.addi %mul3A_171, %add3A_292 : i32
          %add3A_294 = arith.constant 0 : i32
          %add3A_295 = arith.addi %add3A_293, %add3A_294 : i32
          %dma_start3A_296 = arith.constant 0 : i32
          %dma_start3A_297 = tpu.memref_slice %arg9[%add3A_295, %dma_start3A_296] : memref<40x128xi32, #tpu.memory_space<vmem>> -> memref<1x128xi32, #tpu.memory_space<vmem>>
          %dma_start3A_298 = tpu.memref_squeeze %dma_start3A_297 : memref<1x128xi32, #tpu.memory_space<vmem>> -> memref<128xi32, #tpu.memory_space<vmem>>
          %dma_start3A_299 = arith.constant 0 : i32
          %dma_start3A_300 = arith.constant 0 : i32
          %dma_start3A_301 = tpu.memref_slice %arg16[%dma_start3A_299, %dma_start3A_300] : memref<10000x64xf32, #tpu.memory_space<vmem_shared>> -> memref<10000x64xf32, #tpu.memory_space<vmem_shared>>
          tpu.enqueue_indirect_dma source(%dma_start3A_301 : memref<10000x64xf32, #tpu.memory_space<vmem_shared>>) target(%arg11 : memref<128x64xf32, #tpu.memory_space<vmem>>) offsets(%dma_start3A_298 : memref<128xi32, #tpu.memory_space<vmem>>) semaphore(%arg17 : memref<!tpu.dma_semaphore, #tpu.memory_space<semaphore_mem>>)
        } else {
        }
        %dma_wait3A_244 = arith.constant 0 : i32
        %dma_wait3A_245 = arith.constant 0 : i32
        %dma_wait3A_246 = tpu.memref_slice %arg10[%dma_wait3A_244, %dma_wait3A_245] : memref<40x128xi32, #tpu.memory_space<vmem>> -> memref<1x128xi32, #tpu.memory_space<vmem>>
        %dma_wait3A_247 = tpu.memref_squeeze %dma_wait3A_246 : memref<1x128xi32, #tpu.memory_space<vmem>> -> memref<128xi32, #tpu.memory_space<vmem>>
        %dma_wait3A_248 = arith.constant 0 : i32
        %dma_wait3A_249 = arith.constant 0 : i32
        %dma_wait3A_250 = tpu.memref_slice %arg15[%dma_wait3A_248, %dma_wait3A_249] : memref<10112x64xf32, #tpu.memory_space<vmem_shared>> -> memref<10112x64xf32, #tpu.memory_space<vmem_shared>>
        tpu.wait_indirect_dma semaphore(%arg22 : memref<!tpu.dma_semaphore, #tpu.memory_space<semaphore_mem>>) src(%arg12 : memref<128x64xf32, #tpu.memory_space<vmem>>) dst(%dma_wait3A_250 : memref<10112x64xf32, #tpu.memory_space<vmem_shared>>)
        %add3A_251 = arith.constant 1 : i32
        %add3A_252 = arith.addi %scan3A_169, %add3A_251 : i32
        %lt3A_253 = arith.constant 10 : i32
        %lt3A_254 = arith.cmpi slt, %add3A_252, %lt3A_253 : i32
        %convert_element_type3A_255 = arith.extui %lt3A_254 : i1 to i32
        %cond3A_256 = arith.constant 0 : i32
        %cond3A_257 = arith.cmpi ne, %convert_element_type3A_255, %cond3A_256 : i32
        scf.if %cond3A_257 {
          %add3A_292 = arith.constant 4 : i32
          %add3A_293 = arith.addi %mul3A_171, %add3A_292 : i32
          %add3A_294 = arith.constant 1 : i32
          %add3A_295 = arith.addi %add3A_293, %add3A_294 : i32
          %dma_start3A_296 = arith.constant 0 : i32
          %dma_start3A_297 = tpu.memref_slice %arg9[%add3A_295, %dma_start3A_296] : memref<40x128xi32, #tpu.memory_space<vmem>> -> memref<1x128xi32, #tpu.memory_space<vmem>>
          %dma_start3A_298 = tpu.memref_squeeze %dma_start3A_297 : memref<1x128xi32, #tpu.memory_space<vmem>> -> memref<128xi32, #tpu.memory_space<vmem>>
          %dma_start3A_299 = arith.constant 0 : i32
          %dma_start3A_300 = arith.constant 0 : i32
          %dma_start3A_301 = tpu.memref_slice %arg16[%dma_start3A_299, %dma_start3A_300] : memref<10000x64xf32, #tpu.memory_space<vmem_shared>> -> memref<10000x64xf32, #tpu.memory_space<vmem_shared>>
          tpu.enqueue_indirect_dma source(%dma_start3A_301 : memref<10000x64xf32, #tpu.memory_space<vmem_shared>>) target(%arg12 : memref<128x64xf32, #tpu.memory_space<vmem>>) offsets(%dma_start3A_298 : memref<128xi32, #tpu.memory_space<vmem>>) semaphore(%arg18 : memref<!tpu.dma_semaphore, #tpu.memory_space<semaphore_mem>>)
        } else {
        }
        %dma_wait3A_258 = arith.constant 0 : i32
        %dma_wait3A_259 = arith.constant 0 : i32
        %dma_wait3A_260 = tpu.memref_slice %arg9[%dma_wait3A_258, %dma_wait3A_259] : memref<40x128xi32, #tpu.memory_space<vmem>> -> memref<1x128xi32, #tpu.memory_space<vmem>>
        %dma_wait3A_261 = tpu.memref_squeeze %dma_wait3A_260 : memref<1x128xi32, #tpu.memory_space<vmem>> -> memref<128xi32, #tpu.memory_space<vmem>>
        %dma_wait3A_262 = arith.constant 0 : i32
        %dma_wait3A_263 = arith.constant 0 : i32
        %dma_wait3A_264 = tpu.memref_slice %arg16[%dma_wait3A_262, %dma_wait3A_263] : memref<10000x64xf32, #tpu.memory_space<vmem_shared>> -> memref<10000x64xf32, #tpu.memory_space<vmem_shared>>
        tpu.wait_indirect_dma semaphore(%arg19 : memref<!tpu.dma_semaphore, #tpu.memory_space<semaphore_mem>>) src(%dma_wait3A_264 : memref<10000x64xf32, #tpu.memory_space<vmem_shared>>) dst(%arg13 : memref<128x64xf32, #tpu.memory_space<vmem>>)
        %add3A_265 = arith.constant 2 : i32
        %add3A_266 = arith.addi %mul3A_171, %add3A_265 : i32
        %add3A_267 = arith.constant 0 : i32
        %add3A_268 = arith.addi %add3A_266, %add3A_267 : i32
        %dma_start3A_269 = arith.constant 0 : i32
        %dma_start3A_270 = tpu.memref_slice %arg10[%add3A_268, %dma_start3A_269] : memref<40x128xi32, #tpu.memory_space<vmem>> -> memref<1x128xi32, #tpu.memory_space<vmem>>
        %dma_start3A_271 = tpu.memref_squeeze %dma_start3A_270 : memref<1x128xi32, #tpu.memory_space<vmem>> -> memref<128xi32, #tpu.memory_space<vmem>>
        %dma_start3A_272 = arith.constant 0 : i32
        %dma_start3A_273 = arith.constant 0 : i32
        %dma_start3A_274 = tpu.memref_slice %arg15[%dma_start3A_272, %dma_start3A_273] : memref<10112x64xf32, #tpu.memory_space<vmem_shared>> -> memref<10112x64xf32, #tpu.memory_space<vmem_shared>>
        tpu.enqueue_indirect_dma source(%arg13 : memref<128x64xf32, #tpu.memory_space<vmem>>) target(%dma_start3A_274 : memref<10112x64xf32, #tpu.memory_space<vmem_shared>>) offsets(%dma_start3A_271 : memref<128xi32, #tpu.memory_space<vmem>>) semaphore(%arg23 : memref<!tpu.dma_semaphore, #tpu.memory_space<semaphore_mem>>) {add = true}
        %dma_wait3A_275 = arith.constant 0 : i32
        %dma_wait3A_276 = arith.constant 0 : i32
        %dma_wait3A_277 = tpu.memref_slice %arg9[%dma_wait3A_275, %dma_wait3A_276] : memref<40x128xi32, #tpu.memory_space<vmem>> -> memref<1x128xi32, #tpu.memory_space<vmem>>
        %dma_wait3A_278 = tpu.memref_squeeze %dma_wait3A_277 : memref<1x128xi32, #tpu.memory_space<vmem>> -> memref<128xi32, #tpu.memory_space<vmem>>
        %dma_wait3A_279 = arith.constant 0 : i32
        %dma_wait3A_280 = arith.constant 0 : i32
        %dma_wait3A_281 = tpu.memref_slice %arg16[%dma_wait3A_279, %dma_wait3A_280] : memref<10000x64xf32, #tpu.memory_space<vmem_shared>> -> memref<10000x64xf32, #tpu.memory_space<vmem_shared>>
        tpu.wait_indirect_dma semaphore(%arg20 : memref<!tpu.dma_semaphore, #tpu.memory_space<semaphore_mem>>) src(%dma_wait3A_281 : memref<10000x64xf32, #tpu.memory_space<vmem_shared>>) dst(%arg14 : memref<128x64xf32, #tpu.memory_space<vmem>>)
        %add3A_282 = arith.constant 2 : i32
        %add3A_283 = arith.addi %mul3A_171, %add3A_282 : i32
        %add3A_284 = arith.constant 1 : i32
        %add3A_285 = arith.addi %add3A_283, %add3A_284 : i32
        %dma_start3A_286 = arith.constant 0 : i32
        %dma_start3A_287 = tpu.memref_slice %arg10[%add3A_285, %dma_start3A_286] : memref<40x128xi32, #tpu.memory_space<vmem>> -> memref<1x128xi32, #tpu.memory_space<vmem>>
        %dma_start3A_288 = tpu.memref_squeeze %dma_start3A_287 : memref<1x128xi32, #tpu.memory_space<vmem>> -> memref<128xi32, #tpu.memory_space<vmem>>
        %dma_start3A_289 = arith.constant 0 : i32
        %dma_start3A_290 = arith.constant 0 : i32
        %dma_start3A_291 = tpu.memref_slice %arg15[%dma_start3A_289, %dma_start3A_290] : memref<10112x64xf32, #tpu.memory_space<vmem_shared>> -> memref<10112x64xf32, #tpu.memory_space<vmem_shared>>
        tpu.enqueue_indirect_dma source(%arg14 : memref<128x64xf32, #tpu.memory_space<vmem>>) target(%dma_start3A_291 : memref<10112x64xf32, #tpu.memory_space<vmem_shared>>) offsets(%dma_start3A_288 : memref<128xi32, #tpu.memory_space<vmem>>) semaphore(%arg24 : memref<!tpu.dma_semaphore, #tpu.memory_space<semaphore_mem>>) {add = true}
      }
      %scan3A_149 = arith.constant 10 : i32
      %dma_wait3A_150 = arith.constant 0 : i32
      %dma_wait3A_151 = arith.constant 0 : i32
      %dma_wait3A_152 = tpu.memref_slice %arg10[%dma_wait3A_150, %dma_wait3A_151] : memref<40x128xi32, #tpu.memory_space<vmem>> -> memref<1x128xi32, #tpu.memory_space<vmem>>
      %dma_wait3A_153 = tpu.memref_squeeze %dma_wait3A_152 : memref<1x128xi32, #tpu.memory_space<vmem>> -> memref<128xi32, #tpu.memory_space<vmem>>
      %dma_wait3A_154 = arith.constant 0 : i32
      %dma_wait3A_155 = arith.constant 0 : i32
      %dma_wait3A_156 = tpu.memref_slice %arg15[%dma_wait3A_154, %dma_wait3A_155] : memref<10112x64xf32, #tpu.memory_space<vmem_shared>> -> memref<10112x64xf32, #tpu.memory_space<vmem_shared>>
      tpu.wait_indirect_dma semaphore(%arg23 : memref<!tpu.dma_semaphore, #tpu.memory_space<semaphore_mem>>) src(%arg13 : memref<128x64xf32, #tpu.memory_space<vmem>>) dst(%dma_wait3A_156 : memref<10112x64xf32, #tpu.memory_space<vmem_shared>>)
      %dma_wait3A_157 = arith.constant 0 : i32
      %dma_wait3A_158 = arith.constant 0 : i32
      %dma_wait3A_159 = tpu.memref_slice %arg10[%dma_wait3A_157, %dma_wait3A_158] : memref<40x128xi32, #tpu.memory_space<vmem>> -> memref<1x128xi32, #tpu.memory_space<vmem>>
      %dma_wait3A_160 = tpu.memref_squeeze %dma_wait3A_159 : memref<1x128xi32, #tpu.memory_space<vmem>> -> memref<128xi32, #tpu.memory_space<vmem>>
      %dma_wait3A_161 = arith.constant 0 : i32
      %dma_wait3A_162 = arith.constant 0 : i32
      %dma_wait3A_163 = tpu.memref_slice %arg15[%dma_wait3A_161, %dma_wait3A_162] : memref<10112x64xf32, #tpu.memory_space<vmem_shared>> -> memref<10112x64xf32, #tpu.memory_space<vmem_shared>>
      tpu.wait_indirect_dma semaphore(%arg24 : memref<!tpu.dma_semaphore, #tpu.memory_space<semaphore_mem>>) src(%arg14 : memref<128x64xf32, #tpu.memory_space<vmem>>) dst(%dma_wait3A_163 : memref<10112x64xf32, #tpu.memory_space<vmem_shared>>)
      %barrier3A_164 = arith.constant 0 : index
      tpu.barrier barrier_id(%barrier3A_164)
      %mul3A_165 = arith.constant 632 : i32
      %mul3A_166 = arith.muli %arg1, %mul3A_165 : i32
      %mul3A_167 = arith.constant 632 : i32
      %mul3A_168 = arith.muli %arg1, %mul3A_167 : i32
      "tpu.region"() ({
        %run_scoped3A = tpu.sem_alloc : memref<!tpu.dma_semaphore, #tpu.memory_space<semaphore_mem>>
        %dma_start3A_169 = arith.constant 0 : i32
        %dma_start3A_170 = tpu.memref_slice %arg7[%mul3A_168, %dma_start3A_169] : memref<10112x64xf32, #tpu.memory_space<hbm>> -> memref<632x64xf32, #tpu.memory_space<hbm>>
        %dma_start3A_171 = arith.constant 0 : i32
        %dma_start3A_172 = tpu.memref_slice %arg15[%mul3A_166, %dma_start3A_171] : memref<10112x64xf32, #tpu.memory_space<vmem_shared>> -> memref<632x64xf32, #tpu.memory_space<vmem_shared>>
        tpu.enqueue_dma source(%dma_start3A_172 : memref<632x64xf32, #tpu.memory_space<vmem_shared>>) target(%dma_start3A_170 : memref<632x64xf32, #tpu.memory_space<hbm>>) target_semaphore(%run_scoped3A : memref<!tpu.dma_semaphore, #tpu.memory_space<semaphore_mem>>)
        %dma_wait3A_173 = arith.constant 0 : i32
        %dma_wait3A_174 = tpu.memref_slice %arg7[%mul3A_168, %dma_wait3A_173] : memref<10112x64xf32, #tpu.memory_space<hbm>> -> memref<632x64xf32, #tpu.memory_space<hbm>>
        %dma_wait3A_175 = arith.constant 0 : i32
        %dma_wait3A_176 = tpu.memref_slice %arg15[%mul3A_166, %dma_wait3A_175] : memref<10112x64xf32, #tpu.memory_space<vmem_shared>> -> memref<632x64xf32, #tpu.memory_space<vmem_shared>>
        tpu.wait_dma2 semaphore(%run_scoped3A : memref<!tpu.dma_semaphore, #tpu.memory_space<semaphore_mem>>) src(%dma_wait3A_176 : memref<632x64xf32, #tpu.memory_space<vmem_shared>>) dst(%dma_wait3A_174 : memref<632x64xf32, #tpu.memory_space<hbm>>)
        tpu.yield
      }) : () -> ()
    } else {
    }
    %eq3A_2 = arith.constant 1 : i32
    %eq3A_3 = arith.cmpi eq, %arg0, %eq3A_2 : i32
    %convert_element_type3A_4 = arith.extui %eq3A_3 : i1 to i32
    %cond3A_5 = arith.constant 0 : i32
    %cond3A_6 = arith.cmpi ne, %convert_element_type3A_4, %cond3A_5 : i32
    scf.if %cond3A_6 {
      %eq3A_7 = arith.constant 0 : i32
      %eq3A_8 = arith.cmpi eq, %arg1, %eq3A_7 : i32
      %convert_element_type3A_9 = arith.extui %eq3A_8 : i1 to i32
      %cond3A_10 = arith.constant 0 : i32
      %cond3A_11 = arith.cmpi ne, %convert_element_type3A_9, %cond3A_10 : i32
      scf.if %cond3A_11 {
        "tpu.region"() ({
          %run_scoped3A = tpu.sem_alloc : memref<!tpu.dma_semaphore, #tpu.memory_space<semaphore_mem>>
          tpu.enqueue_dma source(%arg6 : memref<10112x64xf32, #tpu.memory_space<hbm>>) target(%arg15 : memref<10112x64xf32, #tpu.memory_space<vmem_shared>>) target_semaphore(%run_scoped3A : memref<!tpu.dma_semaphore, #tpu.memory_space<semaphore_mem>>)
          tpu.wait_dma2 semaphore(%run_scoped3A : memref<!tpu.dma_semaphore, #tpu.memory_space<semaphore_mem>>) src(%arg6 : memref<10112x64xf32, #tpu.memory_space<hbm>>) dst(%arg15 : memref<10112x64xf32, #tpu.memory_space<vmem_shared>>)
          tpu.yield
        }) : () -> ()
      } else {
      }
      %eq3A_12 = arith.constant 1 : i32
      %eq3A_13 = arith.cmpi eq, %arg1, %eq3A_12 : i32
      %convert_element_type3A_14 = arith.extui %eq3A_13 : i1 to i32
      %cond3A_15 = arith.constant 0 : i32
      %cond3A_16 = arith.cmpi ne, %convert_element_type3A_14, %cond3A_15 : i32
      scf.if %cond3A_16 {
        "tpu.region"() ({
          %run_scoped3A = tpu.sem_alloc : memref<!tpu.dma_semaphore, #tpu.memory_space<semaphore_mem>>
          tpu.enqueue_dma source(%arg5 : memref<10000x64xf32, #tpu.memory_space<hbm>>) target(%arg16 : memref<10000x64xf32, #tpu.memory_space<vmem_shared>>) target_semaphore(%run_scoped3A : memref<!tpu.dma_semaphore, #tpu.memory_space<semaphore_mem>>)
          tpu.wait_dma2 semaphore(%run_scoped3A : memref<!tpu.dma_semaphore, #tpu.memory_space<semaphore_mem>>) src(%arg5 : memref<10000x64xf32, #tpu.memory_space<hbm>>) dst(%arg16 : memref<10000x64xf32, #tpu.memory_space<vmem_shared>>)
          tpu.yield
        }) : () -> ()
      } else {
      }
      %barrier3A = arith.constant 0 : index
      tpu.barrier barrier_id(%barrier3A)
      %mul3A = arith.constant 160 : i32
      %mul3A_17 = arith.muli %arg1, %mul3A : i32
      %add3A = arith.constant 0 : i32
      %add3A_18 = arith.addi %mul3A_17, %add3A : i32
      "tpu.region"() ({
        %run_scoped3A = tpu.sem_alloc : memref<!tpu.dma_semaphore, #tpu.memory_space<semaphore_mem>>
        %dma_start3A_169 = arith.constant 0 : i32
        %dma_start3A_170 = tpu.memref_slice %arg2[%add3A_18, %dma_start3A_169] : memref<2560x128xi32, #tpu.memory_space<hbm>> -> memref<40x128xi32, #tpu.memory_space<hbm>>
        %dma_start3A_171 = arith.constant 0 : i32
        %dma_start3A_172 = tpu.memref_slice %arg2[%add3A_18, %dma_start3A_171] : memref<2560x128xi32, #tpu.memory_space<hbm>> -> memref<40x128xi32, #tpu.memory_space<hbm>>
        tpu.enqueue_dma source(%dma_start3A_172 : memref<40x128xi32, #tpu.memory_space<hbm>>) target(%arg9 : memref<40x128xi32, #tpu.memory_space<vmem>>) target_semaphore(%run_scoped3A : memref<!tpu.dma_semaphore, #tpu.memory_space<semaphore_mem>>)
        %dma_wait3A_173 = arith.constant 0 : i32
        %dma_wait3A_174 = tpu.memref_slice %arg2[%add3A_18, %dma_wait3A_173] : memref<2560x128xi32, #tpu.memory_space<hbm>> -> memref<40x128xi32, #tpu.memory_space<hbm>>
        %dma_wait3A_175 = arith.constant 0 : i32
        %dma_wait3A_176 = tpu.memref_slice %arg2[%add3A_18, %dma_wait3A_175] : memref<2560x128xi32, #tpu.memory_space<hbm>> -> memref<40x128xi32, #tpu.memory_space<hbm>>
        tpu.wait_dma2 semaphore(%run_scoped3A : memref<!tpu.dma_semaphore, #tpu.memory_space<semaphore_mem>>) src(%dma_wait3A_176 : memref<40x128xi32, #tpu.memory_space<hbm>>) dst(%arg9 : memref<40x128xi32, #tpu.memory_space<vmem>>)
        tpu.yield
      }) : () -> ()
      "tpu.region"() ({
        %run_scoped3A = tpu.sem_alloc : memref<!tpu.dma_semaphore, #tpu.memory_space<semaphore_mem>>
        %dma_start3A_169 = arith.constant 0 : i32
        %dma_start3A_170 = tpu.memref_slice %arg3[%add3A_18, %dma_start3A_169] : memref<2560x128xi32, #tpu.memory_space<hbm>> -> memref<40x128xi32, #tpu.memory_space<hbm>>
        %dma_start3A_171 = arith.constant 0 : i32
        %dma_start3A_172 = tpu.memref_slice %arg3[%add3A_18, %dma_start3A_171] : memref<2560x128xi32, #tpu.memory_space<hbm>> -> memref<40x128xi32, #tpu.memory_space<hbm>>
        tpu.enqueue_dma source(%dma_start3A_172 : memref<40x128xi32, #tpu.memory_space<hbm>>) target(%arg10 : memref<40x128xi32, #tpu.memory_space<vmem>>) target_semaphore(%run_scoped3A : memref<!tpu.dma_semaphore, #tpu.memory_space<semaphore_mem>>)
        %dma_wait3A_173 = arith.constant 0 : i32
        %dma_wait3A_174 = tpu.memref_slice %arg3[%add3A_18, %dma_wait3A_173] : memref<2560x128xi32, #tpu.memory_space<hbm>> -> memref<40x128xi32, #tpu.memory_space<hbm>>
        %dma_wait3A_175 = arith.constant 0 : i32
        %dma_wait3A_176 = tpu.memref_slice %arg3[%add3A_18, %dma_wait3A_175] : memref<2560x128xi32, #tpu.memory_space<hbm>> -> memref<40x128xi32, #tpu.memory_space<hbm>>
        tpu.wait_dma2 semaphore(%run_scoped3A : memref<!tpu.dma_semaphore, #tpu.memory_space<semaphore_mem>>) src(%dma_wait3A_176 : memref<40x128xi32, #tpu.memory_space<hbm>>) dst(%arg10 : memref<40x128xi32, #tpu.memory_space<vmem>>)
        tpu.yield
      }) : () -> ()
      %dma_start3A = arith.constant 0 : i32
      %dma_start3A_19 = arith.constant 0 : i32
      %dma_start3A_20 = tpu.memref_slice %arg9[%dma_start3A, %dma_start3A_19] : memref<40x128xi32, #tpu.memory_space<vmem>> -> memref<1x128xi32, #tpu.memory_space<vmem>>
      %dma_start3A_21 = tpu.memref_squeeze %dma_start3A_20 : memref<1x128xi32, #tpu.memory_space<vmem>> -> memref<128xi32, #tpu.memory_space<vmem>>
      %dma_start3A_22 = arith.constant 0 : i32
      %dma_start3A_23 = arith.constant 0 : i32
      %dma_start3A_24 = tpu.memref_slice %arg16[%dma_start3A_22, %dma_start3A_23] : memref<10000x64xf32, #tpu.memory_space<vmem_shared>> -> memref<10000x64xf32, #tpu.memory_space<vmem_shared>>
      tpu.enqueue_indirect_dma source(%dma_start3A_24 : memref<10000x64xf32, #tpu.memory_space<vmem_shared>>) target(%arg11 : memref<128x64xf32, #tpu.memory_space<vmem>>) offsets(%dma_start3A_21 : memref<128xi32, #tpu.memory_space<vmem>>) semaphore(%arg17 : memref<!tpu.dma_semaphore, #tpu.memory_space<semaphore_mem>>)
      %dma_start3A_25 = arith.constant 1 : i32
      %dma_start3A_26 = arith.constant 0 : i32
      %dma_start3A_27 = tpu.memref_slice %arg9[%dma_start3A_25, %dma_start3A_26] : memref<40x128xi32, #tpu.memory_space<vmem>> -> memref<1x128xi32, #tpu.memory_space<vmem>>
      %dma_start3A_28 = tpu.memref_squeeze %dma_start3A_27 : memref<1x128xi32, #tpu.memory_space<vmem>> -> memref<128xi32, #tpu.memory_space<vmem>>
      %dma_start3A_29 = arith.constant 0 : i32
      %dma_start3A_30 = arith.constant 0 : i32
      %dma_start3A_31 = tpu.memref_slice %arg16[%dma_start3A_29, %dma_start3A_30] : memref<10000x64xf32, #tpu.memory_space<vmem_shared>> -> memref<10000x64xf32, #tpu.memory_space<vmem_shared>>
      tpu.enqueue_indirect_dma source(%dma_start3A_31 : memref<10000x64xf32, #tpu.memory_space<vmem_shared>>) target(%arg12 : memref<128x64xf32, #tpu.memory_space<vmem>>) offsets(%dma_start3A_28 : memref<128xi32, #tpu.memory_space<vmem>>) semaphore(%arg18 : memref<!tpu.dma_semaphore, #tpu.memory_space<semaphore_mem>>)
      %scan3A = arith.constant 0 : i32
      %scan3A_32 = arith.constant 0 : i32
      %scan3A_33 = arith.constant 10 : i32
      %scan3A_34 = arith.addi %scan3A_32, %scan3A_33 : i32
      %scan3A_35 = arith.constant 1 : i32
      scf.for %scan3A_169 = %scan3A_32 to %scan3A_34 step %scan3A_35  : i32 {
        %mul3A_170 = arith.constant 4 : i32
        %mul3A_171 = arith.muli %mul3A_170, %scan3A_169 : i32
        %gt3A = arith.constant 0 : i32
        %gt3A_172 = arith.cmpi sgt, %scan3A_169, %gt3A : i32
        %convert_element_type3A_173 = arith.extui %gt3A_172 : i1 to i32
        %cond3A_174 = arith.constant 0 : i32
        %cond3A_175 = arith.cmpi ne, %convert_element_type3A_173, %cond3A_174 : i32
        scf.if %cond3A_175 {
          %dma_wait3A_292 = arith.constant 0 : i32
          %dma_wait3A_293 = arith.constant 0 : i32
          %dma_wait3A_294 = tpu.memref_slice %arg10[%dma_wait3A_292, %dma_wait3A_293] : memref<40x128xi32, #tpu.memory_space<vmem>> -> memref<1x128xi32, #tpu.memory_space<vmem>>
          %dma_wait3A_295 = tpu.memref_squeeze %dma_wait3A_294 : memref<1x128xi32, #tpu.memory_space<vmem>> -> memref<128xi32, #tpu.memory_space<vmem>>
          %dma_wait3A_296 = arith.constant 0 : i32
          %dma_wait3A_297 = arith.constant 0 : i32
          %dma_wait3A_298 = tpu.memref_slice %arg15[%dma_wait3A_296, %dma_wait3A_297] : memref<10112x64xf32, #tpu.memory_space<vmem_shared>> -> memref<10112x64xf32, #tpu.memory_space<vmem_shared>>
          tpu.wait_indirect_dma semaphore(%arg23 : memref<!tpu.dma_semaphore, #tpu.memory_space<semaphore_mem>>) src(%arg13 : memref<128x64xf32, #tpu.memory_space<vmem>>) dst(%dma_wait3A_298 : memref<10112x64xf32, #tpu.memory_space<vmem_shared>>)
        } else {
        }
        %add3A_176 = arith.constant 2 : i32
        %add3A_177 = arith.addi %mul3A_171, %add3A_176 : i32
        %add3A_178 = arith.constant 0 : i32
        %add3A_179 = arith.addi %add3A_177, %add3A_178 : i32
        %dma_start3A_180 = arith.constant 0 : i32
        %dma_start3A_181 = tpu.memref_slice %arg9[%add3A_179, %dma_start3A_180] : memref<40x128xi32, #tpu.memory_space<vmem>> -> memref<1x128xi32, #tpu.memory_space<vmem>>
        %dma_start3A_182 = tpu.memref_squeeze %dma_start3A_181 : memref<1x128xi32, #tpu.memory_space<vmem>> -> memref<128xi32, #tpu.memory_space<vmem>>
        %dma_start3A_183 = arith.constant 0 : i32
        %dma_start3A_184 = arith.constant 0 : i32
        %dma_start3A_185 = tpu.memref_slice %arg16[%dma_start3A_183, %dma_start3A_184] : memref<10000x64xf32, #tpu.memory_space<vmem_shared>> -> memref<10000x64xf32, #tpu.memory_space<vmem_shared>>
        tpu.enqueue_indirect_dma source(%dma_start3A_185 : memref<10000x64xf32, #tpu.memory_space<vmem_shared>>) target(%arg13 : memref<128x64xf32, #tpu.memory_space<vmem>>) offsets(%dma_start3A_182 : memref<128xi32, #tpu.memory_space<vmem>>) semaphore(%arg19 : memref<!tpu.dma_semaphore, #tpu.memory_space<semaphore_mem>>)
        %gt3A_186 = arith.constant 0 : i32
        %gt3A_187 = arith.cmpi sgt, %scan3A_169, %gt3A_186 : i32
        %convert_element_type3A_188 = arith.extui %gt3A_187 : i1 to i32
        %cond3A_189 = arith.constant 0 : i32
        %cond3A_190 = arith.cmpi ne, %convert_element_type3A_188, %cond3A_189 : i32
        scf.if %cond3A_190 {
          %dma_wait3A_292 = arith.constant 0 : i32
          %dma_wait3A_293 = arith.constant 0 : i32
          %dma_wait3A_294 = tpu.memref_slice %arg10[%dma_wait3A_292, %dma_wait3A_293] : memref<40x128xi32, #tpu.memory_space<vmem>> -> memref<1x128xi32, #tpu.memory_space<vmem>>
          %dma_wait3A_295 = tpu.memref_squeeze %dma_wait3A_294 : memref<1x128xi32, #tpu.memory_space<vmem>> -> memref<128xi32, #tpu.memory_space<vmem>>
          %dma_wait3A_296 = arith.constant 0 : i32
          %dma_wait3A_297 = arith.constant 0 : i32
          %dma_wait3A_298 = tpu.memref_slice %arg15[%dma_wait3A_296, %dma_wait3A_297] : memref<10112x64xf32, #tpu.memory_space<vmem_shared>> -> memref<10112x64xf32, #tpu.memory_space<vmem_shared>>
          tpu.wait_indirect_dma semaphore(%arg24 : memref<!tpu.dma_semaphore, #tpu.memory_space<semaphore_mem>>) src(%arg14 : memref<128x64xf32, #tpu.memory_space<vmem>>) dst(%dma_wait3A_298 : memref<10112x64xf32, #tpu.memory_space<vmem_shared>>)
        } else {
        }
        %add3A_191 = arith.constant 2 : i32
        %add3A_192 = arith.addi %mul3A_171, %add3A_191 : i32
        %add3A_193 = arith.constant 1 : i32
        %add3A_194 = arith.addi %add3A_192, %add3A_193 : i32
        %dma_start3A_195 = arith.constant 0 : i32
        %dma_start3A_196 = tpu.memref_slice %arg9[%add3A_194, %dma_start3A_195] : memref<40x128xi32, #tpu.memory_space<vmem>> -> memref<1x128xi32, #tpu.memory_space<vmem>>
        %dma_start3A_197 = tpu.memref_squeeze %dma_start3A_196 : memref<1x128xi32, #tpu.memory_space<vmem>> -> memref<128xi32, #tpu.memory_space<vmem>>
        %dma_start3A_198 = arith.constant 0 : i32
        %dma_start3A_199 = arith.constant 0 : i32
        %dma_start3A_200 = tpu.memref_slice %arg16[%dma_start3A_198, %dma_start3A_199] : memref<10000x64xf32, #tpu.memory_space<vmem_shared>> -> memref<10000x64xf32, #tpu.memory_space<vmem_shared>>
        tpu.enqueue_indirect_dma source(%dma_start3A_200 : memref<10000x64xf32, #tpu.memory_space<vmem_shared>>) target(%arg14 : memref<128x64xf32, #tpu.memory_space<vmem>>) offsets(%dma_start3A_197 : memref<128xi32, #tpu.memory_space<vmem>>) semaphore(%arg20 : memref<!tpu.dma_semaphore, #tpu.memory_space<semaphore_mem>>)
        %dma_wait3A_201 = arith.constant 0 : i32
        %dma_wait3A_202 = arith.constant 0 : i32
        %dma_wait3A_203 = tpu.memref_slice %arg9[%dma_wait3A_201, %dma_wait3A_202] : memref<40x128xi32, #tpu.memory_space<vmem>> -> memref<1x128xi32, #tpu.memory_space<vmem>>
        %dma_wait3A_204 = tpu.memref_squeeze %dma_wait3A_203 : memref<1x128xi32, #tpu.memory_space<vmem>> -> memref<128xi32, #tpu.memory_space<vmem>>
        %dma_wait3A_205 = arith.constant 0 : i32
        %dma_wait3A_206 = arith.constant 0 : i32
        %dma_wait3A_207 = tpu.memref_slice %arg16[%dma_wait3A_205, %dma_wait3A_206] : memref<10000x64xf32, #tpu.memory_space<vmem_shared>> -> memref<10000x64xf32, #tpu.memory_space<vmem_shared>>
        tpu.wait_indirect_dma semaphore(%arg17 : memref<!tpu.dma_semaphore, #tpu.memory_space<semaphore_mem>>) src(%dma_wait3A_207 : memref<10000x64xf32, #tpu.memory_space<vmem_shared>>) dst(%arg11 : memref<128x64xf32, #tpu.memory_space<vmem>>)
        %add3A_208 = arith.constant 0 : i32
        %add3A_209 = arith.addi %mul3A_171, %add3A_208 : i32
        %dma_start3A_210 = arith.constant 0 : i32
        %dma_start3A_211 = tpu.memref_slice %arg10[%add3A_209, %dma_start3A_210] : memref<40x128xi32, #tpu.memory_space<vmem>> -> memref<1x128xi32, #tpu.memory_space<vmem>>
        %dma_start3A_212 = tpu.memref_squeeze %dma_start3A_211 : memref<1x128xi32, #tpu.memory_space<vmem>> -> memref<128xi32, #tpu.memory_space<vmem>>
        %dma_start3A_213 = arith.constant 0 : i32
        %dma_start3A_214 = arith.constant 0 : i32
        %dma_start3A_215 = tpu.memref_slice %arg15[%dma_start3A_213, %dma_start3A_214] : memref<10112x64xf32, #tpu.memory_space<vmem_shared>> -> memref<10112x64xf32, #tpu.memory_space<vmem_shared>>
        tpu.enqueue_indirect_dma source(%arg11 : memref<128x64xf32, #tpu.memory_space<vmem>>) target(%dma_start3A_215 : memref<10112x64xf32, #tpu.memory_space<vmem_shared>>) offsets(%dma_start3A_212 : memref<128xi32, #tpu.memory_space<vmem>>) semaphore(%arg21 : memref<!tpu.dma_semaphore, #tpu.memory_space<semaphore_mem>>) {add = true}
        %dma_wait3A_216 = arith.constant 0 : i32
        %dma_wait3A_217 = arith.constant 0 : i32
        %dma_wait3A_218 = tpu.memref_slice %arg9[%dma_wait3A_216, %dma_wait3A_217] : memref<40x128xi32, #tpu.memory_space<vmem>> -> memref<1x128xi32, #tpu.memory_space<vmem>>
        %dma_wait3A_219 = tpu.memref_squeeze %dma_wait3A_218 : memref<1x128xi32, #tpu.memory_space<vmem>> -> memref<128xi32, #tpu.memory_space<vmem>>
        %dma_wait3A_220 = arith.constant 0 : i32
        %dma_wait3A_221 = arith.constant 0 : i32
        %dma_wait3A_222 = tpu.memref_slice %arg16[%dma_wait3A_220, %dma_wait3A_221] : memref<10000x64xf32, #tpu.memory_space<vmem_shared>> -> memref<10000x64xf32, #tpu.memory_space<vmem_shared>>
        tpu.wait_indirect_dma semaphore(%arg18 : memref<!tpu.dma_semaphore, #tpu.memory_space<semaphore_mem>>) src(%dma_wait3A_222 : memref<10000x64xf32, #tpu.memory_space<vmem_shared>>) dst(%arg12 : memref<128x64xf32, #tpu.memory_space<vmem>>)
        %add3A_223 = arith.constant 1 : i32
        %add3A_224 = arith.addi %mul3A_171, %add3A_223 : i32
        %dma_start3A_225 = arith.constant 0 : i32
        %dma_start3A_226 = tpu.memref_slice %arg10[%add3A_224, %dma_start3A_225] : memref<40x128xi32, #tpu.memory_space<vmem>> -> memref<1x128xi32, #tpu.memory_space<vmem>>
        %dma_start3A_227 = tpu.memref_squeeze %dma_start3A_226 : memref<1x128xi32, #tpu.memory_space<vmem>> -> memref<128xi32, #tpu.memory_space<vmem>>
        %dma_start3A_228 = arith.constant 0 : i32
        %dma_start3A_229 = arith.constant 0 : i32
        %dma_start3A_230 = tpu.memref_slice %arg15[%dma_start3A_228, %dma_start3A_229] : memref<10112x64xf32, #tpu.memory_space<vmem_shared>> -> memref<10112x64xf32, #tpu.memory_space<vmem_shared>>
        tpu.enqueue_indirect_dma source(%arg12 : memref<128x64xf32, #tpu.memory_space<vmem>>) target(%dma_start3A_230 : memref<10112x64xf32, #tpu.memory_space<vmem_shared>>) offsets(%dma_start3A_227 : memref<128xi32, #tpu.memory_space<vmem>>) semaphore(%arg22 : memref<!tpu.dma_semaphore, #tpu.memory_space<semaphore_mem>>) {add = true}
        %dma_wait3A_231 = arith.constant 0 : i32
        %dma_wait3A_232 = arith.constant 0 : i32
        %dma_wait3A_233 = tpu.memref_slice %arg10[%dma_wait3A_231, %dma_wait3A_232] : memref<40x128xi32, #tpu.memory_space<vmem>> -> memref<1x128xi32, #tpu.memory_space<vmem>>
        %dma_wait3A_234 = tpu.memref_squeeze %dma_wait3A_233 : memref<1x128xi32, #tpu.memory_space<vmem>> -> memref<128xi32, #tpu.memory_space<vmem>>
        %dma_wait3A_235 = arith.constant 0 : i32
        %dma_wait3A_236 = arith.constant 0 : i32
        %dma_wait3A_237 = tpu.memref_slice %arg15[%dma_wait3A_235, %dma_wait3A_236] : memref<10112x64xf32, #tpu.memory_space<vmem_shared>> -> memref<10112x64xf32, #tpu.memory_space<vmem_shared>>
        tpu.wait_indirect_dma semaphore(%arg21 : memref<!tpu.dma_semaphore, #tpu.memory_space<semaphore_mem>>) src(%arg11 : memref<128x64xf32, #tpu.memory_space<vmem>>) dst(%dma_wait3A_237 : memref<10112x64xf32, #tpu.memory_space<vmem_shared>>)
        %add3A_238 = arith.constant 1 : i32
        %add3A_239 = arith.addi %scan3A_169, %add3A_238 : i32
        %lt3A = arith.constant 10 : i32
        %lt3A_240 = arith.cmpi slt, %add3A_239, %lt3A : i32
        %convert_element_type3A_241 = arith.extui %lt3A_240 : i1 to i32
        %cond3A_242 = arith.constant 0 : i32
        %cond3A_243 = arith.cmpi ne, %convert_element_type3A_241, %cond3A_242 : i32
        scf.if %cond3A_243 {
          %add3A_292 = arith.constant 4 : i32
          %add3A_293 = arith.addi %mul3A_171, %add3A_292 : i32
          %add3A_294 = arith.constant 0 : i32
          %add3A_295 = arith.addi %add3A_293, %add3A_294 : i32
          %dma_start3A_296 = arith.constant 0 : i32
          %dma_start3A_297 = tpu.memref_slice %arg9[%add3A_295, %dma_start3A_296] : memref<40x128xi32, #tpu.memory_space<vmem>> -> memref<1x128xi32, #tpu.memory_space<vmem>>
          %dma_start3A_298 = tpu.memref_squeeze %dma_start3A_297 : memref<1x128xi32, #tpu.memory_space<vmem>> -> memref<128xi32, #tpu.memory_space<vmem>>
          %dma_start3A_299 = arith.constant 0 : i32
          %dma_start3A_300 = arith.constant 0 : i32
          %dma_start3A_301 = tpu.memref_slice %arg16[%dma_start3A_299, %dma_start3A_300] : memref<10000x64xf32, #tpu.memory_space<vmem_shared>> -> memref<10000x64xf32, #tpu.memory_space<vmem_shared>>
          tpu.enqueue_indirect_dma source(%dma_start3A_301 : memref<10000x64xf32, #tpu.memory_space<vmem_shared>>) target(%arg11 : memref<128x64xf32, #tpu.memory_space<vmem>>) offsets(%dma_start3A_298 : memref<128xi32, #tpu.memory_space<vmem>>) semaphore(%arg17 : memref<!tpu.dma_semaphore, #tpu.memory_space<semaphore_mem>>)
        } else {
        }
        %dma_wait3A_244 = arith.constant 0 : i32
        %dma_wait3A_245 = arith.constant 0 : i32
        %dma_wait3A_246 = tpu.memref_slice %arg10[%dma_wait3A_244, %dma_wait3A_245] : memref<40x128xi32, #tpu.memory_space<vmem>> -> memref<1x128xi32, #tpu.memory_space<vmem>>
        %dma_wait3A_247 = tpu.memref_squeeze %dma_wait3A_246 : memref<1x128xi32, #tpu.memory_space<vmem>> -> memref<128xi32, #tpu.memory_space<vmem>>
        %dma_wait3A_248 = arith.constant 0 : i32
        %dma_wait3A_249 = arith.constant 0 : i32
        %dma_wait3A_250 = tpu.memref_slice %arg15[%dma_wait3A_248, %dma_wait3A_249] : memref<10112x64xf32, #tpu.memory_space<vmem_shared>> -> memref<10112x64xf32, #tpu.memory_space<vmem_shared>>
        tpu.wait_indirect_dma semaphore(%arg22 : memref<!tpu.dma_semaphore, #tpu.memory_space<semaphore_mem>>) src(%arg12 : memref<128x64xf32, #tpu.memory_space<vmem>>) dst(%dma_wait3A_250 : memref<10112x64xf32, #tpu.memory_space<vmem_shared>>)
        %add3A_251 = arith.constant 1 : i32
        %add3A_252 = arith.addi %scan3A_169, %add3A_251 : i32
        %lt3A_253 = arith.constant 10 : i32
        %lt3A_254 = arith.cmpi slt, %add3A_252, %lt3A_253 : i32
        %convert_element_type3A_255 = arith.extui %lt3A_254 : i1 to i32
        %cond3A_256 = arith.constant 0 : i32
        %cond3A_257 = arith.cmpi ne, %convert_element_type3A_255, %cond3A_256 : i32
        scf.if %cond3A_257 {
          %add3A_292 = arith.constant 4 : i32
          %add3A_293 = arith.addi %mul3A_171, %add3A_292 : i32
          %add3A_294 = arith.constant 1 : i32
          %add3A_295 = arith.addi %add3A_293, %add3A_294 : i32
          %dma_start3A_296 = arith.constant 0 : i32
          %dma_start3A_297 = tpu.memref_slice %arg9[%add3A_295, %dma_start3A_296] : memref<40x128xi32, #tpu.memory_space<vmem>> -> memref<1x128xi32, #tpu.memory_space<vmem>>
          %dma_start3A_298 = tpu.memref_squeeze %dma_start3A_297 : memref<1x128xi32, #tpu.memory_space<vmem>> -> memref<128xi32, #tpu.memory_space<vmem>>
          %dma_start3A_299 = arith.constant 0 : i32
          %dma_start3A_300 = arith.constant 0 : i32
          %dma_start3A_301 = tpu.memref_slice %arg16[%dma_start3A_299, %dma_start3A_300] : memref<10000x64xf32, #tpu.memory_space<vmem_shared>> -> memref<10000x64xf32, #tpu.memory_space<vmem_shared>>
          tpu.enqueue_indirect_dma source(%dma_start3A_301 : memref<10000x64xf32, #tpu.memory_space<vmem_shared>>) target(%arg12 : memref<128x64xf32, #tpu.memory_space<vmem>>) offsets(%dma_start3A_298 : memref<128xi32, #tpu.memory_space<vmem>>) semaphore(%arg18 : memref<!tpu.dma_semaphore, #tpu.memory_space<semaphore_mem>>)
        } else {
        }
        %dma_wait3A_258 = arith.constant 0 : i32
        %dma_wait3A_259 = arith.constant 0 : i32
        %dma_wait3A_260 = tpu.memref_slice %arg9[%dma_wait3A_258, %dma_wait3A_259] : memref<40x128xi32, #tpu.memory_space<vmem>> -> memref<1x128xi32, #tpu.memory_space<vmem>>
        %dma_wait3A_261 = tpu.memref_squeeze %dma_wait3A_260 : memref<1x128xi32, #tpu.memory_space<vmem>> -> memref<128xi32, #tpu.memory_space<vmem>>
        %dma_wait3A_262 = arith.constant 0 : i32
        %dma_wait3A_263 = arith.constant 0 : i32
        %dma_wait3A_264 = tpu.memref_slice %arg16[%dma_wait3A_262, %dma_wait3A_263] : memref<10000x64xf32, #tpu.memory_space<vmem_shared>> -> memref<10000x64xf32, #tpu.memory_space<vmem_shared>>
        tpu.wait_indirect_dma semaphore(%arg19 : memref<!tpu.dma_semaphore, #tpu.memory_space<semaphore_mem>>) src(%dma_wait3A_264 : memref<10000x64xf32, #tpu.memory_space<vmem_shared>>) dst(%arg13 : memref<128x64xf32, #tpu.memory_space<vmem>>)
        %add3A_265 = arith.constant 2 : i32
        %add3A_266 = arith.addi %mul3A_171, %add3A_265 : i32
        %add3A_267 = arith.constant 0 : i32
        %add3A_268 = arith.addi %add3A_266, %add3A_267 : i32
        %dma_start3A_269 = arith.constant 0 : i32
        %dma_start3A_270 = tpu.memref_slice %arg10[%add3A_268, %dma_start3A_269] : memref<40x128xi32, #tpu.memory_space<vmem>> -> memref<1x128xi32, #tpu.memory_space<vmem>>
        %dma_start3A_271 = tpu.memref_squeeze %dma_start3A_270 : memref<1x128xi32, #tpu.memory_space<vmem>> -> memref<128xi32, #tpu.memory_space<vmem>>
        %dma_start3A_272 = arith.constant 0 : i32
        %dma_start3A_273 = arith.constant 0 : i32
        %dma_start3A_274 = tpu.memref_slice %arg15[%dma_start3A_272, %dma_start3A_273] : memref<10112x64xf32, #tpu.memory_space<vmem_shared>> -> memref<10112x64xf32, #tpu.memory_space<vmem_shared>>
        tpu.enqueue_indirect_dma source(%arg13 : memref<128x64xf32, #tpu.memory_space<vmem>>) target(%dma_start3A_274 : memref<10112x64xf32, #tpu.memory_space<vmem_shared>>) offsets(%dma_start3A_271 : memref<128xi32, #tpu.memory_space<vmem>>) semaphore(%arg23 : memref<!tpu.dma_semaphore, #tpu.memory_space<semaphore_mem>>) {add = true}
        %dma_wait3A_275 = arith.constant 0 : i32
        %dma_wait3A_276 = arith.constant 0 : i32
        %dma_wait3A_277 = tpu.memref_slice %arg9[%dma_wait3A_275, %dma_wait3A_276] : memref<40x128xi32, #tpu.memory_space<vmem>> -> memref<1x128xi32, #tpu.memory_space<vmem>>
        %dma_wait3A_278 = tpu.memref_squeeze %dma_wait3A_277 : memref<1x128xi32, #tpu.memory_space<vmem>> -> memref<128xi32, #tpu.memory_space<vmem>>
        %dma_wait3A_279 = arith.constant 0 : i32
        %dma_wait3A_280 = arith.constant 0 : i32
        %dma_wait3A_281 = tpu.memref_slice %arg16[%dma_wait3A_279, %dma_wait3A_280] : memref<10000x64xf32, #tpu.memory_space<vmem_shared>> -> memref<10000x64xf32, #tpu.memory_space<vmem_shared>>
        tpu.wait_indirect_dma semaphore(%arg20 : memref<!tpu.dma_semaphore, #tpu.memory_space<semaphore_mem>>) src(%dma_wait3A_281 : memref<10000x64xf32, #tpu.memory_space<vmem_shared>>) dst(%arg14 : memref<128x64xf32, #tpu.memory_space<vmem>>)
        %add3A_282 = arith.constant 2 : i32
        %add3A_283 = arith.addi %mul3A_171, %add3A_282 : i32
        %add3A_284 = arith.constant 1 : i32
        %add3A_285 = arith.addi %add3A_283, %add3A_284 : i32
        %dma_start3A_286 = arith.constant 0 : i32
        %dma_start3A_287 = tpu.memref_slice %arg10[%add3A_285, %dma_start3A_286] : memref<40x128xi32, #tpu.memory_space<vmem>> -> memref<1x128xi32, #tpu.memory_space<vmem>>
        %dma_start3A_288 = tpu.memref_squeeze %dma_start3A_287 : memref<1x128xi32, #tpu.memory_space<vmem>> -> memref<128xi32, #tpu.memory_space<vmem>>
        %dma_start3A_289 = arith.constant 0 : i32
        %dma_start3A_290 = arith.constant 0 : i32
        %dma_start3A_291 = tpu.memref_slice %arg15[%dma_start3A_289, %dma_start3A_290] : memref<10112x64xf32, #tpu.memory_space<vmem_shared>> -> memref<10112x64xf32, #tpu.memory_space<vmem_shared>>
        tpu.enqueue_indirect_dma source(%arg14 : memref<128x64xf32, #tpu.memory_space<vmem>>) target(%dma_start3A_291 : memref<10112x64xf32, #tpu.memory_space<vmem_shared>>) offsets(%dma_start3A_288 : memref<128xi32, #tpu.memory_space<vmem>>) semaphore(%arg24 : memref<!tpu.dma_semaphore, #tpu.memory_space<semaphore_mem>>) {add = true}
      }
      %scan3A_36 = arith.constant 10 : i32
      %dma_wait3A = arith.constant 0 : i32
      %dma_wait3A_37 = arith.constant 0 : i32
      %dma_wait3A_38 = tpu.memref_slice %arg10[%dma_wait3A, %dma_wait3A_37] : memref<40x128xi32, #tpu.memory_space<vmem>> -> memref<1x128xi32, #tpu.memory_space<vmem>>
      %dma_wait3A_39 = tpu.memref_squeeze %dma_wait3A_38 : memref<1x128xi32, #tpu.memory_space<vmem>> -> memref<128xi32, #tpu.memory_space<vmem>>
      %dma_wait3A_40 = arith.constant 0 : i32
      %dma_wait3A_41 = arith.constant 0 : i32
      %dma_wait3A_42 = tpu.memref_slice %arg15[%dma_wait3A_40, %dma_wait3A_41] : memref<10112x64xf32, #tpu.memory_space<vmem_shared>> -> memref<10112x64xf32, #tpu.memory_space<vmem_shared>>
      tpu.wait_indirect_dma semaphore(%arg23 : memref<!tpu.dma_semaphore, #tpu.memory_space<semaphore_mem>>) src(%arg13 : memref<128x64xf32, #tpu.memory_space<vmem>>) dst(%dma_wait3A_42 : memref<10112x64xf32, #tpu.memory_space<vmem_shared>>)
      %dma_wait3A_43 = arith.constant 0 : i32
      %dma_wait3A_44 = arith.constant 0 : i32
      %dma_wait3A_45 = tpu.memref_slice %arg10[%dma_wait3A_43, %dma_wait3A_44] : memref<40x128xi32, #tpu.memory_space<vmem>> -> memref<1x128xi32, #tpu.memory_space<vmem>>
      %dma_wait3A_46 = tpu.memref_squeeze %dma_wait3A_45 : memref<1x128xi32, #tpu.memory_space<vmem>> -> memref<128xi32, #tpu.memory_space<vmem>>
      %dma_wait3A_47 = arith.constant 0 : i32
      %dma_wait3A_48 = arith.constant 0 : i32
      %dma_wait3A_49 = tpu.memref_slice %arg15[%dma_wait3A_47, %dma_wait3A_48] : memref<10112x64xf32, #tpu.memory_space<vmem_shared>> -> memref<10112x64xf32, #tpu.memory_space<vmem_shared>>
      tpu.wait_indirect_dma semaphore(%arg24 : memref<!tpu.dma_semaphore, #tpu.memory_space<semaphore_mem>>) src(%arg14 : memref<128x64xf32, #tpu.memory_space<vmem>>) dst(%dma_wait3A_49 : memref<10112x64xf32, #tpu.memory_space<vmem_shared>>)
      %mul3A_50 = arith.constant 160 : i32
      %mul3A_51 = arith.muli %arg1, %mul3A_50 : i32
      %add3A_52 = arith.constant 40 : i32
      %add3A_53 = arith.addi %mul3A_51, %add3A_52 : i32
      "tpu.region"() ({
        %run_scoped3A = tpu.sem_alloc : memref<!tpu.dma_semaphore, #tpu.memory_space<semaphore_mem>>
        %dma_start3A_169 = arith.constant 0 : i32
        %dma_start3A_170 = tpu.memref_slice %arg2[%add3A_53, %dma_start3A_169] : memref<2560x128xi32, #tpu.memory_space<hbm>> -> memref<40x128xi32, #tpu.memory_space<hbm>>
        %dma_start3A_171 = arith.constant 0 : i32
        %dma_start3A_172 = tpu.memref_slice %arg2[%add3A_53, %dma_start3A_171] : memref<2560x128xi32, #tpu.memory_space<hbm>> -> memref<40x128xi32, #tpu.memory_space<hbm>>
        tpu.enqueue_dma source(%dma_start3A_172 : memref<40x128xi32, #tpu.memory_space<hbm>>) target(%arg9 : memref<40x128xi32, #tpu.memory_space<vmem>>) target_semaphore(%run_scoped3A : memref<!tpu.dma_semaphore, #tpu.memory_space<semaphore_mem>>)
        %dma_wait3A_173 = arith.constant 0 : i32
        %dma_wait3A_174 = tpu.memref_slice %arg2[%add3A_53, %dma_wait3A_173] : memref<2560x128xi32, #tpu.memory_space<hbm>> -> memref<40x128xi32, #tpu.memory_space<hbm>>
        %dma_wait3A_175 = arith.constant 0 : i32
        %dma_wait3A_176 = tpu.memref_slice %arg2[%add3A_53, %dma_wait3A_175] : memref<2560x128xi32, #tpu.memory_space<hbm>> -> memref<40x128xi32, #tpu.memory_space<hbm>>
        tpu.wait_dma2 semaphore(%run_scoped3A : memref<!tpu.dma_semaphore, #tpu.memory_space<semaphore_mem>>) src(%dma_wait3A_176 : memref<40x128xi32, #tpu.memory_space<hbm>>) dst(%arg9 : memref<40x128xi32, #tpu.memory_space<vmem>>)
        tpu.yield
      }) : () -> ()
      "tpu.region"() ({
        %run_scoped3A = tpu.sem_alloc : memref<!tpu.dma_semaphore, #tpu.memory_space<semaphore_mem>>
        %dma_start3A_169 = arith.constant 0 : i32
        %dma_start3A_170 = tpu.memref_slice %arg3[%add3A_53, %dma_start3A_169] : memref<2560x128xi32, #tpu.memory_space<hbm>> -> memref<40x128xi32, #tpu.memory_space<hbm>>
        %dma_start3A_171 = arith.constant 0 : i32
        %dma_start3A_172 = tpu.memref_slice %arg3[%add3A_53, %dma_start3A_171] : memref<2560x128xi32, #tpu.memory_space<hbm>> -> memref<40x128xi32, #tpu.memory_space<hbm>>
        tpu.enqueue_dma source(%dma_start3A_172 : memref<40x128xi32, #tpu.memory_space<hbm>>) target(%arg10 : memref<40x128xi32, #tpu.memory_space<vmem>>) target_semaphore(%run_scoped3A : memref<!tpu.dma_semaphore, #tpu.memory_space<semaphore_mem>>)
        %dma_wait3A_173 = arith.constant 0 : i32
        %dma_wait3A_174 = tpu.memref_slice %arg3[%add3A_53, %dma_wait3A_173] : memref<2560x128xi32, #tpu.memory_space<hbm>> -> memref<40x128xi32, #tpu.memory_space<hbm>>
        %dma_wait3A_175 = arith.constant 0 : i32
        %dma_wait3A_176 = tpu.memref_slice %arg3[%add3A_53, %dma_wait3A_175] : memref<2560x128xi32, #tpu.memory_space<hbm>> -> memref<40x128xi32, #tpu.memory_space<hbm>>
        tpu.wait_dma2 semaphore(%run_scoped3A : memref<!tpu.dma_semaphore, #tpu.memory_space<semaphore_mem>>) src(%dma_wait3A_176 : memref<40x128xi32, #tpu.memory_space<hbm>>) dst(%arg10 : memref<40x128xi32, #tpu.memory_space<vmem>>)
        tpu.yield
      }) : () -> ()
      %dma_start3A_54 = arith.constant 0 : i32
      %dma_start3A_55 = arith.constant 0 : i32
      %dma_start3A_56 = tpu.memref_slice %arg9[%dma_start3A_54, %dma_start3A_55] : memref<40x128xi32, #tpu.memory_space<vmem>> -> memref<1x128xi32, #tpu.memory_space<vmem>>
      %dma_start3A_57 = tpu.memref_squeeze %dma_start3A_56 : memref<1x128xi32, #tpu.memory_space<vmem>> -> memref<128xi32, #tpu.memory_space<vmem>>
      %dma_start3A_58 = arith.constant 0 : i32
      %dma_start3A_59 = arith.constant 0 : i32
      %dma_start3A_60 = tpu.memref_slice %arg16[%dma_start3A_58, %dma_start3A_59] : memref<10000x64xf32, #tpu.memory_space<vmem_shared>> -> memref<10000x64xf32, #tpu.memory_space<vmem_shared>>
      tpu.enqueue_indirect_dma source(%dma_start3A_60 : memref<10000x64xf32, #tpu.memory_space<vmem_shared>>) target(%arg11 : memref<128x64xf32, #tpu.memory_space<vmem>>) offsets(%dma_start3A_57 : memref<128xi32, #tpu.memory_space<vmem>>) semaphore(%arg17 : memref<!tpu.dma_semaphore, #tpu.memory_space<semaphore_mem>>)
      %dma_start3A_61 = arith.constant 1 : i32
      %dma_start3A_62 = arith.constant 0 : i32
      %dma_start3A_63 = tpu.memref_slice %arg9[%dma_start3A_61, %dma_start3A_62] : memref<40x128xi32, #tpu.memory_space<vmem>> -> memref<1x128xi32, #tpu.memory_space<vmem>>
      %dma_start3A_64 = tpu.memref_squeeze %dma_start3A_63 : memref<1x128xi32, #tpu.memory_space<vmem>> -> memref<128xi32, #tpu.memory_space<vmem>>
      %dma_start3A_65 = arith.constant 0 : i32
      %dma_start3A_66 = arith.constant 0 : i32
      %dma_start3A_67 = tpu.memref_slice %arg16[%dma_start3A_65, %dma_start3A_66] : memref<10000x64xf32, #tpu.memory_space<vmem_shared>> -> memref<10000x64xf32, #tpu.memory_space<vmem_shared>>
      tpu.enqueue_indirect_dma source(%dma_start3A_67 : memref<10000x64xf32, #tpu.memory_space<vmem_shared>>) target(%arg12 : memref<128x64xf32, #tpu.memory_space<vmem>>) offsets(%dma_start3A_64 : memref<128xi32, #tpu.memory_space<vmem>>) semaphore(%arg18 : memref<!tpu.dma_semaphore, #tpu.memory_space<semaphore_mem>>)
      %scan3A_68 = arith.constant 0 : i32
      %scan3A_69 = arith.constant 0 : i32
      %scan3A_70 = arith.constant 10 : i32
      %scan3A_71 = arith.addi %scan3A_69, %scan3A_70 : i32
      %scan3A_72 = arith.constant 1 : i32
      scf.for %scan3A_169 = %scan3A_69 to %scan3A_71 step %scan3A_72  : i32 {
        %mul3A_170 = arith.constant 4 : i32
        %mul3A_171 = arith.muli %mul3A_170, %scan3A_169 : i32
        %gt3A = arith.constant 0 : i32
        %gt3A_172 = arith.cmpi sgt, %scan3A_169, %gt3A : i32
        %convert_element_type3A_173 = arith.extui %gt3A_172 : i1 to i32
        %cond3A_174 = arith.constant 0 : i32
        %cond3A_175 = arith.cmpi ne, %convert_element_type3A_173, %cond3A_174 : i32
        scf.if %cond3A_175 {
          %dma_wait3A_292 = arith.constant 0 : i32
          %dma_wait3A_293 = arith.constant 0 : i32
          %dma_wait3A_294 = tpu.memref_slice %arg10[%dma_wait3A_292, %dma_wait3A_293] : memref<40x128xi32, #tpu.memory_space<vmem>> -> memref<1x128xi32, #tpu.memory_space<vmem>>
          %dma_wait3A_295 = tpu.memref_squeeze %dma_wait3A_294 : memref<1x128xi32, #tpu.memory_space<vmem>> -> memref<128xi32, #tpu.memory_space<vmem>>
          %dma_wait3A_296 = arith.constant 0 : i32
          %dma_wait3A_297 = arith.constant 0 : i32
          %dma_wait3A_298 = tpu.memref_slice %arg15[%dma_wait3A_296, %dma_wait3A_297] : memref<10112x64xf32, #tpu.memory_space<vmem_shared>> -> memref<10112x64xf32, #tpu.memory_space<vmem_shared>>
          tpu.wait_indirect_dma semaphore(%arg23 : memref<!tpu.dma_semaphore, #tpu.memory_space<semaphore_mem>>) src(%arg13 : memref<128x64xf32, #tpu.memory_space<vmem>>) dst(%dma_wait3A_298 : memref<10112x64xf32, #tpu.memory_space<vmem_shared>>)
        } else {
        }
        %add3A_176 = arith.constant 2 : i32
        %add3A_177 = arith.addi %mul3A_171, %add3A_176 : i32
        %add3A_178 = arith.constant 0 : i32
        %add3A_179 = arith.addi %add3A_177, %add3A_178 : i32
        %dma_start3A_180 = arith.constant 0 : i32
        %dma_start3A_181 = tpu.memref_slice %arg9[%add3A_179, %dma_start3A_180] : memref<40x128xi32, #tpu.memory_space<vmem>> -> memref<1x128xi32, #tpu.memory_space<vmem>>
        %dma_start3A_182 = tpu.memref_squeeze %dma_start3A_181 : memref<1x128xi32, #tpu.memory_space<vmem>> -> memref<128xi32, #tpu.memory_space<vmem>>
        %dma_start3A_183 = arith.constant 0 : i32
        %dma_start3A_184 = arith.constant 0 : i32
        %dma_start3A_185 = tpu.memref_slice %arg16[%dma_start3A_183, %dma_start3A_184] : memref<10000x64xf32, #tpu.memory_space<vmem_shared>> -> memref<10000x64xf32, #tpu.memory_space<vmem_shared>>
        tpu.enqueue_indirect_dma source(%dma_start3A_185 : memref<10000x64xf32, #tpu.memory_space<vmem_shared>>) target(%arg13 : memref<128x64xf32, #tpu.memory_space<vmem>>) offsets(%dma_start3A_182 : memref<128xi32, #tpu.memory_space<vmem>>) semaphore(%arg19 : memref<!tpu.dma_semaphore, #tpu.memory_space<semaphore_mem>>)
        %gt3A_186 = arith.constant 0 : i32
        %gt3A_187 = arith.cmpi sgt, %scan3A_169, %gt3A_186 : i32
        %convert_element_type3A_188 = arith.extui %gt3A_187 : i1 to i32
        %cond3A_189 = arith.constant 0 : i32
        %cond3A_190 = arith.cmpi ne, %convert_element_type3A_188, %cond3A_189 : i32
        scf.if %cond3A_190 {
          %dma_wait3A_292 = arith.constant 0 : i32
          %dma_wait3A_293 = arith.constant 0 : i32
          %dma_wait3A_294 = tpu.memref_slice %arg10[%dma_wait3A_292, %dma_wait3A_293] : memref<40x128xi32, #tpu.memory_space<vmem>> -> memref<1x128xi32, #tpu.memory_space<vmem>>
          %dma_wait3A_295 = tpu.memref_squeeze %dma_wait3A_294 : memref<1x128xi32, #tpu.memory_space<vmem>> -> memref<128xi32, #tpu.memory_space<vmem>>
          %dma_wait3A_296 = arith.constant 0 : i32
          %dma_wait3A_297 = arith.constant 0 : i32
          %dma_wait3A_298 = tpu.memref_slice %arg15[%dma_wait3A_296, %dma_wait3A_297] : memref<10112x64xf32, #tpu.memory_space<vmem_shared>> -> memref<10112x64xf32, #tpu.memory_space<vmem_shared>>
          tpu.wait_indirect_dma semaphore(%arg24 : memref<!tpu.dma_semaphore, #tpu.memory_space<semaphore_mem>>) src(%arg14 : memref<128x64xf32, #tpu.memory_space<vmem>>) dst(%dma_wait3A_298 : memref<10112x64xf32, #tpu.memory_space<vmem_shared>>)
        } else {
        }
        %add3A_191 = arith.constant 2 : i32
        %add3A_192 = arith.addi %mul3A_171, %add3A_191 : i32
        %add3A_193 = arith.constant 1 : i32
        %add3A_194 = arith.addi %add3A_192, %add3A_193 : i32
        %dma_start3A_195 = arith.constant 0 : i32
        %dma_start3A_196 = tpu.memref_slice %arg9[%add3A_194, %dma_start3A_195] : memref<40x128xi32, #tpu.memory_space<vmem>> -> memref<1x128xi32, #tpu.memory_space<vmem>>
        %dma_start3A_197 = tpu.memref_squeeze %dma_start3A_196 : memref<1x128xi32, #tpu.memory_space<vmem>> -> memref<128xi32, #tpu.memory_space<vmem>>
        %dma_start3A_198 = arith.constant 0 : i32
        %dma_start3A_199 = arith.constant 0 : i32
        %dma_start3A_200 = tpu.memref_slice %arg16[%dma_start3A_198, %dma_start3A_199] : memref<10000x64xf32, #tpu.memory_space<vmem_shared>> -> memref<10000x64xf32, #tpu.memory_space<vmem_shared>>
        tpu.enqueue_indirect_dma source(%dma_start3A_200 : memref<10000x64xf32, #tpu.memory_space<vmem_shared>>) target(%arg14 : memref<128x64xf32, #tpu.memory_space<vmem>>) offsets(%dma_start3A_197 : memref<128xi32, #tpu.memory_space<vmem>>) semaphore(%arg20 : memref<!tpu.dma_semaphore, #tpu.memory_space<semaphore_mem>>)
        %dma_wait3A_201 = arith.constant 0 : i32
        %dma_wait3A_202 = arith.constant 0 : i32
        %dma_wait3A_203 = tpu.memref_slice %arg9[%dma_wait3A_201, %dma_wait3A_202] : memref<40x128xi32, #tpu.memory_space<vmem>> -> memref<1x128xi32, #tpu.memory_space<vmem>>
        %dma_wait3A_204 = tpu.memref_squeeze %dma_wait3A_203 : memref<1x128xi32, #tpu.memory_space<vmem>> -> memref<128xi32, #tpu.memory_space<vmem>>
        %dma_wait3A_205 = arith.constant 0 : i32
        %dma_wait3A_206 = arith.constant 0 : i32
        %dma_wait3A_207 = tpu.memref_slice %arg16[%dma_wait3A_205, %dma_wait3A_206] : memref<10000x64xf32, #tpu.memory_space<vmem_shared>> -> memref<10000x64xf32, #tpu.memory_space<vmem_shared>>
        tpu.wait_indirect_dma semaphore(%arg17 : memref<!tpu.dma_semaphore, #tpu.memory_space<semaphore_mem>>) src(%dma_wait3A_207 : memref<10000x64xf32, #tpu.memory_space<vmem_shared>>) dst(%arg11 : memref<128x64xf32, #tpu.memory_space<vmem>>)
        %add3A_208 = arith.constant 0 : i32
        %add3A_209 = arith.addi %mul3A_171, %add3A_208 : i32
        %dma_start3A_210 = arith.constant 0 : i32
        %dma_start3A_211 = tpu.memref_slice %arg10[%add3A_209, %dma_start3A_210] : memref<40x128xi32, #tpu.memory_space<vmem>> -> memref<1x128xi32, #tpu.memory_space<vmem>>
        %dma_start3A_212 = tpu.memref_squeeze %dma_start3A_211 : memref<1x128xi32, #tpu.memory_space<vmem>> -> memref<128xi32, #tpu.memory_space<vmem>>
        %dma_start3A_213 = arith.constant 0 : i32
        %dma_start3A_214 = arith.constant 0 : i32
        %dma_start3A_215 = tpu.memref_slice %arg15[%dma_start3A_213, %dma_start3A_214] : memref<10112x64xf32, #tpu.memory_space<vmem_shared>> -> memref<10112x64xf32, #tpu.memory_space<vmem_shared>>
        tpu.enqueue_indirect_dma source(%arg11 : memref<128x64xf32, #tpu.memory_space<vmem>>) target(%dma_start3A_215 : memref<10112x64xf32, #tpu.memory_space<vmem_shared>>) offsets(%dma_start3A_212 : memref<128xi32, #tpu.memory_space<vmem>>) semaphore(%arg21 : memref<!tpu.dma_semaphore, #tpu.memory_space<semaphore_mem>>) {add = true}
        %dma_wait3A_216 = arith.constant 0 : i32
        %dma_wait3A_217 = arith.constant 0 : i32
        %dma_wait3A_218 = tpu.memref_slice %arg9[%dma_wait3A_216, %dma_wait3A_217] : memref<40x128xi32, #tpu.memory_space<vmem>> -> memref<1x128xi32, #tpu.memory_space<vmem>>
        %dma_wait3A_219 = tpu.memref_squeeze %dma_wait3A_218 : memref<1x128xi32, #tpu.memory_space<vmem>> -> memref<128xi32, #tpu.memory_space<vmem>>
        %dma_wait3A_220 = arith.constant 0 : i32
        %dma_wait3A_221 = arith.constant 0 : i32
        %dma_wait3A_222 = tpu.memref_slice %arg16[%dma_wait3A_220, %dma_wait3A_221] : memref<10000x64xf32, #tpu.memory_space<vmem_shared>> -> memref<10000x64xf32, #tpu.memory_space<vmem_shared>>
        tpu.wait_indirect_dma semaphore(%arg18 : memref<!tpu.dma_semaphore, #tpu.memory_space<semaphore_mem>>) src(%dma_wait3A_222 : memref<10000x64xf32, #tpu.memory_space<vmem_shared>>) dst(%arg12 : memref<128x64xf32, #tpu.memory_space<vmem>>)
        %add3A_223 = arith.constant 1 : i32
        %add3A_224 = arith.addi %mul3A_171, %add3A_223 : i32
        %dma_start3A_225 = arith.constant 0 : i32
        %dma_start3A_226 = tpu.memref_slice %arg10[%add3A_224, %dma_start3A_225] : memref<40x128xi32, #tpu.memory_space<vmem>> -> memref<1x128xi32, #tpu.memory_space<vmem>>
        %dma_start3A_227 = tpu.memref_squeeze %dma_start3A_226 : memref<1x128xi32, #tpu.memory_space<vmem>> -> memref<128xi32, #tpu.memory_space<vmem>>
        %dma_start3A_228 = arith.constant 0 : i32
        %dma_start3A_229 = arith.constant 0 : i32
        %dma_start3A_230 = tpu.memref_slice %arg15[%dma_start3A_228, %dma_start3A_229] : memref<10112x64xf32, #tpu.memory_space<vmem_shared>> -> memref<10112x64xf32, #tpu.memory_space<vmem_shared>>
        tpu.enqueue_indirect_dma source(%arg12 : memref<128x64xf32, #tpu.memory_space<vmem>>) target(%dma_start3A_230 : memref<10112x64xf32, #tpu.memory_space<vmem_shared>>) offsets(%dma_start3A_227 : memref<128xi32, #tpu.memory_space<vmem>>) semaphore(%arg22 : memref<!tpu.dma_semaphore, #tpu.memory_space<semaphore_mem>>) {add = true}
        %dma_wait3A_231 = arith.constant 0 : i32
        %dma_wait3A_232 = arith.constant 0 : i32
        %dma_wait3A_233 = tpu.memref_slice %arg10[%dma_wait3A_231, %dma_wait3A_232] : memref<40x128xi32, #tpu.memory_space<vmem>> -> memref<1x128xi32, #tpu.memory_space<vmem>>
        %dma_wait3A_234 = tpu.memref_squeeze %dma_wait3A_233 : memref<1x128xi32, #tpu.memory_space<vmem>> -> memref<128xi32, #tpu.memory_space<vmem>>
        %dma_wait3A_235 = arith.constant 0 : i32
        %dma_wait3A_236 = arith.constant 0 : i32
        %dma_wait3A_237 = tpu.memref_slice %arg15[%dma_wait3A_235, %dma_wait3A_236] : memref<10112x64xf32, #tpu.memory_space<vmem_shared>> -> memref<10112x64xf32, #tpu.memory_space<vmem_shared>>
        tpu.wait_indirect_dma semaphore(%arg21 : memref<!tpu.dma_semaphore, #tpu.memory_space<semaphore_mem>>) src(%arg11 : memref<128x64xf32, #tpu.memory_space<vmem>>) dst(%dma_wait3A_237 : memref<10112x64xf32, #tpu.memory_space<vmem_shared>>)
        %add3A_238 = arith.constant 1 : i32
        %add3A_239 = arith.addi %scan3A_169, %add3A_238 : i32
        %lt3A = arith.constant 10 : i32
        %lt3A_240 = arith.cmpi slt, %add3A_239, %lt3A : i32
        %convert_element_type3A_241 = arith.extui %lt3A_240 : i1 to i32
        %cond3A_242 = arith.constant 0 : i32
        %cond3A_243 = arith.cmpi ne, %convert_element_type3A_241, %cond3A_242 : i32
        scf.if %cond3A_243 {
          %add3A_292 = arith.constant 4 : i32
          %add3A_293 = arith.addi %mul3A_171, %add3A_292 : i32
          %add3A_294 = arith.constant 0 : i32
          %add3A_295 = arith.addi %add3A_293, %add3A_294 : i32
          %dma_start3A_296 = arith.constant 0 : i32
          %dma_start3A_297 = tpu.memref_slice %arg9[%add3A_295, %dma_start3A_296] : memref<40x128xi32, #tpu.memory_space<vmem>> -> memref<1x128xi32, #tpu.memory_space<vmem>>
          %dma_start3A_298 = tpu.memref_squeeze %dma_start3A_297 : memref<1x128xi32, #tpu.memory_space<vmem>> -> memref<128xi32, #tpu.memory_space<vmem>>
          %dma_start3A_299 = arith.constant 0 : i32
          %dma_start3A_300 = arith.constant 0 : i32
          %dma_start3A_301 = tpu.memref_slice %arg16[%dma_start3A_299, %dma_start3A_300] : memref<10000x64xf32, #tpu.memory_space<vmem_shared>> -> memref<10000x64xf32, #tpu.memory_space<vmem_shared>>
          tpu.enqueue_indirect_dma source(%dma_start3A_301 : memref<10000x64xf32, #tpu.memory_space<vmem_shared>>) target(%arg11 : memref<128x64xf32, #tpu.memory_space<vmem>>) offsets(%dma_start3A_298 : memref<128xi32, #tpu.memory_space<vmem>>) semaphore(%arg17 : memref<!tpu.dma_semaphore, #tpu.memory_space<semaphore_mem>>)
        } else {
        }
        %dma_wait3A_244 = arith.constant 0 : i32
        %dma_wait3A_245 = arith.constant 0 : i32
        %dma_wait3A_246 = tpu.memref_slice %arg10[%dma_wait3A_244, %dma_wait3A_245] : memref<40x128xi32, #tpu.memory_space<vmem>> -> memref<1x128xi32, #tpu.memory_space<vmem>>
        %dma_wait3A_247 = tpu.memref_squeeze %dma_wait3A_246 : memref<1x128xi32, #tpu.memory_space<vmem>> -> memref<128xi32, #tpu.memory_space<vmem>>
        %dma_wait3A_248 = arith.constant 0 : i32
        %dma_wait3A_249 = arith.constant 0 : i32
        %dma_wait3A_250 = tpu.memref_slice %arg15[%dma_wait3A_248, %dma_wait3A_249] : memref<10112x64xf32, #tpu.memory_space<vmem_shared>> -> memref<10112x64xf32, #tpu.memory_space<vmem_shared>>
        tpu.wait_indirect_dma semaphore(%arg22 : memref<!tpu.dma_semaphore, #tpu.memory_space<semaphore_mem>>) src(%arg12 : memref<128x64xf32, #tpu.memory_space<vmem>>) dst(%dma_wait3A_250 : memref<10112x64xf32, #tpu.memory_space<vmem_shared>>)
        %add3A_251 = arith.constant 1 : i32
        %add3A_252 = arith.addi %scan3A_169, %add3A_251 : i32
        %lt3A_253 = arith.constant 10 : i32
        %lt3A_254 = arith.cmpi slt, %add3A_252, %lt3A_253 : i32
        %convert_element_type3A_255 = arith.extui %lt3A_254 : i1 to i32
        %cond3A_256 = arith.constant 0 : i32
        %cond3A_257 = arith.cmpi ne, %convert_element_type3A_255, %cond3A_256 : i32
        scf.if %cond3A_257 {
          %add3A_292 = arith.constant 4 : i32
          %add3A_293 = arith.addi %mul3A_171, %add3A_292 : i32
          %add3A_294 = arith.constant 1 : i32
          %add3A_295 = arith.addi %add3A_293, %add3A_294 : i32
          %dma_start3A_296 = arith.constant 0 : i32
          %dma_start3A_297 = tpu.memref_slice %arg9[%add3A_295, %dma_start3A_296] : memref<40x128xi32, #tpu.memory_space<vmem>> -> memref<1x128xi32, #tpu.memory_space<vmem>>
          %dma_start3A_298 = tpu.memref_squeeze %dma_start3A_297 : memref<1x128xi32, #tpu.memory_space<vmem>> -> memref<128xi32, #tpu.memory_space<vmem>>
          %dma_start3A_299 = arith.constant 0 : i32
          %dma_start3A_300 = arith.constant 0 : i32
          %dma_start3A_301 = tpu.memref_slice %arg16[%dma_start3A_299, %dma_start3A_300] : memref<10000x64xf32, #tpu.memory_space<vmem_shared>> -> memref<10000x64xf32, #tpu.memory_space<vmem_shared>>
          tpu.enqueue_indirect_dma source(%dma_start3A_301 : memref<10000x64xf32, #tpu.memory_space<vmem_shared>>) target(%arg12 : memref<128x64xf32, #tpu.memory_space<vmem>>) offsets(%dma_start3A_298 : memref<128xi32, #tpu.memory_space<vmem>>) semaphore(%arg18 : memref<!tpu.dma_semaphore, #tpu.memory_space<semaphore_mem>>)
        } else {
        }
        %dma_wait3A_258 = arith.constant 0 : i32
        %dma_wait3A_259 = arith.constant 0 : i32
        %dma_wait3A_260 = tpu.memref_slice %arg9[%dma_wait3A_258, %dma_wait3A_259] : memref<40x128xi32, #tpu.memory_space<vmem>> -> memref<1x128xi32, #tpu.memory_space<vmem>>
        %dma_wait3A_261 = tpu.memref_squeeze %dma_wait3A_260 : memref<1x128xi32, #tpu.memory_space<vmem>> -> memref<128xi32, #tpu.memory_space<vmem>>
        %dma_wait3A_262 = arith.constant 0 : i32
        %dma_wait3A_263 = arith.constant 0 : i32
        %dma_wait3A_264 = tpu.memref_slice %arg16[%dma_wait3A_262, %dma_wait3A_263] : memref<10000x64xf32, #tpu.memory_space<vmem_shared>> -> memref<10000x64xf32, #tpu.memory_space<vmem_shared>>
        tpu.wait_indirect_dma semaphore(%arg19 : memref<!tpu.dma_semaphore, #tpu.memory_space<semaphore_mem>>) src(%dma_wait3A_264 : memref<10000x64xf32, #tpu.memory_space<vmem_shared>>) dst(%arg13 : memref<128x64xf32, #tpu.memory_space<vmem>>)
        %add3A_265 = arith.constant 2 : i32
        %add3A_266 = arith.addi %mul3A_171, %add3A_265 : i32
        %add3A_267 = arith.constant 0 : i32
        %add3A_268 = arith.addi %add3A_266, %add3A_267 : i32
        %dma_start3A_269 = arith.constant 0 : i32
        %dma_start3A_270 = tpu.memref_slice %arg10[%add3A_268, %dma_start3A_269] : memref<40x128xi32, #tpu.memory_space<vmem>> -> memref<1x128xi32, #tpu.memory_space<vmem>>
        %dma_start3A_271 = tpu.memref_squeeze %dma_start3A_270 : memref<1x128xi32, #tpu.memory_space<vmem>> -> memref<128xi32, #tpu.memory_space<vmem>>
        %dma_start3A_272 = arith.constant 0 : i32
        %dma_start3A_273 = arith.constant 0 : i32
        %dma_start3A_274 = tpu.memref_slice %arg15[%dma_start3A_272, %dma_start3A_273] : memref<10112x64xf32, #tpu.memory_space<vmem_shared>> -> memref<10112x64xf32, #tpu.memory_space<vmem_shared>>
        tpu.enqueue_indirect_dma source(%arg13 : memref<128x64xf32, #tpu.memory_space<vmem>>) target(%dma_start3A_274 : memref<10112x64xf32, #tpu.memory_space<vmem_shared>>) offsets(%dma_start3A_271 : memref<128xi32, #tpu.memory_space<vmem>>) semaphore(%arg23 : memref<!tpu.dma_semaphore, #tpu.memory_space<semaphore_mem>>) {add = true}
        %dma_wait3A_275 = arith.constant 0 : i32
        %dma_wait3A_276 = arith.constant 0 : i32
        %dma_wait3A_277 = tpu.memref_slice %arg9[%dma_wait3A_275, %dma_wait3A_276] : memref<40x128xi32, #tpu.memory_space<vmem>> -> memref<1x128xi32, #tpu.memory_space<vmem>>
        %dma_wait3A_278 = tpu.memref_squeeze %dma_wait3A_277 : memref<1x128xi32, #tpu.memory_space<vmem>> -> memref<128xi32, #tpu.memory_space<vmem>>
        %dma_wait3A_279 = arith.constant 0 : i32
        %dma_wait3A_280 = arith.constant 0 : i32
        %dma_wait3A_281 = tpu.memref_slice %arg16[%dma_wait3A_279, %dma_wait3A_280] : memref<10000x64xf32, #tpu.memory_space<vmem_shared>> -> memref<10000x64xf32, #tpu.memory_space<vmem_shared>>
        tpu.wait_indirect_dma semaphore(%arg20 : memref<!tpu.dma_semaphore, #tpu.memory_space<semaphore_mem>>) src(%dma_wait3A_281 : memref<10000x64xf32, #tpu.memory_space<vmem_shared>>) dst(%arg14 : memref<128x64xf32, #tpu.memory_space<vmem>>)
        %add3A_282 = arith.constant 2 : i32
        %add3A_283 = arith.addi %mul3A_171, %add3A_282 : i32
        %add3A_284 = arith.constant 1 : i32
        %add3A_285 = arith.addi %add3A_283, %add3A_284 : i32
        %dma_start3A_286 = arith.constant 0 : i32
        %dma_start3A_287 = tpu.memref_slice %arg10[%add3A_285, %dma_start3A_286] : memref<40x128xi32, #tpu.memory_space<vmem>> -> memref<1x128xi32, #tpu.memory_space<vmem>>
        %dma_start3A_288 = tpu.memref_squeeze %dma_start3A_287 : memref<1x128xi32, #tpu.memory_space<vmem>> -> memref<128xi32, #tpu.memory_space<vmem>>
        %dma_start3A_289 = arith.constant 0 : i32
        %dma_start3A_290 = arith.constant 0 : i32
        %dma_start3A_291 = tpu.memref_slice %arg15[%dma_start3A_289, %dma_start3A_290] : memref<10112x64xf32, #tpu.memory_space<vmem_shared>> -> memref<10112x64xf32, #tpu.memory_space<vmem_shared>>
        tpu.enqueue_indirect_dma source(%arg14 : memref<128x64xf32, #tpu.memory_space<vmem>>) target(%dma_start3A_291 : memref<10112x64xf32, #tpu.memory_space<vmem_shared>>) offsets(%dma_start3A_288 : memref<128xi32, #tpu.memory_space<vmem>>) semaphore(%arg24 : memref<!tpu.dma_semaphore, #tpu.memory_space<semaphore_mem>>) {add = true}
      }
      %scan3A_73 = arith.constant 10 : i32
      %dma_wait3A_74 = arith.constant 0 : i32
      %dma_wait3A_75 = arith.constant 0 : i32
      %dma_wait3A_76 = tpu.memref_slice %arg10[%dma_wait3A_74, %dma_wait3A_75] : memref<40x128xi32, #tpu.memory_space<vmem>> -> memref<1x128xi32, #tpu.memory_space<vmem>>
      %dma_wait3A_77 = tpu.memref_squeeze %dma_wait3A_76 : memref<1x128xi32, #tpu.memory_space<vmem>> -> memref<128xi32, #tpu.memory_space<vmem>>
      %dma_wait3A_78 = arith.constant 0 : i32
      %dma_wait3A_79 = arith.constant 0 : i32
      %dma_wait3A_80 = tpu.memref_slice %arg15[%dma_wait3A_78, %dma_wait3A_79] : memref<10112x64xf32, #tpu.memory_space<vmem_shared>> -> memref<10112x64xf32, #tpu.memory_space<vmem_shared>>
      tpu.wait_indirect_dma semaphore(%arg23 : memref<!tpu.dma_semaphore, #tpu.memory_space<semaphore_mem>>) src(%arg13 : memref<128x64xf32, #tpu.memory_space<vmem>>) dst(%dma_wait3A_80 : memref<10112x64xf32, #tpu.memory_space<vmem_shared>>)
      %dma_wait3A_81 = arith.constant 0 : i32
      %dma_wait3A_82 = arith.constant 0 : i32
      %dma_wait3A_83 = tpu.memref_slice %arg10[%dma_wait3A_81, %dma_wait3A_82] : memref<40x128xi32, #tpu.memory_space<vmem>> -> memref<1x128xi32, #tpu.memory_space<vmem>>
      %dma_wait3A_84 = tpu.memref_squeeze %dma_wait3A_83 : memref<1x128xi32, #tpu.memory_space<vmem>> -> memref<128xi32, #tpu.memory_space<vmem>>
      %dma_wait3A_85 = arith.constant 0 : i32
      %dma_wait3A_86 = arith.constant 0 : i32
      %dma_wait3A_87 = tpu.memref_slice %arg15[%dma_wait3A_85, %dma_wait3A_86] : memref<10112x64xf32, #tpu.memory_space<vmem_shared>> -> memref<10112x64xf32, #tpu.memory_space<vmem_shared>>
      tpu.wait_indirect_dma semaphore(%arg24 : memref<!tpu.dma_semaphore, #tpu.memory_space<semaphore_mem>>) src(%arg14 : memref<128x64xf32, #tpu.memory_space<vmem>>) dst(%dma_wait3A_87 : memref<10112x64xf32, #tpu.memory_space<vmem_shared>>)
      %mul3A_88 = arith.constant 160 : i32
      %mul3A_89 = arith.muli %arg1, %mul3A_88 : i32
      %add3A_90 = arith.constant 80 : i32
      %add3A_91 = arith.addi %mul3A_89, %add3A_90 : i32
      "tpu.region"() ({
        %run_scoped3A = tpu.sem_alloc : memref<!tpu.dma_semaphore, #tpu.memory_space<semaphore_mem>>
        %dma_start3A_169 = arith.constant 0 : i32
        %dma_start3A_170 = tpu.memref_slice %arg2[%add3A_91, %dma_start3A_169] : memref<2560x128xi32, #tpu.memory_space<hbm>> -> memref<40x128xi32, #tpu.memory_space<hbm>>
        %dma_start3A_171 = arith.constant 0 : i32
        %dma_start3A_172 = tpu.memref_slice %arg2[%add3A_91, %dma_start3A_171] : memref<2560x128xi32, #tpu.memory_space<hbm>> -> memref<40x128xi32, #tpu.memory_space<hbm>>
        tpu.enqueue_dma source(%dma_start3A_172 : memref<40x128xi32, #tpu.memory_space<hbm>>) target(%arg9 : memref<40x128xi32, #tpu.memory_space<vmem>>) target_semaphore(%run_scoped3A : memref<!tpu.dma_semaphore, #tpu.memory_space<semaphore_mem>>)
        %dma_wait3A_173 = arith.constant 0 : i32
        %dma_wait3A_174 = tpu.memref_slice %arg2[%add3A_91, %dma_wait3A_173] : memref<2560x128xi32, #tpu.memory_space<hbm>> -> memref<40x128xi32, #tpu.memory_space<hbm>>
        %dma_wait3A_175 = arith.constant 0 : i32
        %dma_wait3A_176 = tpu.memref_slice %arg2[%add3A_91, %dma_wait3A_175] : memref<2560x128xi32, #tpu.memory_space<hbm>> -> memref<40x128xi32, #tpu.memory_space<hbm>>
        tpu.wait_dma2 semaphore(%run_scoped3A : memref<!tpu.dma_semaphore, #tpu.memory_space<semaphore_mem>>) src(%dma_wait3A_176 : memref<40x128xi32, #tpu.memory_space<hbm>>) dst(%arg9 : memref<40x128xi32, #tpu.memory_space<vmem>>)
        tpu.yield
      }) : () -> ()
      "tpu.region"() ({
        %run_scoped3A = tpu.sem_alloc : memref<!tpu.dma_semaphore, #tpu.memory_space<semaphore_mem>>
        %dma_start3A_169 = arith.constant 0 : i32
        %dma_start3A_170 = tpu.memref_slice %arg3[%add3A_91, %dma_start3A_169] : memref<2560x128xi32, #tpu.memory_space<hbm>> -> memref<40x128xi32, #tpu.memory_space<hbm>>
        %dma_start3A_171 = arith.constant 0 : i32
        %dma_start3A_172 = tpu.memref_slice %arg3[%add3A_91, %dma_start3A_171] : memref<2560x128xi32, #tpu.memory_space<hbm>> -> memref<40x128xi32, #tpu.memory_space<hbm>>
        tpu.enqueue_dma source(%dma_start3A_172 : memref<40x128xi32, #tpu.memory_space<hbm>>) target(%arg10 : memref<40x128xi32, #tpu.memory_space<vmem>>) target_semaphore(%run_scoped3A : memref<!tpu.dma_semaphore, #tpu.memory_space<semaphore_mem>>)
        %dma_wait3A_173 = arith.constant 0 : i32
        %dma_wait3A_174 = tpu.memref_slice %arg3[%add3A_91, %dma_wait3A_173] : memref<2560x128xi32, #tpu.memory_space<hbm>> -> memref<40x128xi32, #tpu.memory_space<hbm>>
        %dma_wait3A_175 = arith.constant 0 : i32
        %dma_wait3A_176 = tpu.memref_slice %arg3[%add3A_91, %dma_wait3A_175] : memref<2560x128xi32, #tpu.memory_space<hbm>> -> memref<40x128xi32, #tpu.memory_space<hbm>>
        tpu.wait_dma2 semaphore(%run_scoped3A : memref<!tpu.dma_semaphore, #tpu.memory_space<semaphore_mem>>) src(%dma_wait3A_176 : memref<40x128xi32, #tpu.memory_space<hbm>>) dst(%arg10 : memref<40x128xi32, #tpu.memory_space<vmem>>)
        tpu.yield
      }) : () -> ()
      %dma_start3A_92 = arith.constant 0 : i32
      %dma_start3A_93 = arith.constant 0 : i32
      %dma_start3A_94 = tpu.memref_slice %arg9[%dma_start3A_92, %dma_start3A_93] : memref<40x128xi32, #tpu.memory_space<vmem>> -> memref<1x128xi32, #tpu.memory_space<vmem>>
      %dma_start3A_95 = tpu.memref_squeeze %dma_start3A_94 : memref<1x128xi32, #tpu.memory_space<vmem>> -> memref<128xi32, #tpu.memory_space<vmem>>
      %dma_start3A_96 = arith.constant 0 : i32
      %dma_start3A_97 = arith.constant 0 : i32
      %dma_start3A_98 = tpu.memref_slice %arg16[%dma_start3A_96, %dma_start3A_97] : memref<10000x64xf32, #tpu.memory_space<vmem_shared>> -> memref<10000x64xf32, #tpu.memory_space<vmem_shared>>
      tpu.enqueue_indirect_dma source(%dma_start3A_98 : memref<10000x64xf32, #tpu.memory_space<vmem_shared>>) target(%arg11 : memref<128x64xf32, #tpu.memory_space<vmem>>) offsets(%dma_start3A_95 : memref<128xi32, #tpu.memory_space<vmem>>) semaphore(%arg17 : memref<!tpu.dma_semaphore, #tpu.memory_space<semaphore_mem>>)
      %dma_start3A_99 = arith.constant 1 : i32
      %dma_start3A_100 = arith.constant 0 : i32
      %dma_start3A_101 = tpu.memref_slice %arg9[%dma_start3A_99, %dma_start3A_100] : memref<40x128xi32, #tpu.memory_space<vmem>> -> memref<1x128xi32, #tpu.memory_space<vmem>>
      %dma_start3A_102 = tpu.memref_squeeze %dma_start3A_101 : memref<1x128xi32, #tpu.memory_space<vmem>> -> memref<128xi32, #tpu.memory_space<vmem>>
      %dma_start3A_103 = arith.constant 0 : i32
      %dma_start3A_104 = arith.constant 0 : i32
      %dma_start3A_105 = tpu.memref_slice %arg16[%dma_start3A_103, %dma_start3A_104] : memref<10000x64xf32, #tpu.memory_space<vmem_shared>> -> memref<10000x64xf32, #tpu.memory_space<vmem_shared>>
      tpu.enqueue_indirect_dma source(%dma_start3A_105 : memref<10000x64xf32, #tpu.memory_space<vmem_shared>>) target(%arg12 : memref<128x64xf32, #tpu.memory_space<vmem>>) offsets(%dma_start3A_102 : memref<128xi32, #tpu.memory_space<vmem>>) semaphore(%arg18 : memref<!tpu.dma_semaphore, #tpu.memory_space<semaphore_mem>>)
      %scan3A_106 = arith.constant 0 : i32
      %scan3A_107 = arith.constant 0 : i32
      %scan3A_108 = arith.constant 10 : i32
      %scan3A_109 = arith.addi %scan3A_107, %scan3A_108 : i32
      %scan3A_110 = arith.constant 1 : i32
      scf.for %scan3A_169 = %scan3A_107 to %scan3A_109 step %scan3A_110  : i32 {
        %mul3A_170 = arith.constant 4 : i32
        %mul3A_171 = arith.muli %mul3A_170, %scan3A_169 : i32
        %gt3A = arith.constant 0 : i32
        %gt3A_172 = arith.cmpi sgt, %scan3A_169, %gt3A : i32
        %convert_element_type3A_173 = arith.extui %gt3A_172 : i1 to i32
        %cond3A_174 = arith.constant 0 : i32
        %cond3A_175 = arith.cmpi ne, %convert_element_type3A_173, %cond3A_174 : i32
        scf.if %cond3A_175 {
          %dma_wait3A_292 = arith.constant 0 : i32
          %dma_wait3A_293 = arith.constant 0 : i32
          %dma_wait3A_294 = tpu.memref_slice %arg10[%dma_wait3A_292, %dma_wait3A_293] : memref<40x128xi32, #tpu.memory_space<vmem>> -> memref<1x128xi32, #tpu.memory_space<vmem>>
          %dma_wait3A_295 = tpu.memref_squeeze %dma_wait3A_294 : memref<1x128xi32, #tpu.memory_space<vmem>> -> memref<128xi32, #tpu.memory_space<vmem>>
          %dma_wait3A_296 = arith.constant 0 : i32
          %dma_wait3A_297 = arith.constant 0 : i32
          %dma_wait3A_298 = tpu.memref_slice %arg15[%dma_wait3A_296, %dma_wait3A_297] : memref<10112x64xf32, #tpu.memory_space<vmem_shared>> -> memref<10112x64xf32, #tpu.memory_space<vmem_shared>>
          tpu.wait_indirect_dma semaphore(%arg23 : memref<!tpu.dma_semaphore, #tpu.memory_space<semaphore_mem>>) src(%arg13 : memref<128x64xf32, #tpu.memory_space<vmem>>) dst(%dma_wait3A_298 : memref<10112x64xf32, #tpu.memory_space<vmem_shared>>)
        } else {
        }
        %add3A_176 = arith.constant 2 : i32
        %add3A_177 = arith.addi %mul3A_171, %add3A_176 : i32
        %add3A_178 = arith.constant 0 : i32
        %add3A_179 = arith.addi %add3A_177, %add3A_178 : i32
        %dma_start3A_180 = arith.constant 0 : i32
        %dma_start3A_181 = tpu.memref_slice %arg9[%add3A_179, %dma_start3A_180] : memref<40x128xi32, #tpu.memory_space<vmem>> -> memref<1x128xi32, #tpu.memory_space<vmem>>
        %dma_start3A_182 = tpu.memref_squeeze %dma_start3A_181 : memref<1x128xi32, #tpu.memory_space<vmem>> -> memref<128xi32, #tpu.memory_space<vmem>>
        %dma_start3A_183 = arith.constant 0 : i32
        %dma_start3A_184 = arith.constant 0 : i32
        %dma_start3A_185 = tpu.memref_slice %arg16[%dma_start3A_183, %dma_start3A_184] : memref<10000x64xf32, #tpu.memory_space<vmem_shared>> -> memref<10000x64xf32, #tpu.memory_space<vmem_shared>>
        tpu.enqueue_indirect_dma source(%dma_start3A_185 : memref<10000x64xf32, #tpu.memory_space<vmem_shared>>) target(%arg13 : memref<128x64xf32, #tpu.memory_space<vmem>>) offsets(%dma_start3A_182 : memref<128xi32, #tpu.memory_space<vmem>>) semaphore(%arg19 : memref<!tpu.dma_semaphore, #tpu.memory_space<semaphore_mem>>)
        %gt3A_186 = arith.constant 0 : i32
        %gt3A_187 = arith.cmpi sgt, %scan3A_169, %gt3A_186 : i32
        %convert_element_type3A_188 = arith.extui %gt3A_187 : i1 to i32
        %cond3A_189 = arith.constant 0 : i32
        %cond3A_190 = arith.cmpi ne, %convert_element_type3A_188, %cond3A_189 : i32
        scf.if %cond3A_190 {
          %dma_wait3A_292 = arith.constant 0 : i32
          %dma_wait3A_293 = arith.constant 0 : i32
          %dma_wait3A_294 = tpu.memref_slice %arg10[%dma_wait3A_292, %dma_wait3A_293] : memref<40x128xi32, #tpu.memory_space<vmem>> -> memref<1x128xi32, #tpu.memory_space<vmem>>
          %dma_wait3A_295 = tpu.memref_squeeze %dma_wait3A_294 : memref<1x128xi32, #tpu.memory_space<vmem>> -> memref<128xi32, #tpu.memory_space<vmem>>
          %dma_wait3A_296 = arith.constant 0 : i32
          %dma_wait3A_297 = arith.constant 0 : i32
          %dma_wait3A_298 = tpu.memref_slice %arg15[%dma_wait3A_296, %dma_wait3A_297] : memref<10112x64xf32, #tpu.memory_space<vmem_shared>> -> memref<10112x64xf32, #tpu.memory_space<vmem_shared>>
          tpu.wait_indirect_dma semaphore(%arg24 : memref<!tpu.dma_semaphore, #tpu.memory_space<semaphore_mem>>) src(%arg14 : memref<128x64xf32, #tpu.memory_space<vmem>>) dst(%dma_wait3A_298 : memref<10112x64xf32, #tpu.memory_space<vmem_shared>>)
        } else {
        }
        %add3A_191 = arith.constant 2 : i32
        %add3A_192 = arith.addi %mul3A_171, %add3A_191 : i32
        %add3A_193 = arith.constant 1 : i32
        %add3A_194 = arith.addi %add3A_192, %add3A_193 : i32
        %dma_start3A_195 = arith.constant 0 : i32
        %dma_start3A_196 = tpu.memref_slice %arg9[%add3A_194, %dma_start3A_195] : memref<40x128xi32, #tpu.memory_space<vmem>> -> memref<1x128xi32, #tpu.memory_space<vmem>>
        %dma_start3A_197 = tpu.memref_squeeze %dma_start3A_196 : memref<1x128xi32, #tpu.memory_space<vmem>> -> memref<128xi32, #tpu.memory_space<vmem>>
        %dma_start3A_198 = arith.constant 0 : i32
        %dma_start3A_199 = arith.constant 0 : i32
        %dma_start3A_200 = tpu.memref_slice %arg16[%dma_start3A_198, %dma_start3A_199] : memref<10000x64xf32, #tpu.memory_space<vmem_shared>> -> memref<10000x64xf32, #tpu.memory_space<vmem_shared>>
        tpu.enqueue_indirect_dma source(%dma_start3A_200 : memref<10000x64xf32, #tpu.memory_space<vmem_shared>>) target(%arg14 : memref<128x64xf32, #tpu.memory_space<vmem>>) offsets(%dma_start3A_197 : memref<128xi32, #tpu.memory_space<vmem>>) semaphore(%arg20 : memref<!tpu.dma_semaphore, #tpu.memory_space<semaphore_mem>>)
        %dma_wait3A_201 = arith.constant 0 : i32
        %dma_wait3A_202 = arith.constant 0 : i32
        %dma_wait3A_203 = tpu.memref_slice %arg9[%dma_wait3A_201, %dma_wait3A_202] : memref<40x128xi32, #tpu.memory_space<vmem>> -> memref<1x128xi32, #tpu.memory_space<vmem>>
        %dma_wait3A_204 = tpu.memref_squeeze %dma_wait3A_203 : memref<1x128xi32, #tpu.memory_space<vmem>> -> memref<128xi32, #tpu.memory_space<vmem>>
        %dma_wait3A_205 = arith.constant 0 : i32
        %dma_wait3A_206 = arith.constant 0 : i32
        %dma_wait3A_207 = tpu.memref_slice %arg16[%dma_wait3A_205, %dma_wait3A_206] : memref<10000x64xf32, #tpu.memory_space<vmem_shared>> -> memref<10000x64xf32, #tpu.memory_space<vmem_shared>>
        tpu.wait_indirect_dma semaphore(%arg17 : memref<!tpu.dma_semaphore, #tpu.memory_space<semaphore_mem>>) src(%dma_wait3A_207 : memref<10000x64xf32, #tpu.memory_space<vmem_shared>>) dst(%arg11 : memref<128x64xf32, #tpu.memory_space<vmem>>)
        %add3A_208 = arith.constant 0 : i32
        %add3A_209 = arith.addi %mul3A_171, %add3A_208 : i32
        %dma_start3A_210 = arith.constant 0 : i32
        %dma_start3A_211 = tpu.memref_slice %arg10[%add3A_209, %dma_start3A_210] : memref<40x128xi32, #tpu.memory_space<vmem>> -> memref<1x128xi32, #tpu.memory_space<vmem>>
        %dma_start3A_212 = tpu.memref_squeeze %dma_start3A_211 : memref<1x128xi32, #tpu.memory_space<vmem>> -> memref<128xi32, #tpu.memory_space<vmem>>
        %dma_start3A_213 = arith.constant 0 : i32
        %dma_start3A_214 = arith.constant 0 : i32
        %dma_start3A_215 = tpu.memref_slice %arg15[%dma_start3A_213, %dma_start3A_214] : memref<10112x64xf32, #tpu.memory_space<vmem_shared>> -> memref<10112x64xf32, #tpu.memory_space<vmem_shared>>
        tpu.enqueue_indirect_dma source(%arg11 : memref<128x64xf32, #tpu.memory_space<vmem>>) target(%dma_start3A_215 : memref<10112x64xf32, #tpu.memory_space<vmem_shared>>) offsets(%dma_start3A_212 : memref<128xi32, #tpu.memory_space<vmem>>) semaphore(%arg21 : memref<!tpu.dma_semaphore, #tpu.memory_space<semaphore_mem>>) {add = true}
        %dma_wait3A_216 = arith.constant 0 : i32
        %dma_wait3A_217 = arith.constant 0 : i32
        %dma_wait3A_218 = tpu.memref_slice %arg9[%dma_wait3A_216, %dma_wait3A_217] : memref<40x128xi32, #tpu.memory_space<vmem>> -> memref<1x128xi32, #tpu.memory_space<vmem>>
        %dma_wait3A_219 = tpu.memref_squeeze %dma_wait3A_218 : memref<1x128xi32, #tpu.memory_space<vmem>> -> memref<128xi32, #tpu.memory_space<vmem>>
        %dma_wait3A_220 = arith.constant 0 : i32
        %dma_wait3A_221 = arith.constant 0 : i32
        %dma_wait3A_222 = tpu.memref_slice %arg16[%dma_wait3A_220, %dma_wait3A_221] : memref<10000x64xf32, #tpu.memory_space<vmem_shared>> -> memref<10000x64xf32, #tpu.memory_space<vmem_shared>>
        tpu.wait_indirect_dma semaphore(%arg18 : memref<!tpu.dma_semaphore, #tpu.memory_space<semaphore_mem>>) src(%dma_wait3A_222 : memref<10000x64xf32, #tpu.memory_space<vmem_shared>>) dst(%arg12 : memref<128x64xf32, #tpu.memory_space<vmem>>)
        %add3A_223 = arith.constant 1 : i32
        %add3A_224 = arith.addi %mul3A_171, %add3A_223 : i32
        %dma_start3A_225 = arith.constant 0 : i32
        %dma_start3A_226 = tpu.memref_slice %arg10[%add3A_224, %dma_start3A_225] : memref<40x128xi32, #tpu.memory_space<vmem>> -> memref<1x128xi32, #tpu.memory_space<vmem>>
        %dma_start3A_227 = tpu.memref_squeeze %dma_start3A_226 : memref<1x128xi32, #tpu.memory_space<vmem>> -> memref<128xi32, #tpu.memory_space<vmem>>
        %dma_start3A_228 = arith.constant 0 : i32
        %dma_start3A_229 = arith.constant 0 : i32
        %dma_start3A_230 = tpu.memref_slice %arg15[%dma_start3A_228, %dma_start3A_229] : memref<10112x64xf32, #tpu.memory_space<vmem_shared>> -> memref<10112x64xf32, #tpu.memory_space<vmem_shared>>
        tpu.enqueue_indirect_dma source(%arg12 : memref<128x64xf32, #tpu.memory_space<vmem>>) target(%dma_start3A_230 : memref<10112x64xf32, #tpu.memory_space<vmem_shared>>) offsets(%dma_start3A_227 : memref<128xi32, #tpu.memory_space<vmem>>) semaphore(%arg22 : memref<!tpu.dma_semaphore, #tpu.memory_space<semaphore_mem>>) {add = true}
        %dma_wait3A_231 = arith.constant 0 : i32
        %dma_wait3A_232 = arith.constant 0 : i32
        %dma_wait3A_233 = tpu.memref_slice %arg10[%dma_wait3A_231, %dma_wait3A_232] : memref<40x128xi32, #tpu.memory_space<vmem>> -> memref<1x128xi32, #tpu.memory_space<vmem>>
        %dma_wait3A_234 = tpu.memref_squeeze %dma_wait3A_233 : memref<1x128xi32, #tpu.memory_space<vmem>> -> memref<128xi32, #tpu.memory_space<vmem>>
        %dma_wait3A_235 = arith.constant 0 : i32
        %dma_wait3A_236 = arith.constant 0 : i32
        %dma_wait3A_237 = tpu.memref_slice %arg15[%dma_wait3A_235, %dma_wait3A_236] : memref<10112x64xf32, #tpu.memory_space<vmem_shared>> -> memref<10112x64xf32, #tpu.memory_space<vmem_shared>>
        tpu.wait_indirect_dma semaphore(%arg21 : memref<!tpu.dma_semaphore, #tpu.memory_space<semaphore_mem>>) src(%arg11 : memref<128x64xf32, #tpu.memory_space<vmem>>) dst(%dma_wait3A_237 : memref<10112x64xf32, #tpu.memory_space<vmem_shared>>)
        %add3A_238 = arith.constant 1 : i32
        %add3A_239 = arith.addi %scan3A_169, %add3A_238 : i32
        %lt3A = arith.constant 10 : i32
        %lt3A_240 = arith.cmpi slt, %add3A_239, %lt3A : i32
        %convert_element_type3A_241 = arith.extui %lt3A_240 : i1 to i32
        %cond3A_242 = arith.constant 0 : i32
        %cond3A_243 = arith.cmpi ne, %convert_element_type3A_241, %cond3A_242 : i32
        scf.if %cond3A_243 {
          %add3A_292 = arith.constant 4 : i32
          %add3A_293 = arith.addi %mul3A_171, %add3A_292 : i32
          %add3A_294 = arith.constant 0 : i32
          %add3A_295 = arith.addi %add3A_293, %add3A_294 : i32
          %dma_start3A_296 = arith.constant 0 : i32
          %dma_start3A_297 = tpu.memref_slice %arg9[%add3A_295, %dma_start3A_296] : memref<40x128xi32, #tpu.memory_space<vmem>> -> memref<1x128xi32, #tpu.memory_space<vmem>>
          %dma_start3A_298 = tpu.memref_squeeze %dma_start3A_297 : memref<1x128xi32, #tpu.memory_space<vmem>> -> memref<128xi32, #tpu.memory_space<vmem>>
          %dma_start3A_299 = arith.constant 0 : i32
          %dma_start3A_300 = arith.constant 0 : i32
          %dma_start3A_301 = tpu.memref_slice %arg16[%dma_start3A_299, %dma_start3A_300] : memref<10000x64xf32, #tpu.memory_space<vmem_shared>> -> memref<10000x64xf32, #tpu.memory_space<vmem_shared>>
          tpu.enqueue_indirect_dma source(%dma_start3A_301 : memref<10000x64xf32, #tpu.memory_space<vmem_shared>>) target(%arg11 : memref<128x64xf32, #tpu.memory_space<vmem>>) offsets(%dma_start3A_298 : memref<128xi32, #tpu.memory_space<vmem>>) semaphore(%arg17 : memref<!tpu.dma_semaphore, #tpu.memory_space<semaphore_mem>>)
        } else {
        }
        %dma_wait3A_244 = arith.constant 0 : i32
        %dma_wait3A_245 = arith.constant 0 : i32
        %dma_wait3A_246 = tpu.memref_slice %arg10[%dma_wait3A_244, %dma_wait3A_245] : memref<40x128xi32, #tpu.memory_space<vmem>> -> memref<1x128xi32, #tpu.memory_space<vmem>>
        %dma_wait3A_247 = tpu.memref_squeeze %dma_wait3A_246 : memref<1x128xi32, #tpu.memory_space<vmem>> -> memref<128xi32, #tpu.memory_space<vmem>>
        %dma_wait3A_248 = arith.constant 0 : i32
        %dma_wait3A_249 = arith.constant 0 : i32
        %dma_wait3A_250 = tpu.memref_slice %arg15[%dma_wait3A_248, %dma_wait3A_249] : memref<10112x64xf32, #tpu.memory_space<vmem_shared>> -> memref<10112x64xf32, #tpu.memory_space<vmem_shared>>
        tpu.wait_indirect_dma semaphore(%arg22 : memref<!tpu.dma_semaphore, #tpu.memory_space<semaphore_mem>>) src(%arg12 : memref<128x64xf32, #tpu.memory_space<vmem>>) dst(%dma_wait3A_250 : memref<10112x64xf32, #tpu.memory_space<vmem_shared>>)
        %add3A_251 = arith.constant 1 : i32
        %add3A_252 = arith.addi %scan3A_169, %add3A_251 : i32
        %lt3A_253 = arith.constant 10 : i32
        %lt3A_254 = arith.cmpi slt, %add3A_252, %lt3A_253 : i32
        %convert_element_type3A_255 = arith.extui %lt3A_254 : i1 to i32
        %cond3A_256 = arith.constant 0 : i32
        %cond3A_257 = arith.cmpi ne, %convert_element_type3A_255, %cond3A_256 : i32
        scf.if %cond3A_257 {
          %add3A_292 = arith.constant 4 : i32
          %add3A_293 = arith.addi %mul3A_171, %add3A_292 : i32
          %add3A_294 = arith.constant 1 : i32
          %add3A_295 = arith.addi %add3A_293, %add3A_294 : i32
          %dma_start3A_296 = arith.constant 0 : i32
          %dma_start3A_297 = tpu.memref_slice %arg9[%add3A_295, %dma_start3A_296] : memref<40x128xi32, #tpu.memory_space<vmem>> -> memref<1x128xi32, #tpu.memory_space<vmem>>
          %dma_start3A_298 = tpu.memref_squeeze %dma_start3A_297 : memref<1x128xi32, #tpu.memory_space<vmem>> -> memref<128xi32, #tpu.memory_space<vmem>>
          %dma_start3A_299 = arith.constant 0 : i32
          %dma_start3A_300 = arith.constant 0 : i32
          %dma_start3A_301 = tpu.memref_slice %arg16[%dma_start3A_299, %dma_start3A_300] : memref<10000x64xf32, #tpu.memory_space<vmem_shared>> -> memref<10000x64xf32, #tpu.memory_space<vmem_shared>>
          tpu.enqueue_indirect_dma source(%dma_start3A_301 : memref<10000x64xf32, #tpu.memory_space<vmem_shared>>) target(%arg12 : memref<128x64xf32, #tpu.memory_space<vmem>>) offsets(%dma_start3A_298 : memref<128xi32, #tpu.memory_space<vmem>>) semaphore(%arg18 : memref<!tpu.dma_semaphore, #tpu.memory_space<semaphore_mem>>)
        } else {
        }
        %dma_wait3A_258 = arith.constant 0 : i32
        %dma_wait3A_259 = arith.constant 0 : i32
        %dma_wait3A_260 = tpu.memref_slice %arg9[%dma_wait3A_258, %dma_wait3A_259] : memref<40x128xi32, #tpu.memory_space<vmem>> -> memref<1x128xi32, #tpu.memory_space<vmem>>
        %dma_wait3A_261 = tpu.memref_squeeze %dma_wait3A_260 : memref<1x128xi32, #tpu.memory_space<vmem>> -> memref<128xi32, #tpu.memory_space<vmem>>
        %dma_wait3A_262 = arith.constant 0 : i32
        %dma_wait3A_263 = arith.constant 0 : i32
        %dma_wait3A_264 = tpu.memref_slice %arg16[%dma_wait3A_262, %dma_wait3A_263] : memref<10000x64xf32, #tpu.memory_space<vmem_shared>> -> memref<10000x64xf32, #tpu.memory_space<vmem_shared>>
        tpu.wait_indirect_dma semaphore(%arg19 : memref<!tpu.dma_semaphore, #tpu.memory_space<semaphore_mem>>) src(%dma_wait3A_264 : memref<10000x64xf32, #tpu.memory_space<vmem_shared>>) dst(%arg13 : memref<128x64xf32, #tpu.memory_space<vmem>>)
        %add3A_265 = arith.constant 2 : i32
        %add3A_266 = arith.addi %mul3A_171, %add3A_265 : i32
        %add3A_267 = arith.constant 0 : i32
        %add3A_268 = arith.addi %add3A_266, %add3A_267 : i32
        %dma_start3A_269 = arith.constant 0 : i32
        %dma_start3A_270 = tpu.memref_slice %arg10[%add3A_268, %dma_start3A_269] : memref<40x128xi32, #tpu.memory_space<vmem>> -> memref<1x128xi32, #tpu.memory_space<vmem>>
        %dma_start3A_271 = tpu.memref_squeeze %dma_start3A_270 : memref<1x128xi32, #tpu.memory_space<vmem>> -> memref<128xi32, #tpu.memory_space<vmem>>
        %dma_start3A_272 = arith.constant 0 : i32
        %dma_start3A_273 = arith.constant 0 : i32
        %dma_start3A_274 = tpu.memref_slice %arg15[%dma_start3A_272, %dma_start3A_273] : memref<10112x64xf32, #tpu.memory_space<vmem_shared>> -> memref<10112x64xf32, #tpu.memory_space<vmem_shared>>
        tpu.enqueue_indirect_dma source(%arg13 : memref<128x64xf32, #tpu.memory_space<vmem>>) target(%dma_start3A_274 : memref<10112x64xf32, #tpu.memory_space<vmem_shared>>) offsets(%dma_start3A_271 : memref<128xi32, #tpu.memory_space<vmem>>) semaphore(%arg23 : memref<!tpu.dma_semaphore, #tpu.memory_space<semaphore_mem>>) {add = true}
        %dma_wait3A_275 = arith.constant 0 : i32
        %dma_wait3A_276 = arith.constant 0 : i32
        %dma_wait3A_277 = tpu.memref_slice %arg9[%dma_wait3A_275, %dma_wait3A_276] : memref<40x128xi32, #tpu.memory_space<vmem>> -> memref<1x128xi32, #tpu.memory_space<vmem>>
        %dma_wait3A_278 = tpu.memref_squeeze %dma_wait3A_277 : memref<1x128xi32, #tpu.memory_space<vmem>> -> memref<128xi32, #tpu.memory_space<vmem>>
        %dma_wait3A_279 = arith.constant 0 : i32
        %dma_wait3A_280 = arith.constant 0 : i32
        %dma_wait3A_281 = tpu.memref_slice %arg16[%dma_wait3A_279, %dma_wait3A_280] : memref<10000x64xf32, #tpu.memory_space<vmem_shared>> -> memref<10000x64xf32, #tpu.memory_space<vmem_shared>>
        tpu.wait_indirect_dma semaphore(%arg20 : memref<!tpu.dma_semaphore, #tpu.memory_space<semaphore_mem>>) src(%dma_wait3A_281 : memref<10000x64xf32, #tpu.memory_space<vmem_shared>>) dst(%arg14 : memref<128x64xf32, #tpu.memory_space<vmem>>)
        %add3A_282 = arith.constant 2 : i32
        %add3A_283 = arith.addi %mul3A_171, %add3A_282 : i32
        %add3A_284 = arith.constant 1 : i32
        %add3A_285 = arith.addi %add3A_283, %add3A_284 : i32
        %dma_start3A_286 = arith.constant 0 : i32
        %dma_start3A_287 = tpu.memref_slice %arg10[%add3A_285, %dma_start3A_286] : memref<40x128xi32, #tpu.memory_space<vmem>> -> memref<1x128xi32, #tpu.memory_space<vmem>>
        %dma_start3A_288 = tpu.memref_squeeze %dma_start3A_287 : memref<1x128xi32, #tpu.memory_space<vmem>> -> memref<128xi32, #tpu.memory_space<vmem>>
        %dma_start3A_289 = arith.constant 0 : i32
        %dma_start3A_290 = arith.constant 0 : i32
        %dma_start3A_291 = tpu.memref_slice %arg15[%dma_start3A_289, %dma_start3A_290] : memref<10112x64xf32, #tpu.memory_space<vmem_shared>> -> memref<10112x64xf32, #tpu.memory_space<vmem_shared>>
        tpu.enqueue_indirect_dma source(%arg14 : memref<128x64xf32, #tpu.memory_space<vmem>>) target(%dma_start3A_291 : memref<10112x64xf32, #tpu.memory_space<vmem_shared>>) offsets(%dma_start3A_288 : memref<128xi32, #tpu.memory_space<vmem>>) semaphore(%arg24 : memref<!tpu.dma_semaphore, #tpu.memory_space<semaphore_mem>>) {add = true}
      }
      %scan3A_111 = arith.constant 10 : i32
      %dma_wait3A_112 = arith.constant 0 : i32
      %dma_wait3A_113 = arith.constant 0 : i32
      %dma_wait3A_114 = tpu.memref_slice %arg10[%dma_wait3A_112, %dma_wait3A_113] : memref<40x128xi32, #tpu.memory_space<vmem>> -> memref<1x128xi32, #tpu.memory_space<vmem>>
      %dma_wait3A_115 = tpu.memref_squeeze %dma_wait3A_114 : memref<1x128xi32, #tpu.memory_space<vmem>> -> memref<128xi32, #tpu.memory_space<vmem>>
      %dma_wait3A_116 = arith.constant 0 : i32
      %dma_wait3A_117 = arith.constant 0 : i32
      %dma_wait3A_118 = tpu.memref_slice %arg15[%dma_wait3A_116, %dma_wait3A_117] : memref<10112x64xf32, #tpu.memory_space<vmem_shared>> -> memref<10112x64xf32, #tpu.memory_space<vmem_shared>>
      tpu.wait_indirect_dma semaphore(%arg23 : memref<!tpu.dma_semaphore, #tpu.memory_space<semaphore_mem>>) src(%arg13 : memref<128x64xf32, #tpu.memory_space<vmem>>) dst(%dma_wait3A_118 : memref<10112x64xf32, #tpu.memory_space<vmem_shared>>)
      %dma_wait3A_119 = arith.constant 0 : i32
      %dma_wait3A_120 = arith.constant 0 : i32
      %dma_wait3A_121 = tpu.memref_slice %arg10[%dma_wait3A_119, %dma_wait3A_120] : memref<40x128xi32, #tpu.memory_space<vmem>> -> memref<1x128xi32, #tpu.memory_space<vmem>>
      %dma_wait3A_122 = tpu.memref_squeeze %dma_wait3A_121 : memref<1x128xi32, #tpu.memory_space<vmem>> -> memref<128xi32, #tpu.memory_space<vmem>>
      %dma_wait3A_123 = arith.constant 0 : i32
      %dma_wait3A_124 = arith.constant 0 : i32
      %dma_wait3A_125 = tpu.memref_slice %arg15[%dma_wait3A_123, %dma_wait3A_124] : memref<10112x64xf32, #tpu.memory_space<vmem_shared>> -> memref<10112x64xf32, #tpu.memory_space<vmem_shared>>
      tpu.wait_indirect_dma semaphore(%arg24 : memref<!tpu.dma_semaphore, #tpu.memory_space<semaphore_mem>>) src(%arg14 : memref<128x64xf32, #tpu.memory_space<vmem>>) dst(%dma_wait3A_125 : memref<10112x64xf32, #tpu.memory_space<vmem_shared>>)
      %mul3A_126 = arith.constant 160 : i32
      %mul3A_127 = arith.muli %arg1, %mul3A_126 : i32
      %add3A_128 = arith.constant 120 : i32
      %add3A_129 = arith.addi %mul3A_127, %add3A_128 : i32
      "tpu.region"() ({
        %run_scoped3A = tpu.sem_alloc : memref<!tpu.dma_semaphore, #tpu.memory_space<semaphore_mem>>
        %dma_start3A_169 = arith.constant 0 : i32
        %dma_start3A_170 = tpu.memref_slice %arg2[%add3A_129, %dma_start3A_169] : memref<2560x128xi32, #tpu.memory_space<hbm>> -> memref<40x128xi32, #tpu.memory_space<hbm>>
        %dma_start3A_171 = arith.constant 0 : i32
        %dma_start3A_172 = tpu.memref_slice %arg2[%add3A_129, %dma_start3A_171] : memref<2560x128xi32, #tpu.memory_space<hbm>> -> memref<40x128xi32, #tpu.memory_space<hbm>>
        tpu.enqueue_dma source(%dma_start3A_172 : memref<40x128xi32, #tpu.memory_space<hbm>>) target(%arg9 : memref<40x128xi32, #tpu.memory_space<vmem>>) target_semaphore(%run_scoped3A : memref<!tpu.dma_semaphore, #tpu.memory_space<semaphore_mem>>)
        %dma_wait3A_173 = arith.constant 0 : i32
        %dma_wait3A_174 = tpu.memref_slice %arg2[%add3A_129, %dma_wait3A_173] : memref<2560x128xi32, #tpu.memory_space<hbm>> -> memref<40x128xi32, #tpu.memory_space<hbm>>
        %dma_wait3A_175 = arith.constant 0 : i32
        %dma_wait3A_176 = tpu.memref_slice %arg2[%add3A_129, %dma_wait3A_175] : memref<2560x128xi32, #tpu.memory_space<hbm>> -> memref<40x128xi32, #tpu.memory_space<hbm>>
        tpu.wait_dma2 semaphore(%run_scoped3A : memref<!tpu.dma_semaphore, #tpu.memory_space<semaphore_mem>>) src(%dma_wait3A_176 : memref<40x128xi32, #tpu.memory_space<hbm>>) dst(%arg9 : memref<40x128xi32, #tpu.memory_space<vmem>>)
        tpu.yield
      }) : () -> ()
      "tpu.region"() ({
        %run_scoped3A = tpu.sem_alloc : memref<!tpu.dma_semaphore, #tpu.memory_space<semaphore_mem>>
        %dma_start3A_169 = arith.constant 0 : i32
        %dma_start3A_170 = tpu.memref_slice %arg3[%add3A_129, %dma_start3A_169] : memref<2560x128xi32, #tpu.memory_space<hbm>> -> memref<40x128xi32, #tpu.memory_space<hbm>>
        %dma_start3A_171 = arith.constant 0 : i32
        %dma_start3A_172 = tpu.memref_slice %arg3[%add3A_129, %dma_start3A_171] : memref<2560x128xi32, #tpu.memory_space<hbm>> -> memref<40x128xi32, #tpu.memory_space<hbm>>
        tpu.enqueue_dma source(%dma_start3A_172 : memref<40x128xi32, #tpu.memory_space<hbm>>) target(%arg10 : memref<40x128xi32, #tpu.memory_space<vmem>>) target_semaphore(%run_scoped3A : memref<!tpu.dma_semaphore, #tpu.memory_space<semaphore_mem>>)
        %dma_wait3A_173 = arith.constant 0 : i32
        %dma_wait3A_174 = tpu.memref_slice %arg3[%add3A_129, %dma_wait3A_173] : memref<2560x128xi32, #tpu.memory_space<hbm>> -> memref<40x128xi32, #tpu.memory_space<hbm>>
        %dma_wait3A_175 = arith.constant 0 : i32
        %dma_wait3A_176 = tpu.memref_slice %arg3[%add3A_129, %dma_wait3A_175] : memref<2560x128xi32, #tpu.memory_space<hbm>> -> memref<40x128xi32, #tpu.memory_space<hbm>>
        tpu.wait_dma2 semaphore(%run_scoped3A : memref<!tpu.dma_semaphore, #tpu.memory_space<semaphore_mem>>) src(%dma_wait3A_176 : memref<40x128xi32, #tpu.memory_space<hbm>>) dst(%arg10 : memref<40x128xi32, #tpu.memory_space<vmem>>)
        tpu.yield
      }) : () -> ()
      %dma_start3A_130 = arith.constant 0 : i32
      %dma_start3A_131 = arith.constant 0 : i32
      %dma_start3A_132 = tpu.memref_slice %arg9[%dma_start3A_130, %dma_start3A_131] : memref<40x128xi32, #tpu.memory_space<vmem>> -> memref<1x128xi32, #tpu.memory_space<vmem>>
      %dma_start3A_133 = tpu.memref_squeeze %dma_start3A_132 : memref<1x128xi32, #tpu.memory_space<vmem>> -> memref<128xi32, #tpu.memory_space<vmem>>
      %dma_start3A_134 = arith.constant 0 : i32
      %dma_start3A_135 = arith.constant 0 : i32
      %dma_start3A_136 = tpu.memref_slice %arg16[%dma_start3A_134, %dma_start3A_135] : memref<10000x64xf32, #tpu.memory_space<vmem_shared>> -> memref<10000x64xf32, #tpu.memory_space<vmem_shared>>
      tpu.enqueue_indirect_dma source(%dma_start3A_136 : memref<10000x64xf32, #tpu.memory_space<vmem_shared>>) target(%arg11 : memref<128x64xf32, #tpu.memory_space<vmem>>) offsets(%dma_start3A_133 : memref<128xi32, #tpu.memory_space<vmem>>) semaphore(%arg17 : memref<!tpu.dma_semaphore, #tpu.memory_space<semaphore_mem>>)
      %dma_start3A_137 = arith.constant 1 : i32
      %dma_start3A_138 = arith.constant 0 : i32
      %dma_start3A_139 = tpu.memref_slice %arg9[%dma_start3A_137, %dma_start3A_138] : memref<40x128xi32, #tpu.memory_space<vmem>> -> memref<1x128xi32, #tpu.memory_space<vmem>>
      %dma_start3A_140 = tpu.memref_squeeze %dma_start3A_139 : memref<1x128xi32, #tpu.memory_space<vmem>> -> memref<128xi32, #tpu.memory_space<vmem>>
      %dma_start3A_141 = arith.constant 0 : i32
      %dma_start3A_142 = arith.constant 0 : i32
      %dma_start3A_143 = tpu.memref_slice %arg16[%dma_start3A_141, %dma_start3A_142] : memref<10000x64xf32, #tpu.memory_space<vmem_shared>> -> memref<10000x64xf32, #tpu.memory_space<vmem_shared>>
      tpu.enqueue_indirect_dma source(%dma_start3A_143 : memref<10000x64xf32, #tpu.memory_space<vmem_shared>>) target(%arg12 : memref<128x64xf32, #tpu.memory_space<vmem>>) offsets(%dma_start3A_140 : memref<128xi32, #tpu.memory_space<vmem>>) semaphore(%arg18 : memref<!tpu.dma_semaphore, #tpu.memory_space<semaphore_mem>>)
      %scan3A_144 = arith.constant 0 : i32
      %scan3A_145 = arith.constant 0 : i32
      %scan3A_146 = arith.constant 10 : i32
      %scan3A_147 = arith.addi %scan3A_145, %scan3A_146 : i32
      %scan3A_148 = arith.constant 1 : i32
      scf.for %scan3A_169 = %scan3A_145 to %scan3A_147 step %scan3A_148  : i32 {
        %mul3A_170 = arith.constant 4 : i32
        %mul3A_171 = arith.muli %mul3A_170, %scan3A_169 : i32
        %gt3A = arith.constant 0 : i32
        %gt3A_172 = arith.cmpi sgt, %scan3A_169, %gt3A : i32
        %convert_element_type3A_173 = arith.extui %gt3A_172 : i1 to i32
        %cond3A_174 = arith.constant 0 : i32
        %cond3A_175 = arith.cmpi ne, %convert_element_type3A_173, %cond3A_174 : i32
        scf.if %cond3A_175 {
          %dma_wait3A_292 = arith.constant 0 : i32
          %dma_wait3A_293 = arith.constant 0 : i32
          %dma_wait3A_294 = tpu.memref_slice %arg10[%dma_wait3A_292, %dma_wait3A_293] : memref<40x128xi32, #tpu.memory_space<vmem>> -> memref<1x128xi32, #tpu.memory_space<vmem>>
          %dma_wait3A_295 = tpu.memref_squeeze %dma_wait3A_294 : memref<1x128xi32, #tpu.memory_space<vmem>> -> memref<128xi32, #tpu.memory_space<vmem>>
          %dma_wait3A_296 = arith.constant 0 : i32
          %dma_wait3A_297 = arith.constant 0 : i32
          %dma_wait3A_298 = tpu.memref_slice %arg15[%dma_wait3A_296, %dma_wait3A_297] : memref<10112x64xf32, #tpu.memory_space<vmem_shared>> -> memref<10112x64xf32, #tpu.memory_space<vmem_shared>>
          tpu.wait_indirect_dma semaphore(%arg23 : memref<!tpu.dma_semaphore, #tpu.memory_space<semaphore_mem>>) src(%arg13 : memref<128x64xf32, #tpu.memory_space<vmem>>) dst(%dma_wait3A_298 : memref<10112x64xf32, #tpu.memory_space<vmem_shared>>)
        } else {
        }
        %add3A_176 = arith.constant 2 : i32
        %add3A_177 = arith.addi %mul3A_171, %add3A_176 : i32
        %add3A_178 = arith.constant 0 : i32
        %add3A_179 = arith.addi %add3A_177, %add3A_178 : i32
        %dma_start3A_180 = arith.constant 0 : i32
        %dma_start3A_181 = tpu.memref_slice %arg9[%add3A_179, %dma_start3A_180] : memref<40x128xi32, #tpu.memory_space<vmem>> -> memref<1x128xi32, #tpu.memory_space<vmem>>
        %dma_start3A_182 = tpu.memref_squeeze %dma_start3A_181 : memref<1x128xi32, #tpu.memory_space<vmem>> -> memref<128xi32, #tpu.memory_space<vmem>>
        %dma_start3A_183 = arith.constant 0 : i32
        %dma_start3A_184 = arith.constant 0 : i32
        %dma_start3A_185 = tpu.memref_slice %arg16[%dma_start3A_183, %dma_start3A_184] : memref<10000x64xf32, #tpu.memory_space<vmem_shared>> -> memref<10000x64xf32, #tpu.memory_space<vmem_shared>>
        tpu.enqueue_indirect_dma source(%dma_start3A_185 : memref<10000x64xf32, #tpu.memory_space<vmem_shared>>) target(%arg13 : memref<128x64xf32, #tpu.memory_space<vmem>>) offsets(%dma_start3A_182 : memref<128xi32, #tpu.memory_space<vmem>>) semaphore(%arg19 : memref<!tpu.dma_semaphore, #tpu.memory_space<semaphore_mem>>)
        %gt3A_186 = arith.constant 0 : i32
        %gt3A_187 = arith.cmpi sgt, %scan3A_169, %gt3A_186 : i32
        %convert_element_type3A_188 = arith.extui %gt3A_187 : i1 to i32
        %cond3A_189 = arith.constant 0 : i32
        %cond3A_190 = arith.cmpi ne, %convert_element_type3A_188, %cond3A_189 : i32
        scf.if %cond3A_190 {
          %dma_wait3A_292 = arith.constant 0 : i32
          %dma_wait3A_293 = arith.constant 0 : i32
          %dma_wait3A_294 = tpu.memref_slice %arg10[%dma_wait3A_292, %dma_wait3A_293] : memref<40x128xi32, #tpu.memory_space<vmem>> -> memref<1x128xi32, #tpu.memory_space<vmem>>
          %dma_wait3A_295 = tpu.memref_squeeze %dma_wait3A_294 : memref<1x128xi32, #tpu.memory_space<vmem>> -> memref<128xi32, #tpu.memory_space<vmem>>
          %dma_wait3A_296 = arith.constant 0 : i32
          %dma_wait3A_297 = arith.constant 0 : i32
          %dma_wait3A_298 = tpu.memref_slice %arg15[%dma_wait3A_296, %dma_wait3A_297] : memref<10112x64xf32, #tpu.memory_space<vmem_shared>> -> memref<10112x64xf32, #tpu.memory_space<vmem_shared>>
          tpu.wait_indirect_dma semaphore(%arg24 : memref<!tpu.dma_semaphore, #tpu.memory_space<semaphore_mem>>) src(%arg14 : memref<128x64xf32, #tpu.memory_space<vmem>>) dst(%dma_wait3A_298 : memref<10112x64xf32, #tpu.memory_space<vmem_shared>>)
        } else {
        }
        %add3A_191 = arith.constant 2 : i32
        %add3A_192 = arith.addi %mul3A_171, %add3A_191 : i32
        %add3A_193 = arith.constant 1 : i32
        %add3A_194 = arith.addi %add3A_192, %add3A_193 : i32
        %dma_start3A_195 = arith.constant 0 : i32
        %dma_start3A_196 = tpu.memref_slice %arg9[%add3A_194, %dma_start3A_195] : memref<40x128xi32, #tpu.memory_space<vmem>> -> memref<1x128xi32, #tpu.memory_space<vmem>>
        %dma_start3A_197 = tpu.memref_squeeze %dma_start3A_196 : memref<1x128xi32, #tpu.memory_space<vmem>> -> memref<128xi32, #tpu.memory_space<vmem>>
        %dma_start3A_198 = arith.constant 0 : i32
        %dma_start3A_199 = arith.constant 0 : i32
        %dma_start3A_200 = tpu.memref_slice %arg16[%dma_start3A_198, %dma_start3A_199] : memref<10000x64xf32, #tpu.memory_space<vmem_shared>> -> memref<10000x64xf32, #tpu.memory_space<vmem_shared>>
        tpu.enqueue_indirect_dma source(%dma_start3A_200 : memref<10000x64xf32, #tpu.memory_space<vmem_shared>>) target(%arg14 : memref<128x64xf32, #tpu.memory_space<vmem>>) offsets(%dma_start3A_197 : memref<128xi32, #tpu.memory_space<vmem>>) semaphore(%arg20 : memref<!tpu.dma_semaphore, #tpu.memory_space<semaphore_mem>>)
        %dma_wait3A_201 = arith.constant 0 : i32
        %dma_wait3A_202 = arith.constant 0 : i32
        %dma_wait3A_203 = tpu.memref_slice %arg9[%dma_wait3A_201, %dma_wait3A_202] : memref<40x128xi32, #tpu.memory_space<vmem>> -> memref<1x128xi32, #tpu.memory_space<vmem>>
        %dma_wait3A_204 = tpu.memref_squeeze %dma_wait3A_203 : memref<1x128xi32, #tpu.memory_space<vmem>> -> memref<128xi32, #tpu.memory_space<vmem>>
        %dma_wait3A_205 = arith.constant 0 : i32
        %dma_wait3A_206 = arith.constant 0 : i32
        %dma_wait3A_207 = tpu.memref_slice %arg16[%dma_wait3A_205, %dma_wait3A_206] : memref<10000x64xf32, #tpu.memory_space<vmem_shared>> -> memref<10000x64xf32, #tpu.memory_space<vmem_shared>>
        tpu.wait_indirect_dma semaphore(%arg17 : memref<!tpu.dma_semaphore, #tpu.memory_space<semaphore_mem>>) src(%dma_wait3A_207 : memref<10000x64xf32, #tpu.memory_space<vmem_shared>>) dst(%arg11 : memref<128x64xf32, #tpu.memory_space<vmem>>)
        %add3A_208 = arith.constant 0 : i32
        %add3A_209 = arith.addi %mul3A_171, %add3A_208 : i32
        %dma_start3A_210 = arith.constant 0 : i32
        %dma_start3A_211 = tpu.memref_slice %arg10[%add3A_209, %dma_start3A_210] : memref<40x128xi32, #tpu.memory_space<vmem>> -> memref<1x128xi32, #tpu.memory_space<vmem>>
        %dma_start3A_212 = tpu.memref_squeeze %dma_start3A_211 : memref<1x128xi32, #tpu.memory_space<vmem>> -> memref<128xi32, #tpu.memory_space<vmem>>
        %dma_start3A_213 = arith.constant 0 : i32
        %dma_start3A_214 = arith.constant 0 : i32
        %dma_start3A_215 = tpu.memref_slice %arg15[%dma_start3A_213, %dma_start3A_214] : memref<10112x64xf32, #tpu.memory_space<vmem_shared>> -> memref<10112x64xf32, #tpu.memory_space<vmem_shared>>
        tpu.enqueue_indirect_dma source(%arg11 : memref<128x64xf32, #tpu.memory_space<vmem>>) target(%dma_start3A_215 : memref<10112x64xf32, #tpu.memory_space<vmem_shared>>) offsets(%dma_start3A_212 : memref<128xi32, #tpu.memory_space<vmem>>) semaphore(%arg21 : memref<!tpu.dma_semaphore, #tpu.memory_space<semaphore_mem>>) {add = true}
        %dma_wait3A_216 = arith.constant 0 : i32
        %dma_wait3A_217 = arith.constant 0 : i32
        %dma_wait3A_218 = tpu.memref_slice %arg9[%dma_wait3A_216, %dma_wait3A_217] : memref<40x128xi32, #tpu.memory_space<vmem>> -> memref<1x128xi32, #tpu.memory_space<vmem>>
        %dma_wait3A_219 = tpu.memref_squeeze %dma_wait3A_218 : memref<1x128xi32, #tpu.memory_space<vmem>> -> memref<128xi32, #tpu.memory_space<vmem>>
        %dma_wait3A_220 = arith.constant 0 : i32
        %dma_wait3A_221 = arith.constant 0 : i32
        %dma_wait3A_222 = tpu.memref_slice %arg16[%dma_wait3A_220, %dma_wait3A_221] : memref<10000x64xf32, #tpu.memory_space<vmem_shared>> -> memref<10000x64xf32, #tpu.memory_space<vmem_shared>>
        tpu.wait_indirect_dma semaphore(%arg18 : memref<!tpu.dma_semaphore, #tpu.memory_space<semaphore_mem>>) src(%dma_wait3A_222 : memref<10000x64xf32, #tpu.memory_space<vmem_shared>>) dst(%arg12 : memref<128x64xf32, #tpu.memory_space<vmem>>)
        %add3A_223 = arith.constant 1 : i32
        %add3A_224 = arith.addi %mul3A_171, %add3A_223 : i32
        %dma_start3A_225 = arith.constant 0 : i32
        %dma_start3A_226 = tpu.memref_slice %arg10[%add3A_224, %dma_start3A_225] : memref<40x128xi32, #tpu.memory_space<vmem>> -> memref<1x128xi32, #tpu.memory_space<vmem>>
        %dma_start3A_227 = tpu.memref_squeeze %dma_start3A_226 : memref<1x128xi32, #tpu.memory_space<vmem>> -> memref<128xi32, #tpu.memory_space<vmem>>
        %dma_start3A_228 = arith.constant 0 : i32
        %dma_start3A_229 = arith.constant 0 : i32
        %dma_start3A_230 = tpu.memref_slice %arg15[%dma_start3A_228, %dma_start3A_229] : memref<10112x64xf32, #tpu.memory_space<vmem_shared>> -> memref<10112x64xf32, #tpu.memory_space<vmem_shared>>
        tpu.enqueue_indirect_dma source(%arg12 : memref<128x64xf32, #tpu.memory_space<vmem>>) target(%dma_start3A_230 : memref<10112x64xf32, #tpu.memory_space<vmem_shared>>) offsets(%dma_start3A_227 : memref<128xi32, #tpu.memory_space<vmem>>) semaphore(%arg22 : memref<!tpu.dma_semaphore, #tpu.memory_space<semaphore_mem>>) {add = true}
        %dma_wait3A_231 = arith.constant 0 : i32
        %dma_wait3A_232 = arith.constant 0 : i32
        %dma_wait3A_233 = tpu.memref_slice %arg10[%dma_wait3A_231, %dma_wait3A_232] : memref<40x128xi32, #tpu.memory_space<vmem>> -> memref<1x128xi32, #tpu.memory_space<vmem>>
        %dma_wait3A_234 = tpu.memref_squeeze %dma_wait3A_233 : memref<1x128xi32, #tpu.memory_space<vmem>> -> memref<128xi32, #tpu.memory_space<vmem>>
        %dma_wait3A_235 = arith.constant 0 : i32
        %dma_wait3A_236 = arith.constant 0 : i32
        %dma_wait3A_237 = tpu.memref_slice %arg15[%dma_wait3A_235, %dma_wait3A_236] : memref<10112x64xf32, #tpu.memory_space<vmem_shared>> -> memref<10112x64xf32, #tpu.memory_space<vmem_shared>>
        tpu.wait_indirect_dma semaphore(%arg21 : memref<!tpu.dma_semaphore, #tpu.memory_space<semaphore_mem>>) src(%arg11 : memref<128x64xf32, #tpu.memory_space<vmem>>) dst(%dma_wait3A_237 : memref<10112x64xf32, #tpu.memory_space<vmem_shared>>)
        %add3A_238 = arith.constant 1 : i32
        %add3A_239 = arith.addi %scan3A_169, %add3A_238 : i32
        %lt3A = arith.constant 10 : i32
        %lt3A_240 = arith.cmpi slt, %add3A_239, %lt3A : i32
        %convert_element_type3A_241 = arith.extui %lt3A_240 : i1 to i32
        %cond3A_242 = arith.constant 0 : i32
        %cond3A_243 = arith.cmpi ne, %convert_element_type3A_241, %cond3A_242 : i32
        scf.if %cond3A_243 {
          %add3A_292 = arith.constant 4 : i32
          %add3A_293 = arith.addi %mul3A_171, %add3A_292 : i32
          %add3A_294 = arith.constant 0 : i32
          %add3A_295 = arith.addi %add3A_293, %add3A_294 : i32
          %dma_start3A_296 = arith.constant 0 : i32
          %dma_start3A_297 = tpu.memref_slice %arg9[%add3A_295, %dma_start3A_296] : memref<40x128xi32, #tpu.memory_space<vmem>> -> memref<1x128xi32, #tpu.memory_space<vmem>>
          %dma_start3A_298 = tpu.memref_squeeze %dma_start3A_297 : memref<1x128xi32, #tpu.memory_space<vmem>> -> memref<128xi32, #tpu.memory_space<vmem>>
          %dma_start3A_299 = arith.constant 0 : i32
          %dma_start3A_300 = arith.constant 0 : i32
          %dma_start3A_301 = tpu.memref_slice %arg16[%dma_start3A_299, %dma_start3A_300] : memref<10000x64xf32, #tpu.memory_space<vmem_shared>> -> memref<10000x64xf32, #tpu.memory_space<vmem_shared>>
          tpu.enqueue_indirect_dma source(%dma_start3A_301 : memref<10000x64xf32, #tpu.memory_space<vmem_shared>>) target(%arg11 : memref<128x64xf32, #tpu.memory_space<vmem>>) offsets(%dma_start3A_298 : memref<128xi32, #tpu.memory_space<vmem>>) semaphore(%arg17 : memref<!tpu.dma_semaphore, #tpu.memory_space<semaphore_mem>>)
        } else {
        }
        %dma_wait3A_244 = arith.constant 0 : i32
        %dma_wait3A_245 = arith.constant 0 : i32
        %dma_wait3A_246 = tpu.memref_slice %arg10[%dma_wait3A_244, %dma_wait3A_245] : memref<40x128xi32, #tpu.memory_space<vmem>> -> memref<1x128xi32, #tpu.memory_space<vmem>>
        %dma_wait3A_247 = tpu.memref_squeeze %dma_wait3A_246 : memref<1x128xi32, #tpu.memory_space<vmem>> -> memref<128xi32, #tpu.memory_space<vmem>>
        %dma_wait3A_248 = arith.constant 0 : i32
        %dma_wait3A_249 = arith.constant 0 : i32
        %dma_wait3A_250 = tpu.memref_slice %arg15[%dma_wait3A_248, %dma_wait3A_249] : memref<10112x64xf32, #tpu.memory_space<vmem_shared>> -> memref<10112x64xf32, #tpu.memory_space<vmem_shared>>
        tpu.wait_indirect_dma semaphore(%arg22 : memref<!tpu.dma_semaphore, #tpu.memory_space<semaphore_mem>>) src(%arg12 : memref<128x64xf32, #tpu.memory_space<vmem>>) dst(%dma_wait3A_250 : memref<10112x64xf32, #tpu.memory_space<vmem_shared>>)
        %add3A_251 = arith.constant 1 : i32
        %add3A_252 = arith.addi %scan3A_169, %add3A_251 : i32
        %lt3A_253 = arith.constant 10 : i32
        %lt3A_254 = arith.cmpi slt, %add3A_252, %lt3A_253 : i32
        %convert_element_type3A_255 = arith.extui %lt3A_254 : i1 to i32
        %cond3A_256 = arith.constant 0 : i32
        %cond3A_257 = arith.cmpi ne, %convert_element_type3A_255, %cond3A_256 : i32
        scf.if %cond3A_257 {
          %add3A_292 = arith.constant 4 : i32
          %add3A_293 = arith.addi %mul3A_171, %add3A_292 : i32
          %add3A_294 = arith.constant 1 : i32
          %add3A_295 = arith.addi %add3A_293, %add3A_294 : i32
          %dma_start3A_296 = arith.constant 0 : i32
          %dma_start3A_297 = tpu.memref_slice %arg9[%add3A_295, %dma_start3A_296] : memref<40x128xi32, #tpu.memory_space<vmem>> -> memref<1x128xi32, #tpu.memory_space<vmem>>
          %dma_start3A_298 = tpu.memref_squeeze %dma_start3A_297 : memref<1x128xi32, #tpu.memory_space<vmem>> -> memref<128xi32, #tpu.memory_space<vmem>>
          %dma_start3A_299 = arith.constant 0 : i32
          %dma_start3A_300 = arith.constant 0 : i32
          %dma_start3A_301 = tpu.memref_slice %arg16[%dma_start3A_299, %dma_start3A_300] : memref<10000x64xf32, #tpu.memory_space<vmem_shared>> -> memref<10000x64xf32, #tpu.memory_space<vmem_shared>>
          tpu.enqueue_indirect_dma source(%dma_start3A_301 : memref<10000x64xf32, #tpu.memory_space<vmem_shared>>) target(%arg12 : memref<128x64xf32, #tpu.memory_space<vmem>>) offsets(%dma_start3A_298 : memref<128xi32, #tpu.memory_space<vmem>>) semaphore(%arg18 : memref<!tpu.dma_semaphore, #tpu.memory_space<semaphore_mem>>)
        } else {
        }
        %dma_wait3A_258 = arith.constant 0 : i32
        %dma_wait3A_259 = arith.constant 0 : i32
        %dma_wait3A_260 = tpu.memref_slice %arg9[%dma_wait3A_258, %dma_wait3A_259] : memref<40x128xi32, #tpu.memory_space<vmem>> -> memref<1x128xi32, #tpu.memory_space<vmem>>
        %dma_wait3A_261 = tpu.memref_squeeze %dma_wait3A_260 : memref<1x128xi32, #tpu.memory_space<vmem>> -> memref<128xi32, #tpu.memory_space<vmem>>
        %dma_wait3A_262 = arith.constant 0 : i32
        %dma_wait3A_263 = arith.constant 0 : i32
        %dma_wait3A_264 = tpu.memref_slice %arg16[%dma_wait3A_262, %dma_wait3A_263] : memref<10000x64xf32, #tpu.memory_space<vmem_shared>> -> memref<10000x64xf32, #tpu.memory_space<vmem_shared>>
        tpu.wait_indirect_dma semaphore(%arg19 : memref<!tpu.dma_semaphore, #tpu.memory_space<semaphore_mem>>) src(%dma_wait3A_264 : memref<10000x64xf32, #tpu.memory_space<vmem_shared>>) dst(%arg13 : memref<128x64xf32, #tpu.memory_space<vmem>>)
        %add3A_265 = arith.constant 2 : i32
        %add3A_266 = arith.addi %mul3A_171, %add3A_265 : i32
        %add3A_267 = arith.constant 0 : i32
        %add3A_268 = arith.addi %add3A_266, %add3A_267 : i32
        %dma_start3A_269 = arith.constant 0 : i32
        %dma_start3A_270 = tpu.memref_slice %arg10[%add3A_268, %dma_start3A_269] : memref<40x128xi32, #tpu.memory_space<vmem>> -> memref<1x128xi32, #tpu.memory_space<vmem>>
        %dma_start3A_271 = tpu.memref_squeeze %dma_start3A_270 : memref<1x128xi32, #tpu.memory_space<vmem>> -> memref<128xi32, #tpu.memory_space<vmem>>
        %dma_start3A_272 = arith.constant 0 : i32
        %dma_start3A_273 = arith.constant 0 : i32
        %dma_start3A_274 = tpu.memref_slice %arg15[%dma_start3A_272, %dma_start3A_273] : memref<10112x64xf32, #tpu.memory_space<vmem_shared>> -> memref<10112x64xf32, #tpu.memory_space<vmem_shared>>
        tpu.enqueue_indirect_dma source(%arg13 : memref<128x64xf32, #tpu.memory_space<vmem>>) target(%dma_start3A_274 : memref<10112x64xf32, #tpu.memory_space<vmem_shared>>) offsets(%dma_start3A_271 : memref<128xi32, #tpu.memory_space<vmem>>) semaphore(%arg23 : memref<!tpu.dma_semaphore, #tpu.memory_space<semaphore_mem>>) {add = true}
        %dma_wait3A_275 = arith.constant 0 : i32
        %dma_wait3A_276 = arith.constant 0 : i32
        %dma_wait3A_277 = tpu.memref_slice %arg9[%dma_wait3A_275, %dma_wait3A_276] : memref<40x128xi32, #tpu.memory_space<vmem>> -> memref<1x128xi32, #tpu.memory_space<vmem>>
        %dma_wait3A_278 = tpu.memref_squeeze %dma_wait3A_277 : memref<1x128xi32, #tpu.memory_space<vmem>> -> memref<128xi32, #tpu.memory_space<vmem>>
        %dma_wait3A_279 = arith.constant 0 : i32
        %dma_wait3A_280 = arith.constant 0 : i32
        %dma_wait3A_281 = tpu.memref_slice %arg16[%dma_wait3A_279, %dma_wait3A_280] : memref<10000x64xf32, #tpu.memory_space<vmem_shared>> -> memref<10000x64xf32, #tpu.memory_space<vmem_shared>>
        tpu.wait_indirect_dma semaphore(%arg20 : memref<!tpu.dma_semaphore, #tpu.memory_space<semaphore_mem>>) src(%dma_wait3A_281 : memref<10000x64xf32, #tpu.memory_space<vmem_shared>>) dst(%arg14 : memref<128x64xf32, #tpu.memory_space<vmem>>)
        %add3A_282 = arith.constant 2 : i32
        %add3A_283 = arith.addi %mul3A_171, %add3A_282 : i32
        %add3A_284 = arith.constant 1 : i32
        %add3A_285 = arith.addi %add3A_283, %add3A_284 : i32
        %dma_start3A_286 = arith.constant 0 : i32
        %dma_start3A_287 = tpu.memref_slice %arg10[%add3A_285, %dma_start3A_286] : memref<40x128xi32, #tpu.memory_space<vmem>> -> memref<1x128xi32, #tpu.memory_space<vmem>>
        %dma_start3A_288 = tpu.memref_squeeze %dma_start3A_287 : memref<1x128xi32, #tpu.memory_space<vmem>> -> memref<128xi32, #tpu.memory_space<vmem>>
        %dma_start3A_289 = arith.constant 0 : i32
        %dma_start3A_290 = arith.constant 0 : i32
        %dma_start3A_291 = tpu.memref_slice %arg15[%dma_start3A_289, %dma_start3A_290] : memref<10112x64xf32, #tpu.memory_space<vmem_shared>> -> memref<10112x64xf32, #tpu.memory_space<vmem_shared>>
        tpu.enqueue_indirect_dma source(%arg14 : memref<128x64xf32, #tpu.memory_space<vmem>>) target(%dma_start3A_291 : memref<10112x64xf32, #tpu.memory_space<vmem_shared>>) offsets(%dma_start3A_288 : memref<128xi32, #tpu.memory_space<vmem>>) semaphore(%arg24 : memref<!tpu.dma_semaphore, #tpu.memory_space<semaphore_mem>>) {add = true}
      }
      %scan3A_149 = arith.constant 10 : i32
      %dma_wait3A_150 = arith.constant 0 : i32
      %dma_wait3A_151 = arith.constant 0 : i32
      %dma_wait3A_152 = tpu.memref_slice %arg10[%dma_wait3A_150, %dma_wait3A_151] : memref<40x128xi32, #tpu.memory_space<vmem>> -> memref<1x128xi32, #tpu.memory_space<vmem>>
      %dma_wait3A_153 = tpu.memref_squeeze %dma_wait3A_152 : memref<1x128xi32, #tpu.memory_space<vmem>> -> memref<128xi32, #tpu.memory_space<vmem>>
      %dma_wait3A_154 = arith.constant 0 : i32
      %dma_wait3A_155 = arith.constant 0 : i32
      %dma_wait3A_156 = tpu.memref_slice %arg15[%dma_wait3A_154, %dma_wait3A_155] : memref<10112x64xf32, #tpu.memory_space<vmem_shared>> -> memref<10112x64xf32, #tpu.memory_space<vmem_shared>>
      tpu.wait_indirect_dma semaphore(%arg23 : memref<!tpu.dma_semaphore, #tpu.memory_space<semaphore_mem>>) src(%arg13 : memref<128x64xf32, #tpu.memory_space<vmem>>) dst(%dma_wait3A_156 : memref<10112x64xf32, #tpu.memory_space<vmem_shared>>)
      %dma_wait3A_157 = arith.constant 0 : i32
      %dma_wait3A_158 = arith.constant 0 : i32
      %dma_wait3A_159 = tpu.memref_slice %arg10[%dma_wait3A_157, %dma_wait3A_158] : memref<40x128xi32, #tpu.memory_space<vmem>> -> memref<1x128xi32, #tpu.memory_space<vmem>>
      %dma_wait3A_160 = tpu.memref_squeeze %dma_wait3A_159 : memref<1x128xi32, #tpu.memory_space<vmem>> -> memref<128xi32, #tpu.memory_space<vmem>>
      %dma_wait3A_161 = arith.constant 0 : i32
      %dma_wait3A_162 = arith.constant 0 : i32
      %dma_wait3A_163 = tpu.memref_slice %arg15[%dma_wait3A_161, %dma_wait3A_162] : memref<10112x64xf32, #tpu.memory_space<vmem_shared>> -> memref<10112x64xf32, #tpu.memory_space<vmem_shared>>
      tpu.wait_indirect_dma semaphore(%arg24 : memref<!tpu.dma_semaphore, #tpu.memory_space<semaphore_mem>>) src(%arg14 : memref<128x64xf32, #tpu.memory_space<vmem>>) dst(%dma_wait3A_163 : memref<10112x64xf32, #tpu.memory_space<vmem_shared>>)
      %barrier3A_164 = arith.constant 0 : index
      tpu.barrier barrier_id(%barrier3A_164)
      %mul3A_165 = arith.constant 632 : i32
      %mul3A_166 = arith.muli %arg1, %mul3A_165 : i32
      %mul3A_167 = arith.constant 632 : i32
      %mul3A_168 = arith.muli %arg1, %mul3A_167 : i32
      "tpu.region"() ({
        %run_scoped3A = tpu.sem_alloc : memref<!tpu.dma_semaphore, #tpu.memory_space<semaphore_mem>>
        %dma_start3A_169 = arith.constant 0 : i32
        %dma_start3A_170 = tpu.memref_slice %arg8[%mul3A_168, %dma_start3A_169] : memref<10112x64xf32, #tpu.memory_space<hbm>> -> memref<632x64xf32, #tpu.memory_space<hbm>>
        %dma_start3A_171 = arith.constant 0 : i32
        %dma_start3A_172 = tpu.memref_slice %arg15[%mul3A_166, %dma_start3A_171] : memref<10112x64xf32, #tpu.memory_space<vmem_shared>> -> memref<632x64xf32, #tpu.memory_space<vmem_shared>>
        tpu.enqueue_dma source(%dma_start3A_172 : memref<632x64xf32, #tpu.memory_space<vmem_shared>>) target(%dma_start3A_170 : memref<632x64xf32, #tpu.memory_space<hbm>>) target_semaphore(%run_scoped3A : memref<!tpu.dma_semaphore, #tpu.memory_space<semaphore_mem>>)
        %dma_wait3A_173 = arith.constant 0 : i32
        %dma_wait3A_174 = tpu.memref_slice %arg8[%mul3A_168, %dma_wait3A_173] : memref<10112x64xf32, #tpu.memory_space<hbm>> -> memref<632x64xf32, #tpu.memory_space<hbm>>
        %dma_wait3A_175 = arith.constant 0 : i32
        %dma_wait3A_176 = tpu.memref_slice %arg15[%mul3A_166, %dma_wait3A_175] : memref<10112x64xf32, #tpu.memory_space<vmem_shared>> -> memref<632x64xf32, #tpu.memory_space<vmem_shared>>
        tpu.wait_dma2 semaphore(%run_scoped3A : memref<!tpu.dma_semaphore, #tpu.memory_space<semaphore_mem>>) src(%dma_wait3A_176 : memref<632x64xf32, #tpu.memory_space<vmem_shared>>) dst(%dma_wait3A_174 : memref<632x64xf32, #tpu.memory_space<hbm>>)
        tpu.yield
      }) : () -> ()
    } else {
    }
    return
  }
}

#map = affine_map<(d0, d1) -> (0, 0)>
#map1 = affine_map<(d0, d1) -> (0, 0, 0)>
module attributes {stable_mosaic.version = 14 : i64} {
  func.func @deg_kernel(%arg0: i32, %arg1: i32, %arg2: memref<2560x128xi32, #tpu.memory_space<hbm>>, %arg3: memref<10112x16xf32, #tpu.memory_space<hbm>>, %arg4: memref<128x16xf32, #tpu.memory_space<hbm>>, %arg5: memref<2x10112x16xf32, #tpu.memory_space<hbm>>, %arg6: memref<80x128xi32, #tpu.memory_space<vmem>>, %arg7: memref<128x16xf32, #tpu.memory_space<vmem>>, %arg8: memref<10112x16xf32, #tpu.memory_space<vmem_shared>>, %arg9: memref<!tpu.dma_semaphore, #tpu.memory_space<semaphore_mem>>) attributes {dimension_semantics = [#tpu.dimension_semantics<core_parallel>, #tpu.dimension_semantics<subcore_parallel>], iteration_bounds = array<i64: 2, 16>, scalar_prefetch = 0 : i64, scratch_operands = 4 : i64, tpu.core_type = #tpu.core_type<sc_vector_subcore>, window_params = [{transform_indices = #map}, {transform_indices = #map}, {transform_indices = #map}, {transform_indices = #map1}]} {
    %mul3A = arith.constant 1280 : i32
    %mul3A_0 = arith.muli %arg0, %mul3A : i32
    %mul3A_1 = arith.constant 80 : i32
    %mul3A_2 = arith.muli %arg1, %mul3A_1 : i32
    %add3A = arith.addi %mul3A_0, %mul3A_2 : i32
    "tpu.region"() ({
      %run_scoped3A = tpu.sem_alloc : memref<!tpu.dma_semaphore, #tpu.memory_space<semaphore_mem>>
      %dma_start3A = arith.constant 0 : i32
      %dma_start3A_15 = tpu.memref_slice %arg2[%add3A, %dma_start3A] : memref<2560x128xi32, #tpu.memory_space<hbm>> -> memref<80x128xi32, #tpu.memory_space<hbm>>
      %dma_start3A_16 = arith.constant 0 : i32
      %dma_start3A_17 = tpu.memref_slice %arg2[%add3A, %dma_start3A_16] : memref<2560x128xi32, #tpu.memory_space<hbm>> -> memref<80x128xi32, #tpu.memory_space<hbm>>
      tpu.enqueue_dma source(%dma_start3A_17 : memref<80x128xi32, #tpu.memory_space<hbm>>) target(%arg6 : memref<80x128xi32, #tpu.memory_space<vmem>>) target_semaphore(%run_scoped3A : memref<!tpu.dma_semaphore, #tpu.memory_space<semaphore_mem>>)
      %dma_wait3A = arith.constant 0 : i32
      %dma_wait3A_18 = tpu.memref_slice %arg2[%add3A, %dma_wait3A] : memref<2560x128xi32, #tpu.memory_space<hbm>> -> memref<80x128xi32, #tpu.memory_space<hbm>>
      %dma_wait3A_19 = arith.constant 0 : i32
      %dma_wait3A_20 = tpu.memref_slice %arg2[%add3A, %dma_wait3A_19] : memref<2560x128xi32, #tpu.memory_space<hbm>> -> memref<80x128xi32, #tpu.memory_space<hbm>>
      tpu.wait_dma2 semaphore(%run_scoped3A : memref<!tpu.dma_semaphore, #tpu.memory_space<semaphore_mem>>) src(%dma_wait3A_20 : memref<80x128xi32, #tpu.memory_space<hbm>>) dst(%arg6 : memref<80x128xi32, #tpu.memory_space<vmem>>)
      tpu.yield
    }) : () -> ()
    "tpu.region"() ({
      %run_scoped3A = tpu.sem_alloc : memref<!tpu.dma_semaphore, #tpu.memory_space<semaphore_mem>>
      tpu.enqueue_dma source(%arg4 : memref<128x16xf32, #tpu.memory_space<hbm>>) target(%arg7 : memref<128x16xf32, #tpu.memory_space<vmem>>) target_semaphore(%run_scoped3A : memref<!tpu.dma_semaphore, #tpu.memory_space<semaphore_mem>>)
      tpu.wait_dma2 semaphore(%run_scoped3A : memref<!tpu.dma_semaphore, #tpu.memory_space<semaphore_mem>>) src(%arg4 : memref<128x16xf32, #tpu.memory_space<hbm>>) dst(%arg7 : memref<128x16xf32, #tpu.memory_space<vmem>>)
      tpu.yield
    }) : () -> ()
    %eq3A = arith.constant 0 : i32
    %eq3A_3 = arith.cmpi eq, %arg1, %eq3A : i32
    %convert_element_type3A = arith.extui %eq3A_3 : i1 to i32
    %cond3A = arith.constant 0 : i32
    %cond3A_4 = arith.cmpi ne, %convert_element_type3A, %cond3A : i32
    scf.if %cond3A_4 {
      "tpu.region"() ({
        %run_scoped3A = tpu.sem_alloc : memref<!tpu.dma_semaphore, #tpu.memory_space<semaphore_mem>>
        tpu.enqueue_dma source(%arg3 : memref<10112x16xf32, #tpu.memory_space<hbm>>) target(%arg8 : memref<10112x16xf32, #tpu.memory_space<vmem_shared>>) target_semaphore(%run_scoped3A : memref<!tpu.dma_semaphore, #tpu.memory_space<semaphore_mem>>)
        tpu.wait_dma2 semaphore(%run_scoped3A : memref<!tpu.dma_semaphore, #tpu.memory_space<semaphore_mem>>) src(%arg3 : memref<10112x16xf32, #tpu.memory_space<hbm>>) dst(%arg8 : memref<10112x16xf32, #tpu.memory_space<vmem_shared>>)
        tpu.yield
      }) : () -> ()
    } else {
    }
    %barrier3A = arith.constant 0 : index
    tpu.barrier barrier_id(%barrier3A)
    %scan3A = arith.constant 0 : i32
    %scan3A_5 = arith.constant 0 : i32
    %scan3A_6 = arith.constant 10 : i32
    %scan3A_7 = arith.addi %scan3A_5, %scan3A_6 : i32
    %scan3A_8 = arith.constant 1 : i32
    scf.for %scan3A_15 = %scan3A_5 to %scan3A_7 step %scan3A_8  : i32 {
      %mul3A_16 = arith.constant 8 : i32
      %mul3A_17 = arith.muli %scan3A_15, %mul3A_16 : i32
      %add3A_18 = arith.constant 0 : i32
      %add3A_19 = arith.addi %mul3A_17, %add3A_18 : i32
      %dma_start3A = arith.constant 0 : i32
      %dma_start3A_20 = tpu.memref_slice %arg6[%add3A_19, %dma_start3A] : memref<80x128xi32, #tpu.memory_space<vmem>> -> memref<1x128xi32, #tpu.memory_space<vmem>>
      %dma_start3A_21 = tpu.memref_squeeze %dma_start3A_20 : memref<1x128xi32, #tpu.memory_space<vmem>> -> memref<128xi32, #tpu.memory_space<vmem>>
      %dma_start3A_22 = arith.constant 0 : i32
      %dma_start3A_23 = arith.constant 0 : i32
      %dma_start3A_24 = tpu.memref_slice %arg8[%dma_start3A_22, %dma_start3A_23] : memref<10112x16xf32, #tpu.memory_space<vmem_shared>> -> memref<10112x16xf32, #tpu.memory_space<vmem_shared>>
      tpu.enqueue_indirect_dma source(%arg7 : memref<128x16xf32, #tpu.memory_space<vmem>>) target(%dma_start3A_24 : memref<10112x16xf32, #tpu.memory_space<vmem_shared>>) offsets(%dma_start3A_21 : memref<128xi32, #tpu.memory_space<vmem>>) semaphore(%arg9 : memref<!tpu.dma_semaphore, #tpu.memory_space<semaphore_mem>>) {add = true}
      %mul3A_25 = arith.constant 8 : i32
      %mul3A_26 = arith.muli %scan3A_15, %mul3A_25 : i32
      %add3A_27 = arith.constant 1 : i32
      %add3A_28 = arith.addi %mul3A_26, %add3A_27 : i32
      %dma_start3A_29 = arith.constant 0 : i32
      %dma_start3A_30 = tpu.memref_slice %arg6[%add3A_28, %dma_start3A_29] : memref<80x128xi32, #tpu.memory_space<vmem>> -> memref<1x128xi32, #tpu.memory_space<vmem>>
      %dma_start3A_31 = tpu.memref_squeeze %dma_start3A_30 : memref<1x128xi32, #tpu.memory_space<vmem>> -> memref<128xi32, #tpu.memory_space<vmem>>
      %dma_start3A_32 = arith.constant 0 : i32
      %dma_start3A_33 = arith.constant 0 : i32
      %dma_start3A_34 = tpu.memref_slice %arg8[%dma_start3A_32, %dma_start3A_33] : memref<10112x16xf32, #tpu.memory_space<vmem_shared>> -> memref<10112x16xf32, #tpu.memory_space<vmem_shared>>
      tpu.enqueue_indirect_dma source(%arg7 : memref<128x16xf32, #tpu.memory_space<vmem>>) target(%dma_start3A_34 : memref<10112x16xf32, #tpu.memory_space<vmem_shared>>) offsets(%dma_start3A_31 : memref<128xi32, #tpu.memory_space<vmem>>) semaphore(%arg9 : memref<!tpu.dma_semaphore, #tpu.memory_space<semaphore_mem>>) {add = true}
      %mul3A_35 = arith.constant 8 : i32
      %mul3A_36 = arith.muli %scan3A_15, %mul3A_35 : i32
      %add3A_37 = arith.constant 2 : i32
      %add3A_38 = arith.addi %mul3A_36, %add3A_37 : i32
      %dma_start3A_39 = arith.constant 0 : i32
      %dma_start3A_40 = tpu.memref_slice %arg6[%add3A_38, %dma_start3A_39] : memref<80x128xi32, #tpu.memory_space<vmem>> -> memref<1x128xi32, #tpu.memory_space<vmem>>
      %dma_start3A_41 = tpu.memref_squeeze %dma_start3A_40 : memref<1x128xi32, #tpu.memory_space<vmem>> -> memref<128xi32, #tpu.memory_space<vmem>>
      %dma_start3A_42 = arith.constant 0 : i32
      %dma_start3A_43 = arith.constant 0 : i32
      %dma_start3A_44 = tpu.memref_slice %arg8[%dma_start3A_42, %dma_start3A_43] : memref<10112x16xf32, #tpu.memory_space<vmem_shared>> -> memref<10112x16xf32, #tpu.memory_space<vmem_shared>>
      tpu.enqueue_indirect_dma source(%arg7 : memref<128x16xf32, #tpu.memory_space<vmem>>) target(%dma_start3A_44 : memref<10112x16xf32, #tpu.memory_space<vmem_shared>>) offsets(%dma_start3A_41 : memref<128xi32, #tpu.memory_space<vmem>>) semaphore(%arg9 : memref<!tpu.dma_semaphore, #tpu.memory_space<semaphore_mem>>) {add = true}
      %mul3A_45 = arith.constant 8 : i32
      %mul3A_46 = arith.muli %scan3A_15, %mul3A_45 : i32
      %add3A_47 = arith.constant 3 : i32
      %add3A_48 = arith.addi %mul3A_46, %add3A_47 : i32
      %dma_start3A_49 = arith.constant 0 : i32
      %dma_start3A_50 = tpu.memref_slice %arg6[%add3A_48, %dma_start3A_49] : memref<80x128xi32, #tpu.memory_space<vmem>> -> memref<1x128xi32, #tpu.memory_space<vmem>>
      %dma_start3A_51 = tpu.memref_squeeze %dma_start3A_50 : memref<1x128xi32, #tpu.memory_space<vmem>> -> memref<128xi32, #tpu.memory_space<vmem>>
      %dma_start3A_52 = arith.constant 0 : i32
      %dma_start3A_53 = arith.constant 0 : i32
      %dma_start3A_54 = tpu.memref_slice %arg8[%dma_start3A_52, %dma_start3A_53] : memref<10112x16xf32, #tpu.memory_space<vmem_shared>> -> memref<10112x16xf32, #tpu.memory_space<vmem_shared>>
      tpu.enqueue_indirect_dma source(%arg7 : memref<128x16xf32, #tpu.memory_space<vmem>>) target(%dma_start3A_54 : memref<10112x16xf32, #tpu.memory_space<vmem_shared>>) offsets(%dma_start3A_51 : memref<128xi32, #tpu.memory_space<vmem>>) semaphore(%arg9 : memref<!tpu.dma_semaphore, #tpu.memory_space<semaphore_mem>>) {add = true}
      %mul3A_55 = arith.constant 8 : i32
      %mul3A_56 = arith.muli %scan3A_15, %mul3A_55 : i32
      %add3A_57 = arith.constant 4 : i32
      %add3A_58 = arith.addi %mul3A_56, %add3A_57 : i32
      %dma_start3A_59 = arith.constant 0 : i32
      %dma_start3A_60 = tpu.memref_slice %arg6[%add3A_58, %dma_start3A_59] : memref<80x128xi32, #tpu.memory_space<vmem>> -> memref<1x128xi32, #tpu.memory_space<vmem>>
      %dma_start3A_61 = tpu.memref_squeeze %dma_start3A_60 : memref<1x128xi32, #tpu.memory_space<vmem>> -> memref<128xi32, #tpu.memory_space<vmem>>
      %dma_start3A_62 = arith.constant 0 : i32
      %dma_start3A_63 = arith.constant 0 : i32
      %dma_start3A_64 = tpu.memref_slice %arg8[%dma_start3A_62, %dma_start3A_63] : memref<10112x16xf32, #tpu.memory_space<vmem_shared>> -> memref<10112x16xf32, #tpu.memory_space<vmem_shared>>
      tpu.enqueue_indirect_dma source(%arg7 : memref<128x16xf32, #tpu.memory_space<vmem>>) target(%dma_start3A_64 : memref<10112x16xf32, #tpu.memory_space<vmem_shared>>) offsets(%dma_start3A_61 : memref<128xi32, #tpu.memory_space<vmem>>) semaphore(%arg9 : memref<!tpu.dma_semaphore, #tpu.memory_space<semaphore_mem>>) {add = true}
      %mul3A_65 = arith.constant 8 : i32
      %mul3A_66 = arith.muli %scan3A_15, %mul3A_65 : i32
      %add3A_67 = arith.constant 5 : i32
      %add3A_68 = arith.addi %mul3A_66, %add3A_67 : i32
      %dma_start3A_69 = arith.constant 0 : i32
      %dma_start3A_70 = tpu.memref_slice %arg6[%add3A_68, %dma_start3A_69] : memref<80x128xi32, #tpu.memory_space<vmem>> -> memref<1x128xi32, #tpu.memory_space<vmem>>
      %dma_start3A_71 = tpu.memref_squeeze %dma_start3A_70 : memref<1x128xi32, #tpu.memory_space<vmem>> -> memref<128xi32, #tpu.memory_space<vmem>>
      %dma_start3A_72 = arith.constant 0 : i32
      %dma_start3A_73 = arith.constant 0 : i32
      %dma_start3A_74 = tpu.memref_slice %arg8[%dma_start3A_72, %dma_start3A_73] : memref<10112x16xf32, #tpu.memory_space<vmem_shared>> -> memref<10112x16xf32, #tpu.memory_space<vmem_shared>>
      tpu.enqueue_indirect_dma source(%arg7 : memref<128x16xf32, #tpu.memory_space<vmem>>) target(%dma_start3A_74 : memref<10112x16xf32, #tpu.memory_space<vmem_shared>>) offsets(%dma_start3A_71 : memref<128xi32, #tpu.memory_space<vmem>>) semaphore(%arg9 : memref<!tpu.dma_semaphore, #tpu.memory_space<semaphore_mem>>) {add = true}
      %mul3A_75 = arith.constant 8 : i32
      %mul3A_76 = arith.muli %scan3A_15, %mul3A_75 : i32
      %add3A_77 = arith.constant 6 : i32
      %add3A_78 = arith.addi %mul3A_76, %add3A_77 : i32
      %dma_start3A_79 = arith.constant 0 : i32
      %dma_start3A_80 = tpu.memref_slice %arg6[%add3A_78, %dma_start3A_79] : memref<80x128xi32, #tpu.memory_space<vmem>> -> memref<1x128xi32, #tpu.memory_space<vmem>>
      %dma_start3A_81 = tpu.memref_squeeze %dma_start3A_80 : memref<1x128xi32, #tpu.memory_space<vmem>> -> memref<128xi32, #tpu.memory_space<vmem>>
      %dma_start3A_82 = arith.constant 0 : i32
      %dma_start3A_83 = arith.constant 0 : i32
      %dma_start3A_84 = tpu.memref_slice %arg8[%dma_start3A_82, %dma_start3A_83] : memref<10112x16xf32, #tpu.memory_space<vmem_shared>> -> memref<10112x16xf32, #tpu.memory_space<vmem_shared>>
      tpu.enqueue_indirect_dma source(%arg7 : memref<128x16xf32, #tpu.memory_space<vmem>>) target(%dma_start3A_84 : memref<10112x16xf32, #tpu.memory_space<vmem_shared>>) offsets(%dma_start3A_81 : memref<128xi32, #tpu.memory_space<vmem>>) semaphore(%arg9 : memref<!tpu.dma_semaphore, #tpu.memory_space<semaphore_mem>>) {add = true}
      %mul3A_85 = arith.constant 8 : i32
      %mul3A_86 = arith.muli %scan3A_15, %mul3A_85 : i32
      %add3A_87 = arith.constant 7 : i32
      %add3A_88 = arith.addi %mul3A_86, %add3A_87 : i32
      %dma_start3A_89 = arith.constant 0 : i32
      %dma_start3A_90 = tpu.memref_slice %arg6[%add3A_88, %dma_start3A_89] : memref<80x128xi32, #tpu.memory_space<vmem>> -> memref<1x128xi32, #tpu.memory_space<vmem>>
      %dma_start3A_91 = tpu.memref_squeeze %dma_start3A_90 : memref<1x128xi32, #tpu.memory_space<vmem>> -> memref<128xi32, #tpu.memory_space<vmem>>
      %dma_start3A_92 = arith.constant 0 : i32
      %dma_start3A_93 = arith.constant 0 : i32
      %dma_start3A_94 = tpu.memref_slice %arg8[%dma_start3A_92, %dma_start3A_93] : memref<10112x16xf32, #tpu.memory_space<vmem_shared>> -> memref<10112x16xf32, #tpu.memory_space<vmem_shared>>
      tpu.enqueue_indirect_dma source(%arg7 : memref<128x16xf32, #tpu.memory_space<vmem>>) target(%dma_start3A_94 : memref<10112x16xf32, #tpu.memory_space<vmem_shared>>) offsets(%dma_start3A_91 : memref<128xi32, #tpu.memory_space<vmem>>) semaphore(%arg9 : memref<!tpu.dma_semaphore, #tpu.memory_space<semaphore_mem>>) {add = true}
      %dma_wait3A = arith.constant 0 : i32
      %dma_wait3A_95 = tpu.memref_slice %arg6[%add3A_19, %dma_wait3A] : memref<80x128xi32, #tpu.memory_space<vmem>> -> memref<1x128xi32, #tpu.memory_space<vmem>>
      %dma_wait3A_96 = tpu.memref_squeeze %dma_wait3A_95 : memref<1x128xi32, #tpu.memory_space<vmem>> -> memref<128xi32, #tpu.memory_space<vmem>>
      %dma_wait3A_97 = arith.constant 0 : i32
      %dma_wait3A_98 = arith.constant 0 : i32
      %dma_wait3A_99 = tpu.memref_slice %arg8[%dma_wait3A_97, %dma_wait3A_98] : memref<10112x16xf32, #tpu.memory_space<vmem_shared>> -> memref<10112x16xf32, #tpu.memory_space<vmem_shared>>
      tpu.wait_indirect_dma semaphore(%arg9 : memref<!tpu.dma_semaphore, #tpu.memory_space<semaphore_mem>>) src(%arg7 : memref<128x16xf32, #tpu.memory_space<vmem>>) dst(%dma_wait3A_99 : memref<10112x16xf32, #tpu.memory_space<vmem_shared>>)
      %dma_wait3A_100 = arith.constant 0 : i32
      %dma_wait3A_101 = tpu.memref_slice %arg6[%add3A_28, %dma_wait3A_100] : memref<80x128xi32, #tpu.memory_space<vmem>> -> memref<1x128xi32, #tpu.memory_space<vmem>>
      %dma_wait3A_102 = tpu.memref_squeeze %dma_wait3A_101 : memref<1x128xi32, #tpu.memory_space<vmem>> -> memref<128xi32, #tpu.memory_space<vmem>>
      %dma_wait3A_103 = arith.constant 0 : i32
      %dma_wait3A_104 = arith.constant 0 : i32
      %dma_wait3A_105 = tpu.memref_slice %arg8[%dma_wait3A_103, %dma_wait3A_104] : memref<10112x16xf32, #tpu.memory_space<vmem_shared>> -> memref<10112x16xf32, #tpu.memory_space<vmem_shared>>
      tpu.wait_indirect_dma semaphore(%arg9 : memref<!tpu.dma_semaphore, #tpu.memory_space<semaphore_mem>>) src(%arg7 : memref<128x16xf32, #tpu.memory_space<vmem>>) dst(%dma_wait3A_105 : memref<10112x16xf32, #tpu.memory_space<vmem_shared>>)
      %dma_wait3A_106 = arith.constant 0 : i32
      %dma_wait3A_107 = tpu.memref_slice %arg6[%add3A_38, %dma_wait3A_106] : memref<80x128xi32, #tpu.memory_space<vmem>> -> memref<1x128xi32, #tpu.memory_space<vmem>>
      %dma_wait3A_108 = tpu.memref_squeeze %dma_wait3A_107 : memref<1x128xi32, #tpu.memory_space<vmem>> -> memref<128xi32, #tpu.memory_space<vmem>>
      %dma_wait3A_109 = arith.constant 0 : i32
      %dma_wait3A_110 = arith.constant 0 : i32
      %dma_wait3A_111 = tpu.memref_slice %arg8[%dma_wait3A_109, %dma_wait3A_110] : memref<10112x16xf32, #tpu.memory_space<vmem_shared>> -> memref<10112x16xf32, #tpu.memory_space<vmem_shared>>
      tpu.wait_indirect_dma semaphore(%arg9 : memref<!tpu.dma_semaphore, #tpu.memory_space<semaphore_mem>>) src(%arg7 : memref<128x16xf32, #tpu.memory_space<vmem>>) dst(%dma_wait3A_111 : memref<10112x16xf32, #tpu.memory_space<vmem_shared>>)
      %dma_wait3A_112 = arith.constant 0 : i32
      %dma_wait3A_113 = tpu.memref_slice %arg6[%add3A_48, %dma_wait3A_112] : memref<80x128xi32, #tpu.memory_space<vmem>> -> memref<1x128xi32, #tpu.memory_space<vmem>>
      %dma_wait3A_114 = tpu.memref_squeeze %dma_wait3A_113 : memref<1x128xi32, #tpu.memory_space<vmem>> -> memref<128xi32, #tpu.memory_space<vmem>>
      %dma_wait3A_115 = arith.constant 0 : i32
      %dma_wait3A_116 = arith.constant 0 : i32
      %dma_wait3A_117 = tpu.memref_slice %arg8[%dma_wait3A_115, %dma_wait3A_116] : memref<10112x16xf32, #tpu.memory_space<vmem_shared>> -> memref<10112x16xf32, #tpu.memory_space<vmem_shared>>
      tpu.wait_indirect_dma semaphore(%arg9 : memref<!tpu.dma_semaphore, #tpu.memory_space<semaphore_mem>>) src(%arg7 : memref<128x16xf32, #tpu.memory_space<vmem>>) dst(%dma_wait3A_117 : memref<10112x16xf32, #tpu.memory_space<vmem_shared>>)
      %dma_wait3A_118 = arith.constant 0 : i32
      %dma_wait3A_119 = tpu.memref_slice %arg6[%add3A_58, %dma_wait3A_118] : memref<80x128xi32, #tpu.memory_space<vmem>> -> memref<1x128xi32, #tpu.memory_space<vmem>>
      %dma_wait3A_120 = tpu.memref_squeeze %dma_wait3A_119 : memref<1x128xi32, #tpu.memory_space<vmem>> -> memref<128xi32, #tpu.memory_space<vmem>>
      %dma_wait3A_121 = arith.constant 0 : i32
      %dma_wait3A_122 = arith.constant 0 : i32
      %dma_wait3A_123 = tpu.memref_slice %arg8[%dma_wait3A_121, %dma_wait3A_122] : memref<10112x16xf32, #tpu.memory_space<vmem_shared>> -> memref<10112x16xf32, #tpu.memory_space<vmem_shared>>
      tpu.wait_indirect_dma semaphore(%arg9 : memref<!tpu.dma_semaphore, #tpu.memory_space<semaphore_mem>>) src(%arg7 : memref<128x16xf32, #tpu.memory_space<vmem>>) dst(%dma_wait3A_123 : memref<10112x16xf32, #tpu.memory_space<vmem_shared>>)
      %dma_wait3A_124 = arith.constant 0 : i32
      %dma_wait3A_125 = tpu.memref_slice %arg6[%add3A_68, %dma_wait3A_124] : memref<80x128xi32, #tpu.memory_space<vmem>> -> memref<1x128xi32, #tpu.memory_space<vmem>>
      %dma_wait3A_126 = tpu.memref_squeeze %dma_wait3A_125 : memref<1x128xi32, #tpu.memory_space<vmem>> -> memref<128xi32, #tpu.memory_space<vmem>>
      %dma_wait3A_127 = arith.constant 0 : i32
      %dma_wait3A_128 = arith.constant 0 : i32
      %dma_wait3A_129 = tpu.memref_slice %arg8[%dma_wait3A_127, %dma_wait3A_128] : memref<10112x16xf32, #tpu.memory_space<vmem_shared>> -> memref<10112x16xf32, #tpu.memory_space<vmem_shared>>
      tpu.wait_indirect_dma semaphore(%arg9 : memref<!tpu.dma_semaphore, #tpu.memory_space<semaphore_mem>>) src(%arg7 : memref<128x16xf32, #tpu.memory_space<vmem>>) dst(%dma_wait3A_129 : memref<10112x16xf32, #tpu.memory_space<vmem_shared>>)
      %dma_wait3A_130 = arith.constant 0 : i32
      %dma_wait3A_131 = tpu.memref_slice %arg6[%add3A_78, %dma_wait3A_130] : memref<80x128xi32, #tpu.memory_space<vmem>> -> memref<1x128xi32, #tpu.memory_space<vmem>>
      %dma_wait3A_132 = tpu.memref_squeeze %dma_wait3A_131 : memref<1x128xi32, #tpu.memory_space<vmem>> -> memref<128xi32, #tpu.memory_space<vmem>>
      %dma_wait3A_133 = arith.constant 0 : i32
      %dma_wait3A_134 = arith.constant 0 : i32
      %dma_wait3A_135 = tpu.memref_slice %arg8[%dma_wait3A_133, %dma_wait3A_134] : memref<10112x16xf32, #tpu.memory_space<vmem_shared>> -> memref<10112x16xf32, #tpu.memory_space<vmem_shared>>
      tpu.wait_indirect_dma semaphore(%arg9 : memref<!tpu.dma_semaphore, #tpu.memory_space<semaphore_mem>>) src(%arg7 : memref<128x16xf32, #tpu.memory_space<vmem>>) dst(%dma_wait3A_135 : memref<10112x16xf32, #tpu.memory_space<vmem_shared>>)
      %dma_wait3A_136 = arith.constant 0 : i32
      %dma_wait3A_137 = tpu.memref_slice %arg6[%add3A_88, %dma_wait3A_136] : memref<80x128xi32, #tpu.memory_space<vmem>> -> memref<1x128xi32, #tpu.memory_space<vmem>>
      %dma_wait3A_138 = tpu.memref_squeeze %dma_wait3A_137 : memref<1x128xi32, #tpu.memory_space<vmem>> -> memref<128xi32, #tpu.memory_space<vmem>>
      %dma_wait3A_139 = arith.constant 0 : i32
      %dma_wait3A_140 = arith.constant 0 : i32
      %dma_wait3A_141 = tpu.memref_slice %arg8[%dma_wait3A_139, %dma_wait3A_140] : memref<10112x16xf32, #tpu.memory_space<vmem_shared>> -> memref<10112x16xf32, #tpu.memory_space<vmem_shared>>
      tpu.wait_indirect_dma semaphore(%arg9 : memref<!tpu.dma_semaphore, #tpu.memory_space<semaphore_mem>>) src(%arg7 : memref<128x16xf32, #tpu.memory_space<vmem>>) dst(%dma_wait3A_141 : memref<10112x16xf32, #tpu.memory_space<vmem_shared>>)
    }
    %scan3A_9 = arith.constant 10 : i32
    %barrier3A_10 = arith.constant 0 : index
    tpu.barrier barrier_id(%barrier3A_10)
    %mul3A_11 = arith.constant 632 : i32
    %mul3A_12 = arith.muli %arg1, %mul3A_11 : i32
    %mul3A_13 = arith.constant 632 : i32
    %mul3A_14 = arith.muli %arg1, %mul3A_13 : i32
    "tpu.region"() ({
      %run_scoped3A = tpu.sem_alloc : memref<!tpu.dma_semaphore, #tpu.memory_space<semaphore_mem>>
      %dma_start3A = arith.constant 0 : i32
      %dma_start3A_15 = arith.constant 0 : i32
      %dma_start3A_16 = tpu.memref_slice %arg5[%arg0, %dma_start3A, %dma_start3A_15] : memref<2x10112x16xf32, #tpu.memory_space<hbm>> -> memref<1x10112x16xf32, #tpu.memory_space<hbm>>
      %dma_start3A_17 = tpu.memref_squeeze %dma_start3A_16 : memref<1x10112x16xf32, #tpu.memory_space<hbm>> -> memref<10112x16xf32, #tpu.memory_space<hbm>>
      %dma_start3A_18 = arith.constant 0 : i32
      %dma_start3A_19 = tpu.memref_slice %dma_start3A_17[%mul3A_14, %dma_start3A_18] : memref<10112x16xf32, #tpu.memory_space<hbm>> -> memref<632x16xf32, #tpu.memory_space<hbm>>
      %dma_start3A_20 = arith.constant 0 : i32
      %dma_start3A_21 = tpu.memref_slice %arg8[%mul3A_12, %dma_start3A_20] : memref<10112x16xf32, #tpu.memory_space<vmem_shared>> -> memref<632x16xf32, #tpu.memory_space<vmem_shared>>
      tpu.enqueue_dma source(%dma_start3A_21 : memref<632x16xf32, #tpu.memory_space<vmem_shared>>) target(%dma_start3A_19 : memref<632x16xf32, #tpu.memory_space<hbm>>) target_semaphore(%run_scoped3A : memref<!tpu.dma_semaphore, #tpu.memory_space<semaphore_mem>>)
      %dma_wait3A = arith.constant 0 : i32
      %dma_wait3A_22 = arith.constant 0 : i32
      %dma_wait3A_23 = tpu.memref_slice %arg5[%arg0, %dma_wait3A, %dma_wait3A_22] : memref<2x10112x16xf32, #tpu.memory_space<hbm>> -> memref<1x10112x16xf32, #tpu.memory_space<hbm>>
      %dma_wait3A_24 = tpu.memref_squeeze %dma_wait3A_23 : memref<1x10112x16xf32, #tpu.memory_space<hbm>> -> memref<10112x16xf32, #tpu.memory_space<hbm>>
      %dma_wait3A_25 = arith.constant 0 : i32
      %dma_wait3A_26 = tpu.memref_slice %dma_wait3A_24[%mul3A_14, %dma_wait3A_25] : memref<10112x16xf32, #tpu.memory_space<hbm>> -> memref<632x16xf32, #tpu.memory_space<hbm>>
      %dma_wait3A_27 = arith.constant 0 : i32
      %dma_wait3A_28 = tpu.memref_slice %arg8[%mul3A_12, %dma_wait3A_27] : memref<10112x16xf32, #tpu.memory_space<vmem_shared>> -> memref<632x16xf32, #tpu.memory_space<vmem_shared>>
      tpu.wait_dma2 semaphore(%run_scoped3A : memref<!tpu.dma_semaphore, #tpu.memory_space<semaphore_mem>>) src(%dma_wait3A_28 : memref<632x16xf32, #tpu.memory_space<vmem_shared>>) dst(%dma_wait3A_26 : memref<632x16xf32, #tpu.memory_space<hbm>>)
      tpu.yield
    }) : () -> ()
    return
  }
}

module attributes {stable_mosaic.version = 14 : i64} {
  func.func @_prescale_body(%arg0: i32, %arg1: memref<2x2000x16xf32, #tpu.memory_space<vmem>>, %arg2: memref<2000x128xf32, #tpu.memory_space<vmem>>, %arg3: memref<2000x1xf32, #tpu.memory_space<vmem>>, %arg4: memref<2000x64xf32, #tpu.memory_space<vmem>>, %arg5: memref<2000x64xf32, #tpu.memory_space<vmem>>) attributes {dimension_semantics = [#tpu.dimension_semantics<arbitrary>], iteration_bounds = array<i64: 5>, scalar_prefetch = 0 : i64, scratch_operands = 0 : i64, tpu.core_type = #tpu.core_type<tc>, window_params = [{transform_indices = @transform_0, window_bounds = array<i64: 2, 2000, 16>}, {transform_indices = @transform_1, window_bounds = array<i64: 2000, 128>}, {transform_indices = @transform_2, window_bounds = array<i64: 2000, 1>}, {transform_indices = @transform_3, window_bounds = array<i64: 2000, 64>}, {transform_indices = @transform_4, window_bounds = array<i64: 2000, 64>}]} {
    %get3A = arith.constant 0 : index
    %get3A_0 = arith.constant 0 : index
    %get3A_1 = arith.constant 0 : index
    %get3A_2 = vector.load %arg1[%get3A, %get3A_0, %get3A_1] : memref<2x2000x16xf32, #tpu.memory_space<vmem>>, vector<1x2000x1xf32>
    %get3A_3 = vector.shape_cast %get3A_2 : vector<1x2000x1xf32> to vector<2000x1xf32>
    %get3A_4 = arith.constant 1 : index
    %get3A_5 = arith.constant 0 : index
    %get3A_6 = arith.constant 0 : index
    %get3A_7 = vector.load %arg1[%get3A_4, %get3A_5, %get3A_6] : memref<2x2000x16xf32, #tpu.memory_space<vmem>>, vector<1x2000x1xf32>
    %get3A_8 = vector.shape_cast %get3A_7 : vector<1x2000x1xf32> to vector<2000x1xf32>
    %add3A = arith.addf %get3A_3, %get3A_8 : vector<2000x1xf32>
    %add3A_9 = arith.constant 1.000000e+00 : f32
    %add3A_10 = vector.broadcast %add3A_9 : f32 to vector<2000x1xf32>
    %add3A_11 = arith.addf %add3A, %add3A_10 : vector<2000x1xf32>
    %jit3A = arith.constant 1.000000e+00 : f32
    %max3A = vector.broadcast %jit3A : f32 to vector<2000x1xf32>
    %max3A_12 = arith.maximumf %max3A, %add3A_11 : vector<2000x1xf32>
    %sqrt3A = math.sqrt %max3A_12 : vector<2000x1xf32>
    %div3A = arith.constant 1.000000e+00 : f32
    %div3A_13 = vector.broadcast %div3A : f32 to vector<2000x1xf32>
    %div3A_14 = arith.divf %div3A_13, %sqrt3A : vector<2000x1xf32>
    %swap3A = arith.constant 0 : index
    %swap3A_15 = arith.constant 0 : index
    %swap3A_16 = vector.load %arg3[%swap3A, %swap3A_15] : memref<2000x1xf32, #tpu.memory_space<vmem>>, vector<2000x1xf32>
    tpu.vector_store %arg3[%swap3A, %swap3A_15], %div3A_14 {strides = array<i32>} : memref<2000x1xf32, #tpu.memory_space<vmem>>, vector<2000x1xf32>,
    %get3A_17 = arith.constant 0 : index
    %get3A_18 = arith.constant 0 : index
    %get3A_19 = vector.load %arg2[%get3A_17, %get3A_18] : memref<2000x128xf32, #tpu.memory_space<vmem>>, vector<2000x128xf32>
    %mul3A = vector.broadcast %div3A_14 : vector<2000x1xf32> to vector<2000x128xf32>
    %mul3A_20 = arith.mulf %get3A_19, %mul3A : vector<2000x128xf32>
    %slice3A = vector.extract_strided_slice %mul3A_20 {offsets = [0, 0], sizes = [2000, 64], strides = [1, 1]} : vector<2000x128xf32> to vector<2000x64xf32>
    %swap3A_21 = arith.constant 0 : index
    %swap3A_22 = arith.constant 0 : index
    %swap3A_23 = vector.load %arg4[%swap3A_21, %swap3A_22] : memref<2000x64xf32, #tpu.memory_space<vmem>>, vector<2000x64xf32>
    tpu.vector_store %arg4[%swap3A_21, %swap3A_22], %slice3A {strides = array<i32>} : memref<2000x64xf32, #tpu.memory_space<vmem>>, vector<2000x64xf32>,
    %slice3A_24 = vector.extract_strided_slice %mul3A_20 {offsets = [0, 64], sizes = [2000, 64], strides = [1, 1]} : vector<2000x128xf32> to vector<2000x64xf32>
    %swap3A_25 = arith.constant 0 : index
    %swap3A_26 = arith.constant 0 : index
    %swap3A_27 = vector.load %arg5[%swap3A_25, %swap3A_26] : memref<2000x64xf32, #tpu.memory_space<vmem>>, vector<2000x64xf32>
    tpu.vector_store %arg5[%swap3A_25, %swap3A_26], %slice3A_24 {strides = array<i32>} : memref<2000x64xf32, #tpu.memory_space<vmem>>, vector<2000x64xf32>,
    return
  }
  func.func @transform_0(%arg0: i32) -> (i32, i32, i32) {
    %c0_i32 = arith.constant 0 : i32
    %c0_i32_0 = arith.constant 0 : i32
    %c0_i32_1 = arith.constant 0 : i32
    return %c0_i32, %arg0, %c0_i32_0 : i32, i32, i32
  }
  func.func @transform_1(%arg0: i32) -> (i32, i32) {
    %c0_i32 = arith.constant 0 : i32
    %c0_i32_0 = arith.constant 0 : i32
    return %arg0, %c0_i32 : i32, i32
  }
  func.func @transform_2(%arg0: i32) -> (i32, i32) {
    %c0_i32 = arith.constant 0 : i32
    %c0_i32_0 = arith.constant 0 : i32
    return %arg0, %c0_i32 : i32, i32
  }
  func.func @transform_3(%arg0: i32) -> (i32, i32) {
    %c0_i32 = arith.constant 0 : i32
    %c0_i32_0 = arith.constant 0 : i32
    return %arg0, %c0_i32 : i32, i32
  }
  func.func @transform_4(%arg0: i32) -> (i32, i32) {
    %c0_i32 = arith.constant 0 : i32
    %c0_i32_0 = arith.constant 0 : i32
    return %arg0, %c0_i32 : i32, i32
  }
}

module attributes {stable_mosaic.version = 14 : i64} {
  func.func @_mid_body(%arg0: i32, %arg1: memref<2000x64xf32, #tpu.memory_space<vmem>>, %arg2: memref<2000x64xf32, #tpu.memory_space<vmem>>, %arg3: memref<2000x64xf32, #tpu.memory_space<vmem>>, %arg4: memref<2000x64xf32, #tpu.memory_space<vmem>>, %arg5: memref<2000x1xf32, #tpu.memory_space<vmem>>, %arg6: memref<128x256xf32, #tpu.memory_space<vmem>>, %arg7: memref<1x256xf32, #tpu.memory_space<vmem>>, %arg8: memref<256x2xf32, #tpu.memory_space<vmem>>, %arg9: memref<2000x16xf32, #tpu.memory_space<vmem>>) attributes {dimension_semantics = [#tpu.dimension_semantics<arbitrary>], iteration_bounds = array<i64: 5>, scalar_prefetch = 0 : i64, scratch_operands = 0 : i64, tpu.core_type = #tpu.core_type<tc>, window_params = [{transform_indices = @transform_0, window_bounds = array<i64: 2000, 64>}, {transform_indices = @transform_1, window_bounds = array<i64: 2000, 64>}, {transform_indices = @transform_2, window_bounds = array<i64: 2000, 64>}, {transform_indices = @transform_3, window_bounds = array<i64: 2000, 64>}, {transform_indices = @transform_4, window_bounds = array<i64: 2000, 1>}, {pipeline_mode = #tpu.pipeline_mode<synchronous>, transform_indices = @transform_5, window_bounds = array<i64: 128, 256>}, {pipeline_mode = #tpu.pipeline_mode<synchronous>, transform_indices = @transform_6, window_bounds = array<i64: 1, 256>}, {pipeline_mode = #tpu.pipeline_mode<synchronous>, transform_indices = @transform_7, window_bounds = array<i64: 256, 2>}, {transform_indices = @transform_8, window_bounds = array<i64: 2000, 16>}]} {
    %get3A = arith.constant 0 : index
    %get3A_0 = arith.constant 0 : index
    %get3A_1 = vector.load %arg5[%get3A, %get3A_0] : memref<2000x1xf32, #tpu.memory_space<vmem>>, vector<2000x1xf32>
    %get3A_2 = arith.constant 0 : index
    %get3A_3 = arith.constant 0 : index
    %get3A_4 = vector.load %arg1[%get3A_2, %get3A_3] : memref<2000x64xf32, #tpu.memory_space<vmem>>, vector<2000x64xf32>
    %get3A_5 = arith.constant 0 : index
    %get3A_6 = arith.constant 0 : index
    %get3A_7 = vector.load %arg3[%get3A_5, %get3A_6] : memref<2000x64xf32, #tpu.memory_space<vmem>>, vector<2000x64xf32>
    %add3A = arith.addf %get3A_4, %get3A_7 : vector<2000x64xf32>
    %mul3A = vector.broadcast %get3A_1 : vector<2000x1xf32> to vector<2000x64xf32>
    %mul3A_8 = arith.mulf %add3A, %mul3A : vector<2000x64xf32>
    %get3A_9 = arith.constant 0 : index
    %get3A_10 = arith.constant 0 : index
    %get3A_11 = vector.load %arg2[%get3A_9, %get3A_10] : memref<2000x64xf32, #tpu.memory_space<vmem>>, vector<2000x64xf32>
    %get3A_12 = arith.constant 0 : index
    %get3A_13 = arith.constant 0 : index
    %get3A_14 = vector.load %arg4[%get3A_12, %get3A_13] : memref<2000x64xf32, #tpu.memory_space<vmem>>, vector<2000x64xf32>
    %add3A_15 = arith.addf %get3A_11, %get3A_14 : vector<2000x64xf32>
    %mul3A_16 = vector.broadcast %get3A_1 : vector<2000x1xf32> to vector<2000x64xf32>
    %mul3A_17 = arith.mulf %add3A_15, %mul3A_16 : vector<2000x64xf32>
    %concatenate3A = tpu.concatenate %mul3A_8, %mul3A_17 in 1 : vector<2000x64xf32>, vector<2000x64xf32> -> vector<2000x128xf32>
    %get3A_18 = arith.constant 0 : index
    %get3A_19 = arith.constant 0 : index
    %get3A_20 = vector.load %arg6[%get3A_18, %get3A_19] : memref<128x256xf32, #tpu.memory_space<vmem>>, vector<128x256xf32>
    %dot_general3A = arith.constant dense<0.000000e+00> : vector<2000x256xf32>
    %dot_general3A_21 = tpu.matmul %concatenate3A, %get3A_20, %dot_general3A {dimension_numbers = #tpu.dot_dimension_numbers<[1], [0], [0], [1], [0, 0, 1, 1], [], []>, transpose_lhs_hint = false} : vector<2000x128xf32>, vector<128x256xf32>, vector<2000x256xf32> -> vector<2000x256xf32>
    %get3A_22 = arith.constant 0 : index
    %get3A_23 = arith.constant 0 : index
    %get3A_24 = vector.load %arg7[%get3A_22, %get3A_23] : memref<1x256xf32, #tpu.memory_space<vmem>>, vector<1x256xf32>
    %add3A_25 = vector.broadcast %get3A_24 : vector<1x256xf32> to vector<2000x256xf32>
    %add3A_26 = arith.addf %dot_general3A_21, %add3A_25 : vector<2000x256xf32>
    %max3A = arith.constant 0.000000e+00 : f32
    %max3A_27 = vector.broadcast %max3A : f32 to vector<2000x256xf32>
    %max3A_28 = arith.maximumf %add3A_26, %max3A_27 : vector<2000x256xf32>
    %get3A_29 = arith.constant 0 : index
    %get3A_30 = arith.constant 0 : index
    %get3A_31 = vector.load %arg8[%get3A_29, %get3A_30] : memref<256x2xf32, #tpu.memory_space<vmem>>, vector<256x2xf32>
    %dot_general3A_32 = arith.constant dense<0.000000e+00> : vector<2000x2xf32>
    %dot_general3A_33 = tpu.matmul %max3A_28, %get3A_31, %dot_general3A_32 {dimension_numbers = #tpu.dot_dimension_numbers<[1], [0], [0], [1], [0, 0, 1, 1], [], []>, transpose_lhs_hint = false} : vector<2000x256xf32>, vector<256x2xf32>, vector<2000x2xf32> -> vector<2000x2xf32>
    %mul3A_34 = vector.broadcast %get3A_1 : vector<2000x1xf32> to vector<2000x2xf32>
    %mul3A_35 = arith.mulf %dot_general3A_33, %mul3A_34 : vector<2000x2xf32>
    %broadcast_in_dim3A = arith.constant 0.000000e+00 : f32
    %broadcast_in_dim3A_36 = vector.broadcast %broadcast_in_dim3A : f32 to vector<2000x14xf32>
    %concatenate3A_37 = tpu.concatenate %mul3A_35, %broadcast_in_dim3A_36 in 1 : vector<2000x2xf32>, vector<2000x14xf32> -> vector<2000x16xf32>
    %swap3A = arith.constant 0 : index
    %swap3A_38 = arith.constant 0 : index
    %swap3A_39 = vector.load %arg9[%swap3A, %swap3A_38] : memref<2000x16xf32, #tpu.memory_space<vmem>>, vector<2000x16xf32>
    tpu.vector_store %arg9[%swap3A, %swap3A_38], %concatenate3A_37 {strides = array<i32>} : memref<2000x16xf32, #tpu.memory_space<vmem>>, vector<2000x16xf32>,
    return
  }
  func.func @transform_0(%arg0: i32) -> (i32, i32) {
    %c0_i32 = arith.constant 0 : i32
    %c0_i32_0 = arith.constant 0 : i32
    return %arg0, %c0_i32 : i32, i32
  }
  func.func @transform_1(%arg0: i32) -> (i32, i32) {
    %c0_i32 = arith.constant 0 : i32
    %c0_i32_0 = arith.constant 0 : i32
    return %arg0, %c0_i32 : i32, i32
  }
  func.func @transform_2(%arg0: i32) -> (i32, i32) {
    %c0_i32 = arith.constant 0 : i32
    %c0_i32_0 = arith.constant 0 : i32
    return %arg0, %c0_i32 : i32, i32
  }
  func.func @transform_3(%arg0: i32) -> (i32, i32) {
    %c0_i32 = arith.constant 0 : i32
    %c0_i32_0 = arith.constant 0 : i32
    return %arg0, %c0_i32 : i32, i32
  }
  func.func @transform_4(%arg0: i32) -> (i32, i32) {
    %c0_i32 = arith.constant 0 : i32
    %c0_i32_0 = arith.constant 0 : i32
    return %arg0, %c0_i32 : i32, i32
  }
  func.func @transform_5(%arg0: i32) -> (i32, i32) {
    %c0_i32 = arith.constant 0 : i32
    %c0_i32_0 = arith.constant 0 : i32
    %c0_i32_1 = arith.constant 0 : i32
    return %c0_i32, %c0_i32_0 : i32, i32
  }
  func.func @transform_6(%arg0: i32) -> (i32, i32) {
    %c0_i32 = arith.constant 0 : i32
    %c0_i32_0 = arith.constant 0 : i32
    %c0_i32_1 = arith.constant 0 : i32
    return %c0_i32, %c0_i32_0 : i32, i32
  }
  func.func @transform_7(%arg0: i32) -> (i32, i32) {
    %c0_i32 = arith.constant 0 : i32
    %c0_i32_0 = arith.constant 0 : i32
    %c0_i32_1 = arith.constant 0 : i32
    return %c0_i32, %c0_i32_0 : i32, i32
  }
  func.func @transform_8(%arg0: i32) -> (i32, i32) {
    %c0_i32 = arith.constant 0 : i32
    %c0_i32_0 = arith.constant 0 : i32
    return %arg0, %c0_i32 : i32, i32
  }
}

module attributes {stable_mosaic.version = 14 : i64} {
  func.func @_emb_body(%arg0: i32, %arg1: memref<2x2000x16xf32, #tpu.memory_space<vmem>>, %arg2: memref<2000x16xf32, #tpu.memory_space<vmem>>, %arg3: memref<2000x1xf32, #tpu.memory_space<vmem>>, %arg4: memref<1x2xf32, #tpu.memory_space<vmem>>, %arg5: memref<2000x2xf32, #tpu.memory_space<vmem>>, %arg6: memref<2000x6xf32, #tpu.memory_space<vmem>>, %arg7: memref<2000x6xf32, #tpu.memory_space<vmem>>) attributes {dimension_semantics = [#tpu.dimension_semantics<arbitrary>], iteration_bounds = array<i64: 5>, scalar_prefetch = 0 : i64, scratch_operands = 0 : i64, tpu.core_type = #tpu.core_type<tc>, window_params = [{transform_indices = @transform_0, window_bounds = array<i64: 2, 2000, 16>}, {transform_indices = @transform_1, window_bounds = array<i64: 2000, 16>}, {transform_indices = @transform_2, window_bounds = array<i64: 2000, 1>}, {pipeline_mode = #tpu.pipeline_mode<synchronous>, transform_indices = @transform_3, window_bounds = array<i64: 1, 2>}, {transform_indices = @transform_4, window_bounds = array<i64: 2000, 2>}, {transform_indices = @transform_5, window_bounds = array<i64: 2000, 6>}, {transform_indices = @transform_6, window_bounds = array<i64: 2000, 6>}]} {
    %get3A = arith.constant 0 : index
    %get3A_0 = arith.constant 0 : index
    %get3A_1 = arith.constant 0 : index
    %get3A_2 = vector.load %arg1[%get3A, %get3A_0, %get3A_1] : memref<2x2000x16xf32, #tpu.memory_space<vmem>>, vector<1x2000x2xf32>
    %get3A_3 = vector.shape_cast %get3A_2 : vector<1x2000x2xf32> to vector<2000x2xf32>
    %get3A_4 = arith.constant 1 : index
    %get3A_5 = arith.constant 0 : index
    %get3A_6 = arith.constant 0 : index
    %get3A_7 = vector.load %arg1[%get3A_4, %get3A_5, %get3A_6] : memref<2x2000x16xf32, #tpu.memory_space<vmem>>, vector<1x2000x2xf32>
    %get3A_8 = vector.shape_cast %get3A_7 : vector<1x2000x2xf32> to vector<2000x2xf32>
    %add3A = arith.addf %get3A_3, %get3A_8 : vector<2000x2xf32>
    %get3A_9 = arith.constant 0 : index
    %get3A_10 = arith.constant 0 : index
    %get3A_11 = vector.load %arg2[%get3A_9, %get3A_10] : memref<2000x16xf32, #tpu.memory_space<vmem>>, vector<2000x2xf32>
    %add3A_12 = arith.addf %add3A, %get3A_11 : vector<2000x2xf32>
    %get3A_13 = arith.constant 0 : index
    %get3A_14 = arith.constant 0 : index
    %get3A_15 = vector.load %arg3[%get3A_13, %get3A_14] : memref<2000x1xf32, #tpu.memory_space<vmem>>, vector<2000x1xf32>
    %mul3A = vector.broadcast %get3A_15 : vector<2000x1xf32> to vector<2000x2xf32>
    %mul3A_16 = arith.mulf %add3A_12, %mul3A : vector<2000x2xf32>
    %get3A_17 = arith.constant 0 : index
    %get3A_18 = arith.constant 0 : index
    %get3A_19 = vector.load %arg4[%get3A_17, %get3A_18] : memref<1x2xf32, #tpu.memory_space<vmem>>, vector<1x2xf32>
    %add3A_20 = vector.broadcast %get3A_19 : vector<1x2xf32> to vector<2000x2xf32>
    %add3A_21 = arith.addf %mul3A_16, %add3A_20 : vector<2000x2xf32>
    %swap3A = arith.constant 0 : index
    %swap3A_22 = arith.constant 0 : index
    %swap3A_23 = vector.load %arg5[%swap3A, %swap3A_22] : memref<2000x2xf32, #tpu.memory_space<vmem>>, vector<2000x2xf32>
    tpu.vector_store %arg5[%swap3A, %swap3A_22], %add3A_21 {strides = array<i32>} : memref<2000x2xf32, #tpu.memory_space<vmem>>, vector<2000x2xf32>,
    %slice3A = vector.extract_strided_slice %add3A_21 {offsets = [0, 0], sizes = [2000, 1], strides = [1, 1]} : vector<2000x2xf32> to vector<2000x1xf32>
    %slice3A_24 = vector.extract_strided_slice %add3A_21 {offsets = [0, 1], sizes = [2000, 1], strides = [1, 1]} : vector<2000x2xf32> to vector<2000x1xf32>
    %mul3A_25 = arith.mulf %slice3A, %slice3A : vector<2000x1xf32>
    %mul3A_26 = arith.mulf %slice3A_24, %slice3A_24 : vector<2000x1xf32>
    %add3A_27 = arith.addf %mul3A_25, %mul3A_26 : vector<2000x1xf32>
    %convert_element_type3A = arith.truncf %add3A_27 : vector<2000x1xf32> to vector<2000x1xbf16>
    %convert_element_type3A_28 = arith.extf %convert_element_type3A : vector<2000x1xbf16> to vector<2000x1xf32>
    %sub3A = arith.subf %add3A_27, %convert_element_type3A_28 : vector<2000x1xf32>
    %broadcast_in_dim3A = arith.constant 1.000000e+00 : f32
    %broadcast_in_dim3A_29 = vector.broadcast %broadcast_in_dim3A : f32 to vector<2000x1xf32>
    %mul3A_30 = arith.constant -2.000000e+00 : f32
    %mul3A_31 = vector.broadcast %mul3A_30 : f32 to vector<2000x1xf32>
    %mul3A_32 = arith.mulf %mul3A_31, %slice3A : vector<2000x1xf32>
    %mul3A_33 = arith.constant -2.000000e+00 : f32
    %mul3A_34 = vector.broadcast %mul3A_33 : f32 to vector<2000x1xf32>
    %mul3A_35 = arith.mulf %mul3A_34, %slice3A_24 : vector<2000x1xf32>
    %concatenate3A = tpu.concatenate %convert_element_type3A_28, %sub3A, %broadcast_in_dim3A_29, %broadcast_in_dim3A_29, %mul3A_32, %mul3A_35 in 1 : vector<2000x1xf32>, vector<2000x1xf32>, vector<2000x1xf32>, vector<2000x1xf32>, vector<2000x1xf32>, vector<2000x1xf32> -> vector<2000x6xf32>
    %swap3A_36 = arith.constant 0 : index
    %swap3A_37 = arith.constant 0 : index
    %swap3A_38 = vector.load %arg6[%swap3A_36, %swap3A_37] : memref<2000x6xf32, #tpu.memory_space<vmem>>, vector<2000x6xf32>
    tpu.vector_store %arg6[%swap3A_36, %swap3A_37], %concatenate3A {strides = array<i32>} : memref<2000x6xf32, #tpu.memory_space<vmem>>, vector<2000x6xf32>,
    %concatenate3A_39 = tpu.concatenate %broadcast_in_dim3A_29, %broadcast_in_dim3A_29, %convert_element_type3A_28, %sub3A, %slice3A, %slice3A_24 in 1 : vector<2000x1xf32>, vector<2000x1xf32>, vector<2000x1xf32>, vector<2000x1xf32>, vector<2000x1xf32>, vector<2000x1xf32> -> vector<2000x6xf32>
    %swap3A_40 = arith.constant 0 : index
    %swap3A_41 = arith.constant 0 : index
    %swap3A_42 = vector.load %arg7[%swap3A_40, %swap3A_41] : memref<2000x6xf32, #tpu.memory_space<vmem>>, vector<2000x6xf32>
    tpu.vector_store %arg7[%swap3A_40, %swap3A_41], %concatenate3A_39 {strides = array<i32>} : memref<2000x6xf32, #tpu.memory_space<vmem>>, vector<2000x6xf32>,
    return
  }
  func.func @transform_0(%arg0: i32) -> (i32, i32, i32) {
    %c0_i32 = arith.constant 0 : i32
    %c0_i32_0 = arith.constant 0 : i32
    %c0_i32_1 = arith.constant 0 : i32
    return %c0_i32, %arg0, %c0_i32_0 : i32, i32, i32
  }
  func.func @transform_1(%arg0: i32) -> (i32, i32) {
    %c0_i32 = arith.constant 0 : i32
    %c0_i32_0 = arith.constant 0 : i32
    return %arg0, %c0_i32 : i32, i32
  }
  func.func @transform_2(%arg0: i32) -> (i32, i32) {
    %c0_i32 = arith.constant 0 : i32
    %c0_i32_0 = arith.constant 0 : i32
    return %arg0, %c0_i32 : i32, i32
  }
  func.func @transform_3(%arg0: i32) -> (i32, i32) {
    %c0_i32 = arith.constant 0 : i32
    %c0_i32_0 = arith.constant 0 : i32
    %c0_i32_1 = arith.constant 0 : i32
    return %c0_i32, %c0_i32_0 : i32, i32
  }
  func.func @transform_4(%arg0: i32) -> (i32, i32) {
    %c0_i32 = arith.constant 0 : i32
    %c0_i32_0 = arith.constant 0 : i32
    return %arg0, %c0_i32 : i32, i32
  }
  func.func @transform_5(%arg0: i32) -> (i32, i32) {
    %c0_i32 = arith.constant 0 : i32
    %c0_i32_0 = arith.constant 0 : i32
    return %arg0, %c0_i32 : i32, i32
  }
  func.func @transform_6(%arg0: i32) -> (i32, i32) {
    %c0_i32 = arith.constant 0 : i32
    %c0_i32_0 = arith.constant 0 : i32
    return %arg0, %c0_i32 : i32, i32
  }
}

module attributes {stable_mosaic.version = 14 : i64} {
  func.func @_q_body(%arg0: i32, %arg1: memref<400x6xf32, #tpu.memory_space<vmem>>, %arg2: memref<6x10000xf32, #tpu.memory_space<vmem>>, %arg3: memref<400x10000xf32, #tpu.memory_space<vmem>>) attributes {dimension_semantics = [#tpu.dimension_semantics<arbitrary>], iteration_bounds = array<i64: 25>, scalar_prefetch = 0 : i64, scratch_operands = 0 : i64, tpu.core_type = #tpu.core_type<tc>, window_params = [{transform_indices = @transform_0, window_bounds = array<i64: 400, 6>}, {pipeline_mode = #tpu.pipeline_mode<synchronous>, transform_indices = @transform_1, window_bounds = array<i64: 6, 10000>}, {transform_indices = @transform_2, window_bounds = array<i64: 400, 10000>}]} {
    %get3A = arith.constant 0 : index
    %get3A_0 = arith.constant 0 : index
    %get3A_1 = vector.load %arg1[%get3A, %get3A_0] : memref<400x6xf32, #tpu.memory_space<vmem>>, vector<400x6xf32>
    %get3A_2 = arith.constant 0 : index
    %get3A_3 = arith.constant 0 : index
    %get3A_4 = vector.load %arg2[%get3A_2, %get3A_3] : memref<6x10000xf32, #tpu.memory_space<vmem>>, vector<6x10000xf32>
    %dot_general3A = arith.constant dense<0.000000e+00> : vector<400x10000xf32>
    %dot_general3A_5 = tpu.matmul %get3A_1, %get3A_4, %dot_general3A {dimension_numbers = #tpu.dot_dimension_numbers<[1], [0], [0], [1], [0, 0, 1, 1], [], []>, transpose_lhs_hint = false} : vector<400x6xf32>, vector<6x10000xf32>, vector<400x10000xf32> -> vector<400x10000xf32>
    %max3A = arith.constant 0.000000e+00 : f32
    %max3A_6 = vector.broadcast %max3A : f32 to vector<400x10000xf32>
    %max3A_7 = arith.maximumf %dot_general3A_5, %max3A_6 : vector<400x10000xf32>
    %sqrt3A = math.sqrt %max3A_7 : vector<400x10000xf32>
    %mul3A = arith.constant 5.000000e-01 : f32
    %mul3A_8 = vector.broadcast %mul3A : f32 to vector<400x10000xf32>
    %mul3A_9 = arith.mulf %mul3A_8, %sqrt3A : vector<400x10000xf32>
    %add3A = arith.constant 1.000000e+00 : f32
    %add3A_10 = vector.broadcast %add3A : f32 to vector<400x10000xf32>
    %add3A_11 = arith.addf %add3A_10, %mul3A_9 : vector<400x10000xf32>
    %div3A = arith.constant 1.000000e+00 : f32
    %div3A_12 = vector.broadcast %div3A : f32 to vector<400x10000xf32>
    %div3A_13 = arith.divf %div3A_12, %add3A_11 : vector<400x10000xf32>
    %swap3A = arith.constant 0 : index
    %swap3A_14 = arith.constant 0 : index
    %swap3A_15 = vector.load %arg3[%swap3A, %swap3A_14] : memref<400x10000xf32, #tpu.memory_space<vmem>>, vector<400x10000xf32>
    tpu.vector_store %arg3[%swap3A, %swap3A_14], %div3A_13 {strides = array<i32>} : memref<400x10000xf32, #tpu.memory_space<vmem>>, vector<400x10000xf32>,
    return
  }
  func.func @transform_0(%arg0: i32) -> (i32, i32) {
    %c0_i32 = arith.constant 0 : i32
    %c0_i32_0 = arith.constant 0 : i32
    return %arg0, %c0_i32 : i32, i32
  }
  func.func @transform_1(%arg0: i32) -> (i32, i32) {
    %c0_i32 = arith.constant 0 : i32
    %c0_i32_0 = arith.constant 0 : i32
    %c0_i32_1 = arith.constant 0 : i32
    return %c0_i32, %c0_i32_0 : i32, i32
  }
  func.func @transform_2(%arg0: i32) -> (i32, i32) {
    %c0_i32 = arith.constant 0 : i32
    %c0_i32_0 = arith.constant 0 : i32
    return %arg0, %c0_i32 : i32, i32
  }
}

</mosaic_0001>

<sc_bundles>
// kernel: kernel.12.cloned.1.call-start
scs
__scs_entry_jumppad:
0x0: {  	(pc) =	sbr.rel $0x88, $3  }
0x1: {  	(tag) =	ssettag $0x0;
	lr =	simm.s32 $0x1  }
0x2: {  	[smem:$0x3F9B] =	sst lr;
	_ =	strace $0xD0000000  }
0x3: {  	_ = 	snop  }
0x4: {  	_ = 	snop  }
0x5: {  	_ = 	snop  }
0x6: {  	_ = 	snop  }
0x7: {  	_ = 	snop  }
__scs_overlays_trampoline_lowered:
0x8: {  	[smem:$0x3FAA] =	sst s0  }
0x9: {  	[smem:$0x3FAB] =	sst s1  }
0xa: {  	[smem:$0x3FAC] =	sst s2  }
0xb: {  	[smem:$0x3FAD] =	sst s3  }
0xc: {  	[smem:$0x3FAE] =	sst s4  }
0xd: {  	[smem:$0x3FAF] =	sst s5  }
0xe: {  	[smem:$0x3FB0] =	sst s6  }
0xf: {  	[smem:$0x3FB1] =	sst s7  }
0x10: {  	[smem:$0x3FB2] =	sst s8  }
0x11: {  	[smem:$0x3FB3] =	sst s9;
	s0 =	simm.s32 @!p0 $0x0  }
0x12: {  	s1 =	sld [smem:$0x3F99];
	s0 =	simm.s32 @p0 $0x1  }
0x13: {  	[smem:$0x3FB4] =	sst s0;
	s0 =	simm.s32 @!p1 $0x0  }
0x14: {  	s2 =	sld [smem:$0x3F98];
	s0 =	simm.s32 @p1 $0x1  }
0x15: {  	[smem:$0x3FB5] =	sst s0;
	s0 =	simm.s32 @!p2 $0x0  }
0x16: {  	s3 =	sld [smem:$0x3FDB];
	s0 =	simm.s32 @p2 $0x1  }
0x17: {  	s4 =	simm.s32 $0x1BF5;
	[smem:$0x3FB7] =	sst s0  }
0x18: {  	s0 =	sld [smem:$0x3F9A];
	_ =	swait.ge [sflag:s4], $0x0  }
0x19: {  	s7 =	sld [smem:$0x3F9B]  }
0x1a: {  	s8 =	sadd.s32 $0xFFFFE003, lr  }
0x1b: {  	s9 =	sadd.s32 $0xFFFFFEF7, lr;
	s5 =	simm.s32 $0xFFFFFFFF;
	p2 =	slt.u32 s8, $0xFFFFF086  }
0x1c: {  	p1 =	slt.u32 s9, $0xF7A;
	s5 =	simm.s32 @!p2 $0x0  }
0x1d: {  	s5 =	simm.s32 @p1 $0x1;
	p0 =	seq.s32 s7, s2  }
0x1e: {  	s7 =	smul.u32 @!p0 $0xF7A, s2;
	p2 =	seq.s32 @!p0 s5, $0x0  }
0x1f: {  	s9 =	smul.u32 $0xF7A, s1;
	s8 =	simm.s32 @!p0 $0x1BF5;
	p2 =	por !p2, p0  }
0x20: {  	[sflag:s8] =	ssyncset.s32 @!p0 $0xFFFFF086;
	s6 =	sadd.s32 @!p0 s3, s7;
	s7 =	simm.s32 @!p0 $0x108  }
0x21: {  	s3 =	sadd.s32 s3, s9;
	s6 =	sadd.s32 @!p0 $0x88, s6;
	s7 =	simm.s32 @p2 $0x1082  }
0x22: {  	[simem:s7], [sflag:s8] =	dma.local @!p0 [hbm:s6], $0xF7A  }
0x23: {  	s9 =	sor.u32 $0xD0000000, s2;
	s6 =	simm.s32 $0x108;
	_ =	swait.ge @!p0 [sflag:s8], $0x0  }
0x24: {  	s3 =	sadd.s32 $0x88, s3;
	s6 =	simm.s32 @!p1 $0x1082;
	[sflag:s4] =	ssyncset.s32 $0xFFFFF086  }
0x25: {  	[simem:s6], [sflag:s4] =	dma.local [hbm:s3], $0xF7A  }
0x26: {  	[smem:$0x3F9B] =	sst s1;
	(tag) =	ssettag s2;
	_ =	strace s9  }
0x27: {  	s1 =	sld [smem:$0x3FAB]  }
0x28: {  	s2 =	sld [smem:$0x3FAC]  }
0x29: {  	s4 =	sld [smem:$0x3FAE]  }
0x2a: {  	p0 =	seq.s32 s5, $0x0;
	s5 =	sld [smem:$0x3FAF]  }
0x2b: {  	s6 =	sld [smem:$0x3FB0]  }
0x2c: {  	s7 =	sld [smem:$0x3FB1]  }
0x2d: {  	s3 =	simm.s32 $0x108;
	s8 =	sld [smem:$0x3FB2]  }
0x2e: {  	s3 =	simm.s32 @!p0 $0x1082;
	s9 =	sld [smem:$0x3FB3]  }
0x2f: {  	lr =	sadd.s32 s0, s3;
	s0 =	sld [smem:$0x3FAA]  }
0x30: {  	s3 =	sld [smem:$0x3FAD]  }
0x31: {  	[smem:$0x3FB6] =	sst s10  }
0x32: {  	s10 =	sld [smem:$0x3FB4];
	_ =	sdelay $0x3  }
0x33: {  	p0 =	seq.s32 s10, $0x1;
	s10 =	sld [smem:$0x3FB6];
	_ =	sdelay $0x3  }
0x34: {  	[smem:$0x3FB6] =	sst s10  }
0x35: {  	s10 =	sld [smem:$0x3FB5];
	_ =	sdelay $0x3  }
0x36: {  	p1 =	seq.s32 s10, $0x1;
	s10 =	sld [smem:$0x3FB6];
	_ =	sdelay $0x3  }
0x37: {  	[smem:$0x3FB6] =	sst s10  }
0x38: {  	s10 =	sld [smem:$0x3FB7]  }
0x39: {  	_ = 	snop;
	(pc) =	sbr.ind lr, $3  }
0x3a: {  	_ = 	snop  }
0x3b: {  	_ = 	snop  }
0x3c: {  	p2 =	seq.s32 s10, $0x1;
	s10 =	sld [smem:$0x3FB6]  }
0x3d: {  	_ =	shalt  }
0x3e: {  	_ =	shalt  }
0x3f: {  	_ =	shalt  }
0x40: {  	_ =	shalt  }
0x41: {  	_ =	shalt  }
0x42: {  	_ =	shalt  }
0x43: {  	_ =	shalt  }
0x44: {  	_ =	shalt  }
0x45: {  	_ =	shalt  }
0x46: {  	_ =	shalt  }
0x47: {  	_ =	shalt  }
0x48: {  	_ =	shalt  }
0x49: {  	_ =	shalt  }
0x4a: {  	_ =	shalt  }
0x4b: {  	_ =	shalt  }
0x4c: {  	_ =	shalt  }
0x4d: {  	_ =	shalt  }
0x4e: {  	_ =	shalt  }
0x4f: {  	_ =	shalt  }
0x50: {  	_ =	shalt  }
0x51: {  	_ =	shalt  }
0x52: {  	_ =	shalt  }
0x53: {  	_ =	shalt  }
0x54: {  	_ =	shalt  }
0x55: {  	_ =	shalt  }
0x56: {  	_ =	shalt  }
0x57: {  	_ =	shalt  }
0x58: {  	_ =	shalt  }
0x59: {  	_ =	shalt  }
0x5a: {  	_ =	shalt  }
0x5b: {  	_ =	shalt  }
0x5c: {  	_ =	shalt  }
0x5d: {  	_ =	shalt  }
0x5e: {  	_ =	shalt  }
0x5f: {  	_ =	shalt  }
0x60: {  	_ =	shalt  }
0x61: {  	_ =	shalt  }
0x62: {  	_ =	shalt  }
0x63: {  	_ =	shalt  }
0x64: {  	_ =	shalt  }
0x65: {  	_ =	shalt  }
0x66: {  	_ =	shalt  }
0x67: {  	_ =	shalt  }
0x68: {  	_ =	shalt  }
0x69: {  	_ =	shalt  }
0x6a: {  	_ =	shalt  }
0x6b: {  	_ =	shalt  }
0x6c: {  	_ =	shalt  }
0x6d: {  	_ =	shalt  }
0x6e: {  	_ =	shalt  }
0x6f: {  	_ =	shalt  }
0x70: {  	_ =	shalt  }
0x71: {  	_ =	shalt  }
0x72: {  	_ =	shalt  }
0x73: {  	_ =	shalt  }
0x74: {  	_ =	shalt  }
0x75: {  	_ =	shalt  }
0x76: {  	_ =	shalt  }
0x77: {  	_ =	shalt  }
0x78: {  	_ =	shalt  }
0x79: {  	_ =	shalt  }
0x7a: {  	_ =	shalt  }
0x7b: {  	_ =	shalt  }
0x7c: {  	_ =	shalt  }
0x7d: {  	_ =	shalt  }
0x7e: {  	_ =	shalt  }
0x7f: {  	_ =	shalt  }
0x80: {  	_ =	shalt  }
0x81: {  	_ =	shalt  }
0x82: {  	_ =	shalt  }
0x83: {  	_ =	shalt  }
0x84: {  	_ =	shalt  }
0x85: {  	_ =	shalt  }
0x86: {  	_ =	shalt  }
0x87: {  	_ =	shalt  }
.Lfunc_end0:
.L_simem_size_0:
called_computation.1_lowered:
.L_overlay_start_0:
0x88: {  	s2 =	sld [smem:$0x3FD9]  }
0x89: {  	s3 =	sld [smem:$0x3FFE];
	_ =	sdelay $0x1  }
0x8a: {  	s1 =	srdreg.scid  }
0x8b: {  	s0 =	sand.u32 $0x1, s1  }
0x8c: {  	s14 =	sshll.u32 s0, $0xA;
	s2 =	sadd.s32 s3, s2  }
0x8d: {  	s2 =	sadd.s32 s2, s14  }
0x8e: {  	[smem:$0x3FC2] =	sst s2  }
0x8f: {  	_ = 	snop  }
0x90: {  	s2 =	sld [smem:$0x3FD0];
	_ =	sdelay $0x2  }
0x91: {  	s15 =	simm.s32 $0xA;
	s4 =	simm.s32 $0x10  }
0x92: {  	[smem:s4], [sflag:s15] =	dma.local [hbm:s2], $0x1  }
0x93: {  	_ =	swait.eq [sflag:s15], $0x1  }
0x94: {  	[sflag:s15] =	ssyncset.done $0x0  }
0x95: {  	[sflag:s15] =	ssyncadd.s32 $0xFFFFFFFF  }
0x96: {  	s16 =	sld [smem:$0x11];
	(tm) =	ssettm $0x1  }
0x97: {  	s17 =	sld [smem:$0x3FFB];
	_ =	sdelay $0x3  }
0x98: {  	_ =	strace s17  }
0x99: {  	s3 =	sld [smem:$0x3FFC];
	_ =	sdelay $0x3  }
0x9a: {  	_ =	strace s3  }
0x9b: {  	s3 =	sld [smem:$0x3FFD];
	_ =	sdelay $0x3  }
0x9c: {  	_ =	strace s3  }
0x9d: {  	_ =	strace $0x8FFFFFFF  }
0x9e: {  	s18 =	sld [smem:$0x3FDB];
	_ =	sdelay $0x1  }
0x9f: {  	s19 =	simm.s32 $_scs_section_size  }
0xa0: {  	s5 =	simm.s32 $_size__tile_overlayer_lowered;
	s6 =	simm.s32 $_tile_overlayer_lowered  }
0xa1: {  	s22 =	simm.s32 $0x1BFF;
	s21 =	sshll.u32 s6, $0x1;
	s3 =	sadd.s32 s19, s18  }
0xa2: {  	s7 =	simm.s32 $0x0;
	s20 =	sshll.u32 s5, $0x1;
	s5 =	sadd.s32 s21, s3  }
0xa3: {  	[timem:s7], [sflag:s22] =	dma.local [hbm:s5], s20  }
0xa4: {  	_ =	swait.ge [sflag:s22], s20  }
0xa5: {  	s4 =	ssub.s32 $0x0, s20;
	[sflag:s22] =	ssyncset.done $0x0  }
0xa6: {  	[sflag:s22] =	ssyncadd.s32 s4;
	_ =	sdelay $0x1  }
0xa7: {  	s23 =	simm.s32 $0x1B8B  }
0xa8: {  	_ =	swait.ge [sflag:s23], $0x1  }
0xa9: {  	[sflag:s23] =	ssyncset.done $0x0  }
0xaa: {  	s25 =	simm.s32 $0x1B8E;
	s24 =	sld [smem:$0x3FFE];
	[sflag:s23] =	ssyncadd.s32 $0xFFFFFFFF  }
0xab: {  	s26 =	simm.s32 $execute0_lowered;
	[smem:$0x3FD2] =	sst s25  }
0xac: {  	s5 =	sshll.u32 s26, $0x1;
	_ =	strace $0x80000049;
	[dreg:$0x1] =	wrdreg $0xFFFFFFFF  }
0xad: {  	s28 =	simm.s32 $_size_execute0_lowered;
	s3 =	sadd.s32 s3, s5;
	[dreg:$0x0] =	wrdreg $0x0  }
0xae: {  	s5 =	sshll.u32 s28, $0x1;
	[dreg:$0x2] =	wrdreg s3  }
0xaf: {  	[dreg:$0x3] =	wrdreg s5  }
0xb0: {  	[dreg:$0x4] =	wrdreg $0xC0  }
0xb1: {  	_ =	task [dreg:s7], $0x5FFFF  }
0xb2: {  	[dreg:$0x1] =	wrdreg $0xFFFFFFFF  }
0xb3: {  	[dreg:$0x0] =	wrdreg $0x60  }
0xb4: {  	[dreg:$0x2] =	wrdreg s24  }
0xb5: {  	[dreg:$0x3] =	wrdreg s16  }
0xb6: {  	[dreg:$0x4] =	wrdreg $0xA8000  }
0xb7: {  	[dreg:$0x5] =	wrdreg $0x146000  }
0xb8: {  	[dreg:$0x6] =	wrdreg $0x9  }
0xb9: {  	_ =	task.clear_ibuf [dreg:s7], $0x7FFFF;
	_ =	strace $0x90000049  }
0xba: {  	s29 =	simm.s32 $0x9;
	_ =	strace $0x8000004B  }
0xbb: {  	_ =	swait.ge [sflag:s29], $0x1  }
0xbc: {  	[sflag:s29] =	ssyncadd.s32 $0xFFFFFFFF  }
0xbd: {  	_ =	strace $0x9000004B  }
0xbe: {  	_ =	sfence  }
0xbf: {  	s30 =	sld [smem:$0x0];
	_ =	sdelay $0x2  }
0xc0: {  	s31 =	sshll.u32 s1, $0xD;
	s1 =	sshrl.u32 s1, $0x2  }
0xc1: {  	s3 =	sand.u32 $0x4000, s31;
	s1 =	sadd.s32 s1, s30  }
0xc2: {  	s0 =	sor.u32 s3, s0;
	s1 =	sshll.u32 s1, $0x11  }
0xc3: {  	s0 =	sor.u32 s1, s0  }
0xc4: {  	s0 =	sadd.s32 $0x8F2B, s0  }
0xc5: {  	[sflag:s0] =	ssyncadd.remote.s32 $0x1  }
0xc6: {  	_ =	sfence.sel $0xFFFF  }
0xc7: {  	[dreg:$0x0] =	wrdreg $0xFFFFFFFF;
	(pc) =	sbr.abs _section_cstart, $3  }
0xc8: {  	[dreg:$0x1] =	wrdreg $0xFFFFFFFF  }
0xc9: {  	_ =	task.clear_ibuf [dreg:s7], $0x2FFFF;
	_ =	strace $0x9FFFFFFF  }
0xca: {  	(tm) =	ssettm $0x7FFFFFFF  }
0xcb: {  	_ =	shalt  }
tec
execute0_lowered:
.L_overlay_start_1:
0x0: {  	(tag) =	ssettag $0x1  }
0x1: {  	s0 =	rddreg [dreg:$0x0]  }
0x2: {  	s2 =	rddreg [dreg:$0x2]  }
0x3: {  	s3 =	rddreg [dreg:$0x3]  }
0x4: {  	s4 =	simm.s32 $0x0;
	s6 =	srdreg.scid;
	s11 =	stileid.u32  }
0x5: {  	s28 =	simm.s32 $0x6800;
	s30 =	simm.s32 $0x8800;
	s31 =	simm.s32 $0x1  }
0x6: {  	[smem:$0x7FF] =	sst s4;
	s1 =	sadd.s32 $0x1B800, s0;
	s5 =	sadd.s32 $0x2A00, s0  }
0x7: {  	s7 =	sadd.s32 $0x4CA00, s0;
	s6 =	sand.u32 $0x1, s6;
	s12 =	sadd.s32 $0x87600, s0  }
0x8: {  	s8 =	smul.u32 $0x5000, s11;
	_ =	strace $0x8000004A;
	[dreg:$0x5] =	wrdreg s7  }
0x9: {  	s9 =	sadd.s32 $0xAEC00, s0;
	s10 =	smul.u32 $0xA00, s11;
	[dreg:$0x6] =	wrdreg s12  }
0xa: {  	s0 =	sadd.s32 $0x9B000, s0;
	s22 =	smul.u32 $0x9E00, s11;
	[dreg:$0x7] =	wrdreg s9  }
0xb: {  	p1 =	seq.s32 s11, $0x1;
	s13 =	ssub.s32 $0x2, s6;
	[dreg:$0x8] =	wrdreg s0  }
0xc: {  	p0 =	seq.s32 s6, $0x1;
	p2 =	sne.s32 @!p1 s11, $0x0;
	s9 =	simm.s32 $0x280  }
0xd: {  	s11 =	simm.s32 $0x4;
	s12 =	simm.s32 $0x1580;
	s14 =	sshrl.u32 s13, $0x1  }
0xe: {  	s16 =	sshrl.u32 s8, $0x3;
	s17 =	sadd.s32 s1, s10;
	s19 =	sadd.s32 s5, s10  }
0xf: {  	s25 =	sshrl.u32 s22, $0x3;
	s26 =	sadd.s32 s22, s2;
	p2 =	por p2, p1  }
0x10: {  	s22 =	simm.s32 $0x80;
	s8 =	simm.s32 $0x6;
	s10 =	simm.s32 $0x1500  }
0x11: {  	s15 =	ssub.s32 s13, s14;
	[dreg:$0x9] =	wrdreg s17;
	s18 =	sadd.s32 $0x280, s16  }
0x12: {  	[dreg:$0xa] =	wrdreg s19;
	s21 =	sadd.s32 $0x500, s16;
	s7 =	sadd.s32 $0x780, s16  }
0x13: {  	[dreg:$0x11] =	wrdreg s25;
	s29 =	sshrl.u32 s26, $0x3;
	s13 =	simm.s32 $0x7  }
0x14: {  	s14 =	simm.s32 $0x8;
	s16 =	simm.s32 $0x1380;
	s17 =	simm.s32 $0x2600  }
0x15: {  	s19 =	simm.s32 $0x2700;
	s20 =	sadd.s32 s1, s18;
	[dreg:$0x13] =	wrdreg s29  }
0x16: {  	s25 =	simm.s32 $0x2780;
	s6 =	sadd.s32 s5, s18;
	[dreg:$0xb] =	wrdreg s20  }
0x17: {  	s23 =	sadd.s32 s1, s21;
	s1 =	sadd.s32 s1, s7;
	[dreg:$0xc] =	wrdreg s6  }
0x18: {  	s24 =	sadd.s32 s5, s7;
	s0 =	smax.u32 s15, $0x1;
	[dreg:$0xd] =	wrdreg s23  }
.Ltmp0:
0x19: {  	s15 =	simm.s32 $0x1300;
	[dreg:$0xf] =	wrdreg s1;
	(pc) =	sbr.rel .LBB2_1-.Ltmp0, $4  }
0x1a: {  	s18 =	simm.s32 $0x2680;
	s6 =	sadd.s32 s5, s21;
	[dreg:$0x10] =	wrdreg s24  }
0x1b: {  	[dreg:$0x12] =	wrdreg s0;
	s20 =	simm.s32 $0x9;
	s21 =	simm.s32 $0x1400  }
0x1c: {  	s23 =	simm.s32 $0x2800;
	s24 =	simm.s32 $0x4800;
	s0 =	simm.s32 $0x2  }
0x1d: {  	s5 =	simm.s32 $0x3;
	[dreg:$0xe] =	wrdreg s6;
	s6 =	simm.s32 $0x5  }
.LBB2_19:
0x1e: {  	[spmem:s2] =	stream.indirect.scatter.add.f32 [tilespmem:s30], [sflag:$0x8], $0x40, s29, s22, $0xb8;
	[tilespmem:$0x1E240] =	vst v63  }
0x1f: {  	_ =	swait.ge [sflag:s13], $0x2000  }
0x20: {  	[sflag:s13] =	ssyncset.done $0x0  }
0x21: {  	[sflag:s13] =	ssyncadd.s32 $0xFFFFE000  }
0x22: {  	[tilespmem:s28], [sflag:$0x3] =	stream.indirect.gather [spmem:s3], $0x40, s15, s22, $0xb8;
	[tilespmem:$0x1E240] =	vst v63  }
0x23: {  	_ =	swait.ge [sflag:s14], $0x2000  }
0x24: {  	[sflag:s14] =	ssyncset.done $0x0  }
0x25: {  	[sflag:s14] =	ssyncadd.s32 $0xFFFFE000  }
0x26: {  	[tilespmem:s30], [sflag:$0x4] =	stream.indirect.gather [spmem:s3], $0x40, s16, s22, $0xb8;
	[tilespmem:$0x1E240] =	vst v63  }
0x27: {  	_ =	swait.ge [sflag:s31], $0x2000  }
0x28: {  	[sflag:s31] =	ssyncset.done $0x0  }
0x29: {  	[sflag:s31] =	ssyncadd.s32 $0xFFFFE000  }
0x2a: {  	[spmem:s2] =	stream.indirect.scatter.add.f32 [tilespmem:s23], [sflag:$0x5], $0x40, s17, s22, $0xb8;
	[tilespmem:$0x1E240] =	vst v63  }
0x2b: {  	_ =	swait.ge [sflag:s0], $0x2000  }
0x2c: {  	[sflag:s0] =	ssyncset.done $0x0  }
0x2d: {  	[sflag:s0] =	ssyncadd.s32 $0xFFFFE000  }
0x2e: {  	[spmem:s2] =	stream.indirect.scatter.add.f32 [tilespmem:s24], [sflag:$0x6], $0x40, s18, s22, $0xb8;
	[tilespmem:$0x1E240] =	vst v63  }
0x2f: {  	_ =	swait.ge [sflag:s6], $0x2000  }
0x30: {  	[sflag:s6] =	ssyncset.done $0x0  }
0x31: {  	[sflag:s6] =	ssyncadd.s32 $0xFFFFE000  }
0x32: {  	_ =	swait.ge [sflag:s8], $0x2000  }
0x33: {  	[sflag:s8] =	ssyncset.done $0x0  }
0x34: {  	[sflag:s8] =	ssyncadd.s32 $0xFFFFE000  }
0x35: {  	_ =	swait.ge [sflag:s5], $0x2000  }
0x36: {  	[sflag:s5] =	ssyncset.done $0x0  }
0x37: {  	[sflag:s5] =	ssyncadd.s32 $0xFFFFE000  }
0x38: {  	[spmem:s2] =	stream.indirect.scatter.add.f32 [tilespmem:s28], [sflag:$0x7], $0x40, s19, s22, $0xb8;
	[tilespmem:$0x1E240] =	vst v63  }
0x39: {  	_ =	swait.ge [sflag:s11], $0x2000  }
0x3a: {  	[sflag:s11] =	ssyncset.done $0x0  }
0x3b: {  	s26 =	rddreg [dreg:$0x8];
	[sflag:s11] =	ssyncadd.s32 $0xFFFFE000  }
0x3c: {  	[spmem:s2] =	stream.indirect.scatter.add.f32 [tilespmem:s30], [sflag:$0x8], $0x40, s25, s22, $0xb8;
	[tilespmem:$0x1E240] =	vst v63  }
.LBB2_20:
0x3d: {  	_ =	swait.ge [sflag:s13], $0x2000  }
0x3e: {  	[sflag:s13] =	ssyncset.done $0x0  }
0x3f: {  	[sflag:s13] =	ssyncadd.s32 $0xFFFFE000  }
0x40: {  	_ =	swait.ge [sflag:s14], $0x2000  }
0x41: {  	[sflag:s14] =	ssyncset.done $0x0  }
0x42: {  	s1 =	stileid.u32;
	[sflag:s14] =	ssyncadd.s32 $0xFFFFE000  }
0x43: {  	s1 =	sshll.u32 s1, $0x6;
	s7 =	rddreg [dreg:$0x11];
	[bflag:$0x0] =	sbarrier.arrive $0xFFFF  }
0x44: {  	s1 =	sor.u32 $0x1C09, s1;
	s26 =	sadd.s32 s26, s7;
	s29 =	rddreg [dreg:$0x13]  }
0x45: {  	[hbm:s26], [sflag:s1] =	dma.local [spmem:s29], $0x13C0  }
0x46: {  	_ =	swait.ge [sflag:s20], $0x13C0  }
0x47: {  	s4 =	sadd.s32 $0x1, s4;
	s29 =	rddreg [dreg:$0x12]  }
0x48: {  	p3 =	sne.s32 s4, s29  }
.Ltmp1:
0x49: {  	_ = 	snop;
	(pc) =	sbr.rel @!p3 .LBB2_21-.Ltmp1, $3  }
0x4a: {  	_ =	sdelay $0x1  }
0x4b: {  	[sflag:s20] =	ssyncset.done $0x0  }
0x4c: {  	[sflag:s20] =	ssyncadd.s32 $0xFFFFEC40  }
.LBB2_1:
.Ltmp2:
0x4d: {  	(pc) =	sbr.rel @!p0 .LBB2_2-.Ltmp2, $2  }
0x4e: {  	_ =	sdelay $0x2  }
0x4f: {  	s29 =	sshrl.u32 @p1 s3, $0x3;
	s26 =	sshrl.u32 @!p2 s2, $0x3  }
0x50: {  	s1 =	simm.s32 @p1 $0x1C49;
	s7 =	rddreg [dreg:$0x6]  }
0x51: {  	[spmem:s29], [sflag:s1] =	dma.local @p1 [hbm:s7], $0x13880  }
0x52: {  	s1 =	simm.s32 @p1 $0x9  }
0x53: {  	_ =	swait.ge @p1 [sflag:s1], $0x13880  }
0x54: {  	[sflag:s1] =	ssyncset.done @p1 $0x0  }
0x55: {  	[sflag:s1] =	ssyncadd.s32 @p1 $0xFFFEC780  }
0x56: {  	s1 =	simm.s32 @!p2 $0x1C09;
	s29 =	rddreg [dreg:$0x1]  }
0x57: {  	[spmem:s26], [sflag:s1] =	dma.local @!p2 [hbm:s29], $0x13C00  }
0x58: {  	s1 =	simm.s32 @!p2 $0x9  }
0x59: {  	_ =	swait.ge @!p2 [sflag:s1], $0x13C00  }
0x5a: {  	[sflag:s1] =	ssyncset.done @!p2 $0x0  }
0x5b: {  	[sflag:s1] =	ssyncadd.s32 @!p2 $0xFFFEC400  }
0x5c: {  	[bflag:$0x0] =	sbarrier.arrive $0xFFFF  }
0x5d: {  	s1 =	simm.s32 $0x0;
	s26 =	rddreg [dreg:$0x9]  }
0x5e: {  	[tilespmem:s1], [sflag:$0x9] =	stream.linear.gather [hbm4b:s26+s1], $0x1400, $0x38;
	[tilespmem:$0x1E240] =	vst v63  }
0x5f: {  	_ =	swait.ge [sflag:s20], $0x1400  }
0x60: {  	[sflag:s20] =	ssyncset.done $0x0  }
0x61: {  	s26 =	rddreg [dreg:$0xa];
	[sflag:s20] =	ssyncadd.s32 $0xFFFFEC00  }
0x62: {  	[tilespmem:s21], [sflag:$0x9] =	stream.linear.gather [hbm4b:s26+s1], $0x1400, $0x38;
	[tilespmem:$0x1E240] =	vst v63  }
0x63: {  	_ =	swait.ge [sflag:s20], $0x1400  }
0x64: {  	[sflag:s20] =	ssyncset.done $0x0  }
0x65: {  	[sflag:s20] =	ssyncadd.s32 $0xFFFFEC00  }
0x66: {  	[tilespmem:s23], [sflag:$0x1] =	stream.indirect.gather [spmem:s3], $0x40, s1, s22, $0xb8;
	[tilespmem:$0x1E240] =	vst v63  }
0x67: {  	_ = 	snop  }
0x68: {  	[tilespmem:s24], [sflag:$0x2] =	stream.indirect.gather [spmem:s3], $0x40, s22, s22, $0xb8;
	[tilespmem:$0x1E240] =	vst v63  }
0x69: {  	s26 =	simm.s32 $0x100  }
0x6a: {  	[tilespmem:s28], [sflag:$0x3] =	stream.indirect.gather [spmem:s3], $0x40, s26, s22, $0xb8;
	[tilespmem:$0x1E240] =	vst v63  }
0x6b: {  	s7 =	simm.s32 $0x180  }
0x6c: {  	[tilespmem:s30], [sflag:$0x4] =	stream.indirect.gather [spmem:s3], $0x40, s7, s22, $0xb8;
	[tilespmem:$0x1E240] =	vst v63  }
0x6d: {  	_ =	swait.ge [sflag:s31], $0x2000  }
0x6e: {  	[sflag:s31] =	ssyncset.done $0x0  }
0x6f: {  	[sflag:s31] =	ssyncadd.s32 $0xFFFFE000  }
0x70: {  	[spmem:s2] =	stream.indirect.scatter.add.f32 [tilespmem:s23], [sflag:$0x5], $0x40, s21, s22, $0xb8;
	[tilespmem:$0x1E240] =	vst v63  }
0x71: {  	_ =	swait.ge [sflag:s0], $0x2000  }
0x72: {  	[sflag:s0] =	ssyncset.done $0x0  }
0x73: {  	s26 =	simm.s32 $0x1480;
	[sflag:s0] =	ssyncadd.s32 $0xFFFFE000  }
0x74: {  	[spmem:s2] =	stream.indirect.scatter.add.f32 [tilespmem:s24], [sflag:$0x6], $0x40, s26, s22, $0xb8;
	[tilespmem:$0x1E240] =	vst v63  }
0x75: {  	_ =	swait.ge [sflag:s6], $0x2000  }
0x76: {  	[sflag:s6] =	ssyncset.done $0x0  }
0x77: {  	s7 =	simm.s32 $0x200;
	[sflag:s6] =	ssyncadd.s32 $0xFFFFE000  }
0x78: {  	[tilespmem:s23], [sflag:$0x1] =	stream.indirect.gather [spmem:s3], $0x40, s7, s22, $0xb8;
	[tilespmem:$0x1E240] =	vst v63  }
0x79: {  	_ =	swait.ge [sflag:s8], $0x2000  }
0x7a: {  	[sflag:s8] =	ssyncset.done $0x0  }
0x7b: {  	[sflag:s8] =	ssyncadd.s32 $0xFFFFE000  }
0x7c: {  	[tilespmem:s24], [sflag:$0x2] =	stream.indirect.gather [spmem:s3], $0x40, s9, s22, $0xb8;
	[tilespmem:$0x1E240] =	vst v63  }
0x7d: {  	_ =	swait.ge [sflag:s5], $0x2000  }
0x7e: {  	[sflag:s5] =	ssyncset.done $0x0  }
0x7f: {  	[sflag:s5] =	ssyncadd.s32 $0xFFFFE000  }
0x80: {  	[spmem:s2] =	stream.indirect.scatter.add.f32 [tilespmem:s28], [sflag:$0x7], $0x40, s10, s22, $0xb8;
	[tilespmem:$0x1E240] =	vst v63  }
0x81: {  	_ =	swait.ge [sflag:s11], $0x2000  }
0x82: {  	[sflag:s11] =	ssyncset.done $0x0  }
0x83: {  	[sflag:s11] =	ssyncadd.s32 $0xFFFFE000  }
0x84: {  	[spmem:s2] =	stream.indirect.scatter.add.f32 [tilespmem:s30], [sflag:$0x8], $0x40, s12, s22, $0xb8;
	[tilespmem:$0x1E240] =	vst v63  }
0x85: {  	_ =	swait.ge [sflag:s13], $0x2000  }
0x86: {  	[sflag:s13] =	ssyncset.done $0x0  }
0x87: {  	s26 =	simm.s32 $0x300;
	[sflag:s13] =	ssyncadd.s32 $0xFFFFE000  }
0x88: {  	[tilespmem:s28], [sflag:$0x3] =	stream.indirect.gather [spmem:s3], $0x40, s26, s22, $0xb8;
	[tilespmem:$0x1E240] =	vst v63  }
0x89: {  	_ =	swait.ge [sflag:s14], $0x2000  }
0x8a: {  	[sflag:s14] =	ssyncset.done $0x0  }
0x8b: {  	s7 =	simm.s32 $0x380;
	[sflag:s14] =	ssyncadd.s32 $0xFFFFE000  }
0x8c: {  	[tilespmem:s30], [sflag:$0x4] =	stream.indirect.gather [spmem:s3], $0x40, s7, s22, $0xb8;
	[tilespmem:$0x1E240] =	vst v63  }
0x8d: {  	_ =	swait.ge [sflag:s31], $0x2000  }
0x8e: {  	[sflag:s31] =	ssyncset.done $0x0  }
0x8f: {  	s26 =	simm.s32 $0x1600;
	[sflag:s31] =	ssyncadd.s32 $0xFFFFE000  }
0x90: {  	[spmem:s2] =	stream.indirect.scatter.add.f32 [tilespmem:s23], [sflag:$0x5], $0x40, s26, s22, $0xb8;
	[tilespmem:$0x1E240] =	vst v63  }
0x91: {  	_ =	swait.ge [sflag:s0], $0x2000  }
0x92: {  	[sflag:s0] =	ssyncset.done $0x0  }
0x93: {  	s7 =	simm.s32 $0x1680;
	[sflag:s0] =	ssyncadd.s32 $0xFFFFE000  }
0x94: {  	[spmem:s2] =	stream.indirect.scatter.add.f32 [tilespmem:s24], [sflag:$0x6], $0x40, s7, s22, $0xb8;
	[tilespmem:$0x1E240] =	vst v63  }
0x95: {  	_ =	swait.ge [sflag:s6], $0x2000  }
0x96: {  	[sflag:s6] =	ssyncset.done $0x0  }
0x97: {  	s26 =	simm.s32 $0x400;
	[sflag:s6] =	ssyncadd.s32 $0xFFFFE000  }
0x98: {  	[tilespmem:s23], [sflag:$0x1] =	stream.indirect.gather [spmem:s3], $0x40, s26, s22, $0xb8;
	[tilespmem:$0x1E240] =	vst v63  }
0x99: {  	_ =	swait.ge [sflag:s8], $0x2000  }
0x9a: {  	[sflag:s8] =	ssyncset.done $0x0  }
0x9b: {  	s7 =	simm.s32 $0x480;
	[sflag:s8] =	ssyncadd.s32 $0xFFFFE000  }
0x9c: {  	[tilespmem:s24], [sflag:$0x2] =	stream.indirect.gather [spmem:s3], $0x40, s7, s22, $0xb8;
	[tilespmem:$0x1E240] =	vst v63  }
0x9d: {  	_ =	swait.ge [sflag:s5], $0x2000  }
0x9e: {  	[sflag:s5] =	ssyncset.done $0x0  }
0x9f: {  	s26 =	simm.s32 $0x1700;
	[sflag:s5] =	ssyncadd.s32 $0xFFFFE000  }
0xa0: {  	[spmem:s2] =	stream.indirect.scatter.add.f32 [tilespmem:s28], [sflag:$0x7], $0x40, s26, s22, $0xb8;
	[tilespmem:$0x1E240] =	vst v63  }
0xa1: {  	_ =	swait.ge [sflag:s11], $0x2000  }
0xa2: {  	[sflag:s11] =	ssyncset.done $0x0  }
0xa3: {  	s29 =	simm.s32 $0x1780;
	s26 =	simm.s32 $0x800;
	[sflag:s11] =	ssyncadd.s32 $0xFFFFE000  }
.LBB2_12:
0xa4: {  	[spmem:s2] =	stream.indirect.scatter.add.f32 [tilespmem:s30], [sflag:$0x8], $0x40, s29, s22, $0xb8;
	[tilespmem:$0x1E240] =	vst v63  }
0xa5: {  	s1 =	smov.u32 s26  }
0xa6: {  	p3 =	sne.s32 s26, $0x3800;
	s26 =	sadd.s32 $0x800, s26;
	_ =	swait.ge [sflag:s13], $0x2000  }
0xa7: {  	s29 =	sshra.s32 s1, $0x2;
	[sflag:s13] =	ssyncset.done $0x0  }
0xa8: {  	s1 =	sadd.s32 $0x300, s29;
	[sflag:s13] =	ssyncadd.s32 $0xFFFFE000  }
0xa9: {  	[tilespmem:s28], [sflag:$0x3] =	stream.indirect.gather [spmem:s3], $0x40, s1, s22, $0xb8;
	[tilespmem:$0x1E240] =	vst v63  }
0xaa: {  	_ =	swait.ge [sflag:s14], $0x2000  }
0xab: {  	[sflag:s14] =	ssyncset.done $0x0  }
0xac: {  	s1 =	sadd.s32 $0x380, s29;
	[sflag:s14] =	ssyncadd.s32 $0xFFFFE000  }
0xad: {  	[tilespmem:s30], [sflag:$0x4] =	stream.indirect.gather [spmem:s3], $0x40, s1, s22, $0xb8;
	[tilespmem:$0x1E240] =	vst v63  }
0xae: {  	_ =	swait.ge [sflag:s31], $0x2000  }
0xaf: {  	[sflag:s31] =	ssyncset.done $0x0  }
0xb0: {  	s1 =	sadd.s32 $0x1600, s29;
	[sflag:s31] =	ssyncadd.s32 $0xFFFFE000  }
0xb1: {  	[spmem:s2] =	stream.indirect.scatter.add.f32 [tilespmem:s23], [sflag:$0x5], $0x40, s1, s22, $0xb8;
	[tilespmem:$0x1E240] =	vst v63  }
0xb2: {  	_ =	swait.ge [sflag:s0], $0x2000  }
0xb3: {  	[sflag:s0] =	ssyncset.done $0x0  }
0xb4: {  	s1 =	sadd.s32 $0x1680, s29;
	[sflag:s0] =	ssyncadd.s32 $0xFFFFE000  }
0xb5: {  	[spmem:s2] =	stream.indirect.scatter.add.f32 [tilespmem:s24], [sflag:$0x6], $0x40, s1, s22, $0xb8;
	[tilespmem:$0x1E240] =	vst v63  }
0xb6: {  	_ =	swait.ge [sflag:s6], $0x2000  }
0xb7: {  	[sflag:s6] =	ssyncset.done $0x0  }
0xb8: {  	s1 =	sadd.s32 $0x400, s29;
	[sflag:s6] =	ssyncadd.s32 $0xFFFFE000  }
0xb9: {  	[tilespmem:s23], [sflag:$0x1] =	stream.indirect.gather [spmem:s3], $0x40, s1, s22, $0xb8;
	[tilespmem:$0x1E240] =	vst v63  }
0xba: {  	_ =	swait.ge [sflag:s8], $0x2000  }
0xbb: {  	[sflag:s8] =	ssyncset.done $0x0  }
0xbc: {  	s1 =	sadd.s32 $0x480, s29;
	[sflag:s8] =	ssyncadd.s32 $0xFFFFE000  }
0xbd: {  	[tilespmem:s24], [sflag:$0x2] =	stream.indirect.gather [spmem:s3], $0x40, s1, s22, $0xb8;
	[tilespmem:$0x1E240] =	vst v63  }
0xbe: {  	_ =	swait.ge [sflag:s5], $0x2000  }
0xbf: {  	[sflag:s5] =	ssyncset.done $0x0  }
.Ltmp3:
0xc0: {  	s1 =	sadd.s32 $0x1700, s29;
	[sflag:s5] =	ssyncadd.s32 $0xFFFFE000;
	(pc) =	sbr.rel @p3 .LBB2_12-.Ltmp3, $4  }
0xc1: {  	[spmem:s2] =	stream.indirect.scatter.add.f32 [tilespmem:s28], [sflag:$0x7], $0x40, s1, s22, $0xb8;
	[tilespmem:$0x1E240] =	vst v63  }
0xc2: {  	_ =	swait.ge [sflag:s11], $0x2000  }
0xc3: {  	[sflag:s11] =	ssyncset.done $0x0  }
0xc4: {  	s29 =	sadd.s32 $0x1780, s29;
	[sflag:s11] =	ssyncadd.s32 $0xFFFFE000  }
0xc5: {  	[spmem:s2] =	stream.indirect.scatter.add.f32 [tilespmem:s30], [sflag:$0x8], $0x40, s29, s22, $0xb8;
	[tilespmem:$0x1E240] =	vst v63  }
0xc6: {  	_ =	swait.ge [sflag:s13], $0x2000  }
0xc7: {  	[sflag:s13] =	ssyncset.done $0x0  }
0xc8: {  	[sflag:s13] =	ssyncadd.s32 $0xFFFFE000  }
0xc9: {  	[tilespmem:s28], [sflag:$0x3] =	stream.indirect.gather [spmem:s3], $0x40, s15, s22, $0xb8;
	[tilespmem:$0x1E240] =	vst v63  }
0xca: {  	_ =	swait.ge [sflag:s14], $0x2000  }
0xcb: {  	[sflag:s14] =	ssyncset.done $0x0  }
0xcc: {  	[sflag:s14] =	ssyncadd.s32 $0xFFFFE000  }
0xcd: {  	[tilespmem:s30], [sflag:$0x4] =	stream.indirect.gather [spmem:s3], $0x40, s16, s22, $0xb8;
	[tilespmem:$0x1E240] =	vst v63  }
0xce: {  	_ =	swait.ge [sflag:s31], $0x2000  }
0xcf: {  	[sflag:s31] =	ssyncset.done $0x0  }
0xd0: {  	[sflag:s31] =	ssyncadd.s32 $0xFFFFE000  }
0xd1: {  	[spmem:s2] =	stream.indirect.scatter.add.f32 [tilespmem:s23], [sflag:$0x5], $0x40, s17, s22, $0xb8;
	[tilespmem:$0x1E240] =	vst v63  }
0xd2: {  	_ =	swait.ge [sflag:s0], $0x2000  }
0xd3: {  	[sflag:s0] =	ssyncset.done $0x0  }
0xd4: {  	[sflag:s0] =	ssyncadd.s32 $0xFFFFE000  }
0xd5: {  	[spmem:s2] =	stream.indirect.scatter.add.f32 [tilespmem:s24], [sflag:$0x6], $0x40, s18, s22, $0xb8;
	[tilespmem:$0x1E240] =	vst v63  }
0xd6: {  	_ =	swait.ge [sflag:s6], $0x2000  }
0xd7: {  	[sflag:s6] =	ssyncset.done $0x0  }
0xd8: {  	[sflag:s6] =	ssyncadd.s32 $0xFFFFE000  }
0xd9: {  	_ =	swait.ge [sflag:s8], $0x2000  }
0xda: {  	[sflag:s8] =	ssyncset.done $0x0  }
0xdb: {  	[sflag:s8] =	ssyncadd.s32 $0xFFFFE000  }
0xdc: {  	_ =	swait.ge [sflag:s5], $0x2000  }
0xdd: {  	[sflag:s5] =	ssyncset.done $0x0  }
0xde: {  	[sflag:s5] =	ssyncadd.s32 $0xFFFFE000  }
0xdf: {  	[spmem:s2] =	stream.indirect.scatter.add.f32 [tilespmem:s28], [sflag:$0x7], $0x40, s19, s22, $0xb8;
	[tilespmem:$0x1E240] =	vst v63  }
0xe0: {  	_ =	swait.ge [sflag:s11], $0x2000  }
0xe1: {  	[sflag:s11] =	ssyncset.done $0x0  }
0xe2: {  	[sflag:s11] =	ssyncadd.s32 $0xFFFFE000  }
0xe3: {  	[spmem:s2] =	stream.indirect.scatter.add.f32 [tilespmem:s30], [sflag:$0x8], $0x40, s25, s22, $0xb8;
	[tilespmem:$0x1E240] =	vst v63  }
0xe4: {  	_ =	swait.ge [sflag:s13], $0x2000  }
0xe5: {  	[sflag:s13] =	ssyncset.done $0x0  }
0xe6: {  	[sflag:s13] =	ssyncadd.s32 $0xFFFFE000  }
0xe7: {  	_ =	swait.ge [sflag:s14], $0x2000  }
0xe8: {  	[sflag:s14] =	ssyncset.done $0x0  }
0xe9: {  	s1 =	simm.s32 $0x0;
	s7 =	rddreg [dreg:$0xb];
	[sflag:s14] =	ssyncadd.s32 $0xFFFFE000  }
0xea: {  	[tilespmem:s1], [sflag:$0x9] =	stream.linear.gather [hbm4b:s7+s1], $0x1400, $0x38;
	[tilespmem:$0x1E240] =	vst v63  }
0xeb: {  	_ =	swait.ge [sflag:s20], $0x1400  }
0xec: {  	[sflag:s20] =	ssyncset.done $0x0  }
0xed: {  	s26 =	rddreg [dreg:$0xc];
	[sflag:s20] =	ssyncadd.s32 $0xFFFFEC00  }
0xee: {  	[tilespmem:s21], [sflag:$0x9] =	stream.linear.gather [hbm4b:s26+s1], $0x1400, $0x38;
	[tilespmem:$0x1E240] =	vst v63  }
0xef: {  	_ =	swait.ge [sflag:s20], $0x1400  }
0xf0: {  	[sflag:s20] =	ssyncset.done $0x0  }
0xf1: {  	[sflag:s20] =	ssyncadd.s32 $0xFFFFEC00  }
0xf2: {  	[tilespmem:s23], [sflag:$0x1] =	stream.indirect.gather [spmem:s3], $0x40, s1, s22, $0xb8;
	[tilespmem:$0x1E240] =	vst v63  }
0xf3: {  	_ = 	snop  }
0xf4: {  	[tilespmem:s24], [sflag:$0x2] =	stream.indirect.gather [spmem:s3], $0x40, s22, s22, $0xb8;
	[tilespmem:$0x1E240] =	vst v63  }
0xf5: {  	s26 =	simm.s32 $0x100  }
0xf6: {  	[tilespmem:s28], [sflag:$0x3] =	stream.indirect.gather [spmem:s3], $0x40, s26, s22, $0xb8;
	[tilespmem:$0x1E240] =	vst v63  }
0xf7: {  	s7 =	simm.s32 $0x180  }
0xf8: {  	[tilespmem:s30], [sflag:$0x4] =	stream.indirect.gather [spmem:s3], $0x40, s7, s22, $0xb8;
	[tilespmem:$0x1E240] =	vst v63  }
0xf9: {  	_ =	swait.ge [sflag:s31], $0x2000  }
0xfa: {  	[sflag:s31] =	ssyncset.done $0x0  }
0xfb: {  	[sflag:s31] =	ssyncadd.s32 $0xFFFFE000  }
0xfc: {  	[spmem:s2] =	stream.indirect.scatter.add.f32 [tilespmem:s23], [sflag:$0x5], $0x40, s21, s22, $0xb8;
	[tilespmem:$0x1E240] =	vst v63  }
0xfd: {  	_ =	swait.ge [sflag:s0], $0x2000  }
0xfe: {  	[sflag:s0] =	ssyncset.done $0x0  }
0xff: {  	s26 =	simm.s32 $0x1480;
	[sflag:s0] =	ssyncadd.s32 $0xFFFFE000  }
0x100: {  	[spmem:s2] =	stream.indirect.scatter.add.f32 [tilespmem:s24], [sflag:$0x6], $0x40, s26, s22, $0xb8;
	[tilespmem:$0x1E240] =	vst v63  }
0x101: {  	_ =	swait.ge [sflag:s6], $0x2000  }
0x102: {  	[sflag:s6] =	ssyncset.done $0x0  }
0x103: {  	s7 =	simm.s32 $0x200;
	[sflag:s6] =	ssyncadd.s32 $0xFFFFE000  }
0x104: {  	[tilespmem:s23], [sflag:$0x1] =	stream.indirect.gather [spmem:s3], $0x40, s7, s22, $0xb8;
	[tilespmem:$0x1E240] =	vst v63  }
0x105: {  	_ =	swait.ge [sflag:s8], $0x2000  }
0x106: {  	[sflag:s8] =	ssyncset.done $0x0  }
0x107: {  	[sflag:s8] =	ssyncadd.s32 $0xFFFFE000  }
0x108: {  	[tilespmem:s24], [sflag:$0x2] =	stream.indirect.gather [spmem:s3], $0x40, s9, s22, $0xb8;
	[tilespmem:$0x1E240] =	vst v63  }
0x109: {  	_ =	swait.ge [sflag:s5], $0x2000  }
0x10a: {  	[sflag:s5] =	ssyncset.done $0x0  }
0x10b: {  	[sflag:s5] =	ssyncadd.s32 $0xFFFFE000  }
0x10c: {  	[spmem:s2] =	stream.indirect.scatter.add.f32 [tilespmem:s28], [sflag:$0x7], $0x40, s10, s22, $0xb8;
	[tilespmem:$0x1E240] =	vst v63  }
0x10d: {  	_ =	swait.ge [sflag:s11], $0x2000  }
0x10e: {  	[sflag:s11] =	ssyncset.done $0x0  }
0x10f: {  	[sflag:s11] =	ssyncadd.s32 $0xFFFFE000  }
0x110: {  	[spmem:s2] =	stream.indirect.scatter.add.f32 [tilespmem:s30], [sflag:$0x8], $0x40, s12, s22, $0xb8;
	[tilespmem:$0x1E240] =	vst v63  }
0x111: {  	_ =	swait.ge [sflag:s13], $0x2000  }
0x112: {  	[sflag:s13] =	ssyncset.done $0x0  }
0x113: {  	s26 =	simm.s32 $0x300;
	[sflag:s13] =	ssyncadd.s32 $0xFFFFE000  }
0x114: {  	[tilespmem:s28], [sflag:$0x3] =	stream.indirect.gather [spmem:s3], $0x40, s26, s22, $0xb8;
	[tilespmem:$0x1E240] =	vst v63  }
0x115: {  	_ =	swait.ge [sflag:s14], $0x2000  }
0x116: {  	[sflag:s14] =	ssyncset.done $0x0  }
0x117: {  	s7 =	simm.s32 $0x380;
	[sflag:s14] =	ssyncadd.s32 $0xFFFFE000  }
0x118: {  	[tilespmem:s30], [sflag:$0x4] =	stream.indirect.gather [spmem:s3], $0x40, s7, s22, $0xb8;
	[tilespmem:$0x1E240] =	vst v63  }
0x119: {  	_ =	swait.ge [sflag:s31], $0x2000  }
0x11a: {  	[sflag:s31] =	ssyncset.done $0x0  }
0x11b: {  	s26 =	simm.s32 $0x1600;
	[sflag:s31] =	ssyncadd.s32 $0xFFFFE000  }
0x11c: {  	[spmem:s2] =	stream.indirect.scatter.add.f32 [tilespmem:s23], [sflag:$0x5], $0x40, s26, s22, $0xb8;
	[tilespmem:$0x1E240] =	vst v63  }
0x11d: {  	_ =	swait.ge [sflag:s0], $0x2000  }
0x11e: {  	[sflag:s0] =	ssyncset.done $0x0  }
0x11f: {  	s7 =	simm.s32 $0x1680;
	[sflag:s0] =	ssyncadd.s32 $0xFFFFE000  }
0x120: {  	[spmem:s2] =	stream.indirect.scatter.add.f32 [tilespmem:s24], [sflag:$0x6], $0x40, s7, s22, $0xb8;
	[tilespmem:$0x1E240] =	vst v63  }
0x121: {  	_ =	swait.ge [sflag:s6], $0x2000  }
0x122: {  	[sflag:s6] =	ssyncset.done $0x0  }
0x123: {  	s26 =	simm.s32 $0x400;
	[sflag:s6] =	ssyncadd.s32 $0xFFFFE000  }
0x124: {  	[tilespmem:s23], [sflag:$0x1] =	stream.indirect.gather [spmem:s3], $0x40, s26, s22, $0xb8;
	[tilespmem:$0x1E240] =	vst v63  }
0x125: {  	_ =	swait.ge [sflag:s8], $0x2000  }
0x126: {  	[sflag:s8] =	ssyncset.done $0x0  }
0x127: {  	s7 =	simm.s32 $0x480;
	[sflag:s8] =	ssyncadd.s32 $0xFFFFE000  }
0x128: {  	[tilespmem:s24], [sflag:$0x2] =	stream.indirect.gather [spmem:s3], $0x40, s7, s22, $0xb8;
	[tilespmem:$0x1E240] =	vst v63  }
0x129: {  	_ =	swait.ge [sflag:s5], $0x2000  }
0x12a: {  	[sflag:s5] =	ssyncset.done $0x0  }
0x12b: {  	s26 =	simm.s32 $0x1700;
	[sflag:s5] =	ssyncadd.s32 $0xFFFFE000  }
0x12c: {  	[spmem:s2] =	stream.indirect.scatter.add.f32 [tilespmem:s28], [sflag:$0x7], $0x40, s26, s22, $0xb8;
	[tilespmem:$0x1E240] =	vst v63  }
0x12d: {  	_ =	swait.ge [sflag:s11], $0x2000  }
0x12e: {  	[sflag:s11] =	ssyncset.done $0x0  }
0x12f: {  	s29 =	simm.s32 $0x1780;
	s26 =	simm.s32 $0x800;
	[sflag:s11] =	ssyncadd.s32 $0xFFFFE000  }
.LBB2_14:
0x130: {  	[spmem:s2] =	stream.indirect.scatter.add.f32 [tilespmem:s30], [sflag:$0x8], $0x40, s29, s22, $0xb8;
	[tilespmem:$0x1E240] =	vst v63  }
0x131: {  	s1 =	smov.u32 s26  }
0x132: {  	p3 =	sne.s32 s26, $0x3800;
	s26 =	sadd.s32 $0x800, s26;
	_ =	swait.ge [sflag:s13], $0x2000  }
0x133: {  	s29 =	sshra.s32 s1, $0x2;
	[sflag:s13] =	ssyncset.done $0x0  }
0x134: {  	s1 =	sadd.s32 $0x300, s29;
	[sflag:s13] =	ssyncadd.s32 $0xFFFFE000  }
0x135: {  	[tilespmem:s28], [sflag:$0x3] =	stream.indirect.gather [spmem:s3], $0x40, s1, s22, $0xb8;
	[tilespmem:$0x1E240] =	vst v63  }
0x136: {  	_ =	swait.ge [sflag:s14], $0x2000  }
0x137: {  	[sflag:s14] =	ssyncset.done $0x0  }
0x138: {  	s1 =	sadd.s32 $0x380, s29;
	[sflag:s14] =	ssyncadd.s32 $0xFFFFE000  }
0x139: {  	[tilespmem:s30], [sflag:$0x4] =	stream.indirect.gather [spmem:s3], $0x40, s1, s22, $0xb8;
	[tilespmem:$0x1E240] =	vst v63  }
0x13a: {  	_ =	swait.ge [sflag:s31], $0x2000  }
0x13b: {  	[sflag:s31] =	ssyncset.done $0x0  }
0x13c: {  	s1 =	sadd.s32 $0x1600, s29;
	[sflag:s31] =	ssyncadd.s32 $0xFFFFE000  }
0x13d: {  	[spmem:s2] =	stream.indirect.scatter.add.f32 [tilespmem:s23], [sflag:$0x5], $0x40, s1, s22, $0xb8;
	[tilespmem:$0x1E240] =	vst v63  }
0x13e: {  	_ =	swait.ge [sflag:s0], $0x2000  }
0x13f: {  	[sflag:s0] =	ssyncset.done $0x0  }
0x140: {  	s1 =	sadd.s32 $0x1680, s29;
	[sflag:s0] =	ssyncadd.s32 $0xFFFFE000  }
0x141: {  	[spmem:s2] =	stream.indirect.scatter.add.f32 [tilespmem:s24], [sflag:$0x6], $0x40, s1, s22, $0xb8;
	[tilespmem:$0x1E240] =	vst v63  }
0x142: {  	_ =	swait.ge [sflag:s6], $0x2000  }
0x143: {  	[sflag:s6] =	ssyncset.done $0x0  }
0x144: {  	s1 =	sadd.s32 $0x400, s29;
	[sflag:s6] =	ssyncadd.s32 $0xFFFFE000  }
0x145: {  	[tilespmem:s23], [sflag:$0x1] =	stream.indirect.gather [spmem:s3], $0x40, s1, s22, $0xb8;
	[tilespmem:$0x1E240] =	vst v63  }
0x146: {  	_ =	swait.ge [sflag:s8], $0x2000  }
0x147: {  	[sflag:s8] =	ssyncset.done $0x0  }
0x148: {  	s1 =	sadd.s32 $0x480, s29;
	[sflag:s8] =	ssyncadd.s32 $0xFFFFE000  }
0x149: {  	[tilespmem:s24], [sflag:$0x2] =	stream.indirect.gather [spmem:s3], $0x40, s1, s22, $0xb8;
	[tilespmem:$0x1E240] =	vst v63  }
0x14a: {  	_ =	swait.ge [sflag:s5], $0x2000  }
0x14b: {  	[sflag:s5] =	ssyncset.done $0x0  }
.Ltmp4:
0x14c: {  	s1 =	sadd.s32 $0x1700, s29;
	[sflag:s5] =	ssyncadd.s32 $0xFFFFE000;
	(pc) =	sbr.rel @p3 .LBB2_14-.Ltmp4, $4  }
0x14d: {  	[spmem:s2] =	stream.indirect.scatter.add.f32 [tilespmem:s28], [sflag:$0x7], $0x40, s1, s22, $0xb8;
	[tilespmem:$0x1E240] =	vst v63  }
0x14e: {  	_ =	swait.ge [sflag:s11], $0x2000  }
0x14f: {  	[sflag:s11] =	ssyncset.done $0x0  }
0x150: {  	s29 =	sadd.s32 $0x1780, s29;
	[sflag:s11] =	ssyncadd.s32 $0xFFFFE000  }
0x151: {  	[spmem:s2] =	stream.indirect.scatter.add.f32 [tilespmem:s30], [sflag:$0x8], $0x40, s29, s22, $0xb8;
	[tilespmem:$0x1E240] =	vst v63  }
0x152: {  	_ =	swait.ge [sflag:s13], $0x2000  }
0x153: {  	[sflag:s13] =	ssyncset.done $0x0  }
0x154: {  	[sflag:s13] =	ssyncadd.s32 $0xFFFFE000  }
0x155: {  	[tilespmem:s28], [sflag:$0x3] =	stream.indirect.gather [spmem:s3], $0x40, s15, s22, $0xb8;
	[tilespmem:$0x1E240] =	vst v63  }
0x156: {  	_ =	swait.ge [sflag:s14], $0x2000  }
0x157: {  	[sflag:s14] =	ssyncset.done $0x0  }
0x158: {  	[sflag:s14] =	ssyncadd.s32 $0xFFFFE000  }
0x159: {  	[tilespmem:s30], [sflag:$0x4] =	stream.indirect.gather [spmem:s3], $0x40, s16, s22, $0xb8;
	[tilespmem:$0x1E240] =	vst v63  }
0x15a: {  	_ =	swait.ge [sflag:s31], $0x2000  }
0x15b: {  	[sflag:s31] =	ssyncset.done $0x0  }
0x15c: {  	[sflag:s31] =	ssyncadd.s32 $0xFFFFE000  }
0x15d: {  	[spmem:s2] =	stream.indirect.scatter.add.f32 [tilespmem:s23], [sflag:$0x5], $0x40, s17, s22, $0xb8;
	[tilespmem:$0x1E240] =	vst v63  }
0x15e: {  	_ =	swait.ge [sflag:s0], $0x2000  }
0x15f: {  	[sflag:s0] =	ssyncset.done $0x0  }
0x160: {  	[sflag:s0] =	ssyncadd.s32 $0xFFFFE000  }
0x161: {  	[spmem:s2] =	stream.indirect.scatter.add.f32 [tilespmem:s24], [sflag:$0x6], $0x40, s18, s22, $0xb8;
	[tilespmem:$0x1E240] =	vst v63  }
0x162: {  	_ =	swait.ge [sflag:s6], $0x2000  }
0x163: {  	[sflag:s6] =	ssyncset.done $0x0  }
0x164: {  	[sflag:s6] =	ssyncadd.s32 $0xFFFFE000  }
0x165: {  	_ =	swait.ge [sflag:s8], $0x2000  }
0x166: {  	[sflag:s8] =	ssyncset.done $0x0  }
0x167: {  	[sflag:s8] =	ssyncadd.s32 $0xFFFFE000  }
0x168: {  	_ =	swait.ge [sflag:s5], $0x2000  }
0x169: {  	[sflag:s5] =	ssyncset.done $0x0  }
0x16a: {  	[sflag:s5] =	ssyncadd.s32 $0xFFFFE000  }
0x16b: {  	[spmem:s2] =	stream.indirect.scatter.add.f32 [tilespmem:s28], [sflag:$0x7], $0x40, s19, s22, $0xb8;
	[tilespmem:$0x1E240] =	vst v63  }
0x16c: {  	_ =	swait.ge [sflag:s11], $0x2000  }
0x16d: {  	[sflag:s11] =	ssyncset.done $0x0  }
0x16e: {  	[sflag:s11] =	ssyncadd.s32 $0xFFFFE000  }
0x16f: {  	[spmem:s2] =	stream.indirect.scatter.add.f32 [tilespmem:s30], [sflag:$0x8], $0x40, s25, s22, $0xb8;
	[tilespmem:$0x1E240] =	vst v63  }
0x170: {  	_ =	swait.ge [sflag:s13], $0x2000  }
0x171: {  	[sflag:s13] =	ssyncset.done $0x0  }
0x172: {  	[sflag:s13] =	ssyncadd.s32 $0xFFFFE000  }
0x173: {  	_ =	swait.ge [sflag:s14], $0x2000  }
0x174: {  	[sflag:s14] =	ssyncset.done $0x0  }
0x175: {  	s1 =	simm.s32 $0x0;
	s7 =	rddreg [dreg:$0xd];
	[sflag:s14] =	ssyncadd.s32 $0xFFFFE000  }
0x176: {  	[tilespmem:s1], [sflag:$0x9] =	stream.linear.gather [hbm4b:s7+s1], $0x1400, $0x38;
	[tilespmem:$0x1E240] =	vst v63  }
0x177: {  	_ =	swait.ge [sflag:s20], $0x1400  }
0x178: {  	[sflag:s20] =	ssyncset.done $0x0  }
0x179: {  	s26 =	rddreg [dreg:$0xe];
	[sflag:s20] =	ssyncadd.s32 $0xFFFFEC00  }
0x17a: {  	[tilespmem:s21], [sflag:$0x9] =	stream.linear.gather [hbm4b:s26+s1], $0x1400, $0x38;
	[tilespmem:$0x1E240] =	vst v63  }
0x17b: {  	_ =	swait.ge [sflag:s20], $0x1400  }
0x17c: {  	[sflag:s20] =	ssyncset.done $0x0  }
0x17d: {  	[sflag:s20] =	ssyncadd.s32 $0xFFFFEC00  }
0x17e: {  	[tilespmem:s23], [sflag:$0x1] =	stream.indirect.gather [spmem:s3], $0x40, s1, s22, $0xb8;
	[tilespmem:$0x1E240] =	vst v63  }
0x17f: {  	_ = 	snop  }
0x180: {  	[tilespmem:s24], [sflag:$0x2] =	stream.indirect.gather [spmem:s3], $0x40, s22, s22, $0xb8;
	[tilespmem:$0x1E240] =	vst v63  }
0x181: {  	s26 =	simm.s32 $0x100  }
0x182: {  	[tilespmem:s28], [sflag:$0x3] =	stream.indirect.gather [spmem:s3], $0x40, s26, s22, $0xb8;
	[tilespmem:$0x1E240] =	vst v63  }
0x183: {  	s7 =	simm.s32 $0x180  }
0x184: {  	[tilespmem:s30], [sflag:$0x4] =	stream.indirect.gather [spmem:s3], $0x40, s7, s22, $0xb8;
	[tilespmem:$0x1E240] =	vst v63  }
0x185: {  	_ =	swait.ge [sflag:s31], $0x2000  }
0x186: {  	[sflag:s31] =	ssyncset.done $0x0  }
0x187: {  	[sflag:s31] =	ssyncadd.s32 $0xFFFFE000  }
0x188: {  	[spmem:s2] =	stream.indirect.scatter.add.f32 [tilespmem:s23], [sflag:$0x5], $0x40, s21, s22, $0xb8;
	[tilespmem:$0x1E240] =	vst v63  }
0x189: {  	_ =	swait.ge [sflag:s0], $0x2000  }
0x18a: {  	[sflag:s0] =	ssyncset.done $0x0  }
0x18b: {  	s26 =	simm.s32 $0x1480;
	[sflag:s0] =	ssyncadd.s32 $0xFFFFE000  }
0x18c: {  	[spmem:s2] =	stream.indirect.scatter.add.f32 [tilespmem:s24], [sflag:$0x6], $0x40, s26, s22, $0xb8;
	[tilespmem:$0x1E240] =	vst v63  }
0x18d: {  	_ =	swait.ge [sflag:s6], $0x2000  }
0x18e: {  	[sflag:s6] =	ssyncset.done $0x0  }
0x18f: {  	s7 =	simm.s32 $0x200;
	[sflag:s6] =	ssyncadd.s32 $0xFFFFE000  }
0x190: {  	[tilespmem:s23], [sflag:$0x1] =	stream.indirect.gather [spmem:s3], $0x40, s7, s22, $0xb8;
	[tilespmem:$0x1E240] =	vst v63  }
0x191: {  	_ =	swait.ge [sflag:s8], $0x2000  }
0x192: {  	[sflag:s8] =	ssyncset.done $0x0  }
0x193: {  	[sflag:s8] =	ssyncadd.s32 $0xFFFFE000  }
0x194: {  	[tilespmem:s24], [sflag:$0x2] =	stream.indirect.gather [spmem:s3], $0x40, s9, s22, $0xb8;
	[tilespmem:$0x1E240] =	vst v63  }
0x195: {  	_ =	swait.ge [sflag:s5], $0x2000  }
0x196: {  	[sflag:s5] =	ssyncset.done $0x0  }
0x197: {  	[sflag:s5] =	ssyncadd.s32 $0xFFFFE000  }
0x198: {  	[spmem:s2] =	stream.indirect.scatter.add.f32 [tilespmem:s28], [sflag:$0x7], $0x40, s10, s22, $0xb8;
	[tilespmem:$0x1E240] =	vst v63  }
0x199: {  	_ =	swait.ge [sflag:s11], $0x2000  }
0x19a: {  	[sflag:s11] =	ssyncset.done $0x0  }
0x19b: {  	[sflag:s11] =	ssyncadd.s32 $0xFFFFE000  }
0x19c: {  	[spmem:s2] =	stream.indirect.scatter.add.f32 [tilespmem:s30], [sflag:$0x8], $0x40, s12, s22, $0xb8;
	[tilespmem:$0x1E240] =	vst v63  }
0x19d: {  	_ =	swait.ge [sflag:s13], $0x2000  }
0x19e: {  	[sflag:s13] =	ssyncset.done $0x0  }
0x19f: {  	s26 =	simm.s32 $0x300;
	[sflag:s13] =	ssyncadd.s32 $0xFFFFE000  }
0x1a0: {  	[tilespmem:s28], [sflag:$0x3] =	stream.indirect.gather [spmem:s3], $0x40, s26, s22, $0xb8;
	[tilespmem:$0x1E240] =	vst v63  }
0x1a1: {  	_ =	swait.ge [sflag:s14], $0x2000  }
0x1a2: {  	[sflag:s14] =	ssyncset.done $0x0  }
0x1a3: {  	s7 =	simm.s32 $0x380;
	[sflag:s14] =	ssyncadd.s32 $0xFFFFE000  }
0x1a4: {  	[tilespmem:s30], [sflag:$0x4] =	stream.indirect.gather [spmem:s3], $0x40, s7, s22, $0xb8;
	[tilespmem:$0x1E240] =	vst v63  }
0x1a5: {  	_ =	swait.ge [sflag:s31], $0x2000  }
0x1a6: {  	[sflag:s31] =	ssyncset.done $0x0  }
0x1a7: {  	s26 =	simm.s32 $0x1600;
	[sflag:s31] =	ssyncadd.s32 $0xFFFFE000  }
0x1a8: {  	[spmem:s2] =	stream.indirect.scatter.add.f32 [tilespmem:s23], [sflag:$0x5], $0x40, s26, s22, $0xb8;
	[tilespmem:$0x1E240] =	vst v63  }
0x1a9: {  	_ =	swait.ge [sflag:s0], $0x2000  }
0x1aa: {  	[sflag:s0] =	ssyncset.done $0x0  }
0x1ab: {  	s7 =	simm.s32 $0x1680;
	[sflag:s0] =	ssyncadd.s32 $0xFFFFE000  }
0x1ac: {  	[spmem:s2] =	stream.indirect.scatter.add.f32 [tilespmem:s24], [sflag:$0x6], $0x40, s7, s22, $0xb8;
	[tilespmem:$0x1E240] =	vst v63  }
0x1ad: {  	_ =	swait.ge [sflag:s6], $0x2000  }
0x1ae: {  	[sflag:s6] =	ssyncset.done $0x0  }
0x1af: {  	s26 =	simm.s32 $0x400;
	[sflag:s6] =	ssyncadd.s32 $0xFFFFE000  }
0x1b0: {  	[tilespmem:s23], [sflag:$0x1] =	stream.indirect.gather [spmem:s3], $0x40, s26, s22, $0xb8;
	[tilespmem:$0x1E240] =	vst v63  }
0x1b1: {  	_ =	swait.ge [sflag:s8], $0x2000  }
0x1b2: {  	[sflag:s8] =	ssyncset.done $0x0  }
0x1b3: {  	s7 =	simm.s32 $0x480;
	[sflag:s8] =	ssyncadd.s32 $0xFFFFE000  }
0x1b4: {  	[tilespmem:s24], [sflag:$0x2] =	stream.indirect.gather [spmem:s3], $0x40, s7, s22, $0xb8;
	[tilespmem:$0x1E240] =	vst v63  }
0x1b5: {  	_ =	swait.ge [sflag:s5], $0x2000  }
0x1b6: {  	[sflag:s5] =	ssyncset.done $0x0  }
0x1b7: {  	s26 =	simm.s32 $0x1700;
	[sflag:s5] =	ssyncadd.s32 $0xFFFFE000  }
0x1b8: {  	[spmem:s2] =	stream.indirect.scatter.add.f32 [tilespmem:s28], [sflag:$0x7], $0x40, s26, s22, $0xb8;
	[tilespmem:$0x1E240] =	vst v63  }
0x1b9: {  	_ =	swait.ge [sflag:s11], $0x2000  }
0x1ba: {  	[sflag:s11] =	ssyncset.done $0x0  }
0x1bb: {  	s29 =	simm.s32 $0x1780;
	s26 =	simm.s32 $0x800;
	[sflag:s11] =	ssyncadd.s32 $0xFFFFE000  }
.LBB2_16:
0x1bc: {  	[spmem:s2] =	stream.indirect.scatter.add.f32 [tilespmem:s30], [sflag:$0x8], $0x40, s29, s22, $0xb8;
	[tilespmem:$0x1E240] =	vst v63  }
0x1bd: {  	s1 =	smov.u32 s26  }
0x1be: {  	p3 =	sne.s32 s26, $0x3800;
	s26 =	sadd.s32 $0x800, s26;
	_ =	swait.ge [sflag:s13], $0x2000  }
0x1bf: {  	s29 =	sshra.s32 s1, $0x2;
	[sflag:s13] =	ssyncset.done $0x0  }
0x1c0: {  	s1 =	sadd.s32 $0x300, s29;
	[sflag:s13] =	ssyncadd.s32 $0xFFFFE000  }
0x1c1: {  	[tilespmem:s28], [sflag:$0x3] =	stream.indirect.gather [spmem:s3], $0x40, s1, s22, $0xb8;
	[tilespmem:$0x1E240] =	vst v63  }
0x1c2: {  	_ =	swait.ge [sflag:s14], $0x2000  }
0x1c3: {  	[sflag:s14] =	ssyncset.done $0x0  }
0x1c4: {  	s1 =	sadd.s32 $0x380, s29;
	[sflag:s14] =	ssyncadd.s32 $0xFFFFE000  }
0x1c5: {  	[tilespmem:s30], [sflag:$0x4] =	stream.indirect.gather [spmem:s3], $0x40, s1, s22, $0xb8;
	[tilespmem:$0x1E240] =	vst v63  }
0x1c6: {  	_ =	swait.ge [sflag:s31], $0x2000  }
0x1c7: {  	[sflag:s31] =	ssyncset.done $0x0  }
0x1c8: {  	s1 =	sadd.s32 $0x1600, s29;
	[sflag:s31] =	ssyncadd.s32 $0xFFFFE000  }
0x1c9: {  	[spmem:s2] =	stream.indirect.scatter.add.f32 [tilespmem:s23], [sflag:$0x5], $0x40, s1, s22, $0xb8;
	[tilespmem:$0x1E240] =	vst v63  }
0x1ca: {  	_ =	swait.ge [sflag:s0], $0x2000  }
0x1cb: {  	[sflag:s0] =	ssyncset.done $0x0  }
0x1cc: {  	s1 =	sadd.s32 $0x1680, s29;
	[sflag:s0] =	ssyncadd.s32 $0xFFFFE000  }
0x1cd: {  	[spmem:s2] =	stream.indirect.scatter.add.f32 [tilespmem:s24], [sflag:$0x6], $0x40, s1, s22, $0xb8;
	[tilespmem:$0x1E240] =	vst v63  }
0x1ce: {  	_ =	swait.ge [sflag:s6], $0x2000  }
0x1cf: {  	[sflag:s6] =	ssyncset.done $0x0  }
0x1d0: {  	s1 =	sadd.s32 $0x400, s29;
	[sflag:s6] =	ssyncadd.s32 $0xFFFFE000  }
0x1d1: {  	[tilespmem:s23], [sflag:$0x1] =	stream.indirect.gather [spmem:s3], $0x40, s1, s22, $0xb8;
	[tilespmem:$0x1E240] =	vst v63  }
0x1d2: {  	_ =	swait.ge [sflag:s8], $0x2000  }
0x1d3: {  	[sflag:s8] =	ssyncset.done $0x0  }
0x1d4: {  	s1 =	sadd.s32 $0x480, s29;
	[sflag:s8] =	ssyncadd.s32 $0xFFFFE000  }
0x1d5: {  	[tilespmem:s24], [sflag:$0x2] =	stream.indirect.gather [spmem:s3], $0x40, s1, s22, $0xb8;
	[tilespmem:$0x1E240] =	vst v63  }
0x1d6: {  	_ =	swait.ge [sflag:s5], $0x2000  }
0x1d7: {  	[sflag:s5] =	ssyncset.done $0x0  }
.Ltmp5:
0x1d8: {  	s1 =	sadd.s32 $0x1700, s29;
	[sflag:s5] =	ssyncadd.s32 $0xFFFFE000;
	(pc) =	sbr.rel @p3 .LBB2_16-.Ltmp5, $4  }
0x1d9: {  	[spmem:s2] =	stream.indirect.scatter.add.f32 [tilespmem:s28], [sflag:$0x7], $0x40, s1, s22, $0xb8;
	[tilespmem:$0x1E240] =	vst v63  }
0x1da: {  	_ =	swait.ge [sflag:s11], $0x2000  }
0x1db: {  	[sflag:s11] =	ssyncset.done $0x0  }
0x1dc: {  	s29 =	sadd.s32 $0x1780, s29;
	[sflag:s11] =	ssyncadd.s32 $0xFFFFE000  }
0x1dd: {  	[spmem:s2] =	stream.indirect.scatter.add.f32 [tilespmem:s30], [sflag:$0x8], $0x40, s29, s22, $0xb8;
	[tilespmem:$0x1E240] =	vst v63  }
0x1de: {  	_ =	swait.ge [sflag:s13], $0x2000  }
0x1df: {  	[sflag:s13] =	ssyncset.done $0x0  }
0x1e0: {  	[sflag:s13] =	ssyncadd.s32 $0xFFFFE000  }
0x1e1: {  	[tilespmem:s28], [sflag:$0x3] =	stream.indirect.gather [spmem:s3], $0x40, s15, s22, $0xb8;
	[tilespmem:$0x1E240] =	vst v63  }
0x1e2: {  	_ =	swait.ge [sflag:s14], $0x2000  }
0x1e3: {  	[sflag:s14] =	ssyncset.done $0x0  }
0x1e4: {  	[sflag:s14] =	ssyncadd.s32 $0xFFFFE000  }
0x1e5: {  	[tilespmem:s30], [sflag:$0x4] =	stream.indirect.gather [spmem:s3], $0x40, s16, s22, $0xb8;
	[tilespmem:$0x1E240] =	vst v63  }
0x1e6: {  	_ =	swait.ge [sflag:s31], $0x2000  }
0x1e7: {  	[sflag:s31] =	ssyncset.done $0x0  }
0x1e8: {  	[sflag:s31] =	ssyncadd.s32 $0xFFFFE000  }
0x1e9: {  	[spmem:s2] =	stream.indirect.scatter.add.f32 [tilespmem:s23], [sflag:$0x5], $0x40, s17, s22, $0xb8;
	[tilespmem:$0x1E240] =	vst v63  }
0x1ea: {  	_ =	swait.ge [sflag:s0], $0x2000  }
0x1eb: {  	[sflag:s0] =	ssyncset.done $0x0  }
0x1ec: {  	[sflag:s0] =	ssyncadd.s32 $0xFFFFE000  }
0x1ed: {  	[spmem:s2] =	stream.indirect.scatter.add.f32 [tilespmem:s24], [sflag:$0x6], $0x40, s18, s22, $0xb8;
	[tilespmem:$0x1E240] =	vst v63  }
0x1ee: {  	_ =	swait.ge [sflag:s6], $0x2000  }
0x1ef: {  	[sflag:s6] =	ssyncset.done $0x0  }
0x1f0: {  	[sflag:s6] =	ssyncadd.s32 $0xFFFFE000  }
0x1f1: {  	_ =	swait.ge [sflag:s8], $0x2000  }
0x1f2: {  	[sflag:s8] =	ssyncset.done $0x0  }
0x1f3: {  	[sflag:s8] =	ssyncadd.s32 $0xFFFFE000  }
0x1f4: {  	_ =	swait.ge [sflag:s5], $0x2000  }
0x1f5: {  	[sflag:s5] =	ssyncset.done $0x0  }
0x1f6: {  	[sflag:s5] =	ssyncadd.s32 $0xFFFFE000  }
0x1f7: {  	[spmem:s2] =	stream.indirect.scatter.add.f32 [tilespmem:s28], [sflag:$0x7], $0x40, s19, s22, $0xb8;
	[tilespmem:$0x1E240] =	vst v63  }
0x1f8: {  	_ =	swait.ge [sflag:s11], $0x2000  }
0x1f9: {  	[sflag:s11] =	ssyncset.done $0x0  }
0x1fa: {  	[sflag:s11] =	ssyncadd.s32 $0xFFFFE000  }
0x1fb: {  	[spmem:s2] =	stream.indirect.scatter.add.f32 [tilespmem:s30], [sflag:$0x8], $0x40, s25, s22, $0xb8;
	[tilespmem:$0x1E240] =	vst v63  }
0x1fc: {  	_ =	swait.ge [sflag:s13], $0x2000  }
0x1fd: {  	[sflag:s13] =	ssyncset.done $0x0  }
0x1fe: {  	[sflag:s13] =	ssyncadd.s32 $0xFFFFE000  }
0x1ff: {  	_ =	swait.ge [sflag:s14], $0x2000  }
0x200: {  	[sflag:s14] =	ssyncset.done $0x0  }
0x201: {  	s1 =	simm.s32 $0x0;
	s7 =	rddreg [dreg:$0xf];
	[sflag:s14] =	ssyncadd.s32 $0xFFFFE000  }
0x202: {  	[tilespmem:s1], [sflag:$0x9] =	stream.linear.gather [hbm4b:s7+s1], $0x1400, $0x38;
	[tilespmem:$0x1E240] =	vst v63  }
0x203: {  	_ =	swait.ge [sflag:s20], $0x1400  }
0x204: {  	[sflag:s20] =	ssyncset.done $0x0  }
0x205: {  	s26 =	rddreg [dreg:$0x10];
	[sflag:s20] =	ssyncadd.s32 $0xFFFFEC00  }
0x206: {  	[tilespmem:s21], [sflag:$0x9] =	stream.linear.gather [hbm4b:s26+s1], $0x1400, $0x38;
	[tilespmem:$0x1E240] =	vst v63  }
0x207: {  	_ =	swait.ge [sflag:s20], $0x1400  }
0x208: {  	[sflag:s20] =	ssyncset.done $0x0  }
0x209: {  	[sflag:s20] =	ssyncadd.s32 $0xFFFFEC00  }
0x20a: {  	[tilespmem:s23], [sflag:$0x1] =	stream.indirect.gather [spmem:s3], $0x40, s1, s22, $0xb8;
	[tilespmem:$0x1E240] =	vst v63  }
0x20b: {  	_ = 	snop  }
0x20c: {  	[tilespmem:s24], [sflag:$0x2] =	stream.indirect.gather [spmem:s3], $0x40, s22, s22, $0xb8;
	[tilespmem:$0x1E240] =	vst v63  }
0x20d: {  	s26 =	simm.s32 $0x100  }
0x20e: {  	[tilespmem:s28], [sflag:$0x3] =	stream.indirect.gather [spmem:s3], $0x40, s26, s22, $0xb8;
	[tilespmem:$0x1E240] =	vst v63  }
0x20f: {  	s7 =	simm.s32 $0x180  }
0x210: {  	[tilespmem:s30], [sflag:$0x4] =	stream.indirect.gather [spmem:s3], $0x40, s7, s22, $0xb8;
	[tilespmem:$0x1E240] =	vst v63  }
0x211: {  	_ =	swait.ge [sflag:s31], $0x2000  }
0x212: {  	[sflag:s31] =	ssyncset.done $0x0  }
0x213: {  	[sflag:s31] =	ssyncadd.s32 $0xFFFFE000  }
0x214: {  	[spmem:s2] =	stream.indirect.scatter.add.f32 [tilespmem:s23], [sflag:$0x5], $0x40, s21, s22, $0xb8;
	[tilespmem:$0x1E240] =	vst v63  }
0x215: {  	_ =	swait.ge [sflag:s0], $0x2000  }
0x216: {  	[sflag:s0] =	ssyncset.done $0x0  }
0x217: {  	s26 =	simm.s32 $0x1480;
	[sflag:s0] =	ssyncadd.s32 $0xFFFFE000  }
0x218: {  	[spmem:s2] =	stream.indirect.scatter.add.f32 [tilespmem:s24], [sflag:$0x6], $0x40, s26, s22, $0xb8;
	[tilespmem:$0x1E240] =	vst v63  }
0x219: {  	_ =	swait.ge [sflag:s6], $0x2000  }
0x21a: {  	[sflag:s6] =	ssyncset.done $0x0  }
0x21b: {  	s7 =	simm.s32 $0x200;
	[sflag:s6] =	ssyncadd.s32 $0xFFFFE000  }
0x21c: {  	[tilespmem:s23], [sflag:$0x1] =	stream.indirect.gather [spmem:s3], $0x40, s7, s22, $0xb8;
	[tilespmem:$0x1E240] =	vst v63  }
0x21d: {  	_ =	swait.ge [sflag:s8], $0x2000  }
0x21e: {  	[sflag:s8] =	ssyncset.done $0x0  }
0x21f: {  	[sflag:s8] =	ssyncadd.s32 $0xFFFFE000  }
0x220: {  	[tilespmem:s24], [sflag:$0x2] =	stream.indirect.gather [spmem:s3], $0x40, s9, s22, $0xb8;
	[tilespmem:$0x1E240] =	vst v63  }
0x221: {  	_ =	swait.ge [sflag:s5], $0x2000  }
0x222: {  	[sflag:s5] =	ssyncset.done $0x0  }
0x223: {  	[sflag:s5] =	ssyncadd.s32 $0xFFFFE000  }
0x224: {  	[spmem:s2] =	stream.indirect.scatter.add.f32 [tilespmem:s28], [sflag:$0x7], $0x40, s10, s22, $0xb8;
	[tilespmem:$0x1E240] =	vst v63  }
0x225: {  	_ =	swait.ge [sflag:s11], $0x2000  }
0x226: {  	[sflag:s11] =	ssyncset.done $0x0  }
0x227: {  	[sflag:s11] =	ssyncadd.s32 $0xFFFFE000  }
0x228: {  	[spmem:s2] =	stream.indirect.scatter.add.f32 [tilespmem:s30], [sflag:$0x8], $0x40, s12, s22, $0xb8;
	[tilespmem:$0x1E240] =	vst v63  }
0x229: {  	_ =	swait.ge [sflag:s13], $0x2000  }
0x22a: {  	[sflag:s13] =	ssyncset.done $0x0  }
0x22b: {  	s26 =	simm.s32 $0x300;
	[sflag:s13] =	ssyncadd.s32 $0xFFFFE000  }
0x22c: {  	[tilespmem:s28], [sflag:$0x3] =	stream.indirect.gather [spmem:s3], $0x40, s26, s22, $0xb8;
	[tilespmem:$0x1E240] =	vst v63  }
0x22d: {  	_ =	swait.ge [sflag:s14], $0x2000  }
0x22e: {  	[sflag:s14] =	ssyncset.done $0x0  }
0x22f: {  	s7 =	simm.s32 $0x380;
	[sflag:s14] =	ssyncadd.s32 $0xFFFFE000  }
0x230: {  	[tilespmem:s30], [sflag:$0x4] =	stream.indirect.gather [spmem:s3], $0x40, s7, s22, $0xb8;
	[tilespmem:$0x1E240] =	vst v63  }
0x231: {  	_ =	swait.ge [sflag:s31], $0x2000  }
0x232: {  	[sflag:s31] =	ssyncset.done $0x0  }
0x233: {  	s26 =	simm.s32 $0x1600;
	[sflag:s31] =	ssyncadd.s32 $0xFFFFE000  }
0x234: {  	[spmem:s2] =	stream.indirect.scatter.add.f32 [tilespmem:s23], [sflag:$0x5], $0x40, s26, s22, $0xb8;
	[tilespmem:$0x1E240] =	vst v63  }
0x235: {  	_ =	swait.ge [sflag:s0], $0x2000  }
0x236: {  	[sflag:s0] =	ssyncset.done $0x0  }
0x237: {  	s7 =	simm.s32 $0x1680;
	[sflag:s0] =	ssyncadd.s32 $0xFFFFE000  }
0x238: {  	[spmem:s2] =	stream.indirect.scatter.add.f32 [tilespmem:s24], [sflag:$0x6], $0x40, s7, s22, $0xb8;
	[tilespmem:$0x1E240] =	vst v63  }
0x239: {  	_ =	swait.ge [sflag:s6], $0x2000  }
0x23a: {  	[sflag:s6] =	ssyncset.done $0x0  }
0x23b: {  	s26 =	simm.s32 $0x400;
	[sflag:s6] =	ssyncadd.s32 $0xFFFFE000  }
0x23c: {  	[tilespmem:s23], [sflag:$0x1] =	stream.indirect.gather [spmem:s3], $0x40, s26, s22, $0xb8;
	[tilespmem:$0x1E240] =	vst v63  }
0x23d: {  	_ =	swait.ge [sflag:s8], $0x2000  }
0x23e: {  	[sflag:s8] =	ssyncset.done $0x0  }
0x23f: {  	s7 =	simm.s32 $0x480;
	[sflag:s8] =	ssyncadd.s32 $0xFFFFE000  }
0x240: {  	[tilespmem:s24], [sflag:$0x2] =	stream.indirect.gather [spmem:s3], $0x40, s7, s22, $0xb8;
	[tilespmem:$0x1E240] =	vst v63  }
0x241: {  	_ =	swait.ge [sflag:s5], $0x2000  }
0x242: {  	[sflag:s5] =	ssyncset.done $0x0  }
0x243: {  	s26 =	simm.s32 $0x1700;
	[sflag:s5] =	ssyncadd.s32 $0xFFFFE000  }
0x244: {  	[spmem:s2] =	stream.indirect.scatter.add.f32 [tilespmem:s28], [sflag:$0x7], $0x40, s26, s22, $0xb8;
	[tilespmem:$0x1E240] =	vst v63  }
0x245: {  	_ =	swait.ge [sflag:s11], $0x2000  }
0x246: {  	[sflag:s11] =	ssyncset.done $0x0  }
0x247: {  	s29 =	simm.s32 $0x1780;
	s26 =	simm.s32 $0x800;
	[sflag:s11] =	ssyncadd.s32 $0xFFFFE000  }
.LBB2_18:
0x248: {  	[spmem:s2] =	stream.indirect.scatter.add.f32 [tilespmem:s30], [sflag:$0x8], $0x40, s29, s22, $0xb8;
	[tilespmem:$0x1E240] =	vst v63  }
0x249: {  	s1 =	smov.u32 s26  }
0x24a: {  	p3 =	sne.s32 s26, $0x3800;
	s26 =	sadd.s32 $0x800, s26;
	_ =	swait.ge [sflag:s13], $0x2000  }
0x24b: {  	s29 =	sshra.s32 s1, $0x2;
	[sflag:s13] =	ssyncset.done $0x0  }
0x24c: {  	s1 =	sadd.s32 $0x300, s29;
	[sflag:s13] =	ssyncadd.s32 $0xFFFFE000  }
0x24d: {  	[tilespmem:s28], [sflag:$0x3] =	stream.indirect.gather [spmem:s3], $0x40, s1, s22, $0xb8;
	[tilespmem:$0x1E240] =	vst v63  }
0x24e: {  	_ =	swait.ge [sflag:s14], $0x2000  }
0x24f: {  	[sflag:s14] =	ssyncset.done $0x0  }
0x250: {  	s1 =	sadd.s32 $0x380, s29;
	[sflag:s14] =	ssyncadd.s32 $0xFFFFE000  }
0x251: {  	[tilespmem:s30], [sflag:$0x4] =	stream.indirect.gather [spmem:s3], $0x40, s1, s22, $0xb8;
	[tilespmem:$0x1E240] =	vst v63  }
0x252: {  	_ =	swait.ge [sflag:s31], $0x2000  }
0x253: {  	[sflag:s31] =	ssyncset.done $0x0  }
0x254: {  	s1 =	sadd.s32 $0x1600, s29;
	[sflag:s31] =	ssyncadd.s32 $0xFFFFE000  }
0x255: {  	[spmem:s2] =	stream.indirect.scatter.add.f32 [tilespmem:s23], [sflag:$0x5], $0x40, s1, s22, $0xb8;
	[tilespmem:$0x1E240] =	vst v63  }
0x256: {  	_ =	swait.ge [sflag:s0], $0x2000  }
0x257: {  	[sflag:s0] =	ssyncset.done $0x0  }
0x258: {  	s1 =	sadd.s32 $0x1680, s29;
	[sflag:s0] =	ssyncadd.s32 $0xFFFFE000  }
0x259: {  	[spmem:s2] =	stream.indirect.scatter.add.f32 [tilespmem:s24], [sflag:$0x6], $0x40, s1, s22, $0xb8;
	[tilespmem:$0x1E240] =	vst v63  }
0x25a: {  	_ =	swait.ge [sflag:s6], $0x2000  }
0x25b: {  	[sflag:s6] =	ssyncset.done $0x0  }
0x25c: {  	s1 =	sadd.s32 $0x400, s29;
	[sflag:s6] =	ssyncadd.s32 $0xFFFFE000  }
0x25d: {  	[tilespmem:s23], [sflag:$0x1] =	stream.indirect.gather [spmem:s3], $0x40, s1, s22, $0xb8;
	[tilespmem:$0x1E240] =	vst v63  }
0x25e: {  	_ =	swait.ge [sflag:s8], $0x2000  }
0x25f: {  	[sflag:s8] =	ssyncset.done $0x0  }
0x260: {  	s1 =	sadd.s32 $0x480, s29;
	[sflag:s8] =	ssyncadd.s32 $0xFFFFE000  }
0x261: {  	[tilespmem:s24], [sflag:$0x2] =	stream.indirect.gather [spmem:s3], $0x40, s1, s22, $0xb8;
	[tilespmem:$0x1E240] =	vst v63  }
0x262: {  	_ =	swait.ge [sflag:s5], $0x2000  }
0x263: {  	[sflag:s5] =	ssyncset.done $0x0  }
.Ltmp6:
0x264: {  	s1 =	sadd.s32 $0x1700, s29;
	[sflag:s5] =	ssyncadd.s32 $0xFFFFE000;
	(pc) =	sbr.rel @p3 .LBB2_18-.Ltmp6, $4  }
0x265: {  	[spmem:s2] =	stream.indirect.scatter.add.f32 [tilespmem:s28], [sflag:$0x7], $0x40, s1, s22, $0xb8;
	[tilespmem:$0x1E240] =	vst v63  }
0x266: {  	_ =	swait.ge [sflag:s11], $0x2000  }
0x267: {  	[sflag:s11] =	ssyncset.done $0x0  }
0x268: {  	s29 =	sadd.s32 $0x1780, s29;
	[sflag:s11] =	ssyncadd.s32 $0xFFFFE000  }
.Ltmp7:
0x269: {  	_ = 	snop;
	(pc) =	sbr.rel .LBB2_19-.Ltmp7, $1  }
0x26a: {  	_ =	sdelay $0x3  }
.LBB2_2:
0x26b: {  	s1 =	simm.s32 @p1 $0x1C49;
	s7 =	rddreg [dreg:$0x5]  }
0x26c: {  	[spmem:s29], [sflag:s1] =	dma.local @p1 [hbm:s7], $0x13880  }
0x26d: {  	s1 =	simm.s32 @p1 $0x9  }
0x26e: {  	_ =	swait.ge @p1 [sflag:s1], $0x13880  }
0x26f: {  	[sflag:s1] =	ssyncset.done @p1 $0x0  }
0x270: {  	[sflag:s1] =	ssyncadd.s32 @p1 $0xFFFEC780  }
0x271: {  	s1 =	simm.s32 @!p2 $0x1C09;
	s29 =	rddreg [dreg:$0x1]  }
0x272: {  	[spmem:s26], [sflag:s1] =	dma.local @!p2 [hbm:s29], $0x13C00  }
0x273: {  	s1 =	simm.s32 @!p2 $0x9  }
0x274: {  	_ =	swait.ge @!p2 [sflag:s1], $0x13C00  }
0x275: {  	[sflag:s1] =	ssyncset.done @!p2 $0x0  }
0x276: {  	[sflag:s1] =	ssyncadd.s32 @!p2 $0xFFFEC400  }
0x277: {  	[bflag:$0x0] =	sbarrier.arrive $0xFFFF  }
0x278: {  	s1 =	simm.s32 $0x0;
	s26 =	rddreg [dreg:$0x9]  }
0x279: {  	[tilespmem:s1], [sflag:$0x9] =	stream.linear.gather [hbm4b:s26+s1], $0x1400, $0x38;
	[tilespmem:$0x1E240] =	vst v63  }
0x27a: {  	_ =	swait.ge [sflag:s20], $0x1400  }
0x27b: {  	[sflag:s20] =	ssyncset.done $0x0  }
0x27c: {  	s26 =	rddreg [dreg:$0xa];
	[sflag:s20] =	ssyncadd.s32 $0xFFFFEC00  }
0x27d: {  	[tilespmem:s21], [sflag:$0x9] =	stream.linear.gather [hbm4b:s26+s1], $0x1400, $0x38;
	[tilespmem:$0x1E240] =	vst v63  }
0x27e: {  	_ =	swait.ge [sflag:s20], $0x1400  }
0x27f: {  	[sflag:s20] =	ssyncset.done $0x0  }
0x280: {  	[sflag:s20] =	ssyncadd.s32 $0xFFFFEC00  }
0x281: {  	[tilespmem:s23], [sflag:$0x1] =	stream.indirect.gather [spmem:s3], $0x40, s1, s22, $0xb8;
	[tilespmem:$0x1E240] =	vst v63  }
0x282: {  	_ = 	snop  }
0x283: {  	[tilespmem:s24], [sflag:$0x2] =	stream.indirect.gather [spmem:s3], $0x40, s22, s22, $0xb8;
	[tilespmem:$0x1E240] =	vst v63  }
0x284: {  	s26 =	simm.s32 $0x100  }
0x285: {  	[tilespmem:s28], [sflag:$0x3] =	stream.indirect.gather [spmem:s3], $0x40, s26, s22, $0xb8;
	[tilespmem:$0x1E240] =	vst v63  }
0x286: {  	s7 =	simm.s32 $0x180  }
0x287: {  	[tilespmem:s30], [sflag:$0x4] =	stream.indirect.gather [spmem:s3], $0x40, s7, s22, $0xb8;
	[tilespmem:$0x1E240] =	vst v63  }
0x288: {  	_ =	swait.ge [sflag:s31], $0x2000  }
0x289: {  	[sflag:s31] =	ssyncset.done $0x0  }
0x28a: {  	[sflag:s31] =	ssyncadd.s32 $0xFFFFE000  }
0x28b: {  	[spmem:s2] =	stream.indirect.scatter.add.f32 [tilespmem:s23], [sflag:$0x5], $0x40, s21, s22, $0xb8;
	[tilespmem:$0x1E240] =	vst v63  }
0x28c: {  	_ =	swait.ge [sflag:s0], $0x2000  }
0x28d: {  	[sflag:s0] =	ssyncset.done $0x0  }
0x28e: {  	s26 =	simm.s32 $0x1480;
	[sflag:s0] =	ssyncadd.s32 $0xFFFFE000  }
0x28f: {  	[spmem:s2] =	stream.indirect.scatter.add.f32 [tilespmem:s24], [sflag:$0x6], $0x40, s26, s22, $0xb8;
	[tilespmem:$0x1E240] =	vst v63  }
0x290: {  	_ =	swait.ge [sflag:s6], $0x2000  }
0x291: {  	[sflag:s6] =	ssyncset.done $0x0  }
0x292: {  	s7 =	simm.s32 $0x200;
	[sflag:s6] =	ssyncadd.s32 $0xFFFFE000  }
0x293: {  	[tilespmem:s23], [sflag:$0x1] =	stream.indirect.gather [spmem:s3], $0x40, s7, s22, $0xb8;
	[tilespmem:$0x1E240] =	vst v63  }
0x294: {  	_ =	swait.ge [sflag:s8], $0x2000  }
0x295: {  	[sflag:s8] =	ssyncset.done $0x0  }
0x296: {  	[sflag:s8] =	ssyncadd.s32 $0xFFFFE000  }
0x297: {  	[tilespmem:s24], [sflag:$0x2] =	stream.indirect.gather [spmem:s3], $0x40, s9, s22, $0xb8;
	[tilespmem:$0x1E240] =	vst v63  }
0x298: {  	_ =	swait.ge [sflag:s5], $0x2000  }
0x299: {  	[sflag:s5] =	ssyncset.done $0x0  }
0x29a: {  	[sflag:s5] =	ssyncadd.s32 $0xFFFFE000  }
0x29b: {  	[spmem:s2] =	stream.indirect.scatter.add.f32 [tilespmem:s28], [sflag:$0x7], $0x40, s10, s22, $0xb8;
	[tilespmem:$0x1E240] =	vst v63  }
0x29c: {  	_ =	swait.ge [sflag:s11], $0x2000  }
0x29d: {  	[sflag:s11] =	ssyncset.done $0x0  }
0x29e: {  	[sflag:s11] =	ssyncadd.s32 $0xFFFFE000  }
0x29f: {  	[spmem:s2] =	stream.indirect.scatter.add.f32 [tilespmem:s30], [sflag:$0x8], $0x40, s12, s22, $0xb8;
	[tilespmem:$0x1E240] =	vst v63  }
0x2a0: {  	_ =	swait.ge [sflag:s13], $0x2000  }
0x2a1: {  	[sflag:s13] =	ssyncset.done $0x0  }
0x2a2: {  	s26 =	simm.s32 $0x300;
	[sflag:s13] =	ssyncadd.s32 $0xFFFFE000  }
0x2a3: {  	[tilespmem:s28], [sflag:$0x3] =	stream.indirect.gather [spmem:s3], $0x40, s26, s22, $0xb8;
	[tilespmem:$0x1E240] =	vst v63  }
0x2a4: {  	_ =	swait.ge [sflag:s14], $0x2000  }
0x2a5: {  	[sflag:s14] =	ssyncset.done $0x0  }
0x2a6: {  	s7 =	simm.s32 $0x380;
	[sflag:s14] =	ssyncadd.s32 $0xFFFFE000  }
0x2a7: {  	[tilespmem:s30], [sflag:$0x4] =	stream.indirect.gather [spmem:s3], $0x40, s7, s22, $0xb8;
	[tilespmem:$0x1E240] =	vst v63  }
0x2a8: {  	_ =	swait.ge [sflag:s31], $0x2000  }
0x2a9: {  	[sflag:s31] =	ssyncset.done $0x0  }
0x2aa: {  	s26 =	simm.s32 $0x1600;
	[sflag:s31] =	ssyncadd.s32 $0xFFFFE000  }
0x2ab: {  	[spmem:s2] =	stream.indirect.scatter.add.f32 [tilespmem:s23], [sflag:$0x5], $0x40, s26, s22, $0xb8;
	[tilespmem:$0x1E240] =	vst v63  }
0x2ac: {  	_ =	swait.ge [sflag:s0], $0x2000  }
0x2ad: {  	[sflag:s0] =	ssyncset.done $0x0  }
0x2ae: {  	s7 =	simm.s32 $0x1680;
	[sflag:s0] =	ssyncadd.s32 $0xFFFFE000  }
0x2af: {  	[spmem:s2] =	stream.indirect.scatter.add.f32 [tilespmem:s24], [sflag:$0x6], $0x40, s7, s22, $0xb8;
	[tilespmem:$0x1E240] =	vst v63  }
0x2b0: {  	_ =	swait.ge [sflag:s6], $0x2000  }
0x2b1: {  	[sflag:s6] =	ssyncset.done $0x0  }
0x2b2: {  	s26 =	simm.s32 $0x400;
	[sflag:s6] =	ssyncadd.s32 $0xFFFFE000  }
0x2b3: {  	[tilespmem:s23], [sflag:$0x1] =	stream.indirect.gather [spmem:s3], $0x40, s26, s22, $0xb8;
	[tilespmem:$0x1E240] =	vst v63  }
0x2b4: {  	_ =	swait.ge [sflag:s8], $0x2000  }
0x2b5: {  	[sflag:s8] =	ssyncset.done $0x0  }
0x2b6: {  	s7 =	simm.s32 $0x480;
	[sflag:s8] =	ssyncadd.s32 $0xFFFFE000  }
0x2b7: {  	[tilespmem:s24], [sflag:$0x2] =	stream.indirect.gather [spmem:s3], $0x40, s7, s22, $0xb8;
	[tilespmem:$0x1E240] =	vst v63  }
0x2b8: {  	_ =	swait.ge [sflag:s5], $0x2000  }
0x2b9: {  	[sflag:s5] =	ssyncset.done $0x0  }
0x2ba: {  	s26 =	simm.s32 $0x1700;
	[sflag:s5] =	ssyncadd.s32 $0xFFFFE000  }
0x2bb: {  	[spmem:s2] =	stream.indirect.scatter.add.f32 [tilespmem:s28], [sflag:$0x7], $0x40, s26, s22, $0xb8;
	[tilespmem:$0x1E240] =	vst v63  }
0x2bc: {  	_ =	swait.ge [sflag:s11], $0x2000  }
0x2bd: {  	[sflag:s11] =	ssyncset.done $0x0  }
0x2be: {  	s29 =	simm.s32 $0x1780;
	s26 =	simm.s32 $0x800;
	[sflag:s11] =	ssyncadd.s32 $0xFFFFE000  }
.LBB2_3:
0x2bf: {  	[spmem:s2] =	stream.indirect.scatter.add.f32 [tilespmem:s30], [sflag:$0x8], $0x40, s29, s22, $0xb8;
	[tilespmem:$0x1E240] =	vst v63  }
0x2c0: {  	s1 =	smov.u32 s26  }
0x2c1: {  	p3 =	sne.s32 s26, $0x3800;
	s26 =	sadd.s32 $0x800, s26;
	_ =	swait.ge [sflag:s13], $0x2000  }
0x2c2: {  	s29 =	sshra.s32 s1, $0x2;
	[sflag:s13] =	ssyncset.done $0x0  }
0x2c3: {  	s1 =	sadd.s32 $0x300, s29;
	[sflag:s13] =	ssyncadd.s32 $0xFFFFE000  }
0x2c4: {  	[tilespmem:s28], [sflag:$0x3] =	stream.indirect.gather [spmem:s3], $0x40, s1, s22, $0xb8;
	[tilespmem:$0x1E240] =	vst v63  }
0x2c5: {  	_ =	swait.ge [sflag:s14], $0x2000  }
0x2c6: {  	[sflag:s14] =	ssyncset.done $0x0  }
0x2c7: {  	s1 =	sadd.s32 $0x380, s29;
	[sflag:s14] =	ssyncadd.s32 $0xFFFFE000  }
0x2c8: {  	[tilespmem:s30], [sflag:$0x4] =	stream.indirect.gather [spmem:s3], $0x40, s1, s22, $0xb8;
	[tilespmem:$0x1E240] =	vst v63  }
0x2c9: {  	_ =	swait.ge [sflag:s31], $0x2000  }
0x2ca: {  	[sflag:s31] =	ssyncset.done $0x0  }
0x2cb: {  	s1 =	sadd.s32 $0x1600, s29;
	[sflag:s31] =	ssyncadd.s32 $0xFFFFE000  }
0x2cc: {  	[spmem:s2] =	stream.indirect.scatter.add.f32 [tilespmem:s23], [sflag:$0x5], $0x40, s1, s22, $0xb8;
	[tilespmem:$0x1E240] =	vst v63  }
0x2cd: {  	_ =	swait.ge [sflag:s0], $0x2000  }
0x2ce: {  	[sflag:s0] =	ssyncset.done $0x0  }
0x2cf: {  	s1 =	sadd.s32 $0x1680, s29;
	[sflag:s0] =	ssyncadd.s32 $0xFFFFE000  }
0x2d0: {  	[spmem:s2] =	stream.indirect.scatter.add.f32 [tilespmem:s24], [sflag:$0x6], $0x40, s1, s22, $0xb8;
	[tilespmem:$0x1E240] =	vst v63  }
0x2d1: {  	_ =	swait.ge [sflag:s6], $0x2000  }
0x2d2: {  	[sflag:s6] =	ssyncset.done $0x0  }
0x2d3: {  	s1 =	sadd.s32 $0x400, s29;
	[sflag:s6] =	ssyncadd.s32 $0xFFFFE000  }
0x2d4: {  	[tilespmem:s23], [sflag:$0x1] =	stream.indirect.gather [spmem:s3], $0x40, s1, s22, $0xb8;
	[tilespmem:$0x1E240] =	vst v63  }
0x2d5: {  	_ =	swait.ge [sflag:s8], $0x2000  }
0x2d6: {  	[sflag:s8] =	ssyncset.done $0x0  }
0x2d7: {  	s1 =	sadd.s32 $0x480, s29;
	[sflag:s8] =	ssyncadd.s32 $0xFFFFE000  }
0x2d8: {  	[tilespmem:s24], [sflag:$0x2] =	stream.indirect.gather [spmem:s3], $0x40, s1, s22, $0xb8;
	[tilespmem:$0x1E240] =	vst v63  }
0x2d9: {  	_ =	swait.ge [sflag:s5], $0x2000  }
0x2da: {  	[sflag:s5] =	ssyncset.done $0x0  }
.Ltmp8:
0x2db: {  	s1 =	sadd.s32 $0x1700, s29;
	[sflag:s5] =	ssyncadd.s32 $0xFFFFE000;
	(pc) =	sbr.rel @p3 .LBB2_3-.Ltmp8, $4  }
0x2dc: {  	[spmem:s2] =	stream.indirect.scatter.add.f32 [tilespmem:s28], [sflag:$0x7], $0x40, s1, s22, $0xb8;
	[tilespmem:$0x1E240] =	vst v63  }
0x2dd: {  	_ =	swait.ge [sflag:s11], $0x2000  }
0x2de: {  	[sflag:s11] =	ssyncset.done $0x0  }
0x2df: {  	s29 =	sadd.s32 $0x1780, s29;
	[sflag:s11] =	ssyncadd.s32 $0xFFFFE000  }
0x2e0: {  	[spmem:s2] =	stream.indirect.scatter.add.f32 [tilespmem:s30], [sflag:$0x8], $0x40, s29, s22, $0xb8;
	[tilespmem:$0x1E240] =	vst v63  }
0x2e1: {  	_ =	swait.ge [sflag:s13], $0x2000  }
0x2e2: {  	[sflag:s13] =	ssyncset.done $0x0  }
0x2e3: {  	[sflag:s13] =	ssyncadd.s32 $0xFFFFE000  }
0x2e4: {  	[tilespmem:s28], [sflag:$0x3] =	stream.indirect.gather [spmem:s3], $0x40, s15, s22, $0xb8;
	[tilespmem:$0x1E240] =	vst v63  }
0x2e5: {  	_ =	swait.ge [sflag:s14], $0x2000  }
0x2e6: {  	[sflag:s14] =	ssyncset.done $0x0  }
0x2e7: {  	[sflag:s14] =	ssyncadd.s32 $0xFFFFE000  }
0x2e8: {  	[tilespmem:s30], [sflag:$0x4] =	stream.indirect.gather [spmem:s3], $0x40, s16, s22, $0xb8;
	[tilespmem:$0x1E240] =	vst v63  }
0x2e9: {  	_ =	swait.ge [sflag:s31], $0x2000  }
0x2ea: {  	[sflag:s31] =	ssyncset.done $0x0  }
0x2eb: {  	[sflag:s31] =	ssyncadd.s32 $0xFFFFE000  }
0x2ec: {  	[spmem:s2] =	stream.indirect.scatter.add.f32 [tilespmem:s23], [sflag:$0x5], $0x40, s17, s22, $0xb8;
	[tilespmem:$0x1E240] =	vst v63  }
0x2ed: {  	_ =	swait.ge [sflag:s0], $0x2000  }
0x2ee: {  	[sflag:s0] =	ssyncset.done $0x0  }
0x2ef: {  	[sflag:s0] =	ssyncadd.s32 $0xFFFFE000  }
0x2f0: {  	[spmem:s2] =	stream.indirect.scatter.add.f32 [tilespmem:s24], [sflag:$0x6], $0x40, s18, s22, $0xb8;
	[tilespmem:$0x1E240] =	vst v63  }
0x2f1: {  	_ =	swait.ge [sflag:s6], $0x2000  }
0x2f2: {  	[sflag:s6] =	ssyncset.done $0x0  }
0x2f3: {  	[sflag:s6] =	ssyncadd.s32 $0xFFFFE000  }
0x2f4: {  	_ =	swait.ge [sflag:s8], $0x2000  }
0x2f5: {  	[sflag:s8] =	ssyncset.done $0x0  }
0x2f6: {  	[sflag:s8] =	ssyncadd.s32 $0xFFFFE000  }
0x2f7: {  	_ =	swait.ge [sflag:s5], $0x2000  }
0x2f8: {  	[sflag:s5] =	ssyncset.done $0x0  }
0x2f9: {  	[sflag:s5] =	ssyncadd.s32 $0xFFFFE000  }
0x2fa: {  	[spmem:s2] =	stream.indirect.scatter.add.f32 [tilespmem:s28], [sflag:$0x7], $0x40, s19, s22, $0xb8;
	[tilespmem:$0x1E240] =	vst v63  }
0x2fb: {  	_ =	swait.ge [sflag:s11], $0x2000  }
0x2fc: {  	[sflag:s11] =	ssyncset.done $0x0  }
0x2fd: {  	[sflag:s11] =	ssyncadd.s32 $0xFFFFE000  }
0x2fe: {  	[spmem:s2] =	stream.indirect.scatter.add.f32 [tilespmem:s30], [sflag:$0x8], $0x40, s25, s22, $0xb8;
	[tilespmem:$0x1E240] =	vst v63  }
0x2ff: {  	_ =	swait.ge [sflag:s13], $0x2000  }
0x300: {  	[sflag:s13] =	ssyncset.done $0x0  }
0x301: {  	[sflag:s13] =	ssyncadd.s32 $0xFFFFE000  }
0x302: {  	_ =	swait.ge [sflag:s14], $0x2000  }
0x303: {  	[sflag:s14] =	ssyncset.done $0x0  }
0x304: {  	s1 =	simm.s32 $0x0;
	s7 =	rddreg [dreg:$0xb];
	[sflag:s14] =	ssyncadd.s32 $0xFFFFE000  }
0x305: {  	[tilespmem:s1], [sflag:$0x9] =	stream.linear.gather [hbm4b:s7+s1], $0x1400, $0x38;
	[tilespmem:$0x1E240] =	vst v63  }
0x306: {  	_ =	swait.ge [sflag:s20], $0x1400  }
0x307: {  	[sflag:s20] =	ssyncset.done $0x0  }
0x308: {  	s26 =	rddreg [dreg:$0xc];
	[sflag:s20] =	ssyncadd.s32 $0xFFFFEC00  }
0x309: {  	[tilespmem:s21], [sflag:$0x9] =	stream.linear.gather [hbm4b:s26+s1], $0x1400, $0x38;
	[tilespmem:$0x1E240] =	vst v63  }
0x30a: {  	_ =	swait.ge [sflag:s20], $0x1400  }
0x30b: {  	[sflag:s20] =	ssyncset.done $0x0  }
0x30c: {  	[sflag:s20] =	ssyncadd.s32 $0xFFFFEC00  }
0x30d: {  	[tilespmem:s23], [sflag:$0x1] =	stream.indirect.gather [spmem:s3], $0x40, s1, s22, $0xb8;
	[tilespmem:$0x1E240] =	vst v63  }
0x30e: {  	_ = 	snop  }
0x30f: {  	[tilespmem:s24], [sflag:$0x2] =	stream.indirect.gather [spmem:s3], $0x40, s22, s22, $0xb8;
	[tilespmem:$0x1E240] =	vst v63  }
0x310: {  	s26 =	simm.s32 $0x100  }
0x311: {  	[tilespmem:s28], [sflag:$0x3] =	stream.indirect.gather [spmem:s3], $0x40, s26, s22, $0xb8;
	[tilespmem:$0x1E240] =	vst v63  }
0x312: {  	s7 =	simm.s32 $0x180  }
0x313: {  	[tilespmem:s30], [sflag:$0x4] =	stream.indirect.gather [spmem:s3], $0x40, s7, s22, $0xb8;
	[tilespmem:$0x1E240] =	vst v63  }
0x314: {  	_ =	swait.ge [sflag:s31], $0x2000  }
0x315: {  	[sflag:s31] =	ssyncset.done $0x0  }
0x316: {  	[sflag:s31] =	ssyncadd.s32 $0xFFFFE000  }
0x317: {  	[spmem:s2] =	stream.indirect.scatter.add.f32 [tilespmem:s23], [sflag:$0x5], $0x40, s21, s22, $0xb8;
	[tilespmem:$0x1E240] =	vst v63  }
0x318: {  	_ =	swait.ge [sflag:s0], $0x2000  }
0x319: {  	[sflag:s0] =	ssyncset.done $0x0  }
0x31a: {  	s26 =	simm.s32 $0x1480;
	[sflag:s0] =	ssyncadd.s32 $0xFFFFE000  }
0x31b: {  	[spmem:s2] =	stream.indirect.scatter.add.f32 [tilespmem:s24], [sflag:$0x6], $0x40, s26, s22, $0xb8;
	[tilespmem:$0x1E240] =	vst v63  }
0x31c: {  	_ =	swait.ge [sflag:s6], $0x2000  }
0x31d: {  	[sflag:s6] =	ssyncset.done $0x0  }
0x31e: {  	s7 =	simm.s32 $0x200;
	[sflag:s6] =	ssyncadd.s32 $0xFFFFE000  }
0x31f: {  	[tilespmem:s23], [sflag:$0x1] =	stream.indirect.gather [spmem:s3], $0x40, s7, s22, $0xb8;
	[tilespmem:$0x1E240] =	vst v63  }
0x320: {  	_ =	swait.ge [sflag:s8], $0x2000  }
0x321: {  	[sflag:s8] =	ssyncset.done $0x0  }
0x322: {  	[sflag:s8] =	ssyncadd.s32 $0xFFFFE000  }
0x323: {  	[tilespmem:s24], [sflag:$0x2] =	stream.indirect.gather [spmem:s3], $0x40, s9, s22, $0xb8;
	[tilespmem:$0x1E240] =	vst v63  }
0x324: {  	_ =	swait.ge [sflag:s5], $0x2000  }
0x325: {  	[sflag:s5] =	ssyncset.done $0x0  }
0x326: {  	[sflag:s5] =	ssyncadd.s32 $0xFFFFE000  }
0x327: {  	[spmem:s2] =	stream.indirect.scatter.add.f32 [tilespmem:s28], [sflag:$0x7], $0x40, s10, s22, $0xb8;
	[tilespmem:$0x1E240] =	vst v63  }
0x328: {  	_ =	swait.ge [sflag:s11], $0x2000  }
0x329: {  	[sflag:s11] =	ssyncset.done $0x0  }
0x32a: {  	[sflag:s11] =	ssyncadd.s32 $0xFFFFE000  }
0x32b: {  	[spmem:s2] =	stream.indirect.scatter.add.f32 [tilespmem:s30], [sflag:$0x8], $0x40, s12, s22, $0xb8;
	[tilespmem:$0x1E240] =	vst v63  }
0x32c: {  	_ =	swait.ge [sflag:s13], $0x2000  }
0x32d: {  	[sflag:s13] =	ssyncset.done $0x0  }
0x32e: {  	s26 =	simm.s32 $0x300;
	[sflag:s13] =	ssyncadd.s32 $0xFFFFE000  }
0x32f: {  	[tilespmem:s28], [sflag:$0x3] =	stream.indirect.gather [spmem:s3], $0x40, s26, s22, $0xb8;
	[tilespmem:$0x1E240] =	vst v63  }
0x330: {  	_ =	swait.ge [sflag:s14], $0x2000  }
0x331: {  	[sflag:s14] =	ssyncset.done $0x0  }
0x332: {  	s7 =	simm.s32 $0x380;
	[sflag:s14] =	ssyncadd.s32 $0xFFFFE000  }
0x333: {  	[tilespmem:s30], [sflag:$0x4] =	stream.indirect.gather [spmem:s3], $0x40, s7, s22, $0xb8;
	[tilespmem:$0x1E240] =	vst v63  }
0x334: {  	_ =	swait.ge [sflag:s31], $0x2000  }
0x335: {  	[sflag:s31] =	ssyncset.done $0x0  }
0x336: {  	s26 =	simm.s32 $0x1600;
	[sflag:s31] =	ssyncadd.s32 $0xFFFFE000  }
0x337: {  	[spmem:s2] =	stream.indirect.scatter.add.f32 [tilespmem:s23], [sflag:$0x5], $0x40, s26, s22, $0xb8;
	[tilespmem:$0x1E240] =	vst v63  }
0x338: {  	_ =	swait.ge [sflag:s0], $0x2000  }
0x339: {  	[sflag:s0] =	ssyncset.done $0x0  }
0x33a: {  	s7 =	simm.s32 $0x1680;
	[sflag:s0] =	ssyncadd.s32 $0xFFFFE000  }
0x33b: {  	[spmem:s2] =	stream.indirect.scatter.add.f32 [tilespmem:s24], [sflag:$0x6], $0x40, s7, s22, $0xb8;
	[tilespmem:$0x1E240] =	vst v63  }
0x33c: {  	_ =	swait.ge [sflag:s6], $0x2000  }
0x33d: {  	[sflag:s6] =	ssyncset.done $0x0  }
0x33e: {  	s26 =	simm.s32 $0x400;
	[sflag:s6] =	ssyncadd.s32 $0xFFFFE000  }
0x33f: {  	[tilespmem:s23], [sflag:$0x1] =	stream.indirect.gather [spmem:s3], $0x40, s26, s22, $0xb8;
	[tilespmem:$0x1E240] =	vst v63  }
0x340: {  	_ =	swait.ge [sflag:s8], $0x2000  }
0x341: {  	[sflag:s8] =	ssyncset.done $0x0  }
0x342: {  	s7 =	simm.s32 $0x480;
	[sflag:s8] =	ssyncadd.s32 $0xFFFFE000  }
0x343: {  	[tilespmem:s24], [sflag:$0x2] =	stream.indirect.gather [spmem:s3], $0x40, s7, s22, $0xb8;
	[tilespmem:$0x1E240] =	vst v63  }
0x344: {  	_ =	swait.ge [sflag:s5], $0x2000  }
0x345: {  	[sflag:s5] =	ssyncset.done $0x0  }
0x346: {  	s26 =	simm.s32 $0x1700;
	[sflag:s5] =	ssyncadd.s32 $0xFFFFE000  }
0x347: {  	[spmem:s2] =	stream.indirect.scatter.add.f32 [tilespmem:s28], [sflag:$0x7], $0x40, s26, s22, $0xb8;
	[tilespmem:$0x1E240] =	vst v63  }
0x348: {  	_ =	swait.ge [sflag:s11], $0x2000  }
0x349: {  	[sflag:s11] =	ssyncset.done $0x0  }
0x34a: {  	s29 =	simm.s32 $0x1780;
	s26 =	simm.s32 $0x800;
	[sflag:s11] =	ssyncadd.s32 $0xFFFFE000  }
.LBB2_5:
0x34b: {  	[spmem:s2] =	stream.indirect.scatter.add.f32 [tilespmem:s30], [sflag:$0x8], $0x40, s29, s22, $0xb8;
	[tilespmem:$0x1E240] =	vst v63  }
0x34c: {  	s1 =	smov.u32 s26  }
0x34d: {  	p3 =	sne.s32 s26, $0x3800;
	s26 =	sadd.s32 $0x800, s26;
	_ =	swait.ge [sflag:s13], $0x2000  }
0x34e: {  	s29 =	sshra.s32 s1, $0x2;
	[sflag:s13] =	ssyncset.done $0x0  }
0x34f: {  	s1 =	sadd.s32 $0x300, s29;
	[sflag:s13] =	ssyncadd.s32 $0xFFFFE000  }
0x350: {  	[tilespmem:s28], [sflag:$0x3] =	stream.indirect.gather [spmem:s3], $0x40, s1, s22, $0xb8;
	[tilespmem:$0x1E240] =	vst v63  }
0x351: {  	_ =	swait.ge [sflag:s14], $0x2000  }
0x352: {  	[sflag:s14] =	ssyncset.done $0x0  }
0x353: {  	s1 =	sadd.s32 $0x380, s29;
	[sflag:s14] =	ssyncadd.s32 $0xFFFFE000  }
0x354: {  	[tilespmem:s30], [sflag:$0x4] =	stream.indirect.gather [spmem:s3], $0x40, s1, s22, $0xb8;
	[tilespmem:$0x1E240] =	vst v63  }
0x355: {  	_ =	swait.ge [sflag:s31], $0x2000  }
0x356: {  	[sflag:s31] =	ssyncset.done $0x0  }
0x357: {  	s1 =	sadd.s32 $0x1600, s29;
	[sflag:s31] =	ssyncadd.s32 $0xFFFFE000  }
0x358: {  	[spmem:s2] =	stream.indirect.scatter.add.f32 [tilespmem:s23], [sflag:$0x5], $0x40, s1, s22, $0xb8;
	[tilespmem:$0x1E240] =	vst v63  }
0x359: {  	_ =	swait.ge [sflag:s0], $0x2000  }
0x35a: {  	[sflag:s0] =	ssyncset.done $0x0  }
0x35b: {  	s1 =	sadd.s32 $0x1680, s29;
	[sflag:s0] =	ssyncadd.s32 $0xFFFFE000  }
0x35c: {  	[spmem:s2] =	stream.indirect.scatter.add.f32 [tilespmem:s24], [sflag:$0x6], $0x40, s1, s22, $0xb8;
	[tilespmem:$0x1E240] =	vst v63  }
0x35d: {  	_ =	swait.ge [sflag:s6], $0x2000  }
0x35e: {  	[sflag:s6] =	ssyncset.done $0x0  }
0x35f: {  	s1 =	sadd.s32 $0x400, s29;
	[sflag:s6] =	ssyncadd.s32 $0xFFFFE000  }
0x360: {  	[tilespmem:s23], [sflag:$0x1] =	stream.indirect.gather [spmem:s3], $0x40, s1, s22, $0xb8;
	[tilespmem:$0x1E240] =	vst v63  }
0x361: {  	_ =	swait.ge [sflag:s8], $0x2000  }
0x362: {  	[sflag:s8] =	ssyncset.done $0x0  }
0x363: {  	s1 =	sadd.s32 $0x480, s29;
	[sflag:s8] =	ssyncadd.s32 $0xFFFFE000  }
0x364: {  	[tilespmem:s24], [sflag:$0x2] =	stream.indirect.gather [spmem:s3], $0x40, s1, s22, $0xb8;
	[tilespmem:$0x1E240] =	vst v63  }
0x365: {  	_ =	swait.ge [sflag:s5], $0x2000  }
0x366: {  	[sflag:s5] =	ssyncset.done $0x0  }
.Ltmp9:
0x367: {  	s1 =	sadd.s32 $0x1700, s29;
	[sflag:s5] =	ssyncadd.s32 $0xFFFFE000;
	(pc) =	sbr.rel @p3 .LBB2_5-.Ltmp9, $4  }
0x368: {  	[spmem:s2] =	stream.indirect.scatter.add.f32 [tilespmem:s28], [sflag:$0x7], $0x40, s1, s22, $0xb8;
	[tilespmem:$0x1E240] =	vst v63  }
0x369: {  	_ =	swait.ge [sflag:s11], $0x2000  }
0x36a: {  	[sflag:s11] =	ssyncset.done $0x0  }
0x36b: {  	s29 =	sadd.s32 $0x1780, s29;
	[sflag:s11] =	ssyncadd.s32 $0xFFFFE000  }
0x36c: {  	[spmem:s2] =	stream.indirect.scatter.add.f32 [tilespmem:s30], [sflag:$0x8], $0x40, s29, s22, $0xb8;
	[tilespmem:$0x1E240] =	vst v63  }
0x36d: {  	_ =	swait.ge [sflag:s13], $0x2000  }
0x36e: {  	[sflag:s13] =	ssyncset.done $0x0  }
0x36f: {  	[sflag:s13] =	ssyncadd.s32 $0xFFFFE000  }
0x370: {  	[tilespmem:s28], [sflag:$0x3] =	stream.indirect.gather [spmem:s3], $0x40, s15, s22, $0xb8;
	[tilespmem:$0x1E240] =	vst v63  }
0x371: {  	_ =	swait.ge [sflag:s14], $0x2000  }
0x372: {  	[sflag:s14] =	ssyncset.done $0x0  }
0x373: {  	[sflag:s14] =	ssyncadd.s32 $0xFFFFE000  }
0x374: {  	[tilespmem:s30], [sflag:$0x4] =	stream.indirect.gather [spmem:s3], $0x40, s16, s22, $0xb8;
	[tilespmem:$0x1E240] =	vst v63  }
0x375: {  	_ =	swait.ge [sflag:s31], $0x2000  }
0x376: {  	[sflag:s31] =	ssyncset.done $0x0  }
0x377: {  	[sflag:s31] =	ssyncadd.s32 $0xFFFFE000  }
0x378: {  	[spmem:s2] =	stream.indirect.scatter.add.f32 [tilespmem:s23], [sflag:$0x5], $0x40, s17, s22, $0xb8;
	[tilespmem:$0x1E240] =	vst v63  }
0x379: {  	_ =	swait.ge [sflag:s0], $0x2000  }
0x37a: {  	[sflag:s0] =	ssyncset.done $0x0  }
0x37b: {  	[sflag:s0] =	ssyncadd.s32 $0xFFFFE000  }
0x37c: {  	[spmem:s2] =	stream.indirect.scatter.add.f32 [tilespmem:s24], [sflag:$0x6], $0x40, s18, s22, $0xb8;
	[tilespmem:$0x1E240] =	vst v63  }
0x37d: {  	_ =	swait.ge [sflag:s6], $0x2000  }
0x37e: {  	[sflag:s6] =	ssyncset.done $0x0  }
0x37f: {  	[sflag:s6] =	ssyncadd.s32 $0xFFFFE000  }
0x380: {  	_ =	swait.ge [sflag:s8], $0x2000  }
0x381: {  	[sflag:s8] =	ssyncset.done $0x0  }
0x382: {  	[sflag:s8] =	ssyncadd.s32 $0xFFFFE000  }
0x383: {  	_ =	swait.ge [sflag:s5], $0x2000  }
0x384: {  	[sflag:s5] =	ssyncset.done $0x0  }
0x385: {  	[sflag:s5] =	ssyncadd.s32 $0xFFFFE000  }
0x386: {  	[spmem:s2] =	stream.indirect.scatter.add.f32 [tilespmem:s28], [sflag:$0x7], $0x40, s19, s22, $0xb8;
	[tilespmem:$0x1E240] =	vst v63  }
0x387: {  	_ =	swait.ge [sflag:s11], $0x2000  }
0x388: {  	[sflag:s11] =	ssyncset.done $0x0  }
0x389: {  	[sflag:s11] =	ssyncadd.s32 $0xFFFFE000  }
0x38a: {  	[spmem:s2] =	stream.indirect.scatter.add.f32 [tilespmem:s30], [sflag:$0x8], $0x40, s25, s22, $0xb8;
	[tilespmem:$0x1E240] =	vst v63  }
0x38b: {  	_ =	swait.ge [sflag:s13], $0x2000  }
0x38c: {  	[sflag:s13] =	ssyncset.done $0x0  }
0x38d: {  	[sflag:s13] =	ssyncadd.s32 $0xFFFFE000  }
0x38e: {  	_ =	swait.ge [sflag:s14], $0x2000  }
0x38f: {  	[sflag:s14] =	ssyncset.done $0x0  }
0x390: {  	s1 =	simm.s32 $0x0;
	s7 =	rddreg [dreg:$0xd];
	[sflag:s14] =	ssyncadd.s32 $0xFFFFE000  }
0x391: {  	[tilespmem:s1], [sflag:$0x9] =	stream.linear.gather [hbm4b:s7+s1], $0x1400, $0x38;
	[tilespmem:$0x1E240] =	vst v63  }
0x392: {  	_ =	swait.ge [sflag:s20], $0x1400  }
0x393: {  	[sflag:s20] =	ssyncset.done $0x0  }
0x394: {  	s26 =	rddreg [dreg:$0xe];
	[sflag:s20] =	ssyncadd.s32 $0xFFFFEC00  }
0x395: {  	[tilespmem:s21], [sflag:$0x9] =	stream.linear.gather [hbm4b:s26+s1], $0x1400, $0x38;
	[tilespmem:$0x1E240] =	vst v63  }
0x396: {  	_ =	swait.ge [sflag:s20], $0x1400  }
0x397: {  	[sflag:s20] =	ssyncset.done $0x0  }
0x398: {  	[sflag:s20] =	ssyncadd.s32 $0xFFFFEC00  }
0x399: {  	[tilespmem:s23], [sflag:$0x1] =	stream.indirect.gather [spmem:s3], $0x40, s1, s22, $0xb8;
	[tilespmem:$0x1E240] =	vst v63  }
0x39a: {  	_ = 	snop  }
0x39b: {  	[tilespmem:s24], [sflag:$0x2] =	stream.indirect.gather [spmem:s3], $0x40, s22, s22, $0xb8;
	[tilespmem:$0x1E240] =	vst v63  }
0x39c: {  	s26 =	simm.s32 $0x100  }
0x39d: {  	[tilespmem:s28], [sflag:$0x3] =	stream.indirect.gather [spmem:s3], $0x40, s26, s22, $0xb8;
	[tilespmem:$0x1E240] =	vst v63  }
0x39e: {  	s7 =	simm.s32 $0x180  }
0x39f: {  	[tilespmem:s30], [sflag:$0x4] =	stream.indirect.gather [spmem:s3], $0x40, s7, s22, $0xb8;
	[tilespmem:$0x1E240] =	vst v63  }
0x3a0: {  	_ =	swait.ge [sflag:s31], $0x2000  }
0x3a1: {  	[sflag:s31] =	ssyncset.done $0x0  }
0x3a2: {  	[sflag:s31] =	ssyncadd.s32 $0xFFFFE000  }
0x3a3: {  	[spmem:s2] =	stream.indirect.scatter.add.f32 [tilespmem:s23], [sflag:$0x5], $0x40, s21, s22, $0xb8;
	[tilespmem:$0x1E240] =	vst v63  }
0x3a4: {  	_ =	swait.ge [sflag:s0], $0x2000  }
0x3a5: {  	[sflag:s0] =	ssyncset.done $0x0  }
0x3a6: {  	s26 =	simm.s32 $0x1480;
	[sflag:s0] =	ssyncadd.s32 $0xFFFFE000  }
0x3a7: {  	[spmem:s2] =	stream.indirect.scatter.add.f32 [tilespmem:s24], [sflag:$0x6], $0x40, s26, s22, $0xb8;
	[tilespmem:$0x1E240] =	vst v63  }
0x3a8: {  	_ =	swait.ge [sflag:s6], $0x2000  }
0x3a9: {  	[sflag:s6] =	ssyncset.done $0x0  }
0x3aa: {  	s7 =	simm.s32 $0x200;
	[sflag:s6] =	ssyncadd.s32 $0xFFFFE000  }
0x3ab: {  	[tilespmem:s23], [sflag:$0x1] =	stream.indirect.gather [spmem:s3], $0x40, s7, s22, $0xb8;
	[tilespmem:$0x1E240] =	vst v63  }
0x3ac: {  	_ =	swait.ge [sflag:s8], $0x2000  }
0x3ad: {  	[sflag:s8] =	ssyncset.done $0x0  }
0x3ae: {  	[sflag:s8] =	ssyncadd.s32 $0xFFFFE000  }
0x3af: {  	[tilespmem:s24], [sflag:$0x2] =	stream.indirect.gather [spmem:s3], $0x40, s9, s22, $0xb8;
	[tilespmem:$0x1E240] =	vst v63  }
0x3b0: {  	_ =	swait.ge [sflag:s5], $0x2000  }
0x3b1: {  	[sflag:s5] =	ssyncset.done $0x0  }
0x3b2: {  	[sflag:s5] =	ssyncadd.s32 $0xFFFFE000  }
0x3b3: {  	[spmem:s2] =	stream.indirect.scatter.add.f32 [tilespmem:s28], [sflag:$0x7], $0x40, s10, s22, $0xb8;
	[tilespmem:$0x1E240] =	vst v63  }
0x3b4: {  	_ =	swait.ge [sflag:s11], $0x2000  }
0x3b5: {  	[sflag:s11] =	ssyncset.done $0x0  }
0x3b6: {  	[sflag:s11] =	ssyncadd.s32 $0xFFFFE000  }
0x3b7: {  	[spmem:s2] =	stream.indirect.scatter.add.f32 [tilespmem:s30], [sflag:$0x8], $0x40, s12, s22, $0xb8;
	[tilespmem:$0x1E240] =	vst v63  }
0x3b8: {  	_ =	swait.ge [sflag:s13], $0x2000  }
0x3b9: {  	[sflag:s13] =	ssyncset.done $0x0  }
0x3ba: {  	s26 =	simm.s32 $0x300;
	[sflag:s13] =	ssyncadd.s32 $0xFFFFE000  }
0x3bb: {  	[tilespmem:s28], [sflag:$0x3] =	stream.indirect.gather [spmem:s3], $0x40, s26, s22, $0xb8;
	[tilespmem:$0x1E240] =	vst v63  }
0x3bc: {  	_ =	swait.ge [sflag:s14], $0x2000  }
0x3bd: {  	[sflag:s14] =	ssyncset.done $0x0  }
0x3be: {  	s7 =	simm.s32 $0x380;
	[sflag:s14] =	ssyncadd.s32 $0xFFFFE000  }
0x3bf: {  	[tilespmem:s30], [sflag:$0x4] =	stream.indirect.gather [spmem:s3], $0x40, s7, s22, $0xb8;
	[tilespmem:$0x1E240] =	vst v63  }
0x3c0: {  	_ =	swait.ge [sflag:s31], $0x2000  }
0x3c1: {  	[sflag:s31] =	ssyncset.done $0x0  }
0x3c2: {  	s26 =	simm.s32 $0x1600;
	[sflag:s31] =	ssyncadd.s32 $0xFFFFE000  }
0x3c3: {  	[spmem:s2] =	stream.indirect.scatter.add.f32 [tilespmem:s23], [sflag:$0x5], $0x40, s26, s22, $0xb8;
	[tilespmem:$0x1E240] =	vst v63  }
0x3c4: {  	_ =	swait.ge [sflag:s0], $0x2000  }
0x3c5: {  	[sflag:s0] =	ssyncset.done $0x0  }
0x3c6: {  	s7 =	simm.s32 $0x1680;
	[sflag:s0] =	ssyncadd.s32 $0xFFFFE000  }
0x3c7: {  	[spmem:s2] =	stream.indirect.scatter.add.f32 [tilespmem:s24], [sflag:$0x6], $0x40, s7, s22, $0xb8;
	[tilespmem:$0x1E240] =	vst v63  }
0x3c8: {  	_ =	swait.ge [sflag:s6], $0x2000  }
0x3c9: {  	[sflag:s6] =	ssyncset.done $0x0  }
0x3ca: {  	s26 =	simm.s32 $0x400;
	[sflag:s6] =	ssyncadd.s32 $0xFFFFE000  }
0x3cb: {  	[tilespmem:s23], [sflag:$0x1] =	stream.indirect.gather [spmem:s3], $0x40, s26, s22, $0xb8;
	[tilespmem:$0x1E240] =	vst v63  }
0x3cc: {  	_ =	swait.ge [sflag:s8], $0x2000  }
0x3cd: {  	[sflag:s8] =	ssyncset.done $0x0  }
0x3ce: {  	s7 =	simm.s32 $0x480;
	[sflag:s8] =	ssyncadd.s32 $0xFFFFE000  }
0x3cf: {  	[tilespmem:s24], [sflag:$0x2] =	stream.indirect.gather [spmem:s3], $0x40, s7, s22, $0xb8;
	[tilespmem:$0x1E240] =	vst v63  }
0x3d0: {  	_ =	swait.ge [sflag:s5], $0x2000  }
0x3d1: {  	[sflag:s5] =	ssyncset.done $0x0  }
0x3d2: {  	s26 =	simm.s32 $0x1700;
	[sflag:s5] =	ssyncadd.s32 $0xFFFFE000  }
0x3d3: {  	[spmem:s2] =	stream.indirect.scatter.add.f32 [tilespmem:s28], [sflag:$0x7], $0x40, s26, s22, $0xb8;
	[tilespmem:$0x1E240] =	vst v63  }
0x3d4: {  	_ =	swait.ge [sflag:s11], $0x2000  }
0x3d5: {  	[sflag:s11] =	ssyncset.done $0x0  }
0x3d6: {  	s29 =	simm.s32 $0x1780;
	s26 =	simm.s32 $0x800;
	[sflag:s11] =	ssyncadd.s32 $0xFFFFE000  }
.LBB2_7:
0x3d7: {  	[spmem:s2] =	stream.indirect.scatter.add.f32 [tilespmem:s30], [sflag:$0x8], $0x40, s29, s22, $0xb8;
	[tilespmem:$0x1E240] =	vst v63  }
0x3d8: {  	s1 =	smov.u32 s26  }
0x3d9: {  	p3 =	sne.s32 s26, $0x3800;
	s26 =	sadd.s32 $0x800, s26;
	_ =	swait.ge [sflag:s13], $0x2000  }
0x3da: {  	s29 =	sshra.s32 s1, $0x2;
	[sflag:s13] =	ssyncset.done $0x0  }
0x3db: {  	s1 =	sadd.s32 $0x300, s29;
	[sflag:s13] =	ssyncadd.s32 $0xFFFFE000  }
0x3dc: {  	[tilespmem:s28], [sflag:$0x3] =	stream.indirect.gather [spmem:s3], $0x40, s1, s22, $0xb8;
	[tilespmem:$0x1E240] =	vst v63  }
0x3dd: {  	_ =	swait.ge [sflag:s14], $0x2000  }
0x3de: {  	[sflag:s14] =	ssyncset.done $0x0  }
0x3df: {  	s1 =	sadd.s32 $0x380, s29;
	[sflag:s14] =	ssyncadd.s32 $0xFFFFE000  }
0x3e0: {  	[tilespmem:s30], [sflag:$0x4] =	stream.indirect.gather [spmem:s3], $0x40, s1, s22, $0xb8;
	[tilespmem:$0x1E240] =	vst v63  }
0x3e1: {  	_ =	swait.ge [sflag:s31], $0x2000  }
0x3e2: {  	[sflag:s31] =	ssyncset.done $0x0  }
0x3e3: {  	s1 =	sadd.s32 $0x1600, s29;
	[sflag:s31] =	ssyncadd.s32 $0xFFFFE000  }
0x3e4: {  	[spmem:s2] =	stream.indirect.scatter.add.f32 [tilespmem:s23], [sflag:$0x5], $0x40, s1, s22, $0xb8;
	[tilespmem:$0x1E240] =	vst v63  }
0x3e5: {  	_ =	swait.ge [sflag:s0], $0x2000  }
0x3e6: {  	[sflag:s0] =	ssyncset.done $0x0  }
0x3e7: {  	s1 =	sadd.s32 $0x1680, s29;
	[sflag:s0] =	ssyncadd.s32 $0xFFFFE000  }
0x3e8: {  	[spmem:s2] =	stream.indirect.scatter.add.f32 [tilespmem:s24], [sflag:$0x6], $0x40, s1, s22, $0xb8;
	[tilespmem:$0x1E240] =	vst v63  }
0x3e9: {  	_ =	swait.ge [sflag:s6], $0x2000  }
0x3ea: {  	[sflag:s6] =	ssyncset.done $0x0  }
0x3eb: {  	s1 =	sadd.s32 $0x400, s29;
	[sflag:s6] =	ssyncadd.s32 $0xFFFFE000  }
0x3ec: {  	[tilespmem:s23], [sflag:$0x1] =	stream.indirect.gather [spmem:s3], $0x40, s1, s22, $0xb8;
	[tilespmem:$0x1E240] =	vst v63  }
0x3ed: {  	_ =	swait.ge [sflag:s8], $0x2000  }
0x3ee: {  	[sflag:s8] =	ssyncset.done $0x0  }
0x3ef: {  	s1 =	sadd.s32 $0x480, s29;
	[sflag:s8] =	ssyncadd.s32 $0xFFFFE000  }
0x3f0: {  	[tilespmem:s24], [sflag:$0x2] =	stream.indirect.gather [spmem:s3], $0x40, s1, s22, $0xb8;
	[tilespmem:$0x1E240] =	vst v63  }
0x3f1: {  	_ =	swait.ge [sflag:s5], $0x2000  }
0x3f2: {  	[sflag:s5] =	ssyncset.done $0x0  }
.Ltmp10:
0x3f3: {  	s1 =	sadd.s32 $0x1700, s29;
	[sflag:s5] =	ssyncadd.s32 $0xFFFFE000;
	(pc) =	sbr.rel @p3 .LBB2_7-.Ltmp10, $4  }
0x3f4: {  	[spmem:s2] =	stream.indirect.scatter.add.f32 [tilespmem:s28], [sflag:$0x7], $0x40, s1, s22, $0xb8;
	[tilespmem:$0x1E240] =	vst v63  }
0x3f5: {  	_ =	swait.ge [sflag:s11], $0x2000  }
0x3f6: {  	[sflag:s11] =	ssyncset.done $0x0  }
0x3f7: {  	s29 =	sadd.s32 $0x1780, s29;
	[sflag:s11] =	ssyncadd.s32 $0xFFFFE000  }
0x3f8: {  	[spmem:s2] =	stream.indirect.scatter.add.f32 [tilespmem:s30], [sflag:$0x8], $0x40, s29, s22, $0xb8;
	[tilespmem:$0x1E240] =	vst v63  }
0x3f9: {  	_ =	swait.ge [sflag:s13], $0x2000  }
0x3fa: {  	[sflag:s13] =	ssyncset.done $0x0  }
0x3fb: {  	[sflag:s13] =	ssyncadd.s32 $0xFFFFE000  }
0x3fc: {  	[tilespmem:s28], [sflag:$0x3] =	stream.indirect.gather [spmem:s3], $0x40, s15, s22, $0xb8;
	[tilespmem:$0x1E240] =	vst v63  }
0x3fd: {  	_ =	swait.ge [sflag:s14], $0x2000  }
0x3fe: {  	[sflag:s14] =	ssyncset.done $0x0  }
0x3ff: {  	[sflag:s14] =	ssyncadd.s32 $0xFFFFE000  }
0x400: {  	[tilespmem:s30], [sflag:$0x4] =	stream.indirect.gather [spmem:s3], $0x40, s16, s22, $0xb8;
	[tilespmem:$0x1E240] =	vst v63  }
0x401: {  	_ =	swait.ge [sflag:s31], $0x2000  }
0x402: {  	[sflag:s31] =	ssyncset.done $0x0  }
0x403: {  	[sflag:s31] =	ssyncadd.s32 $0xFFFFE000  }
0x404: {  	[spmem:s2] =	stream.indirect.scatter.add.f32 [tilespmem:s23], [sflag:$0x5], $0x40, s17, s22, $0xb8;
	[tilespmem:$0x1E240] =	vst v63  }
0x405: {  	_ =	swait.ge [sflag:s0], $0x2000  }
0x406: {  	[sflag:s0] =	ssyncset.done $0x0  }
0x407: {  	[sflag:s0] =	ssyncadd.s32 $0xFFFFE000  }
0x408: {  	[spmem:s2] =	stream.indirect.scatter.add.f32 [tilespmem:s24], [sflag:$0x6], $0x40, s18, s22, $0xb8;
	[tilespmem:$0x1E240] =	vst v63  }
0x409: {  	_ =	swait.ge [sflag:s6], $0x2000  }
0x40a: {  	[sflag:s6] =	ssyncset.done $0x0  }
0x40b: {  	[sflag:s6] =	ssyncadd.s32 $0xFFFFE000  }
0x40c: {  	_ =	swait.ge [sflag:s8], $0x2000  }
0x40d: {  	[sflag:s8] =	ssyncset.done $0x0  }
0x40e: {  	[sflag:s8] =	ssyncadd.s32 $0xFFFFE000  }
0x40f: {  	_ =	swait.ge [sflag:s5], $0x2000  }
0x410: {  	[sflag:s5] =	ssyncset.done $0x0  }
0x411: {  	[sflag:s5] =	ssyncadd.s32 $0xFFFFE000  }
0x412: {  	[spmem:s2] =	stream.indirect.scatter.add.f32 [tilespmem:s28], [sflag:$0x7], $0x40, s19, s22, $0xb8;
	[tilespmem:$0x1E240] =	vst v63  }
0x413: {  	_ =	swait.ge [sflag:s11], $0x2000  }
0x414: {  	[sflag:s11] =	ssyncset.done $0x0  }
0x415: {  	[sflag:s11] =	ssyncadd.s32 $0xFFFFE000  }
0x416: {  	[spmem:s2] =	stream.indirect.scatter.add.f32 [tilespmem:s30], [sflag:$0x8], $0x40, s25, s22, $0xb8;
	[tilespmem:$0x1E240] =	vst v63  }
0x417: {  	_ =	swait.ge [sflag:s13], $0x2000  }
0x418: {  	[sflag:s13] =	ssyncset.done $0x0  }
0x419: {  	[sflag:s13] =	ssyncadd.s32 $0xFFFFE000  }
0x41a: {  	_ =	swait.ge [sflag:s14], $0x2000  }
0x41b: {  	[sflag:s14] =	ssyncset.done $0x0  }
0x41c: {  	s1 =	simm.s32 $0x0;
	s7 =	rddreg [dreg:$0xf];
	[sflag:s14] =	ssyncadd.s32 $0xFFFFE000  }
0x41d: {  	[tilespmem:s1], [sflag:$0x9] =	stream.linear.gather [hbm4b:s7+s1], $0x1400, $0x38;
	[tilespmem:$0x1E240] =	vst v63  }
0x41e: {  	_ =	swait.ge [sflag:s20], $0x1400  }
0x41f: {  	[sflag:s20] =	ssyncset.done $0x0  }
0x420: {  	s26 =	rddreg [dreg:$0x10];
	[sflag:s20] =	ssyncadd.s32 $0xFFFFEC00  }
0x421: {  	[tilespmem:s21], [sflag:$0x9] =	stream.linear.gather [hbm4b:s26+s1], $0x1400, $0x38;
	[tilespmem:$0x1E240] =	vst v63  }
0x422: {  	_ =	swait.ge [sflag:s20], $0x1400  }
0x423: {  	[sflag:s20] =	ssyncset.done $0x0  }
0x424: {  	[sflag:s20] =	ssyncadd.s32 $0xFFFFEC00  }
0x425: {  	[tilespmem:s23], [sflag:$0x1] =	stream.indirect.gather [spmem:s3], $0x40, s1, s22, $0xb8;
	[tilespmem:$0x1E240] =	vst v63  }
0x426: {  	_ = 	snop  }
0x427: {  	[tilespmem:s24], [sflag:$0x2] =	stream.indirect.gather [spmem:s3], $0x40, s22, s22, $0xb8;
	[tilespmem:$0x1E240] =	vst v63  }
0x428: {  	s26 =	simm.s32 $0x100  }
0x429: {  	[tilespmem:s28], [sflag:$0x3] =	stream.indirect.gather [spmem:s3], $0x40, s26, s22, $0xb8;
	[tilespmem:$0x1E240] =	vst v63  }
0x42a: {  	s7 =	simm.s32 $0x180  }
0x42b: {  	[tilespmem:s30], [sflag:$0x4] =	stream.indirect.gather [spmem:s3], $0x40, s7, s22, $0xb8;
	[tilespmem:$0x1E240] =	vst v63  }
0x42c: {  	_ =	swait.ge [sflag:s31], $0x2000  }
0x42d: {  	[sflag:s31] =	ssyncset.done $0x0  }
0x42e: {  	[sflag:s31] =	ssyncadd.s32 $0xFFFFE000  }
0x42f: {  	[spmem:s2] =	stream.indirect.scatter.add.f32 [tilespmem:s23], [sflag:$0x5], $0x40, s21, s22, $0xb8;
	[tilespmem:$0x1E240] =	vst v63  }
0x430: {  	_ =	swait.ge [sflag:s0], $0x2000  }
0x431: {  	[sflag:s0] =	ssyncset.done $0x0  }
0x432: {  	s26 =	simm.s32 $0x1480;
	[sflag:s0] =	ssyncadd.s32 $0xFFFFE000  }
0x433: {  	[spmem:s2] =	stream.indirect.scatter.add.f32 [tilespmem:s24], [sflag:$0x6], $0x40, s26, s22, $0xb8;
	[tilespmem:$0x1E240] =	vst v63  }
0x434: {  	_ =	swait.ge [sflag:s6], $0x2000  }
0x435: {  	[sflag:s6] =	ssyncset.done $0x0  }
0x436: {  	s7 =	simm.s32 $0x200;
	[sflag:s6] =	ssyncadd.s32 $0xFFFFE000  }
0x437: {  	[tilespmem:s23], [sflag:$0x1] =	stream.indirect.gather [spmem:s3], $0x40, s7, s22, $0xb8;
	[tilespmem:$0x1E240] =	vst v63  }
0x438: {  	_ =	swait.ge [sflag:s8], $0x2000  }
0x439: {  	[sflag:s8] =	ssyncset.done $0x0  }
0x43a: {  	[sflag:s8] =	ssyncadd.s32 $0xFFFFE000  }
0x43b: {  	[tilespmem:s24], [sflag:$0x2] =	stream.indirect.gather [spmem:s3], $0x40, s9, s22, $0xb8;
	[tilespmem:$0x1E240] =	vst v63  }
0x43c: {  	_ =	swait.ge [sflag:s5], $0x2000  }
0x43d: {  	[sflag:s5] =	ssyncset.done $0x0  }
0x43e: {  	[sflag:s5] =	ssyncadd.s32 $0xFFFFE000  }
0x43f: {  	[spmem:s2] =	stream.indirect.scatter.add.f32 [tilespmem:s28], [sflag:$0x7], $0x40, s10, s22, $0xb8;
	[tilespmem:$0x1E240] =	vst v63  }
0x440: {  	_ =	swait.ge [sflag:s11], $0x2000  }
0x441: {  	[sflag:s11] =	ssyncset.done $0x0  }
0x442: {  	[sflag:s11] =	ssyncadd.s32 $0xFFFFE000  }
0x443: {  	[spmem:s2] =	stream.indirect.scatter.add.f32 [tilespmem:s30], [sflag:$0x8], $0x40, s12, s22, $0xb8;
	[tilespmem:$0x1E240] =	vst v63  }
0x444: {  	_ =	swait.ge [sflag:s13], $0x2000  }
0x445: {  	[sflag:s13] =	ssyncset.done $0x0  }
0x446: {  	s26 =	simm.s32 $0x300;
	[sflag:s13] =	ssyncadd.s32 $0xFFFFE000  }
0x447: {  	[tilespmem:s28], [sflag:$0x3] =	stream.indirect.gather [spmem:s3], $0x40, s26, s22, $0xb8;
	[tilespmem:$0x1E240] =	vst v63  }
0x448: {  	_ =	swait.ge [sflag:s14], $0x2000  }
0x449: {  	[sflag:s14] =	ssyncset.done $0x0  }
0x44a: {  	s7 =	simm.s32 $0x380;
	[sflag:s14] =	ssyncadd.s32 $0xFFFFE000  }
0x44b: {  	[tilespmem:s30], [sflag:$0x4] =	stream.indirect.gather [spmem:s3], $0x40, s7, s22, $0xb8;
	[tilespmem:$0x1E240] =	vst v63  }
0x44c: {  	_ =	swait.ge [sflag:s31], $0x2000  }
0x44d: {  	[sflag:s31] =	ssyncset.done $0x0  }
0x44e: {  	s26 =	simm.s32 $0x1600;
	[sflag:s31] =	ssyncadd.s32 $0xFFFFE000  }
0x44f: {  	[spmem:s2] =	stream.indirect.scatter.add.f32 [tilespmem:s23], [sflag:$0x5], $0x40, s26, s22, $0xb8;
	[tilespmem:$0x1E240] =	vst v63  }
0x450: {  	_ =	swait.ge [sflag:s0], $0x2000  }
0x451: {  	[sflag:s0] =	ssyncset.done $0x0  }
0x452: {  	s7 =	simm.s32 $0x1680;
	[sflag:s0] =	ssyncadd.s32 $0xFFFFE000  }
0x453: {  	[spmem:s2] =	stream.indirect.scatter.add.f32 [tilespmem:s24], [sflag:$0x6], $0x40, s7, s22, $0xb8;
	[tilespmem:$0x1E240] =	vst v63  }
0x454: {  	_ =	swait.ge [sflag:s6], $0x2000  }
0x455: {  	[sflag:s6] =	ssyncset.done $0x0  }
0x456: {  	s26 =	simm.s32 $0x400;
	[sflag:s6] =	ssyncadd.s32 $0xFFFFE000  }
0x457: {  	[tilespmem:s23], [sflag:$0x1] =	stream.indirect.gather [spmem:s3], $0x40, s26, s22, $0xb8;
	[tilespmem:$0x1E240] =	vst v63  }
0x458: {  	_ =	swait.ge [sflag:s8], $0x2000  }
0x459: {  	[sflag:s8] =	ssyncset.done $0x0  }
0x45a: {  	s7 =	simm.s32 $0x480;
	[sflag:s8] =	ssyncadd.s32 $0xFFFFE000  }
0x45b: {  	[tilespmem:s24], [sflag:$0x2] =	stream.indirect.gather [spmem:s3], $0x40, s7, s22, $0xb8;
	[tilespmem:$0x1E240] =	vst v63  }
0x45c: {  	_ =	swait.ge [sflag:s5], $0x2000  }
0x45d: {  	[sflag:s5] =	ssyncset.done $0x0  }
0x45e: {  	s26 =	simm.s32 $0x1700;
	[sflag:s5] =	ssyncadd.s32 $0xFFFFE000  }
0x45f: {  	[spmem:s2] =	stream.indirect.scatter.add.f32 [tilespmem:s28], [sflag:$0x7], $0x40, s26, s22, $0xb8;
	[tilespmem:$0x1E240] =	vst v63  }
0x460: {  	_ =	swait.ge [sflag:s11], $0x2000  }
0x461: {  	[sflag:s11] =	ssyncset.done $0x0  }
0x462: {  	s29 =	simm.s32 $0x1780;
	s26 =	simm.s32 $0x800;
	[sflag:s11] =	ssyncadd.s32 $0xFFFFE000  }
.LBB2_9:
0x463: {  	[spmem:s2] =	stream.indirect.scatter.add.f32 [tilespmem:s30], [sflag:$0x8], $0x40, s29, s22, $0xb8;
	[tilespmem:$0x1E240] =	vst v63  }
0x464: {  	s1 =	smov.u32 s26  }
0x465: {  	p3 =	seq.s32 s26, $0x3800;
	s26 =	sadd.s32 $0x800, s26;
	_ =	swait.ge [sflag:s13], $0x2000  }
0x466: {  	s29 =	sshra.s32 s1, $0x2;
	[sflag:s13] =	ssyncset.done $0x0  }
0x467: {  	s1 =	sadd.s32 $0x300, s29;
	[sflag:s13] =	ssyncadd.s32 $0xFFFFE000  }
0x468: {  	[tilespmem:s28], [sflag:$0x3] =	stream.indirect.gather [spmem:s3], $0x40, s1, s22, $0xb8;
	[tilespmem:$0x1E240] =	vst v63  }
0x469: {  	_ =	swait.ge [sflag:s14], $0x2000  }
0x46a: {  	[sflag:s14] =	ssyncset.done $0x0  }
0x46b: {  	s1 =	sadd.s32 $0x380, s29;
	[sflag:s14] =	ssyncadd.s32 $0xFFFFE000  }
0x46c: {  	[tilespmem:s30], [sflag:$0x4] =	stream.indirect.gather [spmem:s3], $0x40, s1, s22, $0xb8;
	[tilespmem:$0x1E240] =	vst v63  }
0x46d: {  	_ =	swait.ge [sflag:s31], $0x2000  }
0x46e: {  	[sflag:s31] =	ssyncset.done $0x0  }
0x46f: {  	s1 =	sadd.s32 $0x1600, s29;
	[sflag:s31] =	ssyncadd.s32 $0xFFFFE000  }
0x470: {  	[spmem:s2] =	stream.indirect.scatter.add.f32 [tilespmem:s23], [sflag:$0x5], $0x40, s1, s22, $0xb8;
	[tilespmem:$0x1E240] =	vst v63  }
0x471: {  	_ =	swait.ge [sflag:s0], $0x2000  }
0x472: {  	[sflag:s0] =	ssyncset.done $0x0  }
0x473: {  	s1 =	sadd.s32 $0x1680, s29;
	[sflag:s0] =	ssyncadd.s32 $0xFFFFE000  }
0x474: {  	[spmem:s2] =	stream.indirect.scatter.add.f32 [tilespmem:s24], [sflag:$0x6], $0x40, s1, s22, $0xb8;
	[tilespmem:$0x1E240] =	vst v63  }
0x475: {  	_ =	swait.ge [sflag:s6], $0x2000  }
0x476: {  	[sflag:s6] =	ssyncset.done $0x0  }
0x477: {  	s1 =	sadd.s32 $0x400, s29;
	[sflag:s6] =	ssyncadd.s32 $0xFFFFE000  }
0x478: {  	[tilespmem:s23], [sflag:$0x1] =	stream.indirect.gather [spmem:s3], $0x40, s1, s22, $0xb8;
	[tilespmem:$0x1E240] =	vst v63  }
0x479: {  	_ =	swait.ge [sflag:s8], $0x2000  }
0x47a: {  	[sflag:s8] =	ssyncset.done $0x0  }
0x47b: {  	s1 =	sadd.s32 $0x480, s29;
	[sflag:s8] =	ssyncadd.s32 $0xFFFFE000  }
0x47c: {  	[tilespmem:s24], [sflag:$0x2] =	stream.indirect.gather [spmem:s3], $0x40, s1, s22, $0xb8;
	[tilespmem:$0x1E240] =	vst v63  }
0x47d: {  	_ =	swait.ge [sflag:s5], $0x2000  }
0x47e: {  	[sflag:s5] =	ssyncset.done $0x0  }
.Ltmp11:
0x47f: {  	s1 =	sadd.s32 $0x1700, s29;
	[sflag:s5] =	ssyncadd.s32 $0xFFFFE000;
	(pc) =	sbr.rel @!p3 .LBB2_9-.Ltmp11, $4  }
0x480: {  	[spmem:s2] =	stream.indirect.scatter.add.f32 [tilespmem:s28], [sflag:$0x7], $0x40, s1, s22, $0xb8;
	[tilespmem:$0x1E240] =	vst v63  }
0x481: {  	_ =	swait.ge [sflag:s11], $0x2000  }
0x482: {  	[sflag:s11] =	ssyncset.done $0x0  }
0x483: {  	s29 =	sadd.s32 $0x1780, s29;
	[sflag:s11] =	ssyncadd.s32 $0xFFFFE000  }
0x484: {  	[spmem:s2] =	stream.indirect.scatter.add.f32 [tilespmem:s30], [sflag:$0x8], $0x40, s29, s22, $0xb8;
	[tilespmem:$0x1E240] =	vst v63  }
0x485: {  	_ =	swait.ge [sflag:s13], $0x2000  }
0x486: {  	[sflag:s13] =	ssyncset.done $0x0  }
0x487: {  	[sflag:s13] =	ssyncadd.s32 $0xFFFFE000  }
0x488: {  	[tilespmem:s28], [sflag:$0x3] =	stream.indirect.gather [spmem:s3], $0x40, s15, s22, $0xb8;
	[tilespmem:$0x1E240] =	vst v63  }
0x489: {  	_ =	swait.ge [sflag:s14], $0x2000  }
0x48a: {  	[sflag:s14] =	ssyncset.done $0x0  }
0x48b: {  	[sflag:s14] =	ssyncadd.s32 $0xFFFFE000  }
0x48c: {  	[tilespmem:s30], [sflag:$0x4] =	stream.indirect.gather [spmem:s3], $0x40, s16, s22, $0xb8;
	[tilespmem:$0x1E240] =	vst v63  }
0x48d: {  	_ =	swait.ge [sflag:s31], $0x2000  }
0x48e: {  	[sflag:s31] =	ssyncset.done $0x0  }
0x48f: {  	[sflag:s31] =	ssyncadd.s32 $0xFFFFE000  }
0x490: {  	[spmem:s2] =	stream.indirect.scatter.add.f32 [tilespmem:s23], [sflag:$0x5], $0x40, s17, s22, $0xb8;
	[tilespmem:$0x1E240] =	vst v63  }
0x491: {  	_ =	swait.ge [sflag:s0], $0x2000  }
0x492: {  	[sflag:s0] =	ssyncset.done $0x0  }
0x493: {  	[sflag:s0] =	ssyncadd.s32 $0xFFFFE000  }
0x494: {  	[spmem:s2] =	stream.indirect.scatter.add.f32 [tilespmem:s24], [sflag:$0x6], $0x40, s18, s22, $0xb8;
	[tilespmem:$0x1E240] =	vst v63  }
0x495: {  	_ =	swait.ge [sflag:s6], $0x2000  }
0x496: {  	[sflag:s6] =	ssyncset.done $0x0  }
0x497: {  	[sflag:s6] =	ssyncadd.s32 $0xFFFFE000  }
0x498: {  	_ =	swait.ge [sflag:s8], $0x2000  }
0x499: {  	[sflag:s8] =	ssyncset.done $0x0  }
0x49a: {  	[sflag:s8] =	ssyncadd.s32 $0xFFFFE000  }
0x49b: {  	_ =	swait.ge [sflag:s5], $0x2000  }
0x49c: {  	[sflag:s5] =	ssyncset.done $0x0  }
0x49d: {  	[sflag:s5] =	ssyncadd.s32 $0xFFFFE000  }
0x49e: {  	[spmem:s2] =	stream.indirect.scatter.add.f32 [tilespmem:s28], [sflag:$0x7], $0x40, s19, s22, $0xb8;
	[tilespmem:$0x1E240] =	vst v63  }
.Ltmp12:
0x49f: {  	_ = 	snop;
	(pc) =	sbr.rel .LBB2_20-.Ltmp12, $4  }
0x4a0: {  	_ =	swait.ge [sflag:s11], $0x2000  }
0x4a1: {  	[sflag:s11] =	ssyncset.done $0x0  }
0x4a2: {  	s26 =	rddreg [dreg:$0x7];
	[sflag:s11] =	ssyncadd.s32 $0xFFFFE000  }
0x4a3: {  	[spmem:s2] =	stream.indirect.scatter.add.f32 [tilespmem:s30], [sflag:$0x8], $0x40, s25, s22, $0xb8;
	[tilespmem:$0x1E240] =	vst v63  }
.LBB2_21:
0x4a4: {  	_ =	sfence.sel $0x180000  }
0x4a5: {  	[bflag:$0x0] =	sbarrier.arrive $0xFFFF  }
0x4a6: {  	_ =	strace $0x9000004A  }
0x4a7: {  	s0 =	stileid.u32;
	[bflag:$0x2] =	sbarrier.arrive $0xFFFF  }
0x4a8: {  	p0 =	sne.s32 s0, $0x0;
	s0 =	rddreg [dreg:$0x4]  }
0x4a9: {  	s0 =	sadd.s32 @!p0 $0x100000, s0  }
0x4aa: {  	[sflag:s0] =	ssyncadd.tile.s32 @!p0 $0x1;
	_ =	shalt  }
.Lfunc_end2:
_tile_overlayer_lowered:
.L_overlay_start_2:
0x4ab: {  	(tag) =	ssettag $0x2  }
0x4ac: {  	s0 =	rddreg [dreg:$0x0];
	s2 =	stileid.u32  }
0x4ad: {  	s1 =	rddreg [dreg:$0x1];
	p0 =	sne.s32 s2, $0x0  }
0x4ae: {  	s3 =	rddreg [dreg:$0x2];
	[bflag:$0x3] =	sbarrier.arrive $0xFFFF;
	s2 =	simm.s32 @!p0 $0x1C09  }
0x4af: {  	[timem:s3], [sflag:s2] =	dma.local @!p0 [hbm:s0], s1  }
0x4b0: {  	s0 =	simm.s32 @!p0 $0x9  }
0x4b1: {  	_ =	swait.ge @!p0 [sflag:s0], s1  }
0x4b2: {  	s1 =	ssub.s32 @!p0 $0x0, s1;
	[sflag:s0] =	ssyncset.done @!p0 $0x0  }
0x4b3: {  	[sflag:s0] =	ssyncadd.s32 @!p0 s1  }
0x4b4: {  	[bflag:$0x3] =	sbarrier.arrive $0xFFFF  }
0x4b5: {  	_ =	shalt  }

// kernel: kernel.15.cloned.1.call-start
scs
__scs_entry_jumppad:
0x0: {  	(pc) =	sbr.rel $0x88, $3  }
0x1: {  	(tag) =	ssettag $0x0;
	lr =	simm.s32 $0x1  }
0x2: {  	[smem:$0x3F9B] =	sst lr;
	_ =	strace $0xD0000000  }
0x3: {  	_ = 	snop  }
0x4: {  	_ = 	snop  }
0x5: {  	_ = 	snop  }
0x6: {  	_ = 	snop  }
0x7: {  	_ = 	snop  }
__scs_overlays_trampoline_lowered:
0x8: {  	[smem:$0x3FAA] =	sst s0  }
0x9: {  	[smem:$0x3FAB] =	sst s1  }
0xa: {  	[smem:$0x3FAC] =	sst s2  }
0xb: {  	[smem:$0x3FAD] =	sst s3  }
0xc: {  	[smem:$0x3FAE] =	sst s4  }
0xd: {  	[smem:$0x3FAF] =	sst s5  }
0xe: {  	[smem:$0x3FB0] =	sst s6  }
0xf: {  	[smem:$0x3FB1] =	sst s7  }
0x10: {  	[smem:$0x3FB2] =	sst s8  }
0x11: {  	[smem:$0x3FB3] =	sst s9;
	s0 =	simm.s32 @!p0 $0x0  }
0x12: {  	s1 =	sld [smem:$0x3F99];
	s0 =	simm.s32 @p0 $0x1  }
0x13: {  	[smem:$0x3FB4] =	sst s0;
	s0 =	simm.s32 @!p1 $0x0  }
0x14: {  	s2 =	sld [smem:$0x3F98];
	s0 =	simm.s32 @p1 $0x1  }
0x15: {  	[smem:$0x3FB5] =	sst s0;
	s0 =	simm.s32 @!p2 $0x0  }
0x16: {  	s3 =	sld [smem:$0x3FDB];
	s0 =	simm.s32 @p2 $0x1  }
0x17: {  	s4 =	simm.s32 $0x1BF5;
	[smem:$0x3FB7] =	sst s0  }
0x18: {  	s0 =	sld [smem:$0x3F9A];
	_ =	swait.ge [sflag:s4], $0x0  }
0x19: {  	s7 =	sld [smem:$0x3F9B]  }
0x1a: {  	s8 =	sadd.s32 $0xFFFFE003, lr  }
0x1b: {  	s9 =	sadd.s32 $0xFFFFFEF7, lr;
	s5 =	simm.s32 $0xFFFFFFFF;
	p2 =	slt.u32 s8, $0xFFFFF086  }
0x1c: {  	p1 =	slt.u32 s9, $0xF7A;
	s5 =	simm.s32 @!p2 $0x0  }
0x1d: {  	s5 =	simm.s32 @p1 $0x1;
	p0 =	seq.s32 s7, s2  }
0x1e: {  	s7 =	smul.u32 @!p0 $0xF7A, s2;
	p2 =	seq.s32 @!p0 s5, $0x0  }
0x1f: {  	s9 =	smul.u32 $0xF7A, s1;
	s8 =	simm.s32 @!p0 $0x1BF5;
	p2 =	por !p2, p0  }
0x20: {  	[sflag:s8] =	ssyncset.s32 @!p0 $0xFFFFF086;
	s6 =	sadd.s32 @!p0 s3, s7;
	s7 =	simm.s32 @!p0 $0x108  }
0x21: {  	s3 =	sadd.s32 s3, s9;
	s6 =	sadd.s32 @!p0 $0x88, s6;
	s7 =	simm.s32 @p2 $0x1082  }
0x22: {  	[simem:s7], [sflag:s8] =	dma.local @!p0 [hbm:s6], $0xF7A  }
0x23: {  	s9 =	sor.u32 $0xD0000000, s2;
	s6 =	simm.s32 $0x108;
	_ =	swait.ge @!p0 [sflag:s8], $0x0  }
0x24: {  	s3 =	sadd.s32 $0x88, s3;
	s6 =	simm.s32 @!p1 $0x1082;
	[sflag:s4] =	ssyncset.s32 $0xFFFFF086  }
0x25: {  	[simem:s6], [sflag:s4] =	dma.local [hbm:s3], $0xF7A  }
0x26: {  	[smem:$0x3F9B] =	sst s1;
	(tag) =	ssettag s2;
	_ =	strace s9  }
0x27: {  	s1 =	sld [smem:$0x3FAB]  }
0x28: {  	s2 =	sld [smem:$0x3FAC]  }
0x29: {  	s4 =	sld [smem:$0x3FAE]  }
0x2a: {  	p0 =	seq.s32 s5, $0x0;
	s5 =	sld [smem:$0x3FAF]  }
0x2b: {  	s6 =	sld [smem:$0x3FB0]  }
0x2c: {  	s7 =	sld [smem:$0x3FB1]  }
0x2d: {  	s3 =	simm.s32 $0x108;
	s8 =	sld [smem:$0x3FB2]  }
0x2e: {  	s3 =	simm.s32 @!p0 $0x1082;
	s9 =	sld [smem:$0x3FB3]  }
0x2f: {  	lr =	sadd.s32 s0, s3;
	s0 =	sld [smem:$0x3FAA]  }
0x30: {  	s3 =	sld [smem:$0x3FAD]  }
0x31: {  	[smem:$0x3FB6] =	sst s10  }
0x32: {  	s10 =	sld [smem:$0x3FB4];
	_ =	sdelay $0x3  }
0x33: {  	p0 =	seq.s32 s10, $0x1;
	s10 =	sld [smem:$0x3FB6];
	_ =	sdelay $0x3  }
0x34: {  	[smem:$0x3FB6] =	sst s10  }
0x35: {  	s10 =	sld [smem:$0x3FB5];
	_ =	sdelay $0x3  }
0x36: {  	p1 =	seq.s32 s10, $0x1;
	s10 =	sld [smem:$0x3FB6];
	_ =	sdelay $0x3  }
0x37: {  	[smem:$0x3FB6] =	sst s10  }
0x38: {  	s10 =	sld [smem:$0x3FB7]  }
0x39: {  	_ = 	snop;
	(pc) =	sbr.ind lr, $3  }
0x3a: {  	_ = 	snop  }
0x3b: {  	_ = 	snop  }
0x3c: {  	p2 =	seq.s32 s10, $0x1;
	s10 =	sld [smem:$0x3FB6]  }
0x3d: {  	_ =	shalt  }
0x3e: {  	_ =	shalt  }
0x3f: {  	_ =	shalt  }
0x40: {  	_ =	shalt  }
0x41: {  	_ =	shalt  }
0x42: {  	_ =	shalt  }
0x43: {  	_ =	shalt  }
0x44: {  	_ =	shalt  }
0x45: {  	_ =	shalt  }
0x46: {  	_ =	shalt  }
0x47: {  	_ =	shalt  }
0x48: {  	_ =	shalt  }
0x49: {  	_ =	shalt  }
0x4a: {  	_ =	shalt  }
0x4b: {  	_ =	shalt  }
0x4c: {  	_ =	shalt  }
0x4d: {  	_ =	shalt  }
0x4e: {  	_ =	shalt  }
0x4f: {  	_ =	shalt  }
0x50: {  	_ =	shalt  }
0x51: {  	_ =	shalt  }
0x52: {  	_ =	shalt  }
0x53: {  	_ =	shalt  }
0x54: {  	_ =	shalt  }
0x55: {  	_ =	shalt  }
0x56: {  	_ =	shalt  }
0x57: {  	_ =	shalt  }
0x58: {  	_ =	shalt  }
0x59: {  	_ =	shalt  }
0x5a: {  	_ =	shalt  }
0x5b: {  	_ =	shalt  }
0x5c: {  	_ =	shalt  }
0x5d: {  	_ =	shalt  }
0x5e: {  	_ =	shalt  }
0x5f: {  	_ =	shalt  }
0x60: {  	_ =	shalt  }
0x61: {  	_ =	shalt  }
0x62: {  	_ =	shalt  }
0x63: {  	_ =	shalt  }
0x64: {  	_ =	shalt  }
0x65: {  	_ =	shalt  }
0x66: {  	_ =	shalt  }
0x67: {  	_ =	shalt  }
0x68: {  	_ =	shalt  }
0x69: {  	_ =	shalt  }
0x6a: {  	_ =	shalt  }
0x6b: {  	_ =	shalt  }
0x6c: {  	_ =	shalt  }
0x6d: {  	_ =	shalt  }
0x6e: {  	_ =	shalt  }
0x6f: {  	_ =	shalt  }
0x70: {  	_ =	shalt  }
0x71: {  	_ =	shalt  }
0x72: {  	_ =	shalt  }
0x73: {  	_ =	shalt  }
0x74: {  	_ =	shalt  }
0x75: {  	_ =	shalt  }
0x76: {  	_ =	shalt  }
0x77: {  	_ =	shalt  }
0x78: {  	_ =	shalt  }
0x79: {  	_ =	shalt  }
0x7a: {  	_ =	shalt  }
0x7b: {  	_ =	shalt  }
0x7c: {  	_ =	shalt  }
0x7d: {  	_ =	shalt  }
0x7e: {  	_ =	shalt  }
0x7f: {  	_ =	shalt  }
0x80: {  	_ =	shalt  }
0x81: {  	_ =	shalt  }
0x82: {  	_ =	shalt  }
0x83: {  	_ =	shalt  }
0x84: {  	_ =	shalt  }
0x85: {  	_ =	shalt  }
0x86: {  	_ =	shalt  }
0x87: {  	_ =	shalt  }
.Lfunc_end0:
.L_simem_size_0:
called_computation.2_lowered:
.L_overlay_start_0:
0x88: {  	s2 =	sld [smem:$0x3FD9]  }
0x89: {  	s3 =	sld [smem:$0x3FFE];
	_ =	sdelay $0x1  }
0x8a: {  	s1 =	srdreg.scid  }
0x8b: {  	s0 =	sand.u32 $0x1, s1  }
0x8c: {  	s14 =	sshll.u32 s0, $0xA;
	s2 =	sadd.s32 s3, s2  }
0x8d: {  	s2 =	sadd.s32 s2, s14  }
0x8e: {  	[smem:$0x3FC2] =	sst s2  }
0x8f: {  	_ = 	snop  }
0x90: {  	s2 =	sld [smem:$0x3FD0];
	_ =	sdelay $0x2  }
0x91: {  	s15 =	simm.s32 $0xA;
	s4 =	simm.s32 $0x10  }
0x92: {  	[smem:s4], [sflag:s15] =	dma.local [hbm:s2], $0x1  }
0x93: {  	_ =	swait.eq [sflag:s15], $0x1  }
0x94: {  	[sflag:s15] =	ssyncset.done $0x0  }
0x95: {  	[sflag:s15] =	ssyncadd.s32 $0xFFFFFFFF  }
0x96: {  	s16 =	sld [smem:$0x11];
	(tm) =	ssettm $0x1  }
0x97: {  	s17 =	sld [smem:$0x3FFB];
	_ =	sdelay $0x3  }
0x98: {  	_ =	strace s17  }
0x99: {  	s3 =	sld [smem:$0x3FFC];
	_ =	sdelay $0x3  }
0x9a: {  	_ =	strace s3  }
0x9b: {  	s3 =	sld [smem:$0x3FFD];
	_ =	sdelay $0x3  }
0x9c: {  	_ =	strace s3  }
0x9d: {  	_ =	strace $0x8FFFFFFF  }
0x9e: {  	s18 =	sld [smem:$0x3FDB];
	_ =	sdelay $0x1  }
0x9f: {  	s19 =	simm.s32 $_scs_section_size  }
0xa0: {  	s5 =	simm.s32 $_size__tile_overlayer_lowered;
	s6 =	simm.s32 $_tile_overlayer_lowered  }
0xa1: {  	s22 =	simm.s32 $0x1BFF;
	s21 =	sshll.u32 s6, $0x1;
	s3 =	sadd.s32 s19, s18  }
0xa2: {  	s7 =	simm.s32 $0x0;
	s20 =	sshll.u32 s5, $0x1;
	s5 =	sadd.s32 s21, s3  }
0xa3: {  	[timem:s7], [sflag:s22] =	dma.local [hbm:s5], s20  }
0xa4: {  	_ =	swait.ge [sflag:s22], s20  }
0xa5: {  	s4 =	ssub.s32 $0x0, s20;
	[sflag:s22] =	ssyncset.done $0x0  }
0xa6: {  	[sflag:s22] =	ssyncadd.s32 s4;
	_ =	sdelay $0x1  }
0xa7: {  	s23 =	simm.s32 $0x1B8B  }
0xa8: {  	_ =	swait.ge [sflag:s23], $0x1  }
0xa9: {  	[sflag:s23] =	ssyncset.done $0x0  }
0xaa: {  	s25 =	simm.s32 $0x1B8E;
	s24 =	sld [smem:$0x3FFE];
	[sflag:s23] =	ssyncadd.s32 $0xFFFFFFFF  }
0xab: {  	s26 =	simm.s32 $execute0_lowered;
	[smem:$0x3FD2] =	sst s25  }
0xac: {  	s5 =	sshll.u32 s26, $0x1;
	_ =	strace $0x8000004C;
	[dreg:$0x1] =	wrdreg $0xFFFFFFFF  }
0xad: {  	s28 =	simm.s32 $_size_execute0_lowered;
	s3 =	sadd.s32 s3, s5;
	[dreg:$0x0] =	wrdreg $0x0  }
0xae: {  	s5 =	sshll.u32 s28, $0x1;
	[dreg:$0x2] =	wrdreg s3  }
0xaf: {  	[dreg:$0x3] =	wrdreg s5  }
0xb0: {  	[dreg:$0x4] =	wrdreg $0xC0  }
0xb1: {  	_ =	task [dreg:s7], $0x5FFFF  }
0xb2: {  	[dreg:$0x1] =	wrdreg $0xFFFFFFFF  }
0xb3: {  	[dreg:$0x0] =	wrdreg $0x60  }
0xb4: {  	[dreg:$0x2] =	wrdreg s24  }
0xb5: {  	[dreg:$0x3] =	wrdreg s16  }
0xb6: {  	[dreg:$0x4] =	wrdreg $0x90000  }
0xb7: {  	[dreg:$0x5] =	wrdreg $0xB7800  }
0xb8: {  	[dreg:$0x6] =	wrdreg $0x9  }
0xb9: {  	_ =	task.clear_ibuf [dreg:s7], $0x7FFFF;
	_ =	strace $0x9000004C  }
0xba: {  	s29 =	simm.s32 $0x9;
	_ =	strace $0x8000004E  }
0xbb: {  	_ =	swait.ge [sflag:s29], $0x1  }
0xbc: {  	[sflag:s29] =	ssyncadd.s32 $0xFFFFFFFF  }
0xbd: {  	_ =	strace $0x9000004E  }
0xbe: {  	_ =	sfence  }
0xbf: {  	s30 =	sld [smem:$0x0];
	_ =	sdelay $0x2  }
0xc0: {  	s31 =	sshll.u32 s1, $0xD;
	s1 =	sshrl.u32 s1, $0x2  }
0xc1: {  	s3 =	sand.u32 $0x4000, s31;
	s1 =	sadd.s32 s1, s30  }
0xc2: {  	s0 =	sor.u32 s3, s0;
	s1 =	sshll.u32 s1, $0x11  }
0xc3: {  	s0 =	sor.u32 s1, s0  }
0xc4: {  	s0 =	sadd.s32 $0x8F2B, s0  }
0xc5: {  	[sflag:s0] =	ssyncadd.remote.s32 $0x1  }
0xc6: {  	_ =	sfence.sel $0xFFFF  }
0xc7: {  	[dreg:$0x0] =	wrdreg $0xFFFFFFFF;
	(pc) =	sbr.abs _section_cstart, $3  }
0xc8: {  	[dreg:$0x1] =	wrdreg $0xFFFFFFFF  }
0xc9: {  	_ =	task.clear_ibuf [dreg:s7], $0x2FFFF;
	_ =	strace $0x9FFFFFFF  }
0xca: {  	(tm) =	ssettm $0x7FFFFFFF  }
0xcb: {  	_ =	shalt  }
tec
execute0_lowered:
.L_overlay_start_1:
0x0: {  	(tag) =	ssettag $0x1  }
0x1: {  	s0 =	rddreg [dreg:$0x0]  }
0x2: {  	s1 =	srdreg.scid;
	s3 =	rddreg [dreg:$0x2]  }
0x3: {  	s5 =	stileid.u32;
	s4 =	rddreg [dreg:$0x3];
	s7 =	simm.s32 $0x0  }
0x4: {  	s10 =	simm.s32 $0x11;
	s23 =	simm.s32 $0x7000;
	s24 =	simm.s32 $0x7800  }
0x5: {  	s20 =	simm.s32 $0x6800;
	s25 =	simm.s32 $0x8000;
	s21 =	simm.s32 $0x8800  }
0x6: {  	s22 =	simm.s32 $0x1;
	s28 =	simm.s32 $0x4;
	s29 =	simm.s32 $0x9  }
0x7: {  	s30 =	simm.s32 $0x5;
	s31 =	simm.s32 $0x6;
	s1 =	sand.u32 $0x1, s1  }
0x8: {  	s6 =	smul.u32 $0x50, s5;
	[smem:$0x7FF] =	sst s7;
	s15 =	sadd.s32 $0xCA00, s0  }
0x9: {  	s18 =	smul.u32 $0x2780, s5;
	_ =	strace $0x8000004D;
	[dreg:$0x8] =	wrdreg s15  }
0xa: {  	p0 =	seq.s32 s5, $0x1;
	s2 =	smul.u32 $0x500, s1;
	[dreg:$0x5] =	wrdreg s23  }
0xb: {  	s14 =	smul.u32 $0x4F00, s1;
	s1 =	ssub.s32 $0x2, s1;
	[dreg:$0x6] =	wrdreg s24  }
0xc: {  	p1 =	sne.s32 @!p0 s5, $0x0;
	s15 =	simm.s32 $0x5000;
	[dreg:$0x7] =	wrdreg s25  }
0xd: {  	s24 =	simm.s32 $0x2;
	s16 =	sshrl.u32 s1, $0x1;
	s19 =	sshrl.u32 s18, $0x3  }
0xe: {  	p1 =	por p1, p0;
	s2 =	sadd.s32 s6, s2;
	s1 =	ssub.s32 s1, s16  }
0xf: {  	s6 =	sadd.s32 s18, s3;
	s16 =	simm.s32 $0x5800;
	s18 =	simm.s32 $0x6000  }
0x10: {  	s2 =	sshll.u32 s2, $0x4;
	s1 =	smax.u32 s1, $0x1;
	s26 =	sshrl.u32 s6, $0x3  }
0x11: {  	s6 =	simm.s32 $0x0;
	s2 =	sadd.s32 s2, s0;
	[dreg:$0xb] =	wrdreg s1  }
0x12: {  	s0 =	sadd.s32 s14, s0;
	s1 =	sshrl.u32 @p0 s4, $0x3;
	[dreg:$0xf] =	wrdreg s26  }
0x13: {  	s14 =	simm.s32 $0x80;
	s17 =	sadd.s32 $0x1B800, s2;
	[dreg:$0xc] =	wrdreg s1  }
0x14: {  	s26 =	simm.s32 $0x3;
	s2 =	sadd.s32 $0x2A00, s2;
	[dreg:$0x9] =	wrdreg s17  }
0x15: {  	s0 =	sadd.s32 $0x11A00, s0;
	s1 =	sshrl.u32 @!p1 s3, $0x3;
	[dreg:$0xa] =	wrdreg s2  }
0x16: {  	[dreg:$0xd] =	wrdreg s1;
	s0 =	sadd.s32 s19, s0;
	s2 =	simm.s32 $0x7  }
0x17: {  	s1 =	simm.s32 $0x8;
	[dreg:$0xe] =	wrdreg s0;
	s0 =	simm.s32 $0x10  }
.LBB2_1:
0x18: {  	s8 =	simm.s32 $0x0;
	s5 =	rddreg [dreg:$0x9]  }
0x19: {  	[tilespmem:s8], [sflag:$0x11] =	stream.linear.gather [hbm4b:s5+s8], $0x2800, $0x38;
	[tilespmem:$0xDE90] =	vst v63  }
0x1a: {  	_ =	swait.ge [sflag:s10], $0x2800  }
0x1b: {  	[sflag:s10] =	ssyncset.done $0x0  }
0x1c: {  	s7 =	simm.s32 $0x2800;
	s25 =	rddreg [dreg:$0xa];
	[sflag:s10] =	ssyncadd.s32 $0xFFFFD800  }
0x1d: {  	[tilespmem:s7], [sflag:$0x11] =	stream.linear.gather [hbm4b:s25+s8], $0x2800, $0x38;
	[tilespmem:$0xDE90] =	vst v63  }
0x1e: {  	_ =	swait.ge [sflag:s10], $0x2800  }
0x1f: {  	[sflag:s10] =	ssyncset.done $0x0  }
0x20: {  	s9 =	rddreg [dreg:$0xc];
	[sflag:s10] =	ssyncadd.s32 $0xFFFFD800  }
0x21: {  	s7 =	simm.s32 @p0 $0x1C51;
	s5 =	rddreg [dreg:$0x1]  }
0x22: {  	[spmem:s9], [sflag:s7] =	dma.local @p0 [hbm:s5], $0x4E20  }
0x23: {  	s7 =	simm.s32 @p0 $0x11  }
0x24: {  	_ =	swait.ge @p0 [sflag:s7], $0x4E20  }
0x25: {  	[sflag:s7] =	ssyncset.done @p0 $0x0;
	s5 =	rddreg [dreg:$0x8]  }
0x26: {  	s9 =	rddreg [dreg:$0xd];
	[sflag:s7] =	ssyncadd.s32 @p0 $0xFFFFB1E0;
	s7 =	simm.s32 @!p1 $0x1C11  }
0x27: {  	[spmem:s9], [sflag:s7] =	dma.local @!p1 [hbm:s5], $0x4F00  }
0x28: {  	s7 =	simm.s32 @!p1 $0x11  }
0x29: {  	_ =	swait.ge @!p1 [sflag:s7], $0x4F00  }
0x2a: {  	[sflag:s7] =	ssyncset.done @!p1 $0x0  }
0x2b: {  	[sflag:s7] =	ssyncadd.s32 @!p1 $0xFFFFB100  }
0x2c: {  	[bflag:$0x0] =	sbarrier.arrive $0xFFFF  }
0x2d: {  	[tilespmem:s15], [sflag:$0x1] =	stream.indirect.gather [spmem:s4], $0x10, s8, s14, $0xb8;
	[tilespmem:$0xDE90] =	vst v63  }
0x2e: {  	_ = 	snop  }
0x2f: {  	[tilespmem:s16], [sflag:$0x2] =	stream.indirect.gather [spmem:s4], $0x10, s14, s14, $0xb8;
	[tilespmem:$0xDE90] =	vst v63  }
0x30: {  	p2 =	por $0x0, $0x0;
	s8 =	simm.s32 $0x100  }
0x31: {  	[tilespmem:s18], [sflag:$0x3] =	stream.indirect.gather [spmem:s4], $0x10, s8, s14, $0xb8;
	[tilespmem:$0xDE90] =	vst v63  }
0x32: {  	s9 =	simm.s32 $0x180;
	s7 =	simm.s32 @p2 $0xD  }
0x33: {  	[tilespmem:s20], [sflag:$0x4] =	stream.indirect.gather [spmem:s4], $0x10, s9, s14, $0xb8;
	[tilespmem:$0xDE90] =	vst v63  }
0x34: {  	_ =	swait.ge @p2 [sflag:s7], $0x800  }
0x35: {  	s12 =	simm.s32 @p2 $0x80;
	s8 =	simm.s32 @p2 $0xE;
	[sflag:s7] =	ssyncset.done @p2 $0x0  }
0x36: {  	s9 =	simm.s32 @p2 $0x7000;
	[sflag:s7] =	ssyncadd.s32 @p2 $0xFFFFF800;
	s7 =	simm.s32 @p2 $0x200  }
0x37: {  	[tilespmem:s9], [sflag:$0x5] =	stream.indirect.gather @p2 [spmem:s4], $0x10, s7, s12, $0xb8;
	[tilespmem:$0xDE90] =	vst v63  }
0x38: {  	_ =	swait.ge @p2 [sflag:s8], $0x800  }
0x39: {  	s7 =	simm.s32 @p2 $0x280;
	[sflag:s8] =	ssyncset.done @p2 $0x0  }
0x3a: {  	s9 =	simm.s32 @p2 $0xF;
	[sflag:s8] =	ssyncadd.s32 @p2 $0xFFFFF800;
	s8 =	simm.s32 @p2 $0x7800  }
0x3b: {  	[tilespmem:s8], [sflag:$0x6] =	stream.indirect.gather @p2 [spmem:s4], $0x10, s7, s12, $0xb8;
	[tilespmem:$0xDE90] =	vst v63  }
0x3c: {  	_ =	swait.ge @p2 [sflag:s9], $0x800  }
0x3d: {  	s7 =	simm.s32 @p2 $0x300;
	[sflag:s9] =	ssyncset.done @p2 $0x0  }
0x3e: {  	s8 =	simm.s32 @p2 $0x8000;
	[sflag:s9] =	ssyncadd.s32 @p2 $0xFFFFF800;
	s9 =	simm.s32 @p2 $0x10  }
0x3f: {  	[tilespmem:s8], [sflag:$0x7] =	stream.indirect.gather @p2 [spmem:s4], $0x10, s7, s12, $0xb8;
	[tilespmem:$0xDE90] =	vst v63  }
0x40: {  	_ =	swait.ge @p2 [sflag:s9], $0x800  }
0x41: {  	s7 =	simm.s32 @!p2 $0x7000;
	[sflag:s9] =	ssyncset.done @p2 $0x0  }
0x42: {  	s8 =	simm.s32 @!p2 $0x80;
	[sflag:s9] =	ssyncadd.s32 @p2 $0xFFFFF800;
	s9 =	simm.s32 @!p2 $0x200  }
0x43: {  	[tilespmem:s7], [sflag:$0x5] =	stream.indirect.gather @!p2 [spmem:s4], $0x10, s9, s8, $0xb8;
	[tilespmem:$0xDE90] =	vst v63  }
0x44: {  	s7 =	simm.s32 @!p2 $0x280;
	s9 =	simm.s32 @!p2 $0x7800  }
0x45: {  	[tilespmem:s9], [sflag:$0x6] =	stream.indirect.gather @!p2 [spmem:s4], $0x10, s7, s8, $0xb8;
	[tilespmem:$0xDE90] =	vst v63  }
0x46: {  	s12 =	simm.s32 @!p2 $0x8000;
	s7 =	simm.s32 $0x380;
	s9 =	simm.s32 @!p2 $0x300  }
0x47: {  	[tilespmem:s12], [sflag:$0x7] =	stream.indirect.gather @!p2 [spmem:s4], $0x10, s9, s8, $0xb8;
	[tilespmem:$0xDE90] =	vst v63  }
0x48: {  	s7 =	simm.s32 @!p2 $0x380  }
0x49: {  	[tilespmem:s21], [sflag:$0x8] =	stream.indirect.gather [spmem:s4], $0x10, s7, s14, $0xb8;
	[tilespmem:$0xDE90] =	vst v63  }
0x4a: {  	_ =	swait.ge [sflag:s22], $0x800  }
0x4b: {  	[sflag:s22] =	ssyncset.done $0x0  }
0x4c: {  	s11 =	simm.s32 $0x2800;
	[sflag:s22] =	ssyncadd.s32 $0xFFFFF800  }
0x4d: {  	[spmem:s3] =	stream.indirect.scatter.add.f32 [tilespmem:s15], [sflag:$0x9], $0x10, s11, s14, $0xb8;
	[tilespmem:$0xDE90] =	vst v63  }
0x4e: {  	_ =	swait.ge [sflag:s24], $0x800  }
0x4f: {  	[sflag:s24] =	ssyncset.done $0x0  }
0x50: {  	s12 =	simm.s32 $0x2880;
	[sflag:s24] =	ssyncadd.s32 $0xFFFFF800  }
0x51: {  	[spmem:s3] =	stream.indirect.scatter.add.f32 [tilespmem:s16], [sflag:$0xA], $0x10, s12, s14, $0xb8;
	[tilespmem:$0xDE90] =	vst v63  }
0x52: {  	_ =	swait.ge [sflag:s26], $0x800  }
0x53: {  	[sflag:s26] =	ssyncset.done $0x0  }
0x54: {  	s13 =	simm.s32 $0x2900;
	[sflag:s26] =	ssyncadd.s32 $0xFFFFF800  }
0x55: {  	[spmem:s3] =	stream.indirect.scatter.add.f32 [tilespmem:s18], [sflag:$0xB], $0x10, s13, s14, $0xb8;
	[tilespmem:$0xDE90] =	vst v63  }
0x56: {  	_ =	swait.ge [sflag:s28], $0x800  }
0x57: {  	[sflag:s28] =	ssyncset.done $0x0  }
0x58: {  	s17 =	simm.s32 $0x2980;
	[sflag:s28] =	ssyncadd.s32 $0xFFFFF800  }
0x59: {  	[spmem:s3] =	stream.indirect.scatter.add.f32 [tilespmem:s20], [sflag:$0xC], $0x10, s17, s14, $0xb8;
	[tilespmem:$0xDE90] =	vst v63  }
0x5a: {  	_ =	swait.ge [sflag:s29], $0x800  }
0x5b: {  	p3 =	por $0x0, $0x0;
	[sflag:s29] =	ssyncset.done $0x0  }
0x5c: {  	s8 =	simm.s32 @p3 $0xA;
	[sflag:s29] =	ssyncadd.s32 $0xFFFFF800  }
0x5d: {  	_ =	swait.ge @p3 [sflag:s8], $0x800  }
0x5e: {  	[sflag:s8] =	ssyncset.done @p3 $0x0  }
0x5f: {  	[sflag:s8] =	ssyncadd.s32 @p3 $0xFFFFF800;
	s8 =	simm.s32 @p3 $0xB  }
0x60: {  	_ =	swait.ge @p3 [sflag:s8], $0x800  }
0x61: {  	[sflag:s8] =	ssyncset.done @p3 $0x0  }
0x62: {  	[sflag:s8] =	ssyncadd.s32 @p3 $0xFFFFF800;
	s8 =	simm.s32 @p3 $0xC  }
0x63: {  	_ =	swait.ge @p3 [sflag:s8], $0x800  }
0x64: {  	s9 =	simm.s32 @!p3 $0x400;
	[sflag:s8] =	ssyncset.done @p3 $0x0  }
0x65: {  	s12 =	simm.s32 @!p3 $0x5000;
	[sflag:s8] =	ssyncadd.s32 @p3 $0xFFFFF800;
	s8 =	simm.s32 @!p3 $0x80  }
0x66: {  	[tilespmem:s12], [sflag:$0x1] =	stream.indirect.gather @!p3 [spmem:s4], $0x10, s9, s8, $0xb8;
	[tilespmem:$0xDE90] =	vst v63  }
0x67: {  	s9 =	simm.s32 @!p3 $0xA  }
0x68: {  	_ =	swait.ge @!p3 [sflag:s9], $0x800  }
0x69: {  	[sflag:s9] =	ssyncset.done @!p3 $0x0  }
0x6a: {  	s12 =	simm.s32 @!p3 $0x480;
	[sflag:s9] =	ssyncadd.s32 @!p3 $0xFFFFF800;
	s9 =	simm.s32 @!p3 $0x5800  }
0x6b: {  	[tilespmem:s9], [sflag:$0x2] =	stream.indirect.gather @!p3 [spmem:s4], $0x10, s12, s8, $0xb8;
	[tilespmem:$0xDE90] =	vst v63  }
0x6c: {  	s9 =	simm.s32 @!p3 $0xB  }
0x6d: {  	_ =	swait.ge @!p3 [sflag:s9], $0x800  }
0x6e: {  	[sflag:s9] =	ssyncset.done @!p3 $0x0  }
0x6f: {  	s12 =	simm.s32 @!p3 $0x500;
	[sflag:s9] =	ssyncadd.s32 @!p3 $0xFFFFF800;
	s9 =	simm.s32 @!p3 $0x6000  }
0x70: {  	[tilespmem:s9], [sflag:$0x3] =	stream.indirect.gather @!p3 [spmem:s4], $0x10, s12, s8, $0xb8;
	[tilespmem:$0xDE90] =	vst v63  }
0x71: {  	s9 =	simm.s32 @!p3 $0xC  }
0x72: {  	_ =	swait.ge @!p3 [sflag:s9], $0x800  }
0x73: {  	[sflag:s9] =	ssyncset.done @!p3 $0x0  }
0x74: {  	s12 =	simm.s32 @!p3 $0x580;
	[sflag:s9] =	ssyncadd.s32 @!p3 $0xFFFFF800;
	s9 =	simm.s32 @!p3 $0x6800  }
0x75: {  	[tilespmem:s9], [sflag:$0x4] =	stream.indirect.gather @!p3 [spmem:s4], $0x10, s12, s8, $0xb8;
	[tilespmem:$0xDE90] =	vst v63  }
0x76: {  	s8 =	simm.s32 @p2 $0x200;
	_ =	swait.ge [sflag:s30], $0x800  }
0x77: {  	s8 =	simm.s32 @!p2 $0x200;
	[sflag:s30] =	ssyncset.done $0x0  }
0x78: {  	s19 =	rddreg [dreg:$0x5];
	s8 =	sadd.s32 $0x2800, s8;
	[sflag:s30] =	ssyncadd.s32 $0xFFFFF800  }
0x79: {  	[spmem:s3] =	stream.indirect.scatter.add.f32 [tilespmem:s19], [sflag:$0xD], $0x10, s8, s14, $0xb8;
	[tilespmem:$0xDE90] =	vst v63  }
0x7a: {  	s8 =	simm.s32 @p2 $0x280;
	_ =	swait.ge [sflag:s31], $0x800  }
0x7b: {  	s8 =	simm.s32 @!p2 $0x280;
	[sflag:s31] =	ssyncset.done $0x0  }
0x7c: {  	s23 =	rddreg [dreg:$0x6];
	s8 =	sadd.s32 $0x2800, s8;
	[sflag:s31] =	ssyncadd.s32 $0xFFFFF800  }
0x7d: {  	[spmem:s3] =	stream.indirect.scatter.add.f32 [tilespmem:s23], [sflag:$0xE], $0x10, s8, s14, $0xb8;
	[tilespmem:$0xDE90] =	vst v63  }
0x7e: {  	s9 =	simm.s32 @p2 $0x300;
	_ =	swait.ge [sflag:s2], $0x800  }
0x7f: {  	s7 =	sadd.s32 $0x2800, s7;
	s9 =	simm.s32 @!p2 $0x300;
	[sflag:s2] =	ssyncset.done $0x0  }
0x80: {  	s9 =	sadd.s32 $0x2800, s9;
	s25 =	rddreg [dreg:$0x7];
	[sflag:s2] =	ssyncadd.s32 $0xFFFFF800  }
0x81: {  	[spmem:s3] =	stream.indirect.scatter.add.f32 [tilespmem:s25], [sflag:$0xF], $0x10, s9, s14, $0xb8;
	[tilespmem:$0xDE90] =	vst v63  }
0x82: {  	s12 =	simm.s32 $0x780;
	p2 =	por $0x1, $0x1;
	_ =	swait.ge [sflag:s1], $0x800  }
0x83: {  	s8 =	simm.s32 $0x1000;
	s9 =	simm.s32 $0x2000;
	[sflag:s1] =	ssyncset.done $0x0  }
.LBB2_2:
0x84: {  	s23 =	simm.s32 @p2 $0xD;
	[sflag:s1] =	ssyncadd.s32 $0xFFFFF800  }
0x85: {  	[spmem:s3] =	stream.indirect.scatter.add.f32 [tilespmem:s21], [sflag:$0x10], $0x10, s7, s14, $0xb8;
	[tilespmem:$0xDE90] =	vst v63  }
0x86: {  	s25 =	sshra.s32 @p2 s8, $0x2;
	_ =	swait.ge @p2 [sflag:s23], $0x800  }
0x87: {  	s5 =	simm.s32 @p2 $0x7000;
	s11 =	simm.s32 @p2 $0x80;
	[sflag:s23] =	ssyncset.done @p2 $0x0  }
0x88: {  	s7 =	simm.s32 @p2 $0xE;
	[sflag:s23] =	ssyncadd.s32 @p2 $0xFFFFF800;
	s23 =	sadd.s32 @p2 $0x200, s25  }
0x89: {  	[tilespmem:s5], [sflag:$0x5] =	stream.indirect.gather @p2 [spmem:s4], $0x10, s23, s11, $0xb8;
	[tilespmem:$0xDE90] =	vst v63  }
0x8a: {  	_ =	swait.ge @p2 [sflag:s7], $0x800  }
0x8b: {  	s5 =	sadd.s32 @p2 $0x280, s25;
	s23 =	sadd.s32 @p2 $0x300, s25;
	[sflag:s7] =	ssyncset.done @p2 $0x0  }
0x8c: {  	s25 =	simm.s32 @p2 $0xF;
	[sflag:s7] =	ssyncadd.s32 @p2 $0xFFFFF800;
	s7 =	simm.s32 @p2 $0x7800  }
0x8d: {  	[tilespmem:s7], [sflag:$0x6] =	stream.indirect.gather @p2 [spmem:s4], $0x10, s5, s11, $0xb8;
	[tilespmem:$0xDE90] =	vst v63  }
0x8e: {  	_ =	swait.ge @p2 [sflag:s25], $0x800  }
0x8f: {  	[sflag:s25] =	ssyncset.done @p2 $0x0  }
0x90: {  	s5 =	simm.s32 @p2 $0x8000;
	s7 =	simm.s32 @p2 $0x10;
	[sflag:s25] =	ssyncadd.s32 @p2 $0xFFFFF800  }
0x91: {  	[tilespmem:s5], [sflag:$0x7] =	stream.indirect.gather @p2 [spmem:s4], $0x10, s23, s11, $0xb8;
	[tilespmem:$0xDE90] =	vst v63  }
0x92: {  	_ =	swait.ge @p2 [sflag:s7], $0x800  }
0x93: {  	s5 =	simm.s32 @!p2 $0x7000;
	[sflag:s7] =	ssyncset.done @p2 $0x0  }
0x94: {  	s11 =	simm.s32 @!p2 $0x200;
	[sflag:s7] =	ssyncadd.s32 @p2 $0xFFFFF800;
	s7 =	simm.s32 @!p2 $0x80  }
0x95: {  	[tilespmem:s5], [sflag:$0x5] =	stream.indirect.gather @!p2 [spmem:s4], $0x10, s11, s7, $0xb8;
	[tilespmem:$0xDE90] =	vst v63  }
0x96: {  	s5 =	simm.s32 @!p2 $0x280;
	s11 =	simm.s32 @!p2 $0x7800  }
0x97: {  	[tilespmem:s11], [sflag:$0x6] =	stream.indirect.gather @!p2 [spmem:s4], $0x10, s5, s7, $0xb8;
	[tilespmem:$0xDE90] =	vst v63  }
0x98: {  	s5 =	simm.s32 @!p2 $0x300;
	s11 =	simm.s32 @!p2 $0x8000  }
0x99: {  	[tilespmem:s11], [sflag:$0x7] =	stream.indirect.gather @!p2 [spmem:s4], $0x10, s5, s7, $0xb8;
	[tilespmem:$0xDE90] =	vst v63  }
0x9a: {  	s7 =	smov.u32 s12  }
0x9b: {  	s7 =	simm.s32 @!p2 $0x380  }
0x9c: {  	[tilespmem:s21], [sflag:$0x8] =	stream.indirect.gather [spmem:s4], $0x10, s7, s14, $0xb8;
	[tilespmem:$0xDE90] =	vst v63  }
0x9d: {  	_ =	swait.ge [sflag:s22], $0x800  }
0x9e: {  	s19 =	sshra.s32 s8, $0x2;
	[sflag:s22] =	ssyncset.done $0x0  }
0x9f: {  	s23 =	sadd.s32 $0x2800, s19;
	[sflag:s22] =	ssyncadd.s32 $0xFFFFF800  }
0xa0: {  	[spmem:s3] =	stream.indirect.scatter.add.f32 [tilespmem:s15], [sflag:$0x9], $0x10, s23, s14, $0xb8;
	[tilespmem:$0xDE90] =	vst v63  }
0xa1: {  	_ =	swait.ge [sflag:s24], $0x800  }
0xa2: {  	[sflag:s24] =	ssyncset.done $0x0  }
0xa3: {  	s25 =	sadd.s32 $0x2880, s19;
	[sflag:s24] =	ssyncadd.s32 $0xFFFFF800  }
0xa4: {  	[spmem:s3] =	stream.indirect.scatter.add.f32 [tilespmem:s16], [sflag:$0xA], $0x10, s25, s14, $0xb8;
	[tilespmem:$0xDE90] =	vst v63  }
0xa5: {  	_ =	swait.ge [sflag:s26], $0x800  }
0xa6: {  	[sflag:s26] =	ssyncset.done $0x0  }
0xa7: {  	s17 =	sadd.s32 $0x2900, s19;
	[sflag:s26] =	ssyncadd.s32 $0xFFFFF800  }
0xa8: {  	[spmem:s3] =	stream.indirect.scatter.add.f32 [tilespmem:s18], [sflag:$0xB], $0x10, s17, s14, $0xb8;
	[tilespmem:$0xDE90] =	vst v63  }
0xa9: {  	_ =	swait.ge [sflag:s28], $0x800  }
0xaa: {  	[sflag:s28] =	ssyncset.done $0x0  }
0xab: {  	s5 =	sadd.s32 $0x2980, s19;
	[sflag:s28] =	ssyncadd.s32 $0xFFFFF800  }
0xac: {  	[spmem:s3] =	stream.indirect.scatter.add.f32 [tilespmem:s20], [sflag:$0xC], $0x10, s5, s14, $0xb8;
	[tilespmem:$0xDE90] =	vst v63  }
0xad: {  	_ =	swait.ge [sflag:s29], $0x800  }
0xae: {  	p4 =	seq.s32 s8, $0x9000;
	[sflag:s29] =	ssyncset.done $0x0  }
0xaf: {  	s5 =	simm.s32 @p4 $0xA;
	[sflag:s29] =	ssyncadd.s32 $0xFFFFF800  }
0xb0: {  	_ =	swait.ge @p4 [sflag:s5], $0x800  }
0xb1: {  	[sflag:s5] =	ssyncset.done @p4 $0x0  }
0xb2: {  	[sflag:s5] =	ssyncadd.s32 @p4 $0xFFFFF800;
	s5 =	simm.s32 @p4 $0xB  }
0xb3: {  	s8 =	sshra.s32 @!p4 s8, $0x2;
	_ =	swait.ge @p4 [sflag:s5], $0x800  }
0xb4: {  	s13 =	smov.u32 s9;
	s11 =	sadd.s32 @!p4 $0x400, s8;
	[sflag:s5] =	ssyncset.done @p4 $0x0  }
0xb5: {  	s19 =	simm.s32 @!p4 $0x5000;
	[sflag:s5] =	ssyncadd.s32 @p4 $0xFFFFF800;
	s5 =	simm.s32 @p4 $0xC  }
0xb6: {  	s23 =	sadd.s32 @!p4 $0x480, s8;
	s25 =	sadd.s32 @!p4 $0x500, s8;
	_ =	swait.ge @p4 [sflag:s5], $0x800  }
0xb7: {  	s17 =	sadd.s32 @!p4 $0x580, s8;
	s8 =	smov.u32 s13;
	[sflag:s5] =	ssyncset.done @p4 $0x0  }
0xb8: {  	s13 =	simm.s32 @!p4 $0xA;
	[sflag:s5] =	ssyncadd.s32 @p4 $0xFFFFF800;
	s5 =	simm.s32 @!p4 $0x80  }
0xb9: {  	[tilespmem:s19], [sflag:$0x1] =	stream.indirect.gather @!p4 [spmem:s4], $0x10, s11, s5, $0xb8;
	[tilespmem:$0xDE90] =	vst v63  }
0xba: {  	_ =	swait.ge @!p4 [sflag:s13], $0x800  }
0xbb: {  	[sflag:s13] =	ssyncset.done @!p4 $0x0  }
0xbc: {  	s11 =	simm.s32 @!p4 $0x5800;
	[sflag:s13] =	ssyncadd.s32 @!p4 $0xFFFFF800;
	s13 =	simm.s32 @!p4 $0xB  }
0xbd: {  	[tilespmem:s11], [sflag:$0x2] =	stream.indirect.gather @!p4 [spmem:s4], $0x10, s23, s5, $0xb8;
	[tilespmem:$0xDE90] =	vst v63  }
0xbe: {  	_ =	swait.ge @!p4 [sflag:s13], $0x800  }
0xbf: {  	[sflag:s13] =	ssyncset.done @!p4 $0x0  }
0xc0: {  	s11 =	simm.s32 @!p4 $0x6000;
	[sflag:s13] =	ssyncadd.s32 @!p4 $0xFFFFF800;
	s13 =	simm.s32 @!p4 $0xC  }
0xc1: {  	[tilespmem:s11], [sflag:$0x3] =	stream.indirect.gather @!p4 [spmem:s4], $0x10, s25, s5, $0xb8;
	[tilespmem:$0xDE90] =	vst v63  }
0xc2: {  	_ =	swait.ge @!p4 [sflag:s13], $0x800  }
0xc3: {  	[sflag:s13] =	ssyncset.done @!p4 $0x0  }
0xc4: {  	s11 =	simm.s32 @!p4 $0x6800;
	[sflag:s13] =	ssyncadd.s32 @!p4 $0xFFFFF800  }
0xc5: {  	[tilespmem:s11], [sflag:$0x4] =	stream.indirect.gather @!p4 [spmem:s4], $0x10, s17, s5, $0xb8;
	[tilespmem:$0xDE90] =	vst v63  }
0xc6: {  	s5 =	sadd.s32 @p2 $0xFFFFFE80, s12;
	_ =	swait.ge [sflag:s30], $0x800  }
0xc7: {  	s5 =	simm.s32 @!p2 $0x200;
	[sflag:s30] =	ssyncset.done $0x0  }
0xc8: {  	s19 =	rddreg [dreg:$0x5];
	s5 =	sadd.s32 $0x2800, s5;
	[sflag:s30] =	ssyncadd.s32 $0xFFFFF800  }
0xc9: {  	[spmem:s3] =	stream.indirect.scatter.add.f32 [tilespmem:s19], [sflag:$0xD], $0x10, s5, s14, $0xb8;
	[tilespmem:$0xDE90] =	vst v63  }
0xca: {  	s5 =	sadd.s32 @p2 $0xFFFFFF00, s12;
	_ =	swait.ge [sflag:s31], $0x800  }
0xcb: {  	s9 =	sadd.s32 $0x1000, s9;
	s5 =	simm.s32 @!p2 $0x280;
	[sflag:s31] =	ssyncset.done $0x0  }
0xcc: {  	s23 =	rddreg [dreg:$0x6];
	s5 =	sadd.s32 $0x2800, s5;
	[sflag:s31] =	ssyncadd.s32 $0xFFFFF800  }
0xcd: {  	[spmem:s3] =	stream.indirect.scatter.add.f32 [tilespmem:s23], [sflag:$0xE], $0x10, s5, s14, $0xb8;
	[tilespmem:$0xDE90] =	vst v63  }
0xce: {  	p3 =	sne.s32 s9, $0xA000;
	s5 =	sadd.s32 @p2 $0xFFFFFF80, s12;
	_ =	swait.ge [sflag:s2], $0x800  }
.Ltmp0:
0xcf: {  	s5 =	simm.s32 @!p2 $0x300;
	[sflag:s2] =	ssyncset.done $0x0;
	(pc) =	sbr.rel @p3 .LBB2_2-.Ltmp0, $4  }
0xd0: {  	s25 =	rddreg [dreg:$0x7];
	s5 =	sadd.s32 $0x2800, s5;
	[sflag:s2] =	ssyncadd.s32 $0xFFFFF800  }
0xd1: {  	[spmem:s3] =	stream.indirect.scatter.add.f32 [tilespmem:s25], [sflag:$0xF], $0x10, s5, s14, $0xb8;
	[tilespmem:$0xDE90] =	vst v63  }
0xd2: {  	s7 =	sadd.s32 $0x2800, s7;
	_ =	swait.ge [sflag:s1], $0x800  }
0xd3: {  	s12 =	sadd.s32 $0x400, s12;
	p2 =	sne.s32 s8, $0x0;
	[sflag:s1] =	ssyncset.done $0x0  }
0xd4: {  	s5 =	simm.s32 @p2 $0xD;
	[sflag:s1] =	ssyncadd.s32 $0xFFFFF800  }
0xd5: {  	[spmem:s3] =	stream.indirect.scatter.add.f32 [tilespmem:s21], [sflag:$0x10], $0x10, s7, s14, $0xb8;
	[tilespmem:$0xDE90] =	vst v63  }
0xd6: {  	_ =	swait.ge @p2 [sflag:s5], $0x800  }
0xd7: {  	s9 =	simm.s32 @p2 $0x7000;
	s7 =	sshra.s32 @p2 s8, $0x2;
	[sflag:s5] =	ssyncset.done @p2 $0x0  }
0xd8: {  	s11 =	simm.s32 @p2 $0x80;
	[sflag:s5] =	ssyncadd.s32 @p2 $0xFFFFF800;
	s5 =	sadd.s32 @p2 $0x200, s7  }
0xd9: {  	[tilespmem:s9], [sflag:$0x5] =	stream.indirect.gather @p2 [spmem:s4], $0x10, s5, s11, $0xb8;
	[tilespmem:$0xDE90] =	vst v63  }
0xda: {  	s5 =	simm.s32 @p2 $0xE  }
0xdb: {  	_ =	swait.ge @p2 [sflag:s5], $0x800  }
0xdc: {  	[sflag:s5] =	ssyncset.done @p2 $0x0  }
0xdd: {  	s9 =	sadd.s32 @p2 $0x280, s7;
	[sflag:s5] =	ssyncadd.s32 @p2 $0xFFFFF800;
	s5 =	simm.s32 @p2 $0x7800  }
0xde: {  	[tilespmem:s5], [sflag:$0x6] =	stream.indirect.gather @p2 [spmem:s4], $0x10, s9, s11, $0xb8;
	[tilespmem:$0xDE90] =	vst v63  }
0xdf: {  	s5 =	simm.s32 @p2 $0xF  }
0xe0: {  	_ =	swait.ge @p2 [sflag:s5], $0x800  }
0xe1: {  	s7 =	sadd.s32 @p2 $0x300, s7;
	[sflag:s5] =	ssyncset.done @p2 $0x0  }
0xe2: {  	s9 =	simm.s32 @p2 $0x10;
	[sflag:s5] =	ssyncadd.s32 @p2 $0xFFFFF800;
	s5 =	simm.s32 @p2 $0x8000  }
0xe3: {  	[tilespmem:s5], [sflag:$0x7] =	stream.indirect.gather @p2 [spmem:s4], $0x10, s7, s11, $0xb8;
	[tilespmem:$0xDE90] =	vst v63  }
0xe4: {  	_ =	swait.ge @p2 [sflag:s9], $0x800  }
0xe5: {  	s5 =	simm.s32 @!p2 $0x7000;
	[sflag:s9] =	ssyncset.done @p2 $0x0  }
0xe6: {  	s7 =	simm.s32 @!p2 $0x80;
	[sflag:s9] =	ssyncadd.s32 @p2 $0xFFFFF800;
	s9 =	simm.s32 @!p2 $0x200  }
0xe7: {  	[tilespmem:s5], [sflag:$0x5] =	stream.indirect.gather @!p2 [spmem:s4], $0x10, s9, s7, $0xb8;
	[tilespmem:$0xDE90] =	vst v63  }
0xe8: {  	s5 =	simm.s32 @!p2 $0x280;
	s9 =	simm.s32 @!p2 $0x7800  }
0xe9: {  	[tilespmem:s9], [sflag:$0x6] =	stream.indirect.gather @!p2 [spmem:s4], $0x10, s5, s7, $0xb8;
	[tilespmem:$0xDE90] =	vst v63  }
0xea: {  	s5 =	simm.s32 @!p2 $0x300;
	s9 =	simm.s32 @!p2 $0x8000  }
0xeb: {  	[tilespmem:s9], [sflag:$0x7] =	stream.indirect.gather @!p2 [spmem:s4], $0x10, s5, s7, $0xb8;
	[tilespmem:$0xDE90] =	vst v63  }
0xec: {  	s7 =	smov.u32 s12  }
0xed: {  	s7 =	simm.s32 @!p2 $0x380  }
0xee: {  	[tilespmem:s21], [sflag:$0x8] =	stream.indirect.gather [spmem:s4], $0x10, s7, s14, $0xb8;
	[tilespmem:$0xDE90] =	vst v63  }
0xef: {  	_ =	swait.ge [sflag:s22], $0x800  }
0xf0: {  	s25 =	sshra.s32 s8, $0x2;
	[sflag:s22] =	ssyncset.done $0x0  }
0xf1: {  	s11 =	sadd.s32 $0x2800, s25;
	[sflag:s22] =	ssyncadd.s32 $0xFFFFF800  }
0xf2: {  	[spmem:s3] =	stream.indirect.scatter.add.f32 [tilespmem:s15], [sflag:$0x9], $0x10, s11, s14, $0xb8;
	[tilespmem:$0xDE90] =	vst v63  }
0xf3: {  	_ =	swait.ge [sflag:s24], $0x800  }
0xf4: {  	[sflag:s24] =	ssyncset.done $0x0  }
0xf5: {  	s13 =	sadd.s32 $0x2880, s25;
	[sflag:s24] =	ssyncadd.s32 $0xFFFFF800  }
0xf6: {  	[spmem:s3] =	stream.indirect.scatter.add.f32 [tilespmem:s16], [sflag:$0xA], $0x10, s13, s14, $0xb8;
	[tilespmem:$0xDE90] =	vst v63  }
0xf7: {  	_ =	swait.ge [sflag:s26], $0x800  }
0xf8: {  	[sflag:s26] =	ssyncset.done $0x0  }
0xf9: {  	s17 =	sadd.s32 $0x2900, s25;
	[sflag:s26] =	ssyncadd.s32 $0xFFFFF800  }
0xfa: {  	[spmem:s3] =	stream.indirect.scatter.add.f32 [tilespmem:s18], [sflag:$0xB], $0x10, s17, s14, $0xb8;
	[tilespmem:$0xDE90] =	vst v63  }
0xfb: {  	_ =	swait.ge [sflag:s28], $0x800  }
0xfc: {  	[sflag:s28] =	ssyncset.done $0x0  }
0xfd: {  	s5 =	sadd.s32 $0x2980, s25;
	[sflag:s28] =	ssyncadd.s32 $0xFFFFF800  }
0xfe: {  	[spmem:s3] =	stream.indirect.scatter.add.f32 [tilespmem:s20], [sflag:$0xC], $0x10, s5, s14, $0xb8;
	[tilespmem:$0xDE90] =	vst v63  }
0xff: {  	_ =	swait.ge [sflag:s29], $0x800  }
0x100: {  	p3 =	seq.s32 s8, $0x9000;
	[sflag:s29] =	ssyncset.done $0x0  }
0x101: {  	s5 =	simm.s32 @p3 $0xA;
	[sflag:s29] =	ssyncadd.s32 $0xFFFFF800  }
0x102: {  	_ =	swait.ge @p3 [sflag:s5], $0x800  }
0x103: {  	[sflag:s5] =	ssyncset.done @p3 $0x0  }
0x104: {  	[sflag:s5] =	ssyncadd.s32 @p3 $0xFFFFF800;
	s5 =	simm.s32 @p3 $0xB  }
0x105: {  	_ =	swait.ge @p3 [sflag:s5], $0x800  }
0x106: {  	[sflag:s5] =	ssyncset.done @p3 $0x0  }
0x107: {  	[sflag:s5] =	ssyncadd.s32 @p3 $0xFFFFF800;
	s5 =	simm.s32 @p3 $0xC  }
0x108: {  	s8 =	sshra.s32 @!p3 s8, $0x2;
	_ =	swait.ge @p3 [sflag:s5], $0x800  }
0x109: {  	s9 =	sadd.s32 @!p3 $0x400, s8;
	[sflag:s5] =	ssyncset.done @p3 $0x0  }
0x10a: {  	s11 =	simm.s32 @!p3 $0x5000;
	[sflag:s5] =	ssyncadd.s32 @p3 $0xFFFFF800;
	s5 =	simm.s32 @!p3 $0x80  }
0x10b: {  	[tilespmem:s11], [sflag:$0x1] =	stream.indirect.gather @!p3 [spmem:s4], $0x10, s9, s5, $0xb8;
	[tilespmem:$0xDE90] =	vst v63  }
0x10c: {  	s9 =	simm.s32 @!p3 $0xA  }
0x10d: {  	_ =	swait.ge @!p3 [sflag:s9], $0x800  }
0x10e: {  	[sflag:s9] =	ssyncset.done @!p3 $0x0  }
0x10f: {  	s11 =	sadd.s32 @!p3 $0x480, s8;
	[sflag:s9] =	ssyncadd.s32 @!p3 $0xFFFFF800;
	s9 =	simm.s32 @!p3 $0x5800  }
0x110: {  	[tilespmem:s9], [sflag:$0x2] =	stream.indirect.gather @!p3 [spmem:s4], $0x10, s11, s5, $0xb8;
	[tilespmem:$0xDE90] =	vst v63  }
0x111: {  	s9 =	simm.s32 @!p3 $0xB  }
0x112: {  	_ =	swait.ge @!p3 [sflag:s9], $0x800  }
0x113: {  	[sflag:s9] =	ssyncset.done @!p3 $0x0  }
0x114: {  	s11 =	sadd.s32 @!p3 $0x500, s8;
	[sflag:s9] =	ssyncadd.s32 @!p3 $0xFFFFF800;
	s9 =	simm.s32 @!p3 $0x6000  }
0x115: {  	[tilespmem:s9], [sflag:$0x3] =	stream.indirect.gather @!p3 [spmem:s4], $0x10, s11, s5, $0xb8;
	[tilespmem:$0xDE90] =	vst v63  }
0x116: {  	s9 =	simm.s32 @!p3 $0xC  }
0x117: {  	_ =	swait.ge @!p3 [sflag:s9], $0x800  }
0x118: {  	[sflag:s9] =	ssyncset.done @!p3 $0x0  }
0x119: {  	s8 =	sadd.s32 @!p3 $0x580, s8;
	[sflag:s9] =	ssyncadd.s32 @!p3 $0xFFFFF800;
	s9 =	simm.s32 @!p3 $0x6800  }
0x11a: {  	[tilespmem:s9], [sflag:$0x4] =	stream.indirect.gather @!p3 [spmem:s4], $0x10, s8, s5, $0xb8;
	[tilespmem:$0xDE90] =	vst v63  }
0x11b: {  	s5 =	sadd.s32 @p2 $0xFFFFFE80, s12;
	_ =	swait.ge [sflag:s30], $0x800  }
0x11c: {  	s5 =	simm.s32 @!p2 $0x200;
	[sflag:s30] =	ssyncset.done $0x0  }
0x11d: {  	s19 =	rddreg [dreg:$0x5];
	s5 =	sadd.s32 $0x2800, s5;
	[sflag:s30] =	ssyncadd.s32 $0xFFFFF800  }
0x11e: {  	[spmem:s3] =	stream.indirect.scatter.add.f32 [tilespmem:s19], [sflag:$0xD], $0x10, s5, s14, $0xb8;
	[tilespmem:$0xDE90] =	vst v63  }
0x11f: {  	s5 =	sadd.s32 @p2 $0xFFFFFF00, s12;
	_ =	swait.ge [sflag:s31], $0x800  }
0x120: {  	s5 =	simm.s32 @!p2 $0x280;
	[sflag:s31] =	ssyncset.done $0x0  }
0x121: {  	s23 =	rddreg [dreg:$0x6];
	s5 =	sadd.s32 $0x2800, s5;
	[sflag:s31] =	ssyncadd.s32 $0xFFFFF800  }
0x122: {  	[spmem:s3] =	stream.indirect.scatter.add.f32 [tilespmem:s23], [sflag:$0xE], $0x10, s5, s14, $0xb8;
	[tilespmem:$0xDE90] =	vst v63  }
0x123: {  	s5 =	sadd.s32 @p2 $0xFFFFFF80, s12;
	_ =	swait.ge [sflag:s2], $0x800  }
0x124: {  	s5 =	simm.s32 @!p2 $0x300;
	[sflag:s2] =	ssyncset.done $0x0  }
0x125: {  	s25 =	rddreg [dreg:$0x7];
	s5 =	sadd.s32 $0x2800, s5;
	[sflag:s2] =	ssyncadd.s32 $0xFFFFF800  }
0x126: {  	[spmem:s3] =	stream.indirect.scatter.add.f32 [tilespmem:s25], [sflag:$0xF], $0x10, s5, s14, $0xb8;
	[tilespmem:$0xDE90] =	vst v63  }
0x127: {  	_ =	swait.ge [sflag:s1], $0x800  }
0x128: {  	[sflag:s1] =	ssyncset.done $0x0  }
0x129: {  	s11 =	simm.s32 $0xD;
	s9 =	sadd.s32 $0x2800, s7;
	[sflag:s1] =	ssyncadd.s32 $0xFFFFF800  }
0x12a: {  	[spmem:s3] =	stream.indirect.scatter.add.f32 [tilespmem:s21], [sflag:$0x10], $0x10, s9, s14, $0xb8;
	[tilespmem:$0xDE90] =	vst v63  }
0x12b: {  	_ =	swait.ge [sflag:s11], $0x800  }
0x12c: {  	[sflag:s11] =	ssyncset.done $0x0  }
0x12d: {  	s12 =	simm.s32 $0xE;
	[sflag:s11] =	ssyncadd.s32 $0xFFFFF800  }
0x12e: {  	_ =	swait.ge [sflag:s12], $0x800  }
0x12f: {  	[sflag:s12] =	ssyncset.done $0x0  }
0x130: {  	s13 =	simm.s32 $0xF;
	[sflag:s12] =	ssyncadd.s32 $0xFFFFF800  }
0x131: {  	_ =	swait.ge [sflag:s13], $0x800  }
0x132: {  	[sflag:s13] =	ssyncset.done $0x0  }
0x133: {  	[sflag:s13] =	ssyncadd.s32 $0xFFFFF800  }
0x134: {  	_ =	swait.ge [sflag:s0], $0x800  }
0x135: {  	[sflag:s0] =	ssyncset.done $0x0  }
0x136: {  	[sflag:s0] =	ssyncadd.s32 $0xFFFFF800  }
0x137: {  	s17 =	stileid.u32;
	[bflag:$0x0] =	sbarrier.arrive $0xFFFF  }
0x138: {  	s5 =	sshll.u32 s17, $0x6;
	s19 =	rddreg [dreg:$0xe]  }
0x139: {  	s5 =	sor.u32 $0x1C11, s5;
	s23 =	rddreg [dreg:$0xf]  }
0x13a: {  	[hbm:s19], [sflag:s5] =	dma.local [spmem:s23], $0x4F0  }
0x13b: {  	_ =	swait.ge [sflag:s10], $0x4F0  }
0x13c: {  	s6 =	sadd.s32 $0x1, s6;
	s25 =	rddreg [dreg:$0xb]  }
0x13d: {  	p2 =	sne.s32 s6, s25  }
.Ltmp1:
0x13e: {  	_ = 	snop;
	(pc) =	sbr.rel @p2 .LBB2_1-.Ltmp1, $3  }
0x13f: {  	_ =	sdelay $0x1  }
0x140: {  	[sflag:s10] =	ssyncset.done $0x0  }
0x141: {  	[sflag:s10] =	ssyncadd.s32 $0xFFFFFB10  }
0x142: {  	_ =	sfence.sel $0x180000  }
0x143: {  	[bflag:$0x0] =	sbarrier.arrive $0xFFFF  }
0x144: {  	_ =	strace $0x9000004D  }
0x145: {  	s0 =	stileid.u32;
	[bflag:$0x2] =	sbarrier.arrive $0xFFFF  }
0x146: {  	p0 =	sne.s32 s0, $0x0;
	s0 =	rddreg [dreg:$0x4]  }
0x147: {  	s0 =	sadd.s32 @!p0 $0x100000, s0  }
0x148: {  	[sflag:s0] =	ssyncadd.tile.s32 @!p0 $0x1;
	_ =	shalt  }
.Lfunc_end2:
_tile_overlayer_lowered:
.L_overlay_start_2:
0x149: {  	(tag) =	ssettag $0x2  }
0x14a: {  	s0 =	rddreg [dreg:$0x0];
	s2 =	stileid.u32  }
0x14b: {  	s1 =	rddreg [dreg:$0x1];
	p0 =	sne.s32 s2, $0x0  }
0x14c: {  	s3 =	rddreg [dreg:$0x2];
	[bflag:$0x3] =	sbarrier.arrive $0xFFFF;
	s2 =	simm.s32 @!p0 $0x1C11  }
0x14d: {  	[timem:s3], [sflag:s2] =	dma.local @!p0 [hbm:s0], s1  }
0x14e: {  	s0 =	simm.s32 @!p0 $0x11  }
0x14f: {  	_ =	swait.ge @!p0 [sflag:s0], s1  }
0x150: {  	s1 =	ssub.s32 @!p0 $0x0, s1;
	[sflag:s0] =	ssyncset.done @!p0 $0x0  }
0x151: {  	[sflag:s0] =	ssyncadd.s32 @!p0 s1  }
0x152: {  	[bflag:$0x3] =	sbarrier.arrive $0xFFFF  }
0x153: {  	_ =	shalt  }

// kernel: kernel.9.cloned.1.call-start
scs
__scs_entry_jumppad:
0x0: {  	(pc) =	sbr.rel $0x88, $3  }
0x1: {  	(tag) =	ssettag $0x0;
	lr =	simm.s32 $0x1  }
0x2: {  	[smem:$0x3F9B] =	sst lr;
	_ =	strace $0xD0000000  }
0x3: {  	_ = 	snop  }
0x4: {  	_ = 	snop  }
0x5: {  	_ = 	snop  }
0x6: {  	_ = 	snop  }
0x7: {  	_ = 	snop  }
__scs_overlays_trampoline_lowered:
0x8: {  	[smem:$0x3FAA] =	sst s0  }
0x9: {  	[smem:$0x3FAB] =	sst s1  }
0xa: {  	[smem:$0x3FAC] =	sst s2  }
0xb: {  	[smem:$0x3FAD] =	sst s3  }
0xc: {  	[smem:$0x3FAE] =	sst s4  }
0xd: {  	[smem:$0x3FAF] =	sst s5  }
0xe: {  	[smem:$0x3FB0] =	sst s6  }
0xf: {  	[smem:$0x3FB1] =	sst s7  }
0x10: {  	[smem:$0x3FB2] =	sst s8  }
0x11: {  	[smem:$0x3FB3] =	sst s9;
	s0 =	simm.s32 @!p0 $0x0  }
0x12: {  	s1 =	sld [smem:$0x3F99];
	s0 =	simm.s32 @p0 $0x1  }
0x13: {  	[smem:$0x3FB4] =	sst s0;
	s0 =	simm.s32 @!p1 $0x0  }
0x14: {  	s2 =	sld [smem:$0x3F98];
	s0 =	simm.s32 @p1 $0x1  }
0x15: {  	[smem:$0x3FB5] =	sst s0;
	s0 =	simm.s32 @!p2 $0x0  }
0x16: {  	s3 =	sld [smem:$0x3FDB];
	s0 =	simm.s32 @p2 $0x1  }
0x17: {  	s4 =	simm.s32 $0x1BF5;
	[smem:$0x3FB7] =	sst s0  }
0x18: {  	s0 =	sld [smem:$0x3F9A];
	_ =	swait.ge [sflag:s4], $0x0  }
0x19: {  	s7 =	sld [smem:$0x3F9B]  }
0x1a: {  	s8 =	sadd.s32 $0xFFFFE003, lr  }
0x1b: {  	s9 =	sadd.s32 $0xFFFFFEF7, lr;
	s5 =	simm.s32 $0xFFFFFFFF;
	p2 =	slt.u32 s8, $0xFFFFF086  }
0x1c: {  	p1 =	slt.u32 s9, $0xF7A;
	s5 =	simm.s32 @!p2 $0x0  }
0x1d: {  	s5 =	simm.s32 @p1 $0x1;
	p0 =	seq.s32 s7, s2  }
0x1e: {  	s7 =	smul.u32 @!p0 $0xF7A, s2;
	p2 =	seq.s32 @!p0 s5, $0x0  }
0x1f: {  	s9 =	smul.u32 $0xF7A, s1;
	s8 =	simm.s32 @!p0 $0x1BF5;
	p2 =	por !p2, p0  }
0x20: {  	[sflag:s8] =	ssyncset.s32 @!p0 $0xFFFFF086;
	s6 =	sadd.s32 @!p0 s3, s7;
	s7 =	simm.s32 @!p0 $0x108  }
0x21: {  	s3 =	sadd.s32 s3, s9;
	s6 =	sadd.s32 @!p0 $0x88, s6;
	s7 =	simm.s32 @p2 $0x1082  }
0x22: {  	[simem:s7], [sflag:s8] =	dma.local @!p0 [hbm:s6], $0xF7A  }
0x23: {  	s9 =	sor.u32 $0xD0000000, s2;
	s6 =	simm.s32 $0x108;
	_ =	swait.ge @!p0 [sflag:s8], $0x0  }
0x24: {  	s3 =	sadd.s32 $0x88, s3;
	s6 =	simm.s32 @!p1 $0x1082;
	[sflag:s4] =	ssyncset.s32 $0xFFFFF086  }
0x25: {  	[simem:s6], [sflag:s4] =	dma.local [hbm:s3], $0xF7A  }
0x26: {  	[smem:$0x3F9B] =	sst s1;
	(tag) =	ssettag s2;
	_ =	strace s9  }
0x27: {  	s1 =	sld [smem:$0x3FAB]  }
0x28: {  	s2 =	sld [smem:$0x3FAC]  }
0x29: {  	s4 =	sld [smem:$0x3FAE]  }
0x2a: {  	p0 =	seq.s32 s5, $0x0;
	s5 =	sld [smem:$0x3FAF]  }
0x2b: {  	s6 =	sld [smem:$0x3FB0]  }
0x2c: {  	s7 =	sld [smem:$0x3FB1]  }
0x2d: {  	s3 =	simm.s32 $0x108;
	s8 =	sld [smem:$0x3FB2]  }
0x2e: {  	s3 =	simm.s32 @!p0 $0x1082;
	s9 =	sld [smem:$0x3FB3]  }
0x2f: {  	lr =	sadd.s32 s0, s3;
	s0 =	sld [smem:$0x3FAA]  }
0x30: {  	s3 =	sld [smem:$0x3FAD]  }
0x31: {  	[smem:$0x3FB6] =	sst s10  }
0x32: {  	s10 =	sld [smem:$0x3FB4];
	_ =	sdelay $0x3  }
0x33: {  	p0 =	seq.s32 s10, $0x1;
	s10 =	sld [smem:$0x3FB6];
	_ =	sdelay $0x3  }
0x34: {  	[smem:$0x3FB6] =	sst s10  }
0x35: {  	s10 =	sld [smem:$0x3FB5];
	_ =	sdelay $0x3  }
0x36: {  	p1 =	seq.s32 s10, $0x1;
	s10 =	sld [smem:$0x3FB6];
	_ =	sdelay $0x3  }
0x37: {  	[smem:$0x3FB6] =	sst s10  }
0x38: {  	s10 =	sld [smem:$0x3FB7]  }
0x39: {  	_ = 	snop;
	(pc) =	sbr.ind lr, $3  }
0x3a: {  	_ = 	snop  }
0x3b: {  	_ = 	snop  }
0x3c: {  	p2 =	seq.s32 s10, $0x1;
	s10 =	sld [smem:$0x3FB6]  }
0x3d: {  	_ =	shalt  }
0x3e: {  	_ =	shalt  }
0x3f: {  	_ =	shalt  }
0x40: {  	_ =	shalt  }
0x41: {  	_ =	shalt  }
0x42: {  	_ =	shalt  }
0x43: {  	_ =	shalt  }
0x44: {  	_ =	shalt  }
0x45: {  	_ =	shalt  }
0x46: {  	_ =	shalt  }
0x47: {  	_ =	shalt  }
0x48: {  	_ =	shalt  }
0x49: {  	_ =	shalt  }
0x4a: {  	_ =	shalt  }
0x4b: {  	_ =	shalt  }
0x4c: {  	_ =	shalt  }
0x4d: {  	_ =	shalt  }
0x4e: {  	_ =	shalt  }
0x4f: {  	_ =	shalt  }
0x50: {  	_ =	shalt  }
0x51: {  	_ =	shalt  }
0x52: {  	_ =	shalt  }
0x53: {  	_ =	shalt  }
0x54: {  	_ =	shalt  }
0x55: {  	_ =	shalt  }
0x56: {  	_ =	shalt  }
0x57: {  	_ =	shalt  }
0x58: {  	_ =	shalt  }
0x59: {  	_ =	shalt  }
0x5a: {  	_ =	shalt  }
0x5b: {  	_ =	shalt  }
0x5c: {  	_ =	shalt  }
0x5d: {  	_ =	shalt  }
0x5e: {  	_ =	shalt  }
0x5f: {  	_ =	shalt  }
0x60: {  	_ =	shalt  }
0x61: {  	_ =	shalt  }
0x62: {  	_ =	shalt  }
0x63: {  	_ =	shalt  }
0x64: {  	_ =	shalt  }
0x65: {  	_ =	shalt  }
0x66: {  	_ =	shalt  }
0x67: {  	_ =	shalt  }
0x68: {  	_ =	shalt  }
0x69: {  	_ =	shalt  }
0x6a: {  	_ =	shalt  }
0x6b: {  	_ =	shalt  }
0x6c: {  	_ =	shalt  }
0x6d: {  	_ =	shalt  }
0x6e: {  	_ =	shalt  }
0x6f: {  	_ =	shalt  }
0x70: {  	_ =	shalt  }
0x71: {  	_ =	shalt  }
0x72: {  	_ =	shalt  }
0x73: {  	_ =	shalt  }
0x74: {  	_ =	shalt  }
0x75: {  	_ =	shalt  }
0x76: {  	_ =	shalt  }
0x77: {  	_ =	shalt  }
0x78: {  	_ =	shalt  }
0x79: {  	_ =	shalt  }
0x7a: {  	_ =	shalt  }
0x7b: {  	_ =	shalt  }
0x7c: {  	_ =	shalt  }
0x7d: {  	_ =	shalt  }
0x7e: {  	_ =	shalt  }
0x7f: {  	_ =	shalt  }
0x80: {  	_ =	shalt  }
0x81: {  	_ =	shalt  }
0x82: {  	_ =	shalt  }
0x83: {  	_ =	shalt  }
0x84: {  	_ =	shalt  }
0x85: {  	_ =	shalt  }
0x86: {  	_ =	shalt  }
0x87: {  	_ =	shalt  }
.Lfunc_end0:
.L_simem_size_0:
called_computation_lowered:
.L_overlay_start_0:
0x88: {  	s2 =	sld [smem:$0x3FD9]  }
0x89: {  	s3 =	sld [smem:$0x3FFE];
	_ =	sdelay $0x1  }
0x8a: {  	s1 =	srdreg.scid  }
0x8b: {  	s0 =	sand.u32 $0x1, s1  }
0x8c: {  	s14 =	sshll.u32 s0, $0xA;
	s2 =	sadd.s32 s3, s2  }
0x8d: {  	s2 =	sadd.s32 s2, s14  }
0x8e: {  	[smem:$0x3FC2] =	sst s2  }
0x8f: {  	_ = 	snop  }
0x90: {  	s2 =	sld [smem:$0x3FD0];
	_ =	sdelay $0x2  }
0x91: {  	s15 =	simm.s32 $0xA;
	s4 =	simm.s32 $0x10  }
0x92: {  	[smem:s4], [sflag:s15] =	dma.local [hbm:s2], $0x1  }
0x93: {  	_ =	swait.eq [sflag:s15], $0x1  }
0x94: {  	[sflag:s15] =	ssyncset.done $0x0  }
0x95: {  	[sflag:s15] =	ssyncadd.s32 $0xFFFFFFFF  }
0x96: {  	s16 =	sld [smem:$0x10];
	(tm) =	ssettm $0x1  }
0x97: {  	s17 =	sld [smem:$0x3FFB];
	_ =	sdelay $0x3  }
0x98: {  	_ =	strace s17  }
0x99: {  	s3 =	sld [smem:$0x3FFC];
	_ =	sdelay $0x3  }
0x9a: {  	_ =	strace s3  }
0x9b: {  	s3 =	sld [smem:$0x3FFD];
	_ =	sdelay $0x3  }
0x9c: {  	_ =	strace s3  }
0x9d: {  	_ =	strace $0x8FFFFFFF  }
0x9e: {  	s18 =	sld [smem:$0x3FDB];
	_ =	sdelay $0x1  }
0x9f: {  	s19 =	simm.s32 $_scs_section_size  }
0xa0: {  	s5 =	simm.s32 $_size__tile_overlayer_lowered;
	s6 =	simm.s32 $_tile_overlayer_lowered  }
0xa1: {  	s22 =	simm.s32 $0x1BFF;
	s21 =	sshll.u32 s6, $0x1;
	s3 =	sadd.s32 s19, s18  }
0xa2: {  	s7 =	simm.s32 $0x0;
	s20 =	sshll.u32 s5, $0x1;
	s5 =	sadd.s32 s21, s3  }
0xa3: {  	[timem:s7], [sflag:s22] =	dma.local [hbm:s5], s20  }
0xa4: {  	_ =	swait.ge [sflag:s22], s20  }
0xa5: {  	s4 =	ssub.s32 $0x0, s20;
	[sflag:s22] =	ssyncset.done $0x0  }
0xa6: {  	[sflag:s22] =	ssyncadd.s32 s4;
	_ =	sdelay $0x1  }
0xa7: {  	s23 =	simm.s32 $0x1B8B  }
0xa8: {  	_ =	swait.ge [sflag:s23], $0x1  }
0xa9: {  	[sflag:s23] =	ssyncset.done $0x0  }
0xaa: {  	s25 =	simm.s32 $0x1B8E;
	s24 =	sld [smem:$0x3FFE];
	[sflag:s23] =	ssyncadd.s32 $0xFFFFFFFF  }
0xab: {  	s26 =	simm.s32 $execute0_lowered;
	[smem:$0x3FD2] =	sst s25  }
0xac: {  	s5 =	sshll.u32 s26, $0x1;
	_ =	strace $0x80000046;
	[dreg:$0x1] =	wrdreg $0xFFFFFFFF  }
0xad: {  	s28 =	simm.s32 $_size_execute0_lowered;
	s3 =	sadd.s32 s3, s5;
	[dreg:$0x0] =	wrdreg $0x0  }
0xae: {  	s5 =	sshll.u32 s28, $0x1;
	[dreg:$0x2] =	wrdreg s3  }
0xaf: {  	[dreg:$0x3] =	wrdreg s5  }
0xb0: {  	[dreg:$0x4] =	wrdreg $0xC0  }
0xb1: {  	_ =	task [dreg:s7], $0x5FFFF  }
0xb2: {  	[dreg:$0x1] =	wrdreg $0xFFFFFFFF  }
0xb3: {  	[dreg:$0x0] =	wrdreg $0x60  }
0xb4: {  	[dreg:$0x2] =	wrdreg s24  }
0xb5: {  	[dreg:$0x3] =	wrdreg s16  }
0xb6: {  	[dreg:$0x4] =	wrdreg $0x30000  }
0xb7: {  	[dreg:$0x5] =	wrdreg $0x9  }
0xb8: {  	_ =	task.clear_ibuf [dreg:s7], $0x6FFFF;
	_ =	strace $0x90000046  }
0xb9: {  	s29 =	simm.s32 $0x9;
	_ =	strace $0x80000048  }
0xba: {  	_ =	swait.ge [sflag:s29], $0x1  }
0xbb: {  	[sflag:s29] =	ssyncadd.s32 $0xFFFFFFFF  }
0xbc: {  	_ =	strace $0x90000048  }
0xbd: {  	_ =	sfence  }
0xbe: {  	s30 =	sld [smem:$0x0];
	_ =	sdelay $0x2  }
0xbf: {  	s31 =	sshll.u32 s1, $0xD;
	s1 =	sshrl.u32 s1, $0x2  }
0xc0: {  	s3 =	sand.u32 $0x4000, s31;
	s1 =	sadd.s32 s1, s30  }
0xc1: {  	s0 =	sor.u32 s3, s0;
	s1 =	sshll.u32 s1, $0x11  }
0xc2: {  	s0 =	sor.u32 s1, s0  }
0xc3: {  	s0 =	sadd.s32 $0x8F2B, s0  }
0xc4: {  	[sflag:s0] =	ssyncadd.remote.s32 $0x1  }
0xc5: {  	_ =	sfence.sel $0xFFFF  }
0xc6: {  	[dreg:$0x0] =	wrdreg $0xFFFFFFFF;
	(pc) =	sbr.abs _section_cstart, $3  }
0xc7: {  	[dreg:$0x1] =	wrdreg $0xFFFFFFFF  }
0xc8: {  	_ =	task.clear_ibuf [dreg:s7], $0x2FFFF;
	_ =	strace $0x9FFFFFFF  }
0xc9: {  	(tm) =	ssettm $0x7FFFFFFF  }
tec
execute0_lowered:
.L_overlay_start_1:
0x0: {  	(tag) =	ssettag $0x1  }
0x1: {  	s5 =	rddreg [dreg:$0x0]  }
0x2: {  	s0 =	rddreg [dreg:$0x1]  }
0x3: {  	s1 =	srdreg.scid;
	s2 =	rddreg [dreg:$0x2]  }
0x4: {  	s13 =	stileid.u32;
	s3 =	simm.s32 $0x0;
	s11 =	simm.s32 $0x1  }
0x5: {  	s4 =	sand.u32 $0x1, s1;
	s1 =	rddreg [dreg:$0x3];
	s7 =	smul.u32 $0x500, s13  }
0x6: {  	[smem:$0x7FF] =	sst s3;
	s10 =	smul.u32 $0x2780, s13;
	p0 =	sne.s32 s13, $0x0  }
0x7: {  	s13 =	sshll.u32 s13, $0x6;
	s6 =	smul.u32 $0x5000, s4;
	_ =	strace $0x80000047  }
0x8: {  	s31 =	smul.u32 $0x4F00, s4;
	s8 =	ssub.s32 $0x2, s4;
	s4 =	sadd.s32 $0xCA00, s5  }
0x9: {  	s13 =	sor.u32 $0x1C02, s13;
	s9 =	sshrl.u32 s8, $0x1;
	s14 =	sshrl.u32 s10, $0x3  }
0xa: {  	s15 =	sadd.s32 s10, s2;
	s10 =	simm.s32 $0x80;
	s6 =	sadd.s32 s7, s6  }
0xb: {  	s7 =	sadd.s32 s31, s5;
	s8 =	ssub.s32 s8, s9;
	s9 =	sshrl.u32 @!p0 s2, $0x3  }
0xc: {  	s6 =	sadd.s32 s6, s5;
	s12 =	sadd.s32 $0x11A00, s7;
	s7 =	simm.s32 $0x2  }
0xd: {  	s5 =	sadd.s32 $0x2A00, s6;
	s6 =	smax.u32 s8, $0x1;
	s8 =	simm.s32 $0x2800  }
0xe: {  	s12 =	sadd.s32 s14, s12;
	s14 =	sshrl.u32 s15, $0x3;
	s15 =	simm.s32 $0x0  }
.LBB2_1:
0xf: {  	[tilespmem:s3], [sflag:$0x2] =	stream.linear.gather [hbm4b:s5+s3], $0x2800, $0x38;
	[tilespmem:$0x5780] =	vst v63  }
0x10: {  	_ =	swait.ge [sflag:s7], $0x2800  }
0x11: {  	[sflag:s7] =	ssyncset.done $0x0  }
0x12: {  	[sflag:s7] =	ssyncadd.s32 $0xFFFFD800  }
0x13: {  	[tilespmem:s8], [sflag:$0x2] =	stream.linear.gather [hbm4b:s0+s3], $0x800, $0x38;
	[tilespmem:$0x5780] =	vst v63  }
0x14: {  	_ =	swait.ge [sflag:s7], $0x800  }
0x15: {  	[sflag:s7] =	ssyncset.done $0x0  }
0x16: {  	s16 =	simm.s32 @!p0 $0x1C02;
	[sflag:s7] =	ssyncadd.s32 $0xFFFFF800  }
0x17: {  	[spmem:s9], [sflag:s16] =	dma.local @!p0 [hbm:s4], $0x4F00  }
0x18: {  	s16 =	simm.s32 @!p0 $0x2  }
0x19: {  	_ =	swait.ge @!p0 [sflag:s16], $0x4F00  }
0x1a: {  	[sflag:s16] =	ssyncset.done @!p0 $0x0  }
0x1b: {  	[sflag:s16] =	ssyncadd.s32 @!p0 $0xFFFFB100  }
0x1c: {  	s23 =	simm.s32 $0x0;
	[bflag:$0x0] =	sbarrier.arrive $0xFFFF  }
0x1d: {  	[spmem:s2] =	stream.indirect.scatter.add.f32 [tilespmem:s8], [sflag:$0x1], $0x10, s23, s10, $0xb8;
	[tilespmem:$0x5780] =	vst v63  }
0x1e: {  	s24 =	simm.s32 $0x80  }
0x1f: {  	[spmem:s2] =	stream.indirect.scatter.add.f32 [tilespmem:s8], [sflag:$0x1], $0x10, s24, s10, $0xb8;
	[tilespmem:$0x5780] =	vst v63  }
0x20: {  	s25 =	simm.s32 $0x100  }
0x21: {  	[spmem:s2] =	stream.indirect.scatter.add.f32 [tilespmem:s8], [sflag:$0x1], $0x10, s25, s10, $0xb8;
	[tilespmem:$0x5780] =	vst v63  }
0x22: {  	s26 =	simm.s32 $0x180  }
0x23: {  	[spmem:s2] =	stream.indirect.scatter.add.f32 [tilespmem:s8], [sflag:$0x1], $0x10, s26, s10, $0xb8;
	[tilespmem:$0x5780] =	vst v63  }
0x24: {  	s28 =	simm.s32 $0x200  }
0x25: {  	[spmem:s2] =	stream.indirect.scatter.add.f32 [tilespmem:s8], [sflag:$0x1], $0x10, s28, s10, $0xb8;
	[tilespmem:$0x5780] =	vst v63  }
0x26: {  	s29 =	simm.s32 $0x280  }
0x27: {  	[spmem:s2] =	stream.indirect.scatter.add.f32 [tilespmem:s8], [sflag:$0x1], $0x10, s29, s10, $0xb8;
	[tilespmem:$0x5780] =	vst v63  }
0x28: {  	s30 =	simm.s32 $0x300  }
0x29: {  	[spmem:s2] =	stream.indirect.scatter.add.f32 [tilespmem:s8], [sflag:$0x1], $0x10, s30, s10, $0xb8;
	[tilespmem:$0x5780] =	vst v63  }
0x2a: {  	s31 =	simm.s32 $0x380  }
0x2b: {  	[spmem:s2] =	stream.indirect.scatter.add.f32 [tilespmem:s8], [sflag:$0x1], $0x10, s31, s10, $0xb8;
	[tilespmem:$0x5780] =	vst v63  }
0x2c: {  	_ =	swait.ge [sflag:s11], $0x800  }
0x2d: {  	[sflag:s11] =	ssyncset.done $0x0  }
0x2e: {  	[sflag:s11] =	ssyncadd.s32 $0xFFFFF800  }
0x2f: {  	_ =	swait.ge [sflag:s11], $0x800  }
0x30: {  	[sflag:s11] =	ssyncset.done $0x0  }
0x31: {  	[sflag:s11] =	ssyncadd.s32 $0xFFFFF800  }
0x32: {  	_ =	swait.ge [sflag:s11], $0x800  }
0x33: {  	[sflag:s11] =	ssyncset.done $0x0  }
0x34: {  	[sflag:s11] =	ssyncadd.s32 $0xFFFFF800  }
0x35: {  	_ =	swait.ge [sflag:s11], $0x800  }
0x36: {  	[sflag:s11] =	ssyncset.done $0x0  }
0x37: {  	[sflag:s11] =	ssyncadd.s32 $0xFFFFF800  }
0x38: {  	_ =	swait.ge [sflag:s11], $0x800  }
0x39: {  	[sflag:s11] =	ssyncset.done $0x0  }
0x3a: {  	[sflag:s11] =	ssyncadd.s32 $0xFFFFF800  }
0x3b: {  	_ =	swait.ge [sflag:s11], $0x800  }
0x3c: {  	[sflag:s11] =	ssyncset.done $0x0  }
0x3d: {  	[sflag:s11] =	ssyncadd.s32 $0xFFFFF800  }
0x3e: {  	_ =	swait.ge [sflag:s11], $0x800  }
0x3f: {  	[sflag:s11] =	ssyncset.done $0x0  }
0x40: {  	[sflag:s11] =	ssyncadd.s32 $0xFFFFF800  }
0x41: {  	_ =	swait.ge [sflag:s11], $0x800  }
0x42: {  	s18 =	simm.s32 $0x2000;
	s16 =	simm.s32 $0x1000;
	[sflag:s11] =	ssyncset.done $0x0  }
.LBB2_2:
0x43: {  	s19 =	sshra.s32 s16, $0x2  }
0x44: {  	[sflag:s11] =	ssyncadd.s32 $0xFFFFF800;
	s16 =	smov.u32 s18;
	s17 =	sadd.s32 $0x1000, s18  }
0x45: {  	[spmem:s2] =	stream.indirect.scatter.add.f32 [tilespmem:s8], [sflag:$0x1], $0x10, s19, s10, $0xb8;
	[tilespmem:$0x5780] =	vst v63  }
0x46: {  	p1 =	sne.s32 s18, $0x9000;
	s18 =	sadd.s32 $0x80, s19  }
0x47: {  	[spmem:s2] =	stream.indirect.scatter.add.f32 [tilespmem:s8], [sflag:$0x1], $0x10, s18, s10, $0xb8;
	[tilespmem:$0x5780] =	vst v63  }
0x48: {  	s18 =	sadd.s32 $0x100, s19  }
0x49: {  	[spmem:s2] =	stream.indirect.scatter.add.f32 [tilespmem:s8], [sflag:$0x1], $0x10, s18, s10, $0xb8;
	[tilespmem:$0x5780] =	vst v63  }
0x4a: {  	s18 =	sadd.s32 $0x180, s19  }
0x4b: {  	[spmem:s2] =	stream.indirect.scatter.add.f32 [tilespmem:s8], [sflag:$0x1], $0x10, s18, s10, $0xb8;
	[tilespmem:$0x5780] =	vst v63  }
0x4c: {  	s18 =	sadd.s32 $0x200, s19  }
0x4d: {  	[spmem:s2] =	stream.indirect.scatter.add.f32 [tilespmem:s8], [sflag:$0x1], $0x10, s18, s10, $0xb8;
	[tilespmem:$0x5780] =	vst v63  }
0x4e: {  	s18 =	sadd.s32 $0x280, s19  }
0x4f: {  	[spmem:s2] =	stream.indirect.scatter.add.f32 [tilespmem:s8], [sflag:$0x1], $0x10, s18, s10, $0xb8;
	[tilespmem:$0x5780] =	vst v63  }
0x50: {  	s18 =	sadd.s32 $0x300, s19  }
0x51: {  	[spmem:s2] =	stream.indirect.scatter.add.f32 [tilespmem:s8], [sflag:$0x1], $0x10, s18, s10, $0xb8;
	[tilespmem:$0x5780] =	vst v63  }
0x52: {  	s18 =	sadd.s32 $0x380, s19  }
0x53: {  	[spmem:s2] =	stream.indirect.scatter.add.f32 [tilespmem:s8], [sflag:$0x1], $0x10, s18, s10, $0xb8;
	[tilespmem:$0x5780] =	vst v63  }
0x54: {  	_ =	swait.ge [sflag:s11], $0x800  }
0x55: {  	[sflag:s11] =	ssyncset.done $0x0  }
0x56: {  	[sflag:s11] =	ssyncadd.s32 $0xFFFFF800  }
0x57: {  	_ =	swait.ge [sflag:s11], $0x800  }
0x58: {  	[sflag:s11] =	ssyncset.done $0x0  }
0x59: {  	[sflag:s11] =	ssyncadd.s32 $0xFFFFF800  }
0x5a: {  	_ =	swait.ge [sflag:s11], $0x800  }
0x5b: {  	[sflag:s11] =	ssyncset.done $0x0  }
0x5c: {  	[sflag:s11] =	ssyncadd.s32 $0xFFFFF800  }
0x5d: {  	_ =	swait.ge [sflag:s11], $0x800  }
0x5e: {  	[sflag:s11] =	ssyncset.done $0x0  }
0x5f: {  	[sflag:s11] =	ssyncadd.s32 $0xFFFFF800  }
0x60: {  	_ =	swait.ge [sflag:s11], $0x800  }
0x61: {  	[sflag:s11] =	ssyncset.done $0x0  }
0x62: {  	[sflag:s11] =	ssyncadd.s32 $0xFFFFF800  }
0x63: {  	_ =	swait.ge [sflag:s11], $0x800  }
0x64: {  	[sflag:s11] =	ssyncset.done $0x0  }
0x65: {  	[sflag:s11] =	ssyncadd.s32 $0xFFFFF800  }
.Ltmp0:
0x66: {  	_ =	swait.ge [sflag:s11], $0x800;
	(pc) =	sbr.rel @p1 .LBB2_2-.Ltmp0, $4  }
0x67: {  	[sflag:s11] =	ssyncset.done $0x0  }
0x68: {  	[sflag:s11] =	ssyncadd.s32 $0xFFFFF800  }
0x69: {  	_ =	swait.ge [sflag:s11], $0x800  }
0x6a: {  	s18 =	smov.u32 s17;
	[sflag:s11] =	ssyncset.done $0x0  }
0x6b: {  	s16 =	sshra.s32 s16, $0x2;
	[sflag:s11] =	ssyncadd.s32 $0xFFFFF800  }
0x6c: {  	[spmem:s2] =	stream.indirect.scatter.add.f32 [tilespmem:s8], [sflag:$0x1], $0x10, s16, s10, $0xb8;
	[tilespmem:$0x5780] =	vst v63  }
0x6d: {  	s17 =	sadd.s32 $0x80, s16  }
0x6e: {  	[spmem:s2] =	stream.indirect.scatter.add.f32 [tilespmem:s8], [sflag:$0x1], $0x10, s17, s10, $0xb8;
	[tilespmem:$0x5780] =	vst v63  }
0x6f: {  	s26 =	sadd.s32 $0x100, s16  }
0x70: {  	[spmem:s2] =	stream.indirect.scatter.add.f32 [tilespmem:s8], [sflag:$0x1], $0x10, s26, s10, $0xb8;
	[tilespmem:$0x5780] =	vst v63  }
0x71: {  	s28 =	sadd.s32 $0x180, s16  }
0x72: {  	[spmem:s2] =	stream.indirect.scatter.add.f32 [tilespmem:s8], [sflag:$0x1], $0x10, s28, s10, $0xb8;
	[tilespmem:$0x5780] =	vst v63  }
0x73: {  	s29 =	sadd.s32 $0x200, s16  }
0x74: {  	[spmem:s2] =	stream.indirect.scatter.add.f32 [tilespmem:s8], [sflag:$0x1], $0x10, s29, s10, $0xb8;
	[tilespmem:$0x5780] =	vst v63  }
0x75: {  	s30 =	sadd.s32 $0x280, s16  }
0x76: {  	[spmem:s2] =	stream.indirect.scatter.add.f32 [tilespmem:s8], [sflag:$0x1], $0x10, s30, s10, $0xb8;
	[tilespmem:$0x5780] =	vst v63  }
0x77: {  	s31 =	sadd.s32 $0x300, s16  }
0x78: {  	[spmem:s2] =	stream.indirect.scatter.add.f32 [tilespmem:s8], [sflag:$0x1], $0x10, s31, s10, $0xb8;
	[tilespmem:$0x5780] =	vst v63  }
0x79: {  	s16 =	sadd.s32 $0x380, s16  }
0x7a: {  	[spmem:s2] =	stream.indirect.scatter.add.f32 [tilespmem:s8], [sflag:$0x1], $0x10, s16, s10, $0xb8;
	[tilespmem:$0x5780] =	vst v63  }
0x7b: {  	_ =	swait.ge [sflag:s11], $0x800  }
0x7c: {  	[sflag:s11] =	ssyncset.done $0x0  }
0x7d: {  	[sflag:s11] =	ssyncadd.s32 $0xFFFFF800  }
0x7e: {  	_ =	swait.ge [sflag:s11], $0x800  }
0x7f: {  	[sflag:s11] =	ssyncset.done $0x0  }
0x80: {  	[sflag:s11] =	ssyncadd.s32 $0xFFFFF800  }
0x81: {  	_ =	swait.ge [sflag:s11], $0x800  }
0x82: {  	[sflag:s11] =	ssyncset.done $0x0  }
0x83: {  	[sflag:s11] =	ssyncadd.s32 $0xFFFFF800  }
0x84: {  	_ =	swait.ge [sflag:s11], $0x800  }
0x85: {  	[sflag:s11] =	ssyncset.done $0x0  }
0x86: {  	[sflag:s11] =	ssyncadd.s32 $0xFFFFF800  }
0x87: {  	_ =	swait.ge [sflag:s11], $0x800  }
0x88: {  	[sflag:s11] =	ssyncset.done $0x0  }
0x89: {  	[sflag:s11] =	ssyncadd.s32 $0xFFFFF800  }
0x8a: {  	_ =	swait.ge [sflag:s11], $0x800  }
0x8b: {  	[sflag:s11] =	ssyncset.done $0x0  }
0x8c: {  	[sflag:s11] =	ssyncadd.s32 $0xFFFFF800  }
0x8d: {  	_ =	swait.ge [sflag:s11], $0x800  }
0x8e: {  	[sflag:s11] =	ssyncset.done $0x0  }
0x8f: {  	[sflag:s11] =	ssyncadd.s32 $0xFFFFF800  }
0x90: {  	_ =	swait.ge [sflag:s11], $0x800  }
0x91: {  	s15 =	sadd.s32 $0x1, s15;
	[sflag:s11] =	ssyncset.done $0x0  }
0x92: {  	p1 =	sne.s32 s15, s6;
	[sflag:s11] =	ssyncadd.s32 $0xFFFFF800  }
.Ltmp1:
0x93: {  	[bflag:$0x0] =	sbarrier.arrive $0xFFFF;
	(pc) =	sbr.rel @p1 .LBB2_1-.Ltmp1, $4  }
0x94: {  	[hbm:s12], [sflag:s13] =	dma.local [spmem:s14], $0x4F0  }
0x95: {  	_ =	swait.ge [sflag:s7], $0x4F0  }
0x96: {  	[sflag:s7] =	ssyncset.done $0x0  }
0x97: {  	[sflag:s7] =	ssyncadd.s32 $0xFFFFFB10  }
0x98: {  	_ =	sfence.sel $0x180000  }
0x99: {  	[bflag:$0x0] =	sbarrier.arrive $0xFFFF  }
0x9a: {  	_ =	strace $0x90000047  }
0x9b: {  	s0 =	sadd.s32 @!p0 $0x100000, s1;
	[bflag:$0x2] =	sbarrier.arrive $0xFFFF  }
0x9c: {  	[sflag:s0] =	ssyncadd.tile.s32 @!p0 $0x1;
	_ =	shalt  }
.Lfunc_end2:
_tile_overlayer_lowered:
.L_overlay_start_2:
0x9d: {  	(tag) =	ssettag $0x2  }
0x9e: {  	s0 =	rddreg [dreg:$0x0];
	s2 =	stileid.u32  }
0x9f: {  	s1 =	rddreg [dreg:$0x1];
	p0 =	sne.s32 s2, $0x0  }
0xa0: {  	s3 =	rddreg [dreg:$0x2];
	[bflag:$0x3] =	sbarrier.arrive $0xFFFF;
	s2 =	simm.s32 @!p0 $0x1C02  }
0xa1: {  	[timem:s3], [sflag:s2] =	dma.local @!p0 [hbm:s0], s1  }
0xa2: {  	s0 =	simm.s32 @!p0 $0x2  }
0xa3: {  	_ =	swait.ge @!p0 [sflag:s0], s1  }
0xa4: {  	s1 =	ssub.s32 @!p0 $0x0, s1;
	[sflag:s0] =	ssyncset.done @!p0 $0x0  }
0xa5: {  	[sflag:s0] =	ssyncadd.s32 @!p0 s1  }
0xa6: {  	[bflag:$0x3] =	sbarrier.arrive $0xFFFF  }
0xa7: {  	_ =	shalt  }

</sc_bundles>
